<compile_context>
chip_gen: v7x
topology: tpu7x:2x2x1
jax: 0.10.2.dev20260603
libtpu: 0.0.44.dev20260713+nightly
codegen_flags: <defaults>
</compile_context>

<pallas_src>
import jax
import jax.numpy as jnp
from jax import lax
from jax.experimental import pallas as pl
from jax.experimental.pallas import tpu as pltpu
from jax.experimental.pallas import tpu_sc as plsc

HIDDEN = 768
BATCH = 32
SEQ = 512
EPS = 1e-12

NC = 2
NS = 16
NW = NC * NS
SBLK = SEQ // NW
LANES = 16
NCHUNK = HIDDEN // LANES


def _ln_body(ids_hbm, word_hbm, pos_hbm, gamma_hbm, beta_hbm, out_hbm,
             idx_v, rows0, rows1, ob0, ob1, pos_v, g_v, b_v,
             gs0, gs1, ss0, ss1, ps):
    wid = lax.axis_index("s") * NC + lax.axis_index("c")
    s0 = wid * SBLK

    d1 = pltpu.async_copy(pos_hbm.at[pl.ds(s0, SBLK)], pos_v, ps)
    d2 = pltpu.async_copy(gamma_hbm, g_v, ps)
    d3 = pltpu.async_copy(beta_hbm, b_v, ps)
    d4 = pltpu.async_copy(
        ids_hbm.at[pl.ds(wid * BATCH * SBLK, BATCH * SBLK)], idx_v, ps)
    d1.wait()
    d2.wait()
    d3.wait()
    d4.wait()

    pltpu.async_copy(word_hbm.at[idx_v.at[pl.ds(0, SBLK)]], rows0, gs0)
    pltpu.async_copy(word_hbm.at[idx_v.at[pl.ds(SBLK, SBLK)]], rows1, gs1)

    zero = jnp.zeros((LANES,), jnp.float32)
    lane = lax.iota(jnp.int32, LANES)
    sels = [lane < 8, (lane & 4) == 0, (lane & 2) == 0, (lane & 1) == 0]

    def rotw(x, group, sh):
        idx = (lane & ~(group - 1)) | ((lane + sh) & (group - 1))
        return x.at[idx].get(mode="promise_in_bounds")

    def crosssum(vs):
        cur = list(vs)
        for (group, sh), sel in zip(((16, 8), (8, 4), (4, 2), (2, 1)), sels):
            nxt = []
            for j in range(len(cur) // 2):
                a2 = cur[2 * j] + rotw(cur[2 * j], group, sh)
                b2 = cur[2 * j + 1] + rotw(cur[2 * j + 1], group, sh)
                nxt.append(jnp.where(sel, a2, b2))
            cur = nxt
        return cur[0]

    BR4 = [int(f"{r:04b}"[::-1], 2) for r in range(SBLK)]

    def splat(v, l):
        return v.at[jnp.full((LANES,), l, jnp.int32)].get(
            mode="promise_in_bounds")

    def phase(i, rows_v, obuf, gsem, ssem):
        pltpu.make_async_copy(
            word_hbm.at[idx_v.at[pl.ds(i * SBLK, SBLK)]], rows_v, gsem).wait()

        @plsc.parallel_loop(
            0, NCHUNK,
            carry=(tuple([zero] * SBLK), tuple([zero] * SBLK)))
        def p1_out(k, carry):
            sums, sqs = carry
            col = k * LANES
            ns, nq = [], []
            for r in range(SBLK):
                x = rows_v[r, pl.ds(col, LANES)] + pos_v[r, pl.ds(col, LANES)]
                rows_v[r, pl.ds(col, LANES)] = x
                ns.append(sums[r] + x)
                nq.append(sqs[r] + x * x)
            return tuple(ns), tuple(nq)

        sums, sqs = p1_out

        mean_v16 = crosssum(sums) * (1.0 / HIDDEN)
        var_v16 = crosssum(sqs) * (1.0 / HIDDEN) - mean_v16 * mean_v16 + EPS
        bits = lax.bitcast_convert_type(var_v16, jnp.int32)
        bits = 0x5F3759DF - lax.shift_right_arithmetic(bits, 1)
        y = lax.bitcast_convert_type(bits, jnp.float32)
        for _ in range(2):
            y = y * (1.5 - 0.5 * var_v16 * y * y)
        aa_v16 = y
        cc_v16 = mean_v16 * y

        @pl.when(i >= 2)
        def _():
            pltpu.make_async_copy(
                obuf, out_hbm.at[i - 2, pl.ds(s0, SBLK)], ssem).wait()

        for h in (0, 8):
            aa = [splat(aa_v16, BR4[r]) for r in range(h, h + 8)]
            cc = [splat(cc_v16, BR4[r]) for r in range(h, h + 8)]

            @plsc.parallel_loop(0, NCHUNK)
            def _p2(k, aa=aa, cc=cc, h=h):
                col = k * LANES
                g = g_v[pl.ds(col, LANES)]
                bb = b_v[pl.ds(col, LANES)]
                for j in range(8):
                    x = rows_v[h + j, pl.ds(col, LANES)]
                    obuf[h + j, pl.ds(col, LANES)] = \
                        (x * aa[j] - cc[j]) * g + bb

        pltpu.async_copy(obuf, out_hbm.at[i, pl.ds(s0, SBLK)], ssem)

        @pl.when(i + 2 < BATCH)
        def _():
            pltpu.async_copy(
                word_hbm.at[idx_v.at[pl.ds((i + 2) * SBLK, SBLK)]],
                rows_v, gsem)

    def pair(t, c):
        i = 2 * t
        phase(i, rows0, ob0, gs0, ss0)
        phase(i + 1, rows1, ob1, gs1, ss1)
        return c
    lax.fori_loop(0, BATCH // 2, pair, 0)

    pltpu.make_async_copy(
        ob0, out_hbm.at[BATCH - 2, pl.ds(s0, SBLK)], ss0).wait()
    pltpu.make_async_copy(
        ob1, out_hbm.at[BATCH - 1, pl.ds(s0, SBLK)], ss1).wait()


def kernel(input_ids, word_table, pos_table, ln_gamma, ln_beta):
    ids = input_ids.astype(jnp.int32)
    ids = jnp.transpose(ids.reshape(BATCH, NW, SBLK), (1, 0, 2)).reshape(-1)
    f = pl.kernel(
        _ln_body,
        out_type=jax.ShapeDtypeStruct((BATCH, SEQ, HIDDEN), jnp.float32),
        mesh=plsc.VectorSubcoreMesh(core_axis_name="c", subcore_axis_name="s"),
        scratch_types=[
            pltpu.VMEM((BATCH * SBLK,), jnp.int32),
            pltpu.VMEM((SBLK, HIDDEN), jnp.float32),
            pltpu.VMEM((SBLK, HIDDEN), jnp.float32),
            pltpu.VMEM((SBLK, HIDDEN), jnp.float32),
            pltpu.VMEM((SBLK, HIDDEN), jnp.float32),
            pltpu.VMEM((SBLK, HIDDEN), jnp.float32),
            pltpu.VMEM((HIDDEN,), jnp.float32),
            pltpu.VMEM((HIDDEN,), jnp.float32),
            pltpu.SemaphoreType.DMA,
            pltpu.SemaphoreType.DMA,
            pltpu.SemaphoreType.DMA,
            pltpu.SemaphoreType.DMA,
            pltpu.SemaphoreType.DMA,
        ],
    )
    return f(ids, word_table, pos_table, ln_gamma, ln_beta)

# --- scband reference (transcript-rebuilt; emitter-appended) ---
"""Pipeline reference for scband-embeddings-43808666419442 (READ-ONLY COPY).

The authoritative reference and input builder live on the scoring server;
editing this copy changes nothing except your own understanding.
"""

import jax, jax.numpy as jnp
import numpy as np

VOCAB = 100000
HIDDEN = 768
MAX_POS = 768
BATCH = 32
SEQ = 512
EPS = 1e-12


def setup_inputs(seed: int = 0) -> dict:
    key = jax.random.key(seed)
    k1, k2, k3 = jax.random.split(key, 3)
    input_ids = jax.random.randint(k1, (BATCH, SEQ), 0, VOCAB, dtype=jnp.int64 if jax.config.jax_enable_x64 else jnp.int32)
    word_table = jax.random.normal(k2, (VOCAB, HIDDEN), dtype=jnp.float32) * 0.02
    # padding_idx row zeroed (PAD assumed 0, matching nn.Embedding padding_idx semantics)
    word_table = word_table.at[0].set(0.0)
    pos_table = jax.random.normal(k3, (MAX_POS, HIDDEN), dtype=jnp.float32) * 0.02
    ln_gamma = jnp.ones((HIDDEN,), dtype=jnp.float32)
    ln_beta = jnp.zeros((HIDDEN,), dtype=jnp.float32)
    return {"input_ids": input_ids, "word_table": word_table, "pos_table": pos_table, "ln_gamma": ln_gamma, "ln_beta": ln_beta}


def reference(input_ids, word_table, pos_table, ln_gamma, ln_beta):
    seq_len = input_ids.shape[1]
    position_ids = jnp.arange(seq_len)  # position_ids[:, :S]
    position_embeds = jnp.take(pos_table, position_ids, axis=0)[None, :, :]
    inputs_embeds = jnp.take(word_table, input_ids, axis=0)
    embeddings = inputs_embeds + position_embeds
    # LayerNorm over last dim, eps=1e-12
    mean = jnp.mean(embeddings, axis=-1, keepdims=True)
    var = jnp.mean(jnp.square(embeddings - mean), axis=-1, keepdims=True)
    normed = (embeddings - mean) / jnp.sqrt(var + EPS)
    out = normed * ln_gamma + ln_beta
    # dropout is identity in eval mode
    return out

if __name__ == "__main__":
    import jax
    _d = setup_inputs()
    print(jax.jit(kernel)(*tuple(_d.values())))

</pallas_src>

<mosaic_0001>
#map = affine_map<(d0, d1) -> (0)>
#map1 = affine_map<(d0, d1) -> (0, 0)>
#map2 = affine_map<(d0, d1) -> (0, 0, 0)>
module attributes {stable_mosaic.version = 14 : i64} {
  func.func @_ln_body(%arg0: i32, %arg1: i32, %arg2: memref<16384xi32, #tpu.memory_space<hbm>>, %arg3: memref<100000x768xf32, #tpu.memory_space<hbm>>, %arg4: memref<768x768xf32, #tpu.memory_space<hbm>>, %arg5: memref<768xf32, #tpu.memory_space<hbm>>, %arg6: memref<768xf32, #tpu.memory_space<hbm>>, %arg7: memref<32x512x768xf32, #tpu.memory_space<hbm>>, %arg8: memref<512xi32, #tpu.memory_space<vmem>>, %arg9: memref<16x768xf32, #tpu.memory_space<vmem>>, %arg10: memref<16x768xf32, #tpu.memory_space<vmem>>, %arg11: memref<16x768xf32, #tpu.memory_space<vmem>>, %arg12: memref<16x768xf32, #tpu.memory_space<vmem>>, %arg13: memref<16x768xf32, #tpu.memory_space<vmem>>, %arg14: memref<768xf32, #tpu.memory_space<vmem>>, %arg15: memref<768xf32, #tpu.memory_space<vmem>>, %arg16: memref<!tpu.dma_semaphore, #tpu.memory_space<semaphore_mem>>, %arg17: memref<!tpu.dma_semaphore, #tpu.memory_space<semaphore_mem>>, %arg18: memref<!tpu.dma_semaphore, #tpu.memory_space<semaphore_mem>>, %arg19: memref<!tpu.dma_semaphore, #tpu.memory_space<semaphore_mem>>, %arg20: memref<!tpu.dma_semaphore, #tpu.memory_space<semaphore_mem>>) attributes {dimension_semantics = [#tpu.dimension_semantics<core_parallel>, #tpu.dimension_semantics<subcore_parallel>], iteration_bounds = array<i64: 2, 16>, scalar_prefetch = 0 : i64, scratch_operands = 13 : i64, tpu.core_type = #tpu.core_type<sc_vector_subcore>, window_params = [{transform_indices = #map}, {transform_indices = #map1}, {transform_indices = #map1}, {transform_indices = #map}, {transform_indices = #map}, {transform_indices = #map2}]} {
    %mul3A = arith.constant 2 : i32
    %mul3A_0 = arith.muli %arg1, %mul3A : i32
    %add3A = arith.addi %mul3A_0, %arg0 : i32
    %mul3A_1 = arith.constant 16 : i32
    %mul3A_2 = arith.muli %add3A, %mul3A_1 : i32
    %dma_start3A = arith.constant 0 : i32
    %dma_start3A_3 = tpu.memref_slice %arg4[%mul3A_2, %dma_start3A] : memref<768x768xf32, #tpu.memory_space<hbm>> -> memref<16x768xf32, #tpu.memory_space<hbm>>
    %dma_start3A_4 = arith.constant 0 : i32
    %dma_start3A_5 = tpu.memref_slice %arg4[%mul3A_2, %dma_start3A_4] : memref<768x768xf32, #tpu.memory_space<hbm>> -> memref<16x768xf32, #tpu.memory_space<hbm>>
    tpu.enqueue_dma source(%dma_start3A_5 : memref<16x768xf32, #tpu.memory_space<hbm>>) target(%arg13 : memref<16x768xf32, #tpu.memory_space<vmem>>) target_semaphore(%arg20 : memref<!tpu.dma_semaphore, #tpu.memory_space<semaphore_mem>>)
    tpu.enqueue_dma source(%arg5 : memref<768xf32, #tpu.memory_space<hbm>>) target(%arg14 : memref<768xf32, #tpu.memory_space<vmem>>) target_semaphore(%arg20 : memref<!tpu.dma_semaphore, #tpu.memory_space<semaphore_mem>>)
    tpu.enqueue_dma source(%arg6 : memref<768xf32, #tpu.memory_space<hbm>>) target(%arg15 : memref<768xf32, #tpu.memory_space<vmem>>) target_semaphore(%arg20 : memref<!tpu.dma_semaphore, #tpu.memory_space<semaphore_mem>>)
    %mul3A_6 = arith.constant 32 : i32
    %mul3A_7 = arith.muli %add3A, %mul3A_6 : i32
    %mul3A_8 = arith.constant 16 : i32
    %mul3A_9 = arith.muli %mul3A_7, %mul3A_8 : i32
    %dma_start3A_10 = tpu.memref_slice %arg2[%mul3A_9] : memref<16384xi32, #tpu.memory_space<hbm>> -> memref<512xi32, #tpu.memory_space<hbm>>
    %dma_start3A_11 = tpu.memref_slice %arg2[%mul3A_9] : memref<16384xi32, #tpu.memory_space<hbm>> -> memref<512xi32, #tpu.memory_space<hbm>>
    tpu.enqueue_dma source(%dma_start3A_11 : memref<512xi32, #tpu.memory_space<hbm>>) target(%arg8 : memref<512xi32, #tpu.memory_space<vmem>>) target_semaphore(%arg20 : memref<!tpu.dma_semaphore, #tpu.memory_space<semaphore_mem>>)
    %dma_wait3A = arith.constant 0 : i32
    %dma_wait3A_12 = tpu.memref_slice %arg4[%mul3A_2, %dma_wait3A] : memref<768x768xf32, #tpu.memory_space<hbm>> -> memref<16x768xf32, #tpu.memory_space<hbm>>
    %dma_wait3A_13 = arith.constant 0 : i32
    %dma_wait3A_14 = tpu.memref_slice %arg4[%mul3A_2, %dma_wait3A_13] : memref<768x768xf32, #tpu.memory_space<hbm>> -> memref<16x768xf32, #tpu.memory_space<hbm>>
    tpu.wait_dma2 semaphore(%arg20 : memref<!tpu.dma_semaphore, #tpu.memory_space<semaphore_mem>>) src(%dma_wait3A_14 : memref<16x768xf32, #tpu.memory_space<hbm>>) dst(%arg13 : memref<16x768xf32, #tpu.memory_space<vmem>>)
    tpu.wait_dma2 semaphore(%arg20 : memref<!tpu.dma_semaphore, #tpu.memory_space<semaphore_mem>>) src(%arg5 : memref<768xf32, #tpu.memory_space<hbm>>) dst(%arg14 : memref<768xf32, #tpu.memory_space<vmem>>)
    tpu.wait_dma2 semaphore(%arg20 : memref<!tpu.dma_semaphore, #tpu.memory_space<semaphore_mem>>) src(%arg6 : memref<768xf32, #tpu.memory_space<hbm>>) dst(%arg15 : memref<768xf32, #tpu.memory_space<vmem>>)
    %dma_wait3A_15 = tpu.memref_slice %arg2[%mul3A_9] : memref<16384xi32, #tpu.memory_space<hbm>> -> memref<512xi32, #tpu.memory_space<hbm>>
    %dma_wait3A_16 = tpu.memref_slice %arg2[%mul3A_9] : memref<16384xi32, #tpu.memory_space<hbm>> -> memref<512xi32, #tpu.memory_space<hbm>>
    tpu.wait_dma2 semaphore(%arg20 : memref<!tpu.dma_semaphore, #tpu.memory_space<semaphore_mem>>) src(%dma_wait3A_16 : memref<512xi32, #tpu.memory_space<hbm>>) dst(%arg8 : memref<512xi32, #tpu.memory_space<vmem>>)
    %dma_start3A_17 = arith.constant 0 : i32
    %dma_start3A_18 = tpu.memref_slice %arg8[%dma_start3A_17] : memref<512xi32, #tpu.memory_space<vmem>> -> memref<16xi32, #tpu.memory_space<vmem>>
    %dma_start3A_19 = arith.constant 0 : i32
    %dma_start3A_20 = arith.constant 0 : i32
    %dma_start3A_21 = tpu.memref_slice %arg3[%dma_start3A_19, %dma_start3A_20] : memref<100000x768xf32, #tpu.memory_space<hbm>> -> memref<100000x768xf32, #tpu.memory_space<hbm>>
    tpu.enqueue_indirect_dma source(%dma_start3A_21 : memref<100000x768xf32, #tpu.memory_space<hbm>>) target(%arg9 : memref<16x768xf32, #tpu.memory_space<vmem>>) offsets(%dma_start3A_18 : memref<16xi32, #tpu.memory_space<vmem>>) semaphore(%arg16 : memref<!tpu.dma_semaphore, #tpu.memory_space<semaphore_mem>>)
    %dma_start3A_22 = arith.constant 16 : i32
    %dma_start3A_23 = tpu.memref_slice %arg8[%dma_start3A_22] : memref<512xi32, #tpu.memory_space<vmem>> -> memref<16xi32, #tpu.memory_space<vmem>>
    %dma_start3A_24 = arith.constant 0 : i32
    %dma_start3A_25 = arith.constant 0 : i32
    %dma_start3A_26 = tpu.memref_slice %arg3[%dma_start3A_24, %dma_start3A_25] : memref<100000x768xf32, #tpu.memory_space<hbm>> -> memref<100000x768xf32, #tpu.memory_space<hbm>>
    tpu.enqueue_indirect_dma source(%dma_start3A_26 : memref<100000x768xf32, #tpu.memory_space<hbm>>) target(%arg10 : memref<16x768xf32, #tpu.memory_space<vmem>>) offsets(%dma_start3A_23 : memref<16xi32, #tpu.memory_space<vmem>>) semaphore(%arg17 : memref<!tpu.dma_semaphore, #tpu.memory_space<semaphore_mem>>)
    %broadcast_in_dim3A = arith.constant 0.000000e+00 : f32
    %broadcast_in_dim3A_27 = vector.broadcast %broadcast_in_dim3A : f32 to vector<16xf32>
    %iota3A = tpu.iota {dimensions = array<i32: 0>} : vector<16xi32>
    %lt3A = arith.constant 8 : i32
    %lt3A_28 = vector.broadcast %lt3A : i32 to vector<16xi32>
    %lt3A_29 = arith.cmpi slt, %iota3A, %lt3A_28 : vector<16xi32>
    %and3A = arith.constant 4 : i32
    %and3A_30 = vector.broadcast %and3A : i32 to vector<16xi32>
    %and3A_31 = arith.andi %iota3A, %and3A_30 : vector<16xi32>
    %eq3A = arith.constant 0 : i32
    %eq3A_32 = vector.broadcast %eq3A : i32 to vector<16xi32>
    %eq3A_33 = arith.cmpi eq, %and3A_31, %eq3A_32 : vector<16xi32>
    %and3A_34 = arith.constant 2 : i32
    %and3A_35 = vector.broadcast %and3A_34 : i32 to vector<16xi32>
    %and3A_36 = arith.andi %iota3A, %and3A_35 : vector<16xi32>
    %eq3A_37 = arith.constant 0 : i32
    %eq3A_38 = vector.broadcast %eq3A_37 : i32 to vector<16xi32>
    %eq3A_39 = arith.cmpi eq, %and3A_36, %eq3A_38 : vector<16xi32>
    %and3A_40 = arith.constant 1 : i32
    %and3A_41 = vector.broadcast %and3A_40 : i32 to vector<16xi32>
    %and3A_42 = arith.andi %iota3A, %and3A_41 : vector<16xi32>
    %eq3A_43 = arith.constant 0 : i32
    %eq3A_44 = vector.broadcast %eq3A_43 : i32 to vector<16xi32>
    %eq3A_45 = arith.cmpi eq, %and3A_42, %eq3A_44 : vector<16xi32>
    %scan3A = arith.constant 0 : i32
    %scan3A_46 = arith.constant 0 : i32
    %scan3A_47 = arith.constant 16 : i32
    %scan3A_48 = arith.addi %scan3A_46, %scan3A_47 : i32
    %scan3A_49 = arith.constant 1 : i32
    scf.for %scan3A_65 = %scan3A_46 to %scan3A_48 step %scan3A_49  : i32 {
      %mul3A_66 = arith.constant 2 : i32
      %mul3A_67 = arith.muli %mul3A_66, %scan3A_65 : i32
      %mul3A_68 = arith.constant 16 : i32
      %mul3A_69 = arith.muli %mul3A_67, %mul3A_68 : i32
      %dma_wait3A_70 = tpu.memref_slice %arg8[%mul3A_69] : memref<512xi32, #tpu.memory_space<vmem>> -> memref<16xi32, #tpu.memory_space<vmem>>
      %dma_wait3A_71 = arith.constant 0 : i32
      %dma_wait3A_72 = arith.constant 0 : i32
      %dma_wait3A_73 = tpu.memref_slice %arg3[%dma_wait3A_71, %dma_wait3A_72] : memref<100000x768xf32, #tpu.memory_space<hbm>> -> memref<100000x768xf32, #tpu.memory_space<hbm>>
      tpu.wait_indirect_dma semaphore(%arg16 : memref<!tpu.dma_semaphore, #tpu.memory_space<semaphore_mem>>) src(%dma_wait3A_73 : memref<100000x768xf32, #tpu.memory_space<hbm>>) dst(%arg9 : memref<16x768xf32, #tpu.memory_space<vmem>>)
      %parallel_loop3A = arith.constant 0 : i32
      %parallel_loop3A_74 = arith.constant 48 : i32
      %parallel_loop3A_75 = arith.constant 1 : i32
      %parallel_loop3A_76:32 = scf.for %parallel_loop3A_3552 = %parallel_loop3A to %parallel_loop3A_74 step %parallel_loop3A_75 iter_args(%parallel_loop3A_3553 = %broadcast_in_dim3A_27, %parallel_loop3A_3554 = %broadcast_in_dim3A_27, %parallel_loop3A_3555 = %broadcast_in_dim3A_27, %parallel_loop3A_3556 = %broadcast_in_dim3A_27, %parallel_loop3A_3557 = %broadcast_in_dim3A_27, %parallel_loop3A_3558 = %broadcast_in_dim3A_27, %parallel_loop3A_3559 = %broadcast_in_dim3A_27, %parallel_loop3A_3560 = %broadcast_in_dim3A_27, %parallel_loop3A_3561 = %broadcast_in_dim3A_27, %parallel_loop3A_3562 = %broadcast_in_dim3A_27, %parallel_loop3A_3563 = %broadcast_in_dim3A_27, %parallel_loop3A_3564 = %broadcast_in_dim3A_27, %parallel_loop3A_3565 = %broadcast_in_dim3A_27, %parallel_loop3A_3566 = %broadcast_in_dim3A_27, %parallel_loop3A_3567 = %broadcast_in_dim3A_27, %parallel_loop3A_3568 = %broadcast_in_dim3A_27, %parallel_loop3A_3569 = %broadcast_in_dim3A_27, %parallel_loop3A_3570 = %broadcast_in_dim3A_27, %parallel_loop3A_3571 = %broadcast_in_dim3A_27, %parallel_loop3A_3572 = %broadcast_in_dim3A_27, %parallel_loop3A_3573 = %broadcast_in_dim3A_27, %parallel_loop3A_3574 = %broadcast_in_dim3A_27, %parallel_loop3A_3575 = %broadcast_in_dim3A_27, %parallel_loop3A_3576 = %broadcast_in_dim3A_27, %parallel_loop3A_3577 = %broadcast_in_dim3A_27, %parallel_loop3A_3578 = %broadcast_in_dim3A_27, %parallel_loop3A_3579 = %broadcast_in_dim3A_27, %parallel_loop3A_3580 = %broadcast_in_dim3A_27, %parallel_loop3A_3581 = %broadcast_in_dim3A_27, %parallel_loop3A_3582 = %broadcast_in_dim3A_27, %parallel_loop3A_3583 = %broadcast_in_dim3A_27, %parallel_loop3A_3584 = %broadcast_in_dim3A_27) -> (vector<16xf32>, vector<16xf32>, vector<16xf32>, vector<16xf32>, vector<16xf32>, vector<16xf32>, vector<16xf32>, vector<16xf32>, vector<16xf32>, vector<16xf32>, vector<16xf32>, vector<16xf32>, vector<16xf32>, vector<16xf32>, vector<16xf32>, vector<16xf32>, vector<16xf32>, vector<16xf32>, vector<16xf32>, vector<16xf32>, vector<16xf32>, vector<16xf32>, vector<16xf32>, vector<16xf32>, vector<16xf32>, vector<16xf32>, vector<16xf32>, vector<16xf32>, vector<16xf32>, vector<16xf32>, vector<16xf32>, vector<16xf32>)  : i32 {
        %parallel_loop3A_3585 = arith.constant 16 : i32
        %parallel_loop3A_3586 = arith.muli %parallel_loop3A_3552, %parallel_loop3A_3585 : i32
        %parallel_loop3A_3587 = arith.constant 0 : i32
        %parallel_loop3A_3588 = arith.index_cast %parallel_loop3A_3587 : i32 to index
        %parallel_loop3A_3589 = arith.index_cast %parallel_loop3A_3586 : i32 to index
        %parallel_loop3A_3590 = tpu.vector_load %arg9[%parallel_loop3A_3588, %parallel_loop3A_3589] {strides = array<i32>} : memref<16x768xf32, #tpu.memory_space<vmem>>, vector<1x16xf32>,
        %parallel_loop3A_3591 = vector.shape_cast %parallel_loop3A_3590 : vector<1x16xf32> to vector<16xf32>
        %parallel_loop3A_3592 = arith.constant 0 : i32
        %parallel_loop3A_3593 = arith.index_cast %parallel_loop3A_3592 : i32 to index
        %parallel_loop3A_3594 = arith.index_cast %parallel_loop3A_3586 : i32 to index
        %parallel_loop3A_3595 = tpu.vector_load %arg13[%parallel_loop3A_3593, %parallel_loop3A_3594] {strides = array<i32>} : memref<16x768xf32, #tpu.memory_space<vmem>>, vector<1x16xf32>,
        %parallel_loop3A_3596 = vector.shape_cast %parallel_loop3A_3595 : vector<1x16xf32> to vector<16xf32>
        %parallel_loop3A_3597 = arith.addf %parallel_loop3A_3591, %parallel_loop3A_3596 : vector<16xf32>
        %parallel_loop3A_3598 = arith.constant 0 : i32
        %parallel_loop3A_3599 = arith.index_cast %parallel_loop3A_3598 : i32 to index
        %parallel_loop3A_3600 = arith.index_cast %parallel_loop3A_3586 : i32 to index
        %parallel_loop3A_3601 = tpu.vector_load %arg9[%parallel_loop3A_3599, %parallel_loop3A_3600] {strides = array<i32>} : memref<16x768xf32, #tpu.memory_space<vmem>>, vector<1x16xf32>,
        %parallel_loop3A_3602 = vector.shape_cast %parallel_loop3A_3601 : vector<1x16xf32> to vector<16xf32>
        %parallel_loop3A_3603 = vector.shape_cast %parallel_loop3A_3597 : vector<16xf32> to vector<1x16xf32>
        tpu.vector_store %arg9[%parallel_loop3A_3599, %parallel_loop3A_3600], %parallel_loop3A_3603 {strides = array<i32>} : memref<16x768xf32, #tpu.memory_space<vmem>>, vector<1x16xf32>,
        %parallel_loop3A_3604 = arith.addf %parallel_loop3A_3553, %parallel_loop3A_3597 : vector<16xf32>
        %parallel_loop3A_3605 = arith.mulf %parallel_loop3A_3597, %parallel_loop3A_3597 : vector<16xf32>
        %parallel_loop3A_3606 = arith.addf %parallel_loop3A_3569, %parallel_loop3A_3605 : vector<16xf32>
        %parallel_loop3A_3607 = arith.constant 1 : i32
        %parallel_loop3A_3608 = arith.index_cast %parallel_loop3A_3607 : i32 to index
        %parallel_loop3A_3609 = arith.index_cast %parallel_loop3A_3586 : i32 to index
        %parallel_loop3A_3610 = tpu.vector_load %arg9[%parallel_loop3A_3608, %parallel_loop3A_3609] {strides = array<i32>} : memref<16x768xf32, #tpu.memory_space<vmem>>, vector<1x16xf32>,
        %parallel_loop3A_3611 = vector.shape_cast %parallel_loop3A_3610 : vector<1x16xf32> to vector<16xf32>
        %parallel_loop3A_3612 = arith.constant 1 : i32
        %parallel_loop3A_3613 = arith.index_cast %parallel_loop3A_3612 : i32 to index
        %parallel_loop3A_3614 = arith.index_cast %parallel_loop3A_3586 : i32 to index
        %parallel_loop3A_3615 = tpu.vector_load %arg13[%parallel_loop3A_3613, %parallel_loop3A_3614] {strides = array<i32>} : memref<16x768xf32, #tpu.memory_space<vmem>>, vector<1x16xf32>,
        %parallel_loop3A_3616 = vector.shape_cast %parallel_loop3A_3615 : vector<1x16xf32> to vector<16xf32>
        %parallel_loop3A_3617 = arith.addf %parallel_loop3A_3611, %parallel_loop3A_3616 : vector<16xf32>
        %parallel_loop3A_3618 = arith.constant 1 : i32
        %parallel_loop3A_3619 = arith.index_cast %parallel_loop3A_3618 : i32 to index
        %parallel_loop3A_3620 = arith.index_cast %parallel_loop3A_3586 : i32 to index
        %parallel_loop3A_3621 = tpu.vector_load %arg9[%parallel_loop3A_3619, %parallel_loop3A_3620] {strides = array<i32>} : memref<16x768xf32, #tpu.memory_space<vmem>>, vector<1x16xf32>,
        %parallel_loop3A_3622 = vector.shape_cast %parallel_loop3A_3621 : vector<1x16xf32> to vector<16xf32>
        %parallel_loop3A_3623 = vector.shape_cast %parallel_loop3A_3617 : vector<16xf32> to vector<1x16xf32>
        tpu.vector_store %arg9[%parallel_loop3A_3619, %parallel_loop3A_3620], %parallel_loop3A_3623 {strides = array<i32>} : memref<16x768xf32, #tpu.memory_space<vmem>>, vector<1x16xf32>,
        %parallel_loop3A_3624 = arith.addf %parallel_loop3A_3554, %parallel_loop3A_3617 : vector<16xf32>
        %parallel_loop3A_3625 = arith.mulf %parallel_loop3A_3617, %parallel_loop3A_3617 : vector<16xf32>
        %parallel_loop3A_3626 = arith.addf %parallel_loop3A_3570, %parallel_loop3A_3625 : vector<16xf32>
        %parallel_loop3A_3627 = arith.constant 2 : i32
        %parallel_loop3A_3628 = arith.index_cast %parallel_loop3A_3627 : i32 to index
        %parallel_loop3A_3629 = arith.index_cast %parallel_loop3A_3586 : i32 to index
        %parallel_loop3A_3630 = tpu.vector_load %arg9[%parallel_loop3A_3628, %parallel_loop3A_3629] {strides = array<i32>} : memref<16x768xf32, #tpu.memory_space<vmem>>, vector<1x16xf32>,
        %parallel_loop3A_3631 = vector.shape_cast %parallel_loop3A_3630 : vector<1x16xf32> to vector<16xf32>
        %parallel_loop3A_3632 = arith.constant 2 : i32
        %parallel_loop3A_3633 = arith.index_cast %parallel_loop3A_3632 : i32 to index
        %parallel_loop3A_3634 = arith.index_cast %parallel_loop3A_3586 : i32 to index
        %parallel_loop3A_3635 = tpu.vector_load %arg13[%parallel_loop3A_3633, %parallel_loop3A_3634] {strides = array<i32>} : memref<16x768xf32, #tpu.memory_space<vmem>>, vector<1x16xf32>,
        %parallel_loop3A_3636 = vector.shape_cast %parallel_loop3A_3635 : vector<1x16xf32> to vector<16xf32>
        %parallel_loop3A_3637 = arith.addf %parallel_loop3A_3631, %parallel_loop3A_3636 : vector<16xf32>
        %parallel_loop3A_3638 = arith.constant 2 : i32
        %parallel_loop3A_3639 = arith.index_cast %parallel_loop3A_3638 : i32 to index
        %parallel_loop3A_3640 = arith.index_cast %parallel_loop3A_3586 : i32 to index
        %parallel_loop3A_3641 = tpu.vector_load %arg9[%parallel_loop3A_3639, %parallel_loop3A_3640] {strides = array<i32>} : memref<16x768xf32, #tpu.memory_space<vmem>>, vector<1x16xf32>,
        %parallel_loop3A_3642 = vector.shape_cast %parallel_loop3A_3641 : vector<1x16xf32> to vector<16xf32>
        %parallel_loop3A_3643 = vector.shape_cast %parallel_loop3A_3637 : vector<16xf32> to vector<1x16xf32>
        tpu.vector_store %arg9[%parallel_loop3A_3639, %parallel_loop3A_3640], %parallel_loop3A_3643 {strides = array<i32>} : memref<16x768xf32, #tpu.memory_space<vmem>>, vector<1x16xf32>,
        %parallel_loop3A_3644 = arith.addf %parallel_loop3A_3555, %parallel_loop3A_3637 : vector<16xf32>
        %parallel_loop3A_3645 = arith.mulf %parallel_loop3A_3637, %parallel_loop3A_3637 : vector<16xf32>
        %parallel_loop3A_3646 = arith.addf %parallel_loop3A_3571, %parallel_loop3A_3645 : vector<16xf32>
        %parallel_loop3A_3647 = arith.constant 3 : i32
        %parallel_loop3A_3648 = arith.index_cast %parallel_loop3A_3647 : i32 to index
        %parallel_loop3A_3649 = arith.index_cast %parallel_loop3A_3586 : i32 to index
        %parallel_loop3A_3650 = tpu.vector_load %arg9[%parallel_loop3A_3648, %parallel_loop3A_3649] {strides = array<i32>} : memref<16x768xf32, #tpu.memory_space<vmem>>, vector<1x16xf32>,
        %parallel_loop3A_3651 = vector.shape_cast %parallel_loop3A_3650 : vector<1x16xf32> to vector<16xf32>
        %parallel_loop3A_3652 = arith.constant 3 : i32
        %parallel_loop3A_3653 = arith.index_cast %parallel_loop3A_3652 : i32 to index
        %parallel_loop3A_3654 = arith.index_cast %parallel_loop3A_3586 : i32 to index
        %parallel_loop3A_3655 = tpu.vector_load %arg13[%parallel_loop3A_3653, %parallel_loop3A_3654] {strides = array<i32>} : memref<16x768xf32, #tpu.memory_space<vmem>>, vector<1x16xf32>,
        %parallel_loop3A_3656 = vector.shape_cast %parallel_loop3A_3655 : vector<1x16xf32> to vector<16xf32>
        %parallel_loop3A_3657 = arith.addf %parallel_loop3A_3651, %parallel_loop3A_3656 : vector<16xf32>
        %parallel_loop3A_3658 = arith.constant 3 : i32
        %parallel_loop3A_3659 = arith.index_cast %parallel_loop3A_3658 : i32 to index
        %parallel_loop3A_3660 = arith.index_cast %parallel_loop3A_3586 : i32 to index
        %parallel_loop3A_3661 = tpu.vector_load %arg9[%parallel_loop3A_3659, %parallel_loop3A_3660] {strides = array<i32>} : memref<16x768xf32, #tpu.memory_space<vmem>>, vector<1x16xf32>,
        %parallel_loop3A_3662 = vector.shape_cast %parallel_loop3A_3661 : vector<1x16xf32> to vector<16xf32>
        %parallel_loop3A_3663 = vector.shape_cast %parallel_loop3A_3657 : vector<16xf32> to vector<1x16xf32>
        tpu.vector_store %arg9[%parallel_loop3A_3659, %parallel_loop3A_3660], %parallel_loop3A_3663 {strides = array<i32>} : memref<16x768xf32, #tpu.memory_space<vmem>>, vector<1x16xf32>,
        %parallel_loop3A_3664 = arith.addf %parallel_loop3A_3556, %parallel_loop3A_3657 : vector<16xf32>
        %parallel_loop3A_3665 = arith.mulf %parallel_loop3A_3657, %parallel_loop3A_3657 : vector<16xf32>
        %parallel_loop3A_3666 = arith.addf %parallel_loop3A_3572, %parallel_loop3A_3665 : vector<16xf32>
        %parallel_loop3A_3667 = arith.constant 4 : i32
        %parallel_loop3A_3668 = arith.index_cast %parallel_loop3A_3667 : i32 to index
        %parallel_loop3A_3669 = arith.index_cast %parallel_loop3A_3586 : i32 to index
        %parallel_loop3A_3670 = tpu.vector_load %arg9[%parallel_loop3A_3668, %parallel_loop3A_3669] {strides = array<i32>} : memref<16x768xf32, #tpu.memory_space<vmem>>, vector<1x16xf32>,
        %parallel_loop3A_3671 = vector.shape_cast %parallel_loop3A_3670 : vector<1x16xf32> to vector<16xf32>
        %parallel_loop3A_3672 = arith.constant 4 : i32
        %parallel_loop3A_3673 = arith.index_cast %parallel_loop3A_3672 : i32 to index
        %parallel_loop3A_3674 = arith.index_cast %parallel_loop3A_3586 : i32 to index
        %parallel_loop3A_3675 = tpu.vector_load %arg13[%parallel_loop3A_3673, %parallel_loop3A_3674] {strides = array<i32>} : memref<16x768xf32, #tpu.memory_space<vmem>>, vector<1x16xf32>,
        %parallel_loop3A_3676 = vector.shape_cast %parallel_loop3A_3675 : vector<1x16xf32> to vector<16xf32>
        %parallel_loop3A_3677 = arith.addf %parallel_loop3A_3671, %parallel_loop3A_3676 : vector<16xf32>
        %parallel_loop3A_3678 = arith.constant 4 : i32
        %parallel_loop3A_3679 = arith.index_cast %parallel_loop3A_3678 : i32 to index
        %parallel_loop3A_3680 = arith.index_cast %parallel_loop3A_3586 : i32 to index
        %parallel_loop3A_3681 = tpu.vector_load %arg9[%parallel_loop3A_3679, %parallel_loop3A_3680] {strides = array<i32>} : memref<16x768xf32, #tpu.memory_space<vmem>>, vector<1x16xf32>,
        %parallel_loop3A_3682 = vector.shape_cast %parallel_loop3A_3681 : vector<1x16xf32> to vector<16xf32>
        %parallel_loop3A_3683 = vector.shape_cast %parallel_loop3A_3677 : vector<16xf32> to vector<1x16xf32>
        tpu.vector_store %arg9[%parallel_loop3A_3679, %parallel_loop3A_3680], %parallel_loop3A_3683 {strides = array<i32>} : memref<16x768xf32, #tpu.memory_space<vmem>>, vector<1x16xf32>,
        %parallel_loop3A_3684 = arith.addf %parallel_loop3A_3557, %parallel_loop3A_3677 : vector<16xf32>
        %parallel_loop3A_3685 = arith.mulf %parallel_loop3A_3677, %parallel_loop3A_3677 : vector<16xf32>
        %parallel_loop3A_3686 = arith.addf %parallel_loop3A_3573, %parallel_loop3A_3685 : vector<16xf32>
        %parallel_loop3A_3687 = arith.constant 5 : i32
        %parallel_loop3A_3688 = arith.index_cast %parallel_loop3A_3687 : i32 to index
        %parallel_loop3A_3689 = arith.index_cast %parallel_loop3A_3586 : i32 to index
        %parallel_loop3A_3690 = tpu.vector_load %arg9[%parallel_loop3A_3688, %parallel_loop3A_3689] {strides = array<i32>} : memref<16x768xf32, #tpu.memory_space<vmem>>, vector<1x16xf32>,
        %parallel_loop3A_3691 = vector.shape_cast %parallel_loop3A_3690 : vector<1x16xf32> to vector<16xf32>
        %parallel_loop3A_3692 = arith.constant 5 : i32
        %parallel_loop3A_3693 = arith.index_cast %parallel_loop3A_3692 : i32 to index
        %parallel_loop3A_3694 = arith.index_cast %parallel_loop3A_3586 : i32 to index
        %parallel_loop3A_3695 = tpu.vector_load %arg13[%parallel_loop3A_3693, %parallel_loop3A_3694] {strides = array<i32>} : memref<16x768xf32, #tpu.memory_space<vmem>>, vector<1x16xf32>,
        %parallel_loop3A_3696 = vector.shape_cast %parallel_loop3A_3695 : vector<1x16xf32> to vector<16xf32>
        %parallel_loop3A_3697 = arith.addf %parallel_loop3A_3691, %parallel_loop3A_3696 : vector<16xf32>
        %parallel_loop3A_3698 = arith.constant 5 : i32
        %parallel_loop3A_3699 = arith.index_cast %parallel_loop3A_3698 : i32 to index
        %parallel_loop3A_3700 = arith.index_cast %parallel_loop3A_3586 : i32 to index
        %parallel_loop3A_3701 = tpu.vector_load %arg9[%parallel_loop3A_3699, %parallel_loop3A_3700] {strides = array<i32>} : memref<16x768xf32, #tpu.memory_space<vmem>>, vector<1x16xf32>,
        %parallel_loop3A_3702 = vector.shape_cast %parallel_loop3A_3701 : vector<1x16xf32> to vector<16xf32>
        %parallel_loop3A_3703 = vector.shape_cast %parallel_loop3A_3697 : vector<16xf32> to vector<1x16xf32>
        tpu.vector_store %arg9[%parallel_loop3A_3699, %parallel_loop3A_3700], %parallel_loop3A_3703 {strides = array<i32>} : memref<16x768xf32, #tpu.memory_space<vmem>>, vector<1x16xf32>,
        %parallel_loop3A_3704 = arith.addf %parallel_loop3A_3558, %parallel_loop3A_3697 : vector<16xf32>
        %parallel_loop3A_3705 = arith.mulf %parallel_loop3A_3697, %parallel_loop3A_3697 : vector<16xf32>
        %parallel_loop3A_3706 = arith.addf %parallel_loop3A_3574, %parallel_loop3A_3705 : vector<16xf32>
        %parallel_loop3A_3707 = arith.constant 6 : i32
        %parallel_loop3A_3708 = arith.index_cast %parallel_loop3A_3707 : i32 to index
        %parallel_loop3A_3709 = arith.index_cast %parallel_loop3A_3586 : i32 to index
        %parallel_loop3A_3710 = tpu.vector_load %arg9[%parallel_loop3A_3708, %parallel_loop3A_3709] {strides = array<i32>} : memref<16x768xf32, #tpu.memory_space<vmem>>, vector<1x16xf32>,
        %parallel_loop3A_3711 = vector.shape_cast %parallel_loop3A_3710 : vector<1x16xf32> to vector<16xf32>
        %parallel_loop3A_3712 = arith.constant 6 : i32
        %parallel_loop3A_3713 = arith.index_cast %parallel_loop3A_3712 : i32 to index
        %parallel_loop3A_3714 = arith.index_cast %parallel_loop3A_3586 : i32 to index
        %parallel_loop3A_3715 = tpu.vector_load %arg13[%parallel_loop3A_3713, %parallel_loop3A_3714] {strides = array<i32>} : memref<16x768xf32, #tpu.memory_space<vmem>>, vector<1x16xf32>,
        %parallel_loop3A_3716 = vector.shape_cast %parallel_loop3A_3715 : vector<1x16xf32> to vector<16xf32>
        %parallel_loop3A_3717 = arith.addf %parallel_loop3A_3711, %parallel_loop3A_3716 : vector<16xf32>
        %parallel_loop3A_3718 = arith.constant 6 : i32
        %parallel_loop3A_3719 = arith.index_cast %parallel_loop3A_3718 : i32 to index
        %parallel_loop3A_3720 = arith.index_cast %parallel_loop3A_3586 : i32 to index
        %parallel_loop3A_3721 = tpu.vector_load %arg9[%parallel_loop3A_3719, %parallel_loop3A_3720] {strides = array<i32>} : memref<16x768xf32, #tpu.memory_space<vmem>>, vector<1x16xf32>,
        %parallel_loop3A_3722 = vector.shape_cast %parallel_loop3A_3721 : vector<1x16xf32> to vector<16xf32>
        %parallel_loop3A_3723 = vector.shape_cast %parallel_loop3A_3717 : vector<16xf32> to vector<1x16xf32>
        tpu.vector_store %arg9[%parallel_loop3A_3719, %parallel_loop3A_3720], %parallel_loop3A_3723 {strides = array<i32>} : memref<16x768xf32, #tpu.memory_space<vmem>>, vector<1x16xf32>,
        %parallel_loop3A_3724 = arith.addf %parallel_loop3A_3559, %parallel_loop3A_3717 : vector<16xf32>
        %parallel_loop3A_3725 = arith.mulf %parallel_loop3A_3717, %parallel_loop3A_3717 : vector<16xf32>
        %parallel_loop3A_3726 = arith.addf %parallel_loop3A_3575, %parallel_loop3A_3725 : vector<16xf32>
        %parallel_loop3A_3727 = arith.constant 7 : i32
        %parallel_loop3A_3728 = arith.index_cast %parallel_loop3A_3727 : i32 to index
        %parallel_loop3A_3729 = arith.index_cast %parallel_loop3A_3586 : i32 to index
        %parallel_loop3A_3730 = tpu.vector_load %arg9[%parallel_loop3A_3728, %parallel_loop3A_3729] {strides = array<i32>} : memref<16x768xf32, #tpu.memory_space<vmem>>, vector<1x16xf32>,
        %parallel_loop3A_3731 = vector.shape_cast %parallel_loop3A_3730 : vector<1x16xf32> to vector<16xf32>
        %parallel_loop3A_3732 = arith.constant 7 : i32
        %parallel_loop3A_3733 = arith.index_cast %parallel_loop3A_3732 : i32 to index
        %parallel_loop3A_3734 = arith.index_cast %parallel_loop3A_3586 : i32 to index
        %parallel_loop3A_3735 = tpu.vector_load %arg13[%parallel_loop3A_3733, %parallel_loop3A_3734] {strides = array<i32>} : memref<16x768xf32, #tpu.memory_space<vmem>>, vector<1x16xf32>,
        %parallel_loop3A_3736 = vector.shape_cast %parallel_loop3A_3735 : vector<1x16xf32> to vector<16xf32>
        %parallel_loop3A_3737 = arith.addf %parallel_loop3A_3731, %parallel_loop3A_3736 : vector<16xf32>
        %parallel_loop3A_3738 = arith.constant 7 : i32
        %parallel_loop3A_3739 = arith.index_cast %parallel_loop3A_3738 : i32 to index
        %parallel_loop3A_3740 = arith.index_cast %parallel_loop3A_3586 : i32 to index
        %parallel_loop3A_3741 = tpu.vector_load %arg9[%parallel_loop3A_3739, %parallel_loop3A_3740] {strides = array<i32>} : memref<16x768xf32, #tpu.memory_space<vmem>>, vector<1x16xf32>,
        %parallel_loop3A_3742 = vector.shape_cast %parallel_loop3A_3741 : vector<1x16xf32> to vector<16xf32>
        %parallel_loop3A_3743 = vector.shape_cast %parallel_loop3A_3737 : vector<16xf32> to vector<1x16xf32>
        tpu.vector_store %arg9[%parallel_loop3A_3739, %parallel_loop3A_3740], %parallel_loop3A_3743 {strides = array<i32>} : memref<16x768xf32, #tpu.memory_space<vmem>>, vector<1x16xf32>,
        %parallel_loop3A_3744 = arith.addf %parallel_loop3A_3560, %parallel_loop3A_3737 : vector<16xf32>
        %parallel_loop3A_3745 = arith.mulf %parallel_loop3A_3737, %parallel_loop3A_3737 : vector<16xf32>
        %parallel_loop3A_3746 = arith.addf %parallel_loop3A_3576, %parallel_loop3A_3745 : vector<16xf32>
        %parallel_loop3A_3747 = arith.constant 8 : i32
        %parallel_loop3A_3748 = arith.index_cast %parallel_loop3A_3747 : i32 to index
        %parallel_loop3A_3749 = arith.index_cast %parallel_loop3A_3586 : i32 to index
        %parallel_loop3A_3750 = tpu.vector_load %arg9[%parallel_loop3A_3748, %parallel_loop3A_3749] {strides = array<i32>} : memref<16x768xf32, #tpu.memory_space<vmem>>, vector<1x16xf32>,
        %parallel_loop3A_3751 = vector.shape_cast %parallel_loop3A_3750 : vector<1x16xf32> to vector<16xf32>
        %parallel_loop3A_3752 = arith.constant 8 : i32
        %parallel_loop3A_3753 = arith.index_cast %parallel_loop3A_3752 : i32 to index
        %parallel_loop3A_3754 = arith.index_cast %parallel_loop3A_3586 : i32 to index
        %parallel_loop3A_3755 = tpu.vector_load %arg13[%parallel_loop3A_3753, %parallel_loop3A_3754] {strides = array<i32>} : memref<16x768xf32, #tpu.memory_space<vmem>>, vector<1x16xf32>,
        %parallel_loop3A_3756 = vector.shape_cast %parallel_loop3A_3755 : vector<1x16xf32> to vector<16xf32>
        %parallel_loop3A_3757 = arith.addf %parallel_loop3A_3751, %parallel_loop3A_3756 : vector<16xf32>
        %parallel_loop3A_3758 = arith.constant 8 : i32
        %parallel_loop3A_3759 = arith.index_cast %parallel_loop3A_3758 : i32 to index
        %parallel_loop3A_3760 = arith.index_cast %parallel_loop3A_3586 : i32 to index
        %parallel_loop3A_3761 = tpu.vector_load %arg9[%parallel_loop3A_3759, %parallel_loop3A_3760] {strides = array<i32>} : memref<16x768xf32, #tpu.memory_space<vmem>>, vector<1x16xf32>,
        %parallel_loop3A_3762 = vector.shape_cast %parallel_loop3A_3761 : vector<1x16xf32> to vector<16xf32>
        %parallel_loop3A_3763 = vector.shape_cast %parallel_loop3A_3757 : vector<16xf32> to vector<1x16xf32>
        tpu.vector_store %arg9[%parallel_loop3A_3759, %parallel_loop3A_3760], %parallel_loop3A_3763 {strides = array<i32>} : memref<16x768xf32, #tpu.memory_space<vmem>>, vector<1x16xf32>,
        %parallel_loop3A_3764 = arith.addf %parallel_loop3A_3561, %parallel_loop3A_3757 : vector<16xf32>
        %parallel_loop3A_3765 = arith.mulf %parallel_loop3A_3757, %parallel_loop3A_3757 : vector<16xf32>
        %parallel_loop3A_3766 = arith.addf %parallel_loop3A_3577, %parallel_loop3A_3765 : vector<16xf32>
        %parallel_loop3A_3767 = arith.constant 9 : i32
        %parallel_loop3A_3768 = arith.index_cast %parallel_loop3A_3767 : i32 to index
        %parallel_loop3A_3769 = arith.index_cast %parallel_loop3A_3586 : i32 to index
        %parallel_loop3A_3770 = tpu.vector_load %arg9[%parallel_loop3A_3768, %parallel_loop3A_3769] {strides = array<i32>} : memref<16x768xf32, #tpu.memory_space<vmem>>, vector<1x16xf32>,
        %parallel_loop3A_3771 = vector.shape_cast %parallel_loop3A_3770 : vector<1x16xf32> to vector<16xf32>
        %parallel_loop3A_3772 = arith.constant 9 : i32
        %parallel_loop3A_3773 = arith.index_cast %parallel_loop3A_3772 : i32 to index
        %parallel_loop3A_3774 = arith.index_cast %parallel_loop3A_3586 : i32 to index
        %parallel_loop3A_3775 = tpu.vector_load %arg13[%parallel_loop3A_3773, %parallel_loop3A_3774] {strides = array<i32>} : memref<16x768xf32, #tpu.memory_space<vmem>>, vector<1x16xf32>,
        %parallel_loop3A_3776 = vector.shape_cast %parallel_loop3A_3775 : vector<1x16xf32> to vector<16xf32>
        %parallel_loop3A_3777 = arith.addf %parallel_loop3A_3771, %parallel_loop3A_3776 : vector<16xf32>
        %parallel_loop3A_3778 = arith.constant 9 : i32
        %parallel_loop3A_3779 = arith.index_cast %parallel_loop3A_3778 : i32 to index
        %parallel_loop3A_3780 = arith.index_cast %parallel_loop3A_3586 : i32 to index
        %parallel_loop3A_3781 = tpu.vector_load %arg9[%parallel_loop3A_3779, %parallel_loop3A_3780] {strides = array<i32>} : memref<16x768xf32, #tpu.memory_space<vmem>>, vector<1x16xf32>,
        %parallel_loop3A_3782 = vector.shape_cast %parallel_loop3A_3781 : vector<1x16xf32> to vector<16xf32>
        %parallel_loop3A_3783 = vector.shape_cast %parallel_loop3A_3777 : vector<16xf32> to vector<1x16xf32>
        tpu.vector_store %arg9[%parallel_loop3A_3779, %parallel_loop3A_3780], %parallel_loop3A_3783 {strides = array<i32>} : memref<16x768xf32, #tpu.memory_space<vmem>>, vector<1x16xf32>,
        %parallel_loop3A_3784 = arith.addf %parallel_loop3A_3562, %parallel_loop3A_3777 : vector<16xf32>
        %parallel_loop3A_3785 = arith.mulf %parallel_loop3A_3777, %parallel_loop3A_3777 : vector<16xf32>
        %parallel_loop3A_3786 = arith.addf %parallel_loop3A_3578, %parallel_loop3A_3785 : vector<16xf32>
        %parallel_loop3A_3787 = arith.constant 10 : i32
        %parallel_loop3A_3788 = arith.index_cast %parallel_loop3A_3787 : i32 to index
        %parallel_loop3A_3789 = arith.index_cast %parallel_loop3A_3586 : i32 to index
        %parallel_loop3A_3790 = tpu.vector_load %arg9[%parallel_loop3A_3788, %parallel_loop3A_3789] {strides = array<i32>} : memref<16x768xf32, #tpu.memory_space<vmem>>, vector<1x16xf32>,
        %parallel_loop3A_3791 = vector.shape_cast %parallel_loop3A_3790 : vector<1x16xf32> to vector<16xf32>
        %parallel_loop3A_3792 = arith.constant 10 : i32
        %parallel_loop3A_3793 = arith.index_cast %parallel_loop3A_3792 : i32 to index
        %parallel_loop3A_3794 = arith.index_cast %parallel_loop3A_3586 : i32 to index
        %parallel_loop3A_3795 = tpu.vector_load %arg13[%parallel_loop3A_3793, %parallel_loop3A_3794] {strides = array<i32>} : memref<16x768xf32, #tpu.memory_space<vmem>>, vector<1x16xf32>,
        %parallel_loop3A_3796 = vector.shape_cast %parallel_loop3A_3795 : vector<1x16xf32> to vector<16xf32>
        %parallel_loop3A_3797 = arith.addf %parallel_loop3A_3791, %parallel_loop3A_3796 : vector<16xf32>
        %parallel_loop3A_3798 = arith.constant 10 : i32
        %parallel_loop3A_3799 = arith.index_cast %parallel_loop3A_3798 : i32 to index
        %parallel_loop3A_3800 = arith.index_cast %parallel_loop3A_3586 : i32 to index
        %parallel_loop3A_3801 = tpu.vector_load %arg9[%parallel_loop3A_3799, %parallel_loop3A_3800] {strides = array<i32>} : memref<16x768xf32, #tpu.memory_space<vmem>>, vector<1x16xf32>,
        %parallel_loop3A_3802 = vector.shape_cast %parallel_loop3A_3801 : vector<1x16xf32> to vector<16xf32>
        %parallel_loop3A_3803 = vector.shape_cast %parallel_loop3A_3797 : vector<16xf32> to vector<1x16xf32>
        tpu.vector_store %arg9[%parallel_loop3A_3799, %parallel_loop3A_3800], %parallel_loop3A_3803 {strides = array<i32>} : memref<16x768xf32, #tpu.memory_space<vmem>>, vector<1x16xf32>,
        %parallel_loop3A_3804 = arith.addf %parallel_loop3A_3563, %parallel_loop3A_3797 : vector<16xf32>
        %parallel_loop3A_3805 = arith.mulf %parallel_loop3A_3797, %parallel_loop3A_3797 : vector<16xf32>
        %parallel_loop3A_3806 = arith.addf %parallel_loop3A_3579, %parallel_loop3A_3805 : vector<16xf32>
        %parallel_loop3A_3807 = arith.constant 11 : i32
        %parallel_loop3A_3808 = arith.index_cast %parallel_loop3A_3807 : i32 to index
        %parallel_loop3A_3809 = arith.index_cast %parallel_loop3A_3586 : i32 to index
        %parallel_loop3A_3810 = tpu.vector_load %arg9[%parallel_loop3A_3808, %parallel_loop3A_3809] {strides = array<i32>} : memref<16x768xf32, #tpu.memory_space<vmem>>, vector<1x16xf32>,
        %parallel_loop3A_3811 = vector.shape_cast %parallel_loop3A_3810 : vector<1x16xf32> to vector<16xf32>
        %parallel_loop3A_3812 = arith.constant 11 : i32
        %parallel_loop3A_3813 = arith.index_cast %parallel_loop3A_3812 : i32 to index
        %parallel_loop3A_3814 = arith.index_cast %parallel_loop3A_3586 : i32 to index
        %parallel_loop3A_3815 = tpu.vector_load %arg13[%parallel_loop3A_3813, %parallel_loop3A_3814] {strides = array<i32>} : memref<16x768xf32, #tpu.memory_space<vmem>>, vector<1x16xf32>,
        %parallel_loop3A_3816 = vector.shape_cast %parallel_loop3A_3815 : vector<1x16xf32> to vector<16xf32>
        %parallel_loop3A_3817 = arith.addf %parallel_loop3A_3811, %parallel_loop3A_3816 : vector<16xf32>
        %parallel_loop3A_3818 = arith.constant 11 : i32
        %parallel_loop3A_3819 = arith.index_cast %parallel_loop3A_3818 : i32 to index
        %parallel_loop3A_3820 = arith.index_cast %parallel_loop3A_3586 : i32 to index
        %parallel_loop3A_3821 = tpu.vector_load %arg9[%parallel_loop3A_3819, %parallel_loop3A_3820] {strides = array<i32>} : memref<16x768xf32, #tpu.memory_space<vmem>>, vector<1x16xf32>,
        %parallel_loop3A_3822 = vector.shape_cast %parallel_loop3A_3821 : vector<1x16xf32> to vector<16xf32>
        %parallel_loop3A_3823 = vector.shape_cast %parallel_loop3A_3817 : vector<16xf32> to vector<1x16xf32>
        tpu.vector_store %arg9[%parallel_loop3A_3819, %parallel_loop3A_3820], %parallel_loop3A_3823 {strides = array<i32>} : memref<16x768xf32, #tpu.memory_space<vmem>>, vector<1x16xf32>,
        %parallel_loop3A_3824 = arith.addf %parallel_loop3A_3564, %parallel_loop3A_3817 : vector<16xf32>
        %parallel_loop3A_3825 = arith.mulf %parallel_loop3A_3817, %parallel_loop3A_3817 : vector<16xf32>
        %parallel_loop3A_3826 = arith.addf %parallel_loop3A_3580, %parallel_loop3A_3825 : vector<16xf32>
        %parallel_loop3A_3827 = arith.constant 12 : i32
        %parallel_loop3A_3828 = arith.index_cast %parallel_loop3A_3827 : i32 to index
        %parallel_loop3A_3829 = arith.index_cast %parallel_loop3A_3586 : i32 to index
        %parallel_loop3A_3830 = tpu.vector_load %arg9[%parallel_loop3A_3828, %parallel_loop3A_3829] {strides = array<i32>} : memref<16x768xf32, #tpu.memory_space<vmem>>, vector<1x16xf32>,
        %parallel_loop3A_3831 = vector.shape_cast %parallel_loop3A_3830 : vector<1x16xf32> to vector<16xf32>
        %parallel_loop3A_3832 = arith.constant 12 : i32
        %parallel_loop3A_3833 = arith.index_cast %parallel_loop3A_3832 : i32 to index
        %parallel_loop3A_3834 = arith.index_cast %parallel_loop3A_3586 : i32 to index
        %parallel_loop3A_3835 = tpu.vector_load %arg13[%parallel_loop3A_3833, %parallel_loop3A_3834] {strides = array<i32>} : memref<16x768xf32, #tpu.memory_space<vmem>>, vector<1x16xf32>,
        %parallel_loop3A_3836 = vector.shape_cast %parallel_loop3A_3835 : vector<1x16xf32> to vector<16xf32>
        %parallel_loop3A_3837 = arith.addf %parallel_loop3A_3831, %parallel_loop3A_3836 : vector<16xf32>
        %parallel_loop3A_3838 = arith.constant 12 : i32
        %parallel_loop3A_3839 = arith.index_cast %parallel_loop3A_3838 : i32 to index
        %parallel_loop3A_3840 = arith.index_cast %parallel_loop3A_3586 : i32 to index
        %parallel_loop3A_3841 = tpu.vector_load %arg9[%parallel_loop3A_3839, %parallel_loop3A_3840] {strides = array<i32>} : memref<16x768xf32, #tpu.memory_space<vmem>>, vector<1x16xf32>,
        %parallel_loop3A_3842 = vector.shape_cast %parallel_loop3A_3841 : vector<1x16xf32> to vector<16xf32>
        %parallel_loop3A_3843 = vector.shape_cast %parallel_loop3A_3837 : vector<16xf32> to vector<1x16xf32>
        tpu.vector_store %arg9[%parallel_loop3A_3839, %parallel_loop3A_3840], %parallel_loop3A_3843 {strides = array<i32>} : memref<16x768xf32, #tpu.memory_space<vmem>>, vector<1x16xf32>,
        %parallel_loop3A_3844 = arith.addf %parallel_loop3A_3565, %parallel_loop3A_3837 : vector<16xf32>
        %parallel_loop3A_3845 = arith.mulf %parallel_loop3A_3837, %parallel_loop3A_3837 : vector<16xf32>
        %parallel_loop3A_3846 = arith.addf %parallel_loop3A_3581, %parallel_loop3A_3845 : vector<16xf32>
        %parallel_loop3A_3847 = arith.constant 13 : i32
        %parallel_loop3A_3848 = arith.index_cast %parallel_loop3A_3847 : i32 to index
        %parallel_loop3A_3849 = arith.index_cast %parallel_loop3A_3586 : i32 to index
        %parallel_loop3A_3850 = tpu.vector_load %arg9[%parallel_loop3A_3848, %parallel_loop3A_3849] {strides = array<i32>} : memref<16x768xf32, #tpu.memory_space<vmem>>, vector<1x16xf32>,
        %parallel_loop3A_3851 = vector.shape_cast %parallel_loop3A_3850 : vector<1x16xf32> to vector<16xf32>
        %parallel_loop3A_3852 = arith.constant 13 : i32
        %parallel_loop3A_3853 = arith.index_cast %parallel_loop3A_3852 : i32 to index
        %parallel_loop3A_3854 = arith.index_cast %parallel_loop3A_3586 : i32 to index
        %parallel_loop3A_3855 = tpu.vector_load %arg13[%parallel_loop3A_3853, %parallel_loop3A_3854] {strides = array<i32>} : memref<16x768xf32, #tpu.memory_space<vmem>>, vector<1x16xf32>,
        %parallel_loop3A_3856 = vector.shape_cast %parallel_loop3A_3855 : vector<1x16xf32> to vector<16xf32>
        %parallel_loop3A_3857 = arith.addf %parallel_loop3A_3851, %parallel_loop3A_3856 : vector<16xf32>
        %parallel_loop3A_3858 = arith.constant 13 : i32
        %parallel_loop3A_3859 = arith.index_cast %parallel_loop3A_3858 : i32 to index
        %parallel_loop3A_3860 = arith.index_cast %parallel_loop3A_3586 : i32 to index
        %parallel_loop3A_3861 = tpu.vector_load %arg9[%parallel_loop3A_3859, %parallel_loop3A_3860] {strides = array<i32>} : memref<16x768xf32, #tpu.memory_space<vmem>>, vector<1x16xf32>,
        %parallel_loop3A_3862 = vector.shape_cast %parallel_loop3A_3861 : vector<1x16xf32> to vector<16xf32>
        %parallel_loop3A_3863 = vector.shape_cast %parallel_loop3A_3857 : vector<16xf32> to vector<1x16xf32>
        tpu.vector_store %arg9[%parallel_loop3A_3859, %parallel_loop3A_3860], %parallel_loop3A_3863 {strides = array<i32>} : memref<16x768xf32, #tpu.memory_space<vmem>>, vector<1x16xf32>,
        %parallel_loop3A_3864 = arith.addf %parallel_loop3A_3566, %parallel_loop3A_3857 : vector<16xf32>
        %parallel_loop3A_3865 = arith.mulf %parallel_loop3A_3857, %parallel_loop3A_3857 : vector<16xf32>
        %parallel_loop3A_3866 = arith.addf %parallel_loop3A_3582, %parallel_loop3A_3865 : vector<16xf32>
        %parallel_loop3A_3867 = arith.constant 14 : i32
        %parallel_loop3A_3868 = arith.index_cast %parallel_loop3A_3867 : i32 to index
        %parallel_loop3A_3869 = arith.index_cast %parallel_loop3A_3586 : i32 to index
        %parallel_loop3A_3870 = tpu.vector_load %arg9[%parallel_loop3A_3868, %parallel_loop3A_3869] {strides = array<i32>} : memref<16x768xf32, #tpu.memory_space<vmem>>, vector<1x16xf32>,
        %parallel_loop3A_3871 = vector.shape_cast %parallel_loop3A_3870 : vector<1x16xf32> to vector<16xf32>
        %parallel_loop3A_3872 = arith.constant 14 : i32
        %parallel_loop3A_3873 = arith.index_cast %parallel_loop3A_3872 : i32 to index
        %parallel_loop3A_3874 = arith.index_cast %parallel_loop3A_3586 : i32 to index
        %parallel_loop3A_3875 = tpu.vector_load %arg13[%parallel_loop3A_3873, %parallel_loop3A_3874] {strides = array<i32>} : memref<16x768xf32, #tpu.memory_space<vmem>>, vector<1x16xf32>,
        %parallel_loop3A_3876 = vector.shape_cast %parallel_loop3A_3875 : vector<1x16xf32> to vector<16xf32>
        %parallel_loop3A_3877 = arith.addf %parallel_loop3A_3871, %parallel_loop3A_3876 : vector<16xf32>
        %parallel_loop3A_3878 = arith.constant 14 : i32
        %parallel_loop3A_3879 = arith.index_cast %parallel_loop3A_3878 : i32 to index
        %parallel_loop3A_3880 = arith.index_cast %parallel_loop3A_3586 : i32 to index
        %parallel_loop3A_3881 = tpu.vector_load %arg9[%parallel_loop3A_3879, %parallel_loop3A_3880] {strides = array<i32>} : memref<16x768xf32, #tpu.memory_space<vmem>>, vector<1x16xf32>,
        %parallel_loop3A_3882 = vector.shape_cast %parallel_loop3A_3881 : vector<1x16xf32> to vector<16xf32>
        %parallel_loop3A_3883 = vector.shape_cast %parallel_loop3A_3877 : vector<16xf32> to vector<1x16xf32>
        tpu.vector_store %arg9[%parallel_loop3A_3879, %parallel_loop3A_3880], %parallel_loop3A_3883 {strides = array<i32>} : memref<16x768xf32, #tpu.memory_space<vmem>>, vector<1x16xf32>,
        %parallel_loop3A_3884 = arith.addf %parallel_loop3A_3567, %parallel_loop3A_3877 : vector<16xf32>
        %parallel_loop3A_3885 = arith.mulf %parallel_loop3A_3877, %parallel_loop3A_3877 : vector<16xf32>
        %parallel_loop3A_3886 = arith.addf %parallel_loop3A_3583, %parallel_loop3A_3885 : vector<16xf32>
        %parallel_loop3A_3887 = arith.constant 15 : i32
        %parallel_loop3A_3888 = arith.index_cast %parallel_loop3A_3887 : i32 to index
        %parallel_loop3A_3889 = arith.index_cast %parallel_loop3A_3586 : i32 to index
        %parallel_loop3A_3890 = tpu.vector_load %arg9[%parallel_loop3A_3888, %parallel_loop3A_3889] {strides = array<i32>} : memref<16x768xf32, #tpu.memory_space<vmem>>, vector<1x16xf32>,
        %parallel_loop3A_3891 = vector.shape_cast %parallel_loop3A_3890 : vector<1x16xf32> to vector<16xf32>
        %parallel_loop3A_3892 = arith.constant 15 : i32
        %parallel_loop3A_3893 = arith.index_cast %parallel_loop3A_3892 : i32 to index
        %parallel_loop3A_3894 = arith.index_cast %parallel_loop3A_3586 : i32 to index
        %parallel_loop3A_3895 = tpu.vector_load %arg13[%parallel_loop3A_3893, %parallel_loop3A_3894] {strides = array<i32>} : memref<16x768xf32, #tpu.memory_space<vmem>>, vector<1x16xf32>,
        %parallel_loop3A_3896 = vector.shape_cast %parallel_loop3A_3895 : vector<1x16xf32> to vector<16xf32>
        %parallel_loop3A_3897 = arith.addf %parallel_loop3A_3891, %parallel_loop3A_3896 : vector<16xf32>
        %parallel_loop3A_3898 = arith.constant 15 : i32
        %parallel_loop3A_3899 = arith.index_cast %parallel_loop3A_3898 : i32 to index
        %parallel_loop3A_3900 = arith.index_cast %parallel_loop3A_3586 : i32 to index
        %parallel_loop3A_3901 = tpu.vector_load %arg9[%parallel_loop3A_3899, %parallel_loop3A_3900] {strides = array<i32>} : memref<16x768xf32, #tpu.memory_space<vmem>>, vector<1x16xf32>,
        %parallel_loop3A_3902 = vector.shape_cast %parallel_loop3A_3901 : vector<1x16xf32> to vector<16xf32>
        %parallel_loop3A_3903 = vector.shape_cast %parallel_loop3A_3897 : vector<16xf32> to vector<1x16xf32>
        tpu.vector_store %arg9[%parallel_loop3A_3899, %parallel_loop3A_3900], %parallel_loop3A_3903 {strides = array<i32>} : memref<16x768xf32, #tpu.memory_space<vmem>>, vector<1x16xf32>,
        %parallel_loop3A_3904 = arith.addf %parallel_loop3A_3568, %parallel_loop3A_3897 : vector<16xf32>
        %parallel_loop3A_3905 = arith.mulf %parallel_loop3A_3897, %parallel_loop3A_3897 : vector<16xf32>
        %parallel_loop3A_3906 = arith.addf %parallel_loop3A_3584, %parallel_loop3A_3905 : vector<16xf32>
        scf.yield %parallel_loop3A_3604, %parallel_loop3A_3624, %parallel_loop3A_3644, %parallel_loop3A_3664, %parallel_loop3A_3684, %parallel_loop3A_3704, %parallel_loop3A_3724, %parallel_loop3A_3744, %parallel_loop3A_3764, %parallel_loop3A_3784, %parallel_loop3A_3804, %parallel_loop3A_3824, %parallel_loop3A_3844, %parallel_loop3A_3864, %parallel_loop3A_3884, %parallel_loop3A_3904, %parallel_loop3A_3606, %parallel_loop3A_3626, %parallel_loop3A_3646, %parallel_loop3A_3666, %parallel_loop3A_3686, %parallel_loop3A_3706, %parallel_loop3A_3726, %parallel_loop3A_3746, %parallel_loop3A_3766, %parallel_loop3A_3786, %parallel_loop3A_3806, %parallel_loop3A_3826, %parallel_loop3A_3846, %parallel_loop3A_3866, %parallel_loop3A_3886, %parallel_loop3A_3906 : vector<16xf32>, vector<16xf32>, vector<16xf32>, vector<16xf32>, vector<16xf32>, vector<16xf32>, vector<16xf32>, vector<16xf32>, vector<16xf32>, vector<16xf32>, vector<16xf32>, vector<16xf32>, vector<16xf32>, vector<16xf32>, vector<16xf32>, vector<16xf32>, vector<16xf32>, vector<16xf32>, vector<16xf32>, vector<16xf32>, vector<16xf32>, vector<16xf32>, vector<16xf32>, vector<16xf32>, vector<16xf32>, vector<16xf32>, vector<16xf32>, vector<16xf32>, vector<16xf32>, vector<16xf32>, vector<16xf32>, vector<16xf32>
      } {sc.loop_unroll_factor = 1 : i64, sc.parallel_access}
      %and3A_77 = arith.constant -16 : i32
      %and3A_78 = vector.broadcast %and3A_77 : i32 to vector<16xi32>
      %and3A_79 = arith.andi %iota3A, %and3A_78 : vector<16xi32>
      %add3A_80 = arith.constant 8 : i32
      %add3A_81 = vector.broadcast %add3A_80 : i32 to vector<16xi32>
      %add3A_82 = arith.addi %iota3A, %add3A_81 : vector<16xi32>
      %and3A_83 = arith.constant 15 : i32
      %and3A_84 = vector.broadcast %and3A_83 : i32 to vector<16xi32>
      %and3A_85 = arith.andi %add3A_82, %and3A_84 : vector<16xi32>
      %or3A = arith.ori %and3A_79, %and3A_85 : vector<16xi32>
      %lt3A_86 = arith.constant 0 : i32
      %lt3A_87 = vector.broadcast %lt3A_86 : i32 to vector<16xi32>
      %lt3A_88 = arith.cmpi slt, %or3A, %lt3A_87 : vector<16xi32>
      %add3A_89 = arith.constant 16 : i32
      %add3A_90 = vector.broadcast %add3A_89 : i32 to vector<16xi32>
      %add3A_91 = arith.addi %or3A, %add3A_90 : vector<16xi32>
      %select_n3A = arith.select %lt3A_88, %add3A_91, %or3A : vector<16xi1>, vector<16xi32>
      %broadcast_in_dim3A_92 = vector.shape_cast %select_n3A : vector<16xi32> to vector<16x1xi32>
      %gather3A = vector.shape_cast %broadcast_in_dim3A_92 : vector<16x1xi32> to vector<16xi32>
      %gather3A_93 = tpu.dynamic_gather %parallel_loop3A_76#0[%gather3A] in [0] : vector<16xf32>, vector<16xi32> -> vector<16xf32>
      %add3A_94 = arith.addf %parallel_loop3A_76#0, %gather3A_93 : vector<16xf32>
      %and3A_95 = arith.constant -16 : i32
      %and3A_96 = vector.broadcast %and3A_95 : i32 to vector<16xi32>
      %and3A_97 = arith.andi %iota3A, %and3A_96 : vector<16xi32>
      %add3A_98 = arith.constant 8 : i32
      %add3A_99 = vector.broadcast %add3A_98 : i32 to vector<16xi32>
      %add3A_100 = arith.addi %iota3A, %add3A_99 : vector<16xi32>
      %and3A_101 = arith.constant 15 : i32
      %and3A_102 = vector.broadcast %and3A_101 : i32 to vector<16xi32>
      %and3A_103 = arith.andi %add3A_100, %and3A_102 : vector<16xi32>
      %or3A_104 = arith.ori %and3A_97, %and3A_103 : vector<16xi32>
      %lt3A_105 = arith.constant 0 : i32
      %lt3A_106 = vector.broadcast %lt3A_105 : i32 to vector<16xi32>
      %lt3A_107 = arith.cmpi slt, %or3A_104, %lt3A_106 : vector<16xi32>
      %add3A_108 = arith.constant 16 : i32
      %add3A_109 = vector.broadcast %add3A_108 : i32 to vector<16xi32>
      %add3A_110 = arith.addi %or3A_104, %add3A_109 : vector<16xi32>
      %select_n3A_111 = arith.select %lt3A_107, %add3A_110, %or3A_104 : vector<16xi1>, vector<16xi32>
      %broadcast_in_dim3A_112 = vector.shape_cast %select_n3A_111 : vector<16xi32> to vector<16x1xi32>
      %gather3A_113 = vector.shape_cast %broadcast_in_dim3A_112 : vector<16x1xi32> to vector<16xi32>
      %gather3A_114 = tpu.dynamic_gather %parallel_loop3A_76#1[%gather3A_113] in [0] : vector<16xf32>, vector<16xi32> -> vector<16xf32>
      %add3A_115 = arith.addf %parallel_loop3A_76#1, %gather3A_114 : vector<16xf32>
      %select_n3A_116 = arith.select %lt3A_29, %add3A_94, %add3A_115 : vector<16xi1>, vector<16xf32>
      %and3A_117 = arith.constant -16 : i32
      %and3A_118 = vector.broadcast %and3A_117 : i32 to vector<16xi32>
      %and3A_119 = arith.andi %iota3A, %and3A_118 : vector<16xi32>
      %add3A_120 = arith.constant 8 : i32
      %add3A_121 = vector.broadcast %add3A_120 : i32 to vector<16xi32>
      %add3A_122 = arith.addi %iota3A, %add3A_121 : vector<16xi32>
      %and3A_123 = arith.constant 15 : i32
      %and3A_124 = vector.broadcast %and3A_123 : i32 to vector<16xi32>
      %and3A_125 = arith.andi %add3A_122, %and3A_124 : vector<16xi32>
      %or3A_126 = arith.ori %and3A_119, %and3A_125 : vector<16xi32>
      %lt3A_127 = arith.constant 0 : i32
      %lt3A_128 = vector.broadcast %lt3A_127 : i32 to vector<16xi32>
      %lt3A_129 = arith.cmpi slt, %or3A_126, %lt3A_128 : vector<16xi32>
      %add3A_130 = arith.constant 16 : i32
      %add3A_131 = vector.broadcast %add3A_130 : i32 to vector<16xi32>
      %add3A_132 = arith.addi %or3A_126, %add3A_131 : vector<16xi32>
      %select_n3A_133 = arith.select %lt3A_129, %add3A_132, %or3A_126 : vector<16xi1>, vector<16xi32>
      %broadcast_in_dim3A_134 = vector.shape_cast %select_n3A_133 : vector<16xi32> to vector<16x1xi32>
      %gather3A_135 = vector.shape_cast %broadcast_in_dim3A_134 : vector<16x1xi32> to vector<16xi32>
      %gather3A_136 = tpu.dynamic_gather %parallel_loop3A_76#2[%gather3A_135] in [0] : vector<16xf32>, vector<16xi32> -> vector<16xf32>
      %add3A_137 = arith.addf %parallel_loop3A_76#2, %gather3A_136 : vector<16xf32>
      %and3A_138 = arith.constant -16 : i32
      %and3A_139 = vector.broadcast %and3A_138 : i32 to vector<16xi32>
      %and3A_140 = arith.andi %iota3A, %and3A_139 : vector<16xi32>
      %add3A_141 = arith.constant 8 : i32
      %add3A_142 = vector.broadcast %add3A_141 : i32 to vector<16xi32>
      %add3A_143 = arith.addi %iota3A, %add3A_142 : vector<16xi32>
      %and3A_144 = arith.constant 15 : i32
      %and3A_145 = vector.broadcast %and3A_144 : i32 to vector<16xi32>
      %and3A_146 = arith.andi %add3A_143, %and3A_145 : vector<16xi32>
      %or3A_147 = arith.ori %and3A_140, %and3A_146 : vector<16xi32>
      %lt3A_148 = arith.constant 0 : i32
      %lt3A_149 = vector.broadcast %lt3A_148 : i32 to vector<16xi32>
      %lt3A_150 = arith.cmpi slt, %or3A_147, %lt3A_149 : vector<16xi32>
      %add3A_151 = arith.constant 16 : i32
      %add3A_152 = vector.broadcast %add3A_151 : i32 to vector<16xi32>
      %add3A_153 = arith.addi %or3A_147, %add3A_152 : vector<16xi32>
      %select_n3A_154 = arith.select %lt3A_150, %add3A_153, %or3A_147 : vector<16xi1>, vector<16xi32>
      %broadcast_in_dim3A_155 = vector.shape_cast %select_n3A_154 : vector<16xi32> to vector<16x1xi32>
      %gather3A_156 = vector.shape_cast %broadcast_in_dim3A_155 : vector<16x1xi32> to vector<16xi32>
      %gather3A_157 = tpu.dynamic_gather %parallel_loop3A_76#3[%gather3A_156] in [0] : vector<16xf32>, vector<16xi32> -> vector<16xf32>
      %add3A_158 = arith.addf %parallel_loop3A_76#3, %gather3A_157 : vector<16xf32>
      %select_n3A_159 = arith.select %lt3A_29, %add3A_137, %add3A_158 : vector<16xi1>, vector<16xf32>
      %and3A_160 = arith.constant -16 : i32
      %and3A_161 = vector.broadcast %and3A_160 : i32 to vector<16xi32>
      %and3A_162 = arith.andi %iota3A, %and3A_161 : vector<16xi32>
      %add3A_163 = arith.constant 8 : i32
      %add3A_164 = vector.broadcast %add3A_163 : i32 to vector<16xi32>
      %add3A_165 = arith.addi %iota3A, %add3A_164 : vector<16xi32>
      %and3A_166 = arith.constant 15 : i32
      %and3A_167 = vector.broadcast %and3A_166 : i32 to vector<16xi32>
      %and3A_168 = arith.andi %add3A_165, %and3A_167 : vector<16xi32>
      %or3A_169 = arith.ori %and3A_162, %and3A_168 : vector<16xi32>
      %lt3A_170 = arith.constant 0 : i32
      %lt3A_171 = vector.broadcast %lt3A_170 : i32 to vector<16xi32>
      %lt3A_172 = arith.cmpi slt, %or3A_169, %lt3A_171 : vector<16xi32>
      %add3A_173 = arith.constant 16 : i32
      %add3A_174 = vector.broadcast %add3A_173 : i32 to vector<16xi32>
      %add3A_175 = arith.addi %or3A_169, %add3A_174 : vector<16xi32>
      %select_n3A_176 = arith.select %lt3A_172, %add3A_175, %or3A_169 : vector<16xi1>, vector<16xi32>
      %broadcast_in_dim3A_177 = vector.shape_cast %select_n3A_176 : vector<16xi32> to vector<16x1xi32>
      %gather3A_178 = vector.shape_cast %broadcast_in_dim3A_177 : vector<16x1xi32> to vector<16xi32>
      %gather3A_179 = tpu.dynamic_gather %parallel_loop3A_76#4[%gather3A_178] in [0] : vector<16xf32>, vector<16xi32> -> vector<16xf32>
      %add3A_180 = arith.addf %parallel_loop3A_76#4, %gather3A_179 : vector<16xf32>
      %and3A_181 = arith.constant -16 : i32
      %and3A_182 = vector.broadcast %and3A_181 : i32 to vector<16xi32>
      %and3A_183 = arith.andi %iota3A, %and3A_182 : vector<16xi32>
      %add3A_184 = arith.constant 8 : i32
      %add3A_185 = vector.broadcast %add3A_184 : i32 to vector<16xi32>
      %add3A_186 = arith.addi %iota3A, %add3A_185 : vector<16xi32>
      %and3A_187 = arith.constant 15 : i32
      %and3A_188 = vector.broadcast %and3A_187 : i32 to vector<16xi32>
      %and3A_189 = arith.andi %add3A_186, %and3A_188 : vector<16xi32>
      %or3A_190 = arith.ori %and3A_183, %and3A_189 : vector<16xi32>
      %lt3A_191 = arith.constant 0 : i32
      %lt3A_192 = vector.broadcast %lt3A_191 : i32 to vector<16xi32>
      %lt3A_193 = arith.cmpi slt, %or3A_190, %lt3A_192 : vector<16xi32>
      %add3A_194 = arith.constant 16 : i32
      %add3A_195 = vector.broadcast %add3A_194 : i32 to vector<16xi32>
      %add3A_196 = arith.addi %or3A_190, %add3A_195 : vector<16xi32>
      %select_n3A_197 = arith.select %lt3A_193, %add3A_196, %or3A_190 : vector<16xi1>, vector<16xi32>
      %broadcast_in_dim3A_198 = vector.shape_cast %select_n3A_197 : vector<16xi32> to vector<16x1xi32>
      %gather3A_199 = vector.shape_cast %broadcast_in_dim3A_198 : vector<16x1xi32> to vector<16xi32>
      %gather3A_200 = tpu.dynamic_gather %parallel_loop3A_76#5[%gather3A_199] in [0] : vector<16xf32>, vector<16xi32> -> vector<16xf32>
      %add3A_201 = arith.addf %parallel_loop3A_76#5, %gather3A_200 : vector<16xf32>
      %select_n3A_202 = arith.select %lt3A_29, %add3A_180, %add3A_201 : vector<16xi1>, vector<16xf32>
      %and3A_203 = arith.constant -16 : i32
      %and3A_204 = vector.broadcast %and3A_203 : i32 to vector<16xi32>
      %and3A_205 = arith.andi %iota3A, %and3A_204 : vector<16xi32>
      %add3A_206 = arith.constant 8 : i32
      %add3A_207 = vector.broadcast %add3A_206 : i32 to vector<16xi32>
      %add3A_208 = arith.addi %iota3A, %add3A_207 : vector<16xi32>
      %and3A_209 = arith.constant 15 : i32
      %and3A_210 = vector.broadcast %and3A_209 : i32 to vector<16xi32>
      %and3A_211 = arith.andi %add3A_208, %and3A_210 : vector<16xi32>
      %or3A_212 = arith.ori %and3A_205, %and3A_211 : vector<16xi32>
      %lt3A_213 = arith.constant 0 : i32
      %lt3A_214 = vector.broadcast %lt3A_213 : i32 to vector<16xi32>
      %lt3A_215 = arith.cmpi slt, %or3A_212, %lt3A_214 : vector<16xi32>
      %add3A_216 = arith.constant 16 : i32
      %add3A_217 = vector.broadcast %add3A_216 : i32 to vector<16xi32>
      %add3A_218 = arith.addi %or3A_212, %add3A_217 : vector<16xi32>
      %select_n3A_219 = arith.select %lt3A_215, %add3A_218, %or3A_212 : vector<16xi1>, vector<16xi32>
      %broadcast_in_dim3A_220 = vector.shape_cast %select_n3A_219 : vector<16xi32> to vector<16x1xi32>
      %gather3A_221 = vector.shape_cast %broadcast_in_dim3A_220 : vector<16x1xi32> to vector<16xi32>
      %gather3A_222 = tpu.dynamic_gather %parallel_loop3A_76#6[%gather3A_221] in [0] : vector<16xf32>, vector<16xi32> -> vector<16xf32>
      %add3A_223 = arith.addf %parallel_loop3A_76#6, %gather3A_222 : vector<16xf32>
      %and3A_224 = arith.constant -16 : i32
      %and3A_225 = vector.broadcast %and3A_224 : i32 to vector<16xi32>
      %and3A_226 = arith.andi %iota3A, %and3A_225 : vector<16xi32>
      %add3A_227 = arith.constant 8 : i32
      %add3A_228 = vector.broadcast %add3A_227 : i32 to vector<16xi32>
      %add3A_229 = arith.addi %iota3A, %add3A_228 : vector<16xi32>
      %and3A_230 = arith.constant 15 : i32
      %and3A_231 = vector.broadcast %and3A_230 : i32 to vector<16xi32>
      %and3A_232 = arith.andi %add3A_229, %and3A_231 : vector<16xi32>
      %or3A_233 = arith.ori %and3A_226, %and3A_232 : vector<16xi32>
      %lt3A_234 = arith.constant 0 : i32
      %lt3A_235 = vector.broadcast %lt3A_234 : i32 to vector<16xi32>
      %lt3A_236 = arith.cmpi slt, %or3A_233, %lt3A_235 : vector<16xi32>
      %add3A_237 = arith.constant 16 : i32
      %add3A_238 = vector.broadcast %add3A_237 : i32 to vector<16xi32>
      %add3A_239 = arith.addi %or3A_233, %add3A_238 : vector<16xi32>
      %select_n3A_240 = arith.select %lt3A_236, %add3A_239, %or3A_233 : vector<16xi1>, vector<16xi32>
      %broadcast_in_dim3A_241 = vector.shape_cast %select_n3A_240 : vector<16xi32> to vector<16x1xi32>
      %gather3A_242 = vector.shape_cast %broadcast_in_dim3A_241 : vector<16x1xi32> to vector<16xi32>
      %gather3A_243 = tpu.dynamic_gather %parallel_loop3A_76#7[%gather3A_242] in [0] : vector<16xf32>, vector<16xi32> -> vector<16xf32>
      %add3A_244 = arith.addf %parallel_loop3A_76#7, %gather3A_243 : vector<16xf32>
      %select_n3A_245 = arith.select %lt3A_29, %add3A_223, %add3A_244 : vector<16xi1>, vector<16xf32>
      %and3A_246 = arith.constant -16 : i32
      %and3A_247 = vector.broadcast %and3A_246 : i32 to vector<16xi32>
      %and3A_248 = arith.andi %iota3A, %and3A_247 : vector<16xi32>
      %add3A_249 = arith.constant 8 : i32
      %add3A_250 = vector.broadcast %add3A_249 : i32 to vector<16xi32>
      %add3A_251 = arith.addi %iota3A, %add3A_250 : vector<16xi32>
      %and3A_252 = arith.constant 15 : i32
      %and3A_253 = vector.broadcast %and3A_252 : i32 to vector<16xi32>
      %and3A_254 = arith.andi %add3A_251, %and3A_253 : vector<16xi32>
      %or3A_255 = arith.ori %and3A_248, %and3A_254 : vector<16xi32>
      %lt3A_256 = arith.constant 0 : i32
      %lt3A_257 = vector.broadcast %lt3A_256 : i32 to vector<16xi32>
      %lt3A_258 = arith.cmpi slt, %or3A_255, %lt3A_257 : vector<16xi32>
      %add3A_259 = arith.constant 16 : i32
      %add3A_260 = vector.broadcast %add3A_259 : i32 to vector<16xi32>
      %add3A_261 = arith.addi %or3A_255, %add3A_260 : vector<16xi32>
      %select_n3A_262 = arith.select %lt3A_258, %add3A_261, %or3A_255 : vector<16xi1>, vector<16xi32>
      %broadcast_in_dim3A_263 = vector.shape_cast %select_n3A_262 : vector<16xi32> to vector<16x1xi32>
      %gather3A_264 = vector.shape_cast %broadcast_in_dim3A_263 : vector<16x1xi32> to vector<16xi32>
      %gather3A_265 = tpu.dynamic_gather %parallel_loop3A_76#8[%gather3A_264] in [0] : vector<16xf32>, vector<16xi32> -> vector<16xf32>
      %add3A_266 = arith.addf %parallel_loop3A_76#8, %gather3A_265 : vector<16xf32>
      %and3A_267 = arith.constant -16 : i32
      %and3A_268 = vector.broadcast %and3A_267 : i32 to vector<16xi32>
      %and3A_269 = arith.andi %iota3A, %and3A_268 : vector<16xi32>
      %add3A_270 = arith.constant 8 : i32
      %add3A_271 = vector.broadcast %add3A_270 : i32 to vector<16xi32>
      %add3A_272 = arith.addi %iota3A, %add3A_271 : vector<16xi32>
      %and3A_273 = arith.constant 15 : i32
      %and3A_274 = vector.broadcast %and3A_273 : i32 to vector<16xi32>
      %and3A_275 = arith.andi %add3A_272, %and3A_274 : vector<16xi32>
      %or3A_276 = arith.ori %and3A_269, %and3A_275 : vector<16xi32>
      %lt3A_277 = arith.constant 0 : i32
      %lt3A_278 = vector.broadcast %lt3A_277 : i32 to vector<16xi32>
      %lt3A_279 = arith.cmpi slt, %or3A_276, %lt3A_278 : vector<16xi32>
      %add3A_280 = arith.constant 16 : i32
      %add3A_281 = vector.broadcast %add3A_280 : i32 to vector<16xi32>
      %add3A_282 = arith.addi %or3A_276, %add3A_281 : vector<16xi32>
      %select_n3A_283 = arith.select %lt3A_279, %add3A_282, %or3A_276 : vector<16xi1>, vector<16xi32>
      %broadcast_in_dim3A_284 = vector.shape_cast %select_n3A_283 : vector<16xi32> to vector<16x1xi32>
      %gather3A_285 = vector.shape_cast %broadcast_in_dim3A_284 : vector<16x1xi32> to vector<16xi32>
      %gather3A_286 = tpu.dynamic_gather %parallel_loop3A_76#9[%gather3A_285] in [0] : vector<16xf32>, vector<16xi32> -> vector<16xf32>
      %add3A_287 = arith.addf %parallel_loop3A_76#9, %gather3A_286 : vector<16xf32>
      %select_n3A_288 = arith.select %lt3A_29, %add3A_266, %add3A_287 : vector<16xi1>, vector<16xf32>
      %and3A_289 = arith.constant -16 : i32
      %and3A_290 = vector.broadcast %and3A_289 : i32 to vector<16xi32>
      %and3A_291 = arith.andi %iota3A, %and3A_290 : vector<16xi32>
      %add3A_292 = arith.constant 8 : i32
      %add3A_293 = vector.broadcast %add3A_292 : i32 to vector<16xi32>
      %add3A_294 = arith.addi %iota3A, %add3A_293 : vector<16xi32>
      %and3A_295 = arith.constant 15 : i32
      %and3A_296 = vector.broadcast %and3A_295 : i32 to vector<16xi32>
      %and3A_297 = arith.andi %add3A_294, %and3A_296 : vector<16xi32>
      %or3A_298 = arith.ori %and3A_291, %and3A_297 : vector<16xi32>
      %lt3A_299 = arith.constant 0 : i32
      %lt3A_300 = vector.broadcast %lt3A_299 : i32 to vector<16xi32>
      %lt3A_301 = arith.cmpi slt, %or3A_298, %lt3A_300 : vector<16xi32>
      %add3A_302 = arith.constant 16 : i32
      %add3A_303 = vector.broadcast %add3A_302 : i32 to vector<16xi32>
      %add3A_304 = arith.addi %or3A_298, %add3A_303 : vector<16xi32>
      %select_n3A_305 = arith.select %lt3A_301, %add3A_304, %or3A_298 : vector<16xi1>, vector<16xi32>
      %broadcast_in_dim3A_306 = vector.shape_cast %select_n3A_305 : vector<16xi32> to vector<16x1xi32>
      %gather3A_307 = vector.shape_cast %broadcast_in_dim3A_306 : vector<16x1xi32> to vector<16xi32>
      %gather3A_308 = tpu.dynamic_gather %parallel_loop3A_76#10[%gather3A_307] in [0] : vector<16xf32>, vector<16xi32> -> vector<16xf32>
      %add3A_309 = arith.addf %parallel_loop3A_76#10, %gather3A_308 : vector<16xf32>
      %and3A_310 = arith.constant -16 : i32
      %and3A_311 = vector.broadcast %and3A_310 : i32 to vector<16xi32>
      %and3A_312 = arith.andi %iota3A, %and3A_311 : vector<16xi32>
      %add3A_313 = arith.constant 8 : i32
      %add3A_314 = vector.broadcast %add3A_313 : i32 to vector<16xi32>
      %add3A_315 = arith.addi %iota3A, %add3A_314 : vector<16xi32>
      %and3A_316 = arith.constant 15 : i32
      %and3A_317 = vector.broadcast %and3A_316 : i32 to vector<16xi32>
      %and3A_318 = arith.andi %add3A_315, %and3A_317 : vector<16xi32>
      %or3A_319 = arith.ori %and3A_312, %and3A_318 : vector<16xi32>
      %lt3A_320 = arith.constant 0 : i32
      %lt3A_321 = vector.broadcast %lt3A_320 : i32 to vector<16xi32>
      %lt3A_322 = arith.cmpi slt, %or3A_319, %lt3A_321 : vector<16xi32>
      %add3A_323 = arith.constant 16 : i32
      %add3A_324 = vector.broadcast %add3A_323 : i32 to vector<16xi32>
      %add3A_325 = arith.addi %or3A_319, %add3A_324 : vector<16xi32>
      %select_n3A_326 = arith.select %lt3A_322, %add3A_325, %or3A_319 : vector<16xi1>, vector<16xi32>
      %broadcast_in_dim3A_327 = vector.shape_cast %select_n3A_326 : vector<16xi32> to vector<16x1xi32>
      %gather3A_328 = vector.shape_cast %broadcast_in_dim3A_327 : vector<16x1xi32> to vector<16xi32>
      %gather3A_329 = tpu.dynamic_gather %parallel_loop3A_76#11[%gather3A_328] in [0] : vector<16xf32>, vector<16xi32> -> vector<16xf32>
      %add3A_330 = arith.addf %parallel_loop3A_76#11, %gather3A_329 : vector<16xf32>
      %select_n3A_331 = arith.select %lt3A_29, %add3A_309, %add3A_330 : vector<16xi1>, vector<16xf32>
      %and3A_332 = arith.constant -16 : i32
      %and3A_333 = vector.broadcast %and3A_332 : i32 to vector<16xi32>
      %and3A_334 = arith.andi %iota3A, %and3A_333 : vector<16xi32>
      %add3A_335 = arith.constant 8 : i32
      %add3A_336 = vector.broadcast %add3A_335 : i32 to vector<16xi32>
      %add3A_337 = arith.addi %iota3A, %add3A_336 : vector<16xi32>
      %and3A_338 = arith.constant 15 : i32
      %and3A_339 = vector.broadcast %and3A_338 : i32 to vector<16xi32>
      %and3A_340 = arith.andi %add3A_337, %and3A_339 : vector<16xi32>
      %or3A_341 = arith.ori %and3A_334, %and3A_340 : vector<16xi32>
      %lt3A_342 = arith.constant 0 : i32
      %lt3A_343 = vector.broadcast %lt3A_342 : i32 to vector<16xi32>
      %lt3A_344 = arith.cmpi slt, %or3A_341, %lt3A_343 : vector<16xi32>
      %add3A_345 = arith.constant 16 : i32
      %add3A_346 = vector.broadcast %add3A_345 : i32 to vector<16xi32>
      %add3A_347 = arith.addi %or3A_341, %add3A_346 : vector<16xi32>
      %select_n3A_348 = arith.select %lt3A_344, %add3A_347, %or3A_341 : vector<16xi1>, vector<16xi32>
      %broadcast_in_dim3A_349 = vector.shape_cast %select_n3A_348 : vector<16xi32> to vector<16x1xi32>
      %gather3A_350 = vector.shape_cast %broadcast_in_dim3A_349 : vector<16x1xi32> to vector<16xi32>
      %gather3A_351 = tpu.dynamic_gather %parallel_loop3A_76#12[%gather3A_350] in [0] : vector<16xf32>, vector<16xi32> -> vector<16xf32>
      %add3A_352 = arith.addf %parallel_loop3A_76#12, %gather3A_351 : vector<16xf32>
      %and3A_353 = arith.constant -16 : i32
      %and3A_354 = vector.broadcast %and3A_353 : i32 to vector<16xi32>
      %and3A_355 = arith.andi %iota3A, %and3A_354 : vector<16xi32>
      %add3A_356 = arith.constant 8 : i32
      %add3A_357 = vector.broadcast %add3A_356 : i32 to vector<16xi32>
      %add3A_358 = arith.addi %iota3A, %add3A_357 : vector<16xi32>
      %and3A_359 = arith.constant 15 : i32
      %and3A_360 = vector.broadcast %and3A_359 : i32 to vector<16xi32>
      %and3A_361 = arith.andi %add3A_358, %and3A_360 : vector<16xi32>
      %or3A_362 = arith.ori %and3A_355, %and3A_361 : vector<16xi32>
      %lt3A_363 = arith.constant 0 : i32
      %lt3A_364 = vector.broadcast %lt3A_363 : i32 to vector<16xi32>
      %lt3A_365 = arith.cmpi slt, %or3A_362, %lt3A_364 : vector<16xi32>
      %add3A_366 = arith.constant 16 : i32
      %add3A_367 = vector.broadcast %add3A_366 : i32 to vector<16xi32>
      %add3A_368 = arith.addi %or3A_362, %add3A_367 : vector<16xi32>
      %select_n3A_369 = arith.select %lt3A_365, %add3A_368, %or3A_362 : vector<16xi1>, vector<16xi32>
      %broadcast_in_dim3A_370 = vector.shape_cast %select_n3A_369 : vector<16xi32> to vector<16x1xi32>
      %gather3A_371 = vector.shape_cast %broadcast_in_dim3A_370 : vector<16x1xi32> to vector<16xi32>
      %gather3A_372 = tpu.dynamic_gather %parallel_loop3A_76#13[%gather3A_371] in [0] : vector<16xf32>, vector<16xi32> -> vector<16xf32>
      %add3A_373 = arith.addf %parallel_loop3A_76#13, %gather3A_372 : vector<16xf32>
      %select_n3A_374 = arith.select %lt3A_29, %add3A_352, %add3A_373 : vector<16xi1>, vector<16xf32>
      %and3A_375 = arith.constant -16 : i32
      %and3A_376 = vector.broadcast %and3A_375 : i32 to vector<16xi32>
      %and3A_377 = arith.andi %iota3A, %and3A_376 : vector<16xi32>
      %add3A_378 = arith.constant 8 : i32
      %add3A_379 = vector.broadcast %add3A_378 : i32 to vector<16xi32>
      %add3A_380 = arith.addi %iota3A, %add3A_379 : vector<16xi32>
      %and3A_381 = arith.constant 15 : i32
      %and3A_382 = vector.broadcast %and3A_381 : i32 to vector<16xi32>
      %and3A_383 = arith.andi %add3A_380, %and3A_382 : vector<16xi32>
      %or3A_384 = arith.ori %and3A_377, %and3A_383 : vector<16xi32>
      %lt3A_385 = arith.constant 0 : i32
      %lt3A_386 = vector.broadcast %lt3A_385 : i32 to vector<16xi32>
      %lt3A_387 = arith.cmpi slt, %or3A_384, %lt3A_386 : vector<16xi32>
      %add3A_388 = arith.constant 16 : i32
      %add3A_389 = vector.broadcast %add3A_388 : i32 to vector<16xi32>
      %add3A_390 = arith.addi %or3A_384, %add3A_389 : vector<16xi32>
      %select_n3A_391 = arith.select %lt3A_387, %add3A_390, %or3A_384 : vector<16xi1>, vector<16xi32>
      %broadcast_in_dim3A_392 = vector.shape_cast %select_n3A_391 : vector<16xi32> to vector<16x1xi32>
      %gather3A_393 = vector.shape_cast %broadcast_in_dim3A_392 : vector<16x1xi32> to vector<16xi32>
      %gather3A_394 = tpu.dynamic_gather %parallel_loop3A_76#14[%gather3A_393] in [0] : vector<16xf32>, vector<16xi32> -> vector<16xf32>
      %add3A_395 = arith.addf %parallel_loop3A_76#14, %gather3A_394 : vector<16xf32>
      %and3A_396 = arith.constant -16 : i32
      %and3A_397 = vector.broadcast %and3A_396 : i32 to vector<16xi32>
      %and3A_398 = arith.andi %iota3A, %and3A_397 : vector<16xi32>
      %add3A_399 = arith.constant 8 : i32
      %add3A_400 = vector.broadcast %add3A_399 : i32 to vector<16xi32>
      %add3A_401 = arith.addi %iota3A, %add3A_400 : vector<16xi32>
      %and3A_402 = arith.constant 15 : i32
      %and3A_403 = vector.broadcast %and3A_402 : i32 to vector<16xi32>
      %and3A_404 = arith.andi %add3A_401, %and3A_403 : vector<16xi32>
      %or3A_405 = arith.ori %and3A_398, %and3A_404 : vector<16xi32>
      %lt3A_406 = arith.constant 0 : i32
      %lt3A_407 = vector.broadcast %lt3A_406 : i32 to vector<16xi32>
      %lt3A_408 = arith.cmpi slt, %or3A_405, %lt3A_407 : vector<16xi32>
      %add3A_409 = arith.constant 16 : i32
      %add3A_410 = vector.broadcast %add3A_409 : i32 to vector<16xi32>
      %add3A_411 = arith.addi %or3A_405, %add3A_410 : vector<16xi32>
      %select_n3A_412 = arith.select %lt3A_408, %add3A_411, %or3A_405 : vector<16xi1>, vector<16xi32>
      %broadcast_in_dim3A_413 = vector.shape_cast %select_n3A_412 : vector<16xi32> to vector<16x1xi32>
      %gather3A_414 = vector.shape_cast %broadcast_in_dim3A_413 : vector<16x1xi32> to vector<16xi32>
      %gather3A_415 = tpu.dynamic_gather %parallel_loop3A_76#15[%gather3A_414] in [0] : vector<16xf32>, vector<16xi32> -> vector<16xf32>
      %add3A_416 = arith.addf %parallel_loop3A_76#15, %gather3A_415 : vector<16xf32>
      %select_n3A_417 = arith.select %lt3A_29, %add3A_395, %add3A_416 : vector<16xi1>, vector<16xf32>
      %and3A_418 = arith.constant -8 : i32
      %and3A_419 = vector.broadcast %and3A_418 : i32 to vector<16xi32>
      %and3A_420 = arith.andi %iota3A, %and3A_419 : vector<16xi32>
      %add3A_421 = arith.constant 4 : i32
      %add3A_422 = vector.broadcast %add3A_421 : i32 to vector<16xi32>
      %add3A_423 = arith.addi %iota3A, %add3A_422 : vector<16xi32>
      %and3A_424 = arith.constant 7 : i32
      %and3A_425 = vector.broadcast %and3A_424 : i32 to vector<16xi32>
      %and3A_426 = arith.andi %add3A_423, %and3A_425 : vector<16xi32>
      %or3A_427 = arith.ori %and3A_420, %and3A_426 : vector<16xi32>
      %lt3A_428 = arith.constant 0 : i32
      %lt3A_429 = vector.broadcast %lt3A_428 : i32 to vector<16xi32>
      %lt3A_430 = arith.cmpi slt, %or3A_427, %lt3A_429 : vector<16xi32>
      %add3A_431 = arith.constant 16 : i32
      %add3A_432 = vector.broadcast %add3A_431 : i32 to vector<16xi32>
      %add3A_433 = arith.addi %or3A_427, %add3A_432 : vector<16xi32>
      %select_n3A_434 = arith.select %lt3A_430, %add3A_433, %or3A_427 : vector<16xi1>, vector<16xi32>
      %broadcast_in_dim3A_435 = vector.shape_cast %select_n3A_434 : vector<16xi32> to vector<16x1xi32>
      %gather3A_436 = vector.shape_cast %broadcast_in_dim3A_435 : vector<16x1xi32> to vector<16xi32>
      %gather3A_437 = tpu.dynamic_gather %select_n3A_116[%gather3A_436] in [0] : vector<16xf32>, vector<16xi32> -> vector<16xf32>
      %add3A_438 = arith.addf %select_n3A_116, %gather3A_437 : vector<16xf32>
      %and3A_439 = arith.constant -8 : i32
      %and3A_440 = vector.broadcast %and3A_439 : i32 to vector<16xi32>
      %and3A_441 = arith.andi %iota3A, %and3A_440 : vector<16xi32>
      %add3A_442 = arith.constant 4 : i32
      %add3A_443 = vector.broadcast %add3A_442 : i32 to vector<16xi32>
      %add3A_444 = arith.addi %iota3A, %add3A_443 : vector<16xi32>
      %and3A_445 = arith.constant 7 : i32
      %and3A_446 = vector.broadcast %and3A_445 : i32 to vector<16xi32>
      %and3A_447 = arith.andi %add3A_444, %and3A_446 : vector<16xi32>
      %or3A_448 = arith.ori %and3A_441, %and3A_447 : vector<16xi32>
      %lt3A_449 = arith.constant 0 : i32
      %lt3A_450 = vector.broadcast %lt3A_449 : i32 to vector<16xi32>
      %lt3A_451 = arith.cmpi slt, %or3A_448, %lt3A_450 : vector<16xi32>
      %add3A_452 = arith.constant 16 : i32
      %add3A_453 = vector.broadcast %add3A_452 : i32 to vector<16xi32>
      %add3A_454 = arith.addi %or3A_448, %add3A_453 : vector<16xi32>
      %select_n3A_455 = arith.select %lt3A_451, %add3A_454, %or3A_448 : vector<16xi1>, vector<16xi32>
      %broadcast_in_dim3A_456 = vector.shape_cast %select_n3A_455 : vector<16xi32> to vector<16x1xi32>
      %gather3A_457 = vector.shape_cast %broadcast_in_dim3A_456 : vector<16x1xi32> to vector<16xi32>
      %gather3A_458 = tpu.dynamic_gather %select_n3A_159[%gather3A_457] in [0] : vector<16xf32>, vector<16xi32> -> vector<16xf32>
      %add3A_459 = arith.addf %select_n3A_159, %gather3A_458 : vector<16xf32>
      %select_n3A_460 = arith.select %eq3A_33, %add3A_438, %add3A_459 : vector<16xi1>, vector<16xf32>
      %and3A_461 = arith.constant -8 : i32
      %and3A_462 = vector.broadcast %and3A_461 : i32 to vector<16xi32>
      %and3A_463 = arith.andi %iota3A, %and3A_462 : vector<16xi32>
      %add3A_464 = arith.constant 4 : i32
      %add3A_465 = vector.broadcast %add3A_464 : i32 to vector<16xi32>
      %add3A_466 = arith.addi %iota3A, %add3A_465 : vector<16xi32>
      %and3A_467 = arith.constant 7 : i32
      %and3A_468 = vector.broadcast %and3A_467 : i32 to vector<16xi32>
      %and3A_469 = arith.andi %add3A_466, %and3A_468 : vector<16xi32>
      %or3A_470 = arith.ori %and3A_463, %and3A_469 : vector<16xi32>
      %lt3A_471 = arith.constant 0 : i32
      %lt3A_472 = vector.broadcast %lt3A_471 : i32 to vector<16xi32>
      %lt3A_473 = arith.cmpi slt, %or3A_470, %lt3A_472 : vector<16xi32>
      %add3A_474 = arith.constant 16 : i32
      %add3A_475 = vector.broadcast %add3A_474 : i32 to vector<16xi32>
      %add3A_476 = arith.addi %or3A_470, %add3A_475 : vector<16xi32>
      %select_n3A_477 = arith.select %lt3A_473, %add3A_476, %or3A_470 : vector<16xi1>, vector<16xi32>
      %broadcast_in_dim3A_478 = vector.shape_cast %select_n3A_477 : vector<16xi32> to vector<16x1xi32>
      %gather3A_479 = vector.shape_cast %broadcast_in_dim3A_478 : vector<16x1xi32> to vector<16xi32>
      %gather3A_480 = tpu.dynamic_gather %select_n3A_202[%gather3A_479] in [0] : vector<16xf32>, vector<16xi32> -> vector<16xf32>
      %add3A_481 = arith.addf %select_n3A_202, %gather3A_480 : vector<16xf32>
      %and3A_482 = arith.constant -8 : i32
      %and3A_483 = vector.broadcast %and3A_482 : i32 to vector<16xi32>
      %and3A_484 = arith.andi %iota3A, %and3A_483 : vector<16xi32>
      %add3A_485 = arith.constant 4 : i32
      %add3A_486 = vector.broadcast %add3A_485 : i32 to vector<16xi32>
      %add3A_487 = arith.addi %iota3A, %add3A_486 : vector<16xi32>
      %and3A_488 = arith.constant 7 : i32
      %and3A_489 = vector.broadcast %and3A_488 : i32 to vector<16xi32>
      %and3A_490 = arith.andi %add3A_487, %and3A_489 : vector<16xi32>
      %or3A_491 = arith.ori %and3A_484, %and3A_490 : vector<16xi32>
      %lt3A_492 = arith.constant 0 : i32
      %lt3A_493 = vector.broadcast %lt3A_492 : i32 to vector<16xi32>
      %lt3A_494 = arith.cmpi slt, %or3A_491, %lt3A_493 : vector<16xi32>
      %add3A_495 = arith.constant 16 : i32
      %add3A_496 = vector.broadcast %add3A_495 : i32 to vector<16xi32>
      %add3A_497 = arith.addi %or3A_491, %add3A_496 : vector<16xi32>
      %select_n3A_498 = arith.select %lt3A_494, %add3A_497, %or3A_491 : vector<16xi1>, vector<16xi32>
      %broadcast_in_dim3A_499 = vector.shape_cast %select_n3A_498 : vector<16xi32> to vector<16x1xi32>
      %gather3A_500 = vector.shape_cast %broadcast_in_dim3A_499 : vector<16x1xi32> to vector<16xi32>
      %gather3A_501 = tpu.dynamic_gather %select_n3A_245[%gather3A_500] in [0] : vector<16xf32>, vector<16xi32> -> vector<16xf32>
      %add3A_502 = arith.addf %select_n3A_245, %gather3A_501 : vector<16xf32>
      %select_n3A_503 = arith.select %eq3A_33, %add3A_481, %add3A_502 : vector<16xi1>, vector<16xf32>
      %and3A_504 = arith.constant -8 : i32
      %and3A_505 = vector.broadcast %and3A_504 : i32 to vector<16xi32>
      %and3A_506 = arith.andi %iota3A, %and3A_505 : vector<16xi32>
      %add3A_507 = arith.constant 4 : i32
      %add3A_508 = vector.broadcast %add3A_507 : i32 to vector<16xi32>
      %add3A_509 = arith.addi %iota3A, %add3A_508 : vector<16xi32>
      %and3A_510 = arith.constant 7 : i32
      %and3A_511 = vector.broadcast %and3A_510 : i32 to vector<16xi32>
      %and3A_512 = arith.andi %add3A_509, %and3A_511 : vector<16xi32>
      %or3A_513 = arith.ori %and3A_506, %and3A_512 : vector<16xi32>
      %lt3A_514 = arith.constant 0 : i32
      %lt3A_515 = vector.broadcast %lt3A_514 : i32 to vector<16xi32>
      %lt3A_516 = arith.cmpi slt, %or3A_513, %lt3A_515 : vector<16xi32>
      %add3A_517 = arith.constant 16 : i32
      %add3A_518 = vector.broadcast %add3A_517 : i32 to vector<16xi32>
      %add3A_519 = arith.addi %or3A_513, %add3A_518 : vector<16xi32>
      %select_n3A_520 = arith.select %lt3A_516, %add3A_519, %or3A_513 : vector<16xi1>, vector<16xi32>
      %broadcast_in_dim3A_521 = vector.shape_cast %select_n3A_520 : vector<16xi32> to vector<16x1xi32>
      %gather3A_522 = vector.shape_cast %broadcast_in_dim3A_521 : vector<16x1xi32> to vector<16xi32>
      %gather3A_523 = tpu.dynamic_gather %select_n3A_288[%gather3A_522] in [0] : vector<16xf32>, vector<16xi32> -> vector<16xf32>
      %add3A_524 = arith.addf %select_n3A_288, %gather3A_523 : vector<16xf32>
      %and3A_525 = arith.constant -8 : i32
      %and3A_526 = vector.broadcast %and3A_525 : i32 to vector<16xi32>
      %and3A_527 = arith.andi %iota3A, %and3A_526 : vector<16xi32>
      %add3A_528 = arith.constant 4 : i32
      %add3A_529 = vector.broadcast %add3A_528 : i32 to vector<16xi32>
      %add3A_530 = arith.addi %iota3A, %add3A_529 : vector<16xi32>
      %and3A_531 = arith.constant 7 : i32
      %and3A_532 = vector.broadcast %and3A_531 : i32 to vector<16xi32>
      %and3A_533 = arith.andi %add3A_530, %and3A_532 : vector<16xi32>
      %or3A_534 = arith.ori %and3A_527, %and3A_533 : vector<16xi32>
      %lt3A_535 = arith.constant 0 : i32
      %lt3A_536 = vector.broadcast %lt3A_535 : i32 to vector<16xi32>
      %lt3A_537 = arith.cmpi slt, %or3A_534, %lt3A_536 : vector<16xi32>
      %add3A_538 = arith.constant 16 : i32
      %add3A_539 = vector.broadcast %add3A_538 : i32 to vector<16xi32>
      %add3A_540 = arith.addi %or3A_534, %add3A_539 : vector<16xi32>
      %select_n3A_541 = arith.select %lt3A_537, %add3A_540, %or3A_534 : vector<16xi1>, vector<16xi32>
      %broadcast_in_dim3A_542 = vector.shape_cast %select_n3A_541 : vector<16xi32> to vector<16x1xi32>
      %gather3A_543 = vector.shape_cast %broadcast_in_dim3A_542 : vector<16x1xi32> to vector<16xi32>
      %gather3A_544 = tpu.dynamic_gather %select_n3A_331[%gather3A_543] in [0] : vector<16xf32>, vector<16xi32> -> vector<16xf32>
      %add3A_545 = arith.addf %select_n3A_331, %gather3A_544 : vector<16xf32>
      %select_n3A_546 = arith.select %eq3A_33, %add3A_524, %add3A_545 : vector<16xi1>, vector<16xf32>
      %and3A_547 = arith.constant -8 : i32
      %and3A_548 = vector.broadcast %and3A_547 : i32 to vector<16xi32>
      %and3A_549 = arith.andi %iota3A, %and3A_548 : vector<16xi32>
      %add3A_550 = arith.constant 4 : i32
      %add3A_551 = vector.broadcast %add3A_550 : i32 to vector<16xi32>
      %add3A_552 = arith.addi %iota3A, %add3A_551 : vector<16xi32>
      %and3A_553 = arith.constant 7 : i32
      %and3A_554 = vector.broadcast %and3A_553 : i32 to vector<16xi32>
      %and3A_555 = arith.andi %add3A_552, %and3A_554 : vector<16xi32>
      %or3A_556 = arith.ori %and3A_549, %and3A_555 : vector<16xi32>
      %lt3A_557 = arith.constant 0 : i32
      %lt3A_558 = vector.broadcast %lt3A_557 : i32 to vector<16xi32>
      %lt3A_559 = arith.cmpi slt, %or3A_556, %lt3A_558 : vector<16xi32>
      %add3A_560 = arith.constant 16 : i32
      %add3A_561 = vector.broadcast %add3A_560 : i32 to vector<16xi32>
      %add3A_562 = arith.addi %or3A_556, %add3A_561 : vector<16xi32>
      %select_n3A_563 = arith.select %lt3A_559, %add3A_562, %or3A_556 : vector<16xi1>, vector<16xi32>
      %broadcast_in_dim3A_564 = vector.shape_cast %select_n3A_563 : vector<16xi32> to vector<16x1xi32>
      %gather3A_565 = vector.shape_cast %broadcast_in_dim3A_564 : vector<16x1xi32> to vector<16xi32>
      %gather3A_566 = tpu.dynamic_gather %select_n3A_374[%gather3A_565] in [0] : vector<16xf32>, vector<16xi32> -> vector<16xf32>
      %add3A_567 = arith.addf %select_n3A_374, %gather3A_566 : vector<16xf32>
      %and3A_568 = arith.constant -8 : i32
      %and3A_569 = vector.broadcast %and3A_568 : i32 to vector<16xi32>
      %and3A_570 = arith.andi %iota3A, %and3A_569 : vector<16xi32>
      %add3A_571 = arith.constant 4 : i32
      %add3A_572 = vector.broadcast %add3A_571 : i32 to vector<16xi32>
      %add3A_573 = arith.addi %iota3A, %add3A_572 : vector<16xi32>
      %and3A_574 = arith.constant 7 : i32
      %and3A_575 = vector.broadcast %and3A_574 : i32 to vector<16xi32>
      %and3A_576 = arith.andi %add3A_573, %and3A_575 : vector<16xi32>
      %or3A_577 = arith.ori %and3A_570, %and3A_576 : vector<16xi32>
      %lt3A_578 = arith.constant 0 : i32
      %lt3A_579 = vector.broadcast %lt3A_578 : i32 to vector<16xi32>
      %lt3A_580 = arith.cmpi slt, %or3A_577, %lt3A_579 : vector<16xi32>
      %add3A_581 = arith.constant 16 : i32
      %add3A_582 = vector.broadcast %add3A_581 : i32 to vector<16xi32>
      %add3A_583 = arith.addi %or3A_577, %add3A_582 : vector<16xi32>
      %select_n3A_584 = arith.select %lt3A_580, %add3A_583, %or3A_577 : vector<16xi1>, vector<16xi32>
      %broadcast_in_dim3A_585 = vector.shape_cast %select_n3A_584 : vector<16xi32> to vector<16x1xi32>
      %gather3A_586 = vector.shape_cast %broadcast_in_dim3A_585 : vector<16x1xi32> to vector<16xi32>
      %gather3A_587 = tpu.dynamic_gather %select_n3A_417[%gather3A_586] in [0] : vector<16xf32>, vector<16xi32> -> vector<16xf32>
      %add3A_588 = arith.addf %select_n3A_417, %gather3A_587 : vector<16xf32>
      %select_n3A_589 = arith.select %eq3A_33, %add3A_567, %add3A_588 : vector<16xi1>, vector<16xf32>
      %and3A_590 = arith.constant -4 : i32
      %and3A_591 = vector.broadcast %and3A_590 : i32 to vector<16xi32>
      %and3A_592 = arith.andi %iota3A, %and3A_591 : vector<16xi32>
      %add3A_593 = arith.constant 2 : i32
      %add3A_594 = vector.broadcast %add3A_593 : i32 to vector<16xi32>
      %add3A_595 = arith.addi %iota3A, %add3A_594 : vector<16xi32>
      %and3A_596 = arith.constant 3 : i32
      %and3A_597 = vector.broadcast %and3A_596 : i32 to vector<16xi32>
      %and3A_598 = arith.andi %add3A_595, %and3A_597 : vector<16xi32>
      %or3A_599 = arith.ori %and3A_592, %and3A_598 : vector<16xi32>
      %lt3A_600 = arith.constant 0 : i32
      %lt3A_601 = vector.broadcast %lt3A_600 : i32 to vector<16xi32>
      %lt3A_602 = arith.cmpi slt, %or3A_599, %lt3A_601 : vector<16xi32>
      %add3A_603 = arith.constant 16 : i32
      %add3A_604 = vector.broadcast %add3A_603 : i32 to vector<16xi32>
      %add3A_605 = arith.addi %or3A_599, %add3A_604 : vector<16xi32>
      %select_n3A_606 = arith.select %lt3A_602, %add3A_605, %or3A_599 : vector<16xi1>, vector<16xi32>
      %broadcast_in_dim3A_607 = vector.shape_cast %select_n3A_606 : vector<16xi32> to vector<16x1xi32>
      %gather3A_608 = vector.shape_cast %broadcast_in_dim3A_607 : vector<16x1xi32> to vector<16xi32>
      %gather3A_609 = tpu.dynamic_gather %select_n3A_460[%gather3A_608] in [0] : vector<16xf32>, vector<16xi32> -> vector<16xf32>
      %add3A_610 = arith.addf %select_n3A_460, %gather3A_609 : vector<16xf32>
      %and3A_611 = arith.constant -4 : i32
      %and3A_612 = vector.broadcast %and3A_611 : i32 to vector<16xi32>
      %and3A_613 = arith.andi %iota3A, %and3A_612 : vector<16xi32>
      %add3A_614 = arith.constant 2 : i32
      %add3A_615 = vector.broadcast %add3A_614 : i32 to vector<16xi32>
      %add3A_616 = arith.addi %iota3A, %add3A_615 : vector<16xi32>
      %and3A_617 = arith.constant 3 : i32
      %and3A_618 = vector.broadcast %and3A_617 : i32 to vector<16xi32>
      %and3A_619 = arith.andi %add3A_616, %and3A_618 : vector<16xi32>
      %or3A_620 = arith.ori %and3A_613, %and3A_619 : vector<16xi32>
      %lt3A_621 = arith.constant 0 : i32
      %lt3A_622 = vector.broadcast %lt3A_621 : i32 to vector<16xi32>
      %lt3A_623 = arith.cmpi slt, %or3A_620, %lt3A_622 : vector<16xi32>
      %add3A_624 = arith.constant 16 : i32
      %add3A_625 = vector.broadcast %add3A_624 : i32 to vector<16xi32>
      %add3A_626 = arith.addi %or3A_620, %add3A_625 : vector<16xi32>
      %select_n3A_627 = arith.select %lt3A_623, %add3A_626, %or3A_620 : vector<16xi1>, vector<16xi32>
      %broadcast_in_dim3A_628 = vector.shape_cast %select_n3A_627 : vector<16xi32> to vector<16x1xi32>
      %gather3A_629 = vector.shape_cast %broadcast_in_dim3A_628 : vector<16x1xi32> to vector<16xi32>
      %gather3A_630 = tpu.dynamic_gather %select_n3A_503[%gather3A_629] in [0] : vector<16xf32>, vector<16xi32> -> vector<16xf32>
      %add3A_631 = arith.addf %select_n3A_503, %gather3A_630 : vector<16xf32>
      %select_n3A_632 = arith.select %eq3A_39, %add3A_610, %add3A_631 : vector<16xi1>, vector<16xf32>
      %and3A_633 = arith.constant -4 : i32
      %and3A_634 = vector.broadcast %and3A_633 : i32 to vector<16xi32>
      %and3A_635 = arith.andi %iota3A, %and3A_634 : vector<16xi32>
      %add3A_636 = arith.constant 2 : i32
      %add3A_637 = vector.broadcast %add3A_636 : i32 to vector<16xi32>
      %add3A_638 = arith.addi %iota3A, %add3A_637 : vector<16xi32>
      %and3A_639 = arith.constant 3 : i32
      %and3A_640 = vector.broadcast %and3A_639 : i32 to vector<16xi32>
      %and3A_641 = arith.andi %add3A_638, %and3A_640 : vector<16xi32>
      %or3A_642 = arith.ori %and3A_635, %and3A_641 : vector<16xi32>
      %lt3A_643 = arith.constant 0 : i32
      %lt3A_644 = vector.broadcast %lt3A_643 : i32 to vector<16xi32>
      %lt3A_645 = arith.cmpi slt, %or3A_642, %lt3A_644 : vector<16xi32>
      %add3A_646 = arith.constant 16 : i32
      %add3A_647 = vector.broadcast %add3A_646 : i32 to vector<16xi32>
      %add3A_648 = arith.addi %or3A_642, %add3A_647 : vector<16xi32>
      %select_n3A_649 = arith.select %lt3A_645, %add3A_648, %or3A_642 : vector<16xi1>, vector<16xi32>
      %broadcast_in_dim3A_650 = vector.shape_cast %select_n3A_649 : vector<16xi32> to vector<16x1xi32>
      %gather3A_651 = vector.shape_cast %broadcast_in_dim3A_650 : vector<16x1xi32> to vector<16xi32>
      %gather3A_652 = tpu.dynamic_gather %select_n3A_546[%gather3A_651] in [0] : vector<16xf32>, vector<16xi32> -> vector<16xf32>
      %add3A_653 = arith.addf %select_n3A_546, %gather3A_652 : vector<16xf32>
      %and3A_654 = arith.constant -4 : i32
      %and3A_655 = vector.broadcast %and3A_654 : i32 to vector<16xi32>
      %and3A_656 = arith.andi %iota3A, %and3A_655 : vector<16xi32>
      %add3A_657 = arith.constant 2 : i32
      %add3A_658 = vector.broadcast %add3A_657 : i32 to vector<16xi32>
      %add3A_659 = arith.addi %iota3A, %add3A_658 : vector<16xi32>
      %and3A_660 = arith.constant 3 : i32
      %and3A_661 = vector.broadcast %and3A_660 : i32 to vector<16xi32>
      %and3A_662 = arith.andi %add3A_659, %and3A_661 : vector<16xi32>
      %or3A_663 = arith.ori %and3A_656, %and3A_662 : vector<16xi32>
      %lt3A_664 = arith.constant 0 : i32
      %lt3A_665 = vector.broadcast %lt3A_664 : i32 to vector<16xi32>
      %lt3A_666 = arith.cmpi slt, %or3A_663, %lt3A_665 : vector<16xi32>
      %add3A_667 = arith.constant 16 : i32
      %add3A_668 = vector.broadcast %add3A_667 : i32 to vector<16xi32>
      %add3A_669 = arith.addi %or3A_663, %add3A_668 : vector<16xi32>
      %select_n3A_670 = arith.select %lt3A_666, %add3A_669, %or3A_663 : vector<16xi1>, vector<16xi32>
      %broadcast_in_dim3A_671 = vector.shape_cast %select_n3A_670 : vector<16xi32> to vector<16x1xi32>
      %gather3A_672 = vector.shape_cast %broadcast_in_dim3A_671 : vector<16x1xi32> to vector<16xi32>
      %gather3A_673 = tpu.dynamic_gather %select_n3A_589[%gather3A_672] in [0] : vector<16xf32>, vector<16xi32> -> vector<16xf32>
      %add3A_674 = arith.addf %select_n3A_589, %gather3A_673 : vector<16xf32>
      %select_n3A_675 = arith.select %eq3A_39, %add3A_653, %add3A_674 : vector<16xi1>, vector<16xf32>
      %and3A_676 = arith.constant -2 : i32
      %and3A_677 = vector.broadcast %and3A_676 : i32 to vector<16xi32>
      %and3A_678 = arith.andi %iota3A, %and3A_677 : vector<16xi32>
      %add3A_679 = arith.constant 1 : i32
      %add3A_680 = vector.broadcast %add3A_679 : i32 to vector<16xi32>
      %add3A_681 = arith.addi %iota3A, %add3A_680 : vector<16xi32>
      %and3A_682 = arith.constant 1 : i32
      %and3A_683 = vector.broadcast %and3A_682 : i32 to vector<16xi32>
      %and3A_684 = arith.andi %add3A_681, %and3A_683 : vector<16xi32>
      %or3A_685 = arith.ori %and3A_678, %and3A_684 : vector<16xi32>
      %lt3A_686 = arith.constant 0 : i32
      %lt3A_687 = vector.broadcast %lt3A_686 : i32 to vector<16xi32>
      %lt3A_688 = arith.cmpi slt, %or3A_685, %lt3A_687 : vector<16xi32>
      %add3A_689 = arith.constant 16 : i32
      %add3A_690 = vector.broadcast %add3A_689 : i32 to vector<16xi32>
      %add3A_691 = arith.addi %or3A_685, %add3A_690 : vector<16xi32>
      %select_n3A_692 = arith.select %lt3A_688, %add3A_691, %or3A_685 : vector<16xi1>, vector<16xi32>
      %broadcast_in_dim3A_693 = vector.shape_cast %select_n3A_692 : vector<16xi32> to vector<16x1xi32>
      %gather3A_694 = vector.shape_cast %broadcast_in_dim3A_693 : vector<16x1xi32> to vector<16xi32>
      %gather3A_695 = tpu.dynamic_gather %select_n3A_632[%gather3A_694] in [0] : vector<16xf32>, vector<16xi32> -> vector<16xf32>
      %add3A_696 = arith.addf %select_n3A_632, %gather3A_695 : vector<16xf32>
      %and3A_697 = arith.constant -2 : i32
      %and3A_698 = vector.broadcast %and3A_697 : i32 to vector<16xi32>
      %and3A_699 = arith.andi %iota3A, %and3A_698 : vector<16xi32>
      %add3A_700 = arith.constant 1 : i32
      %add3A_701 = vector.broadcast %add3A_700 : i32 to vector<16xi32>
      %add3A_702 = arith.addi %iota3A, %add3A_701 : vector<16xi32>
      %and3A_703 = arith.constant 1 : i32
      %and3A_704 = vector.broadcast %and3A_703 : i32 to vector<16xi32>
      %and3A_705 = arith.andi %add3A_702, %and3A_704 : vector<16xi32>
      %or3A_706 = arith.ori %and3A_699, %and3A_705 : vector<16xi32>
      %lt3A_707 = arith.constant 0 : i32
      %lt3A_708 = vector.broadcast %lt3A_707 : i32 to vector<16xi32>
      %lt3A_709 = arith.cmpi slt, %or3A_706, %lt3A_708 : vector<16xi32>
      %add3A_710 = arith.constant 16 : i32
      %add3A_711 = vector.broadcast %add3A_710 : i32 to vector<16xi32>
      %add3A_712 = arith.addi %or3A_706, %add3A_711 : vector<16xi32>
      %select_n3A_713 = arith.select %lt3A_709, %add3A_712, %or3A_706 : vector<16xi1>, vector<16xi32>
      %broadcast_in_dim3A_714 = vector.shape_cast %select_n3A_713 : vector<16xi32> to vector<16x1xi32>
      %gather3A_715 = vector.shape_cast %broadcast_in_dim3A_714 : vector<16x1xi32> to vector<16xi32>
      %gather3A_716 = tpu.dynamic_gather %select_n3A_675[%gather3A_715] in [0] : vector<16xf32>, vector<16xi32> -> vector<16xf32>
      %add3A_717 = arith.addf %select_n3A_675, %gather3A_716 : vector<16xf32>
      %select_n3A_718 = arith.select %eq3A_45, %add3A_696, %add3A_717 : vector<16xi1>, vector<16xf32>
      %mul3A_719 = arith.constant 0.00130208337 : f32
      %mul3A_720 = vector.broadcast %mul3A_719 : f32 to vector<16xf32>
      %mul3A_721 = arith.mulf %select_n3A_718, %mul3A_720 : vector<16xf32>
      %and3A_722 = arith.constant -16 : i32
      %and3A_723 = vector.broadcast %and3A_722 : i32 to vector<16xi32>
      %and3A_724 = arith.andi %iota3A, %and3A_723 : vector<16xi32>
      %add3A_725 = arith.constant 8 : i32
      %add3A_726 = vector.broadcast %add3A_725 : i32 to vector<16xi32>
      %add3A_727 = arith.addi %iota3A, %add3A_726 : vector<16xi32>
      %and3A_728 = arith.constant 15 : i32
      %and3A_729 = vector.broadcast %and3A_728 : i32 to vector<16xi32>
      %and3A_730 = arith.andi %add3A_727, %and3A_729 : vector<16xi32>
      %or3A_731 = arith.ori %and3A_724, %and3A_730 : vector<16xi32>
      %lt3A_732 = arith.constant 0 : i32
      %lt3A_733 = vector.broadcast %lt3A_732 : i32 to vector<16xi32>
      %lt3A_734 = arith.cmpi slt, %or3A_731, %lt3A_733 : vector<16xi32>
      %add3A_735 = arith.constant 16 : i32
      %add3A_736 = vector.broadcast %add3A_735 : i32 to vector<16xi32>
      %add3A_737 = arith.addi %or3A_731, %add3A_736 : vector<16xi32>
      %select_n3A_738 = arith.select %lt3A_734, %add3A_737, %or3A_731 : vector<16xi1>, vector<16xi32>
      %broadcast_in_dim3A_739 = vector.shape_cast %select_n3A_738 : vector<16xi32> to vector<16x1xi32>
      %gather3A_740 = vector.shape_cast %broadcast_in_dim3A_739 : vector<16x1xi32> to vector<16xi32>
      %gather3A_741 = tpu.dynamic_gather %parallel_loop3A_76#16[%gather3A_740] in [0] : vector<16xf32>, vector<16xi32> -> vector<16xf32>
      %add3A_742 = arith.addf %parallel_loop3A_76#16, %gather3A_741 : vector<16xf32>
      %and3A_743 = arith.constant -16 : i32
      %and3A_744 = vector.broadcast %and3A_743 : i32 to vector<16xi32>
      %and3A_745 = arith.andi %iota3A, %and3A_744 : vector<16xi32>
      %add3A_746 = arith.constant 8 : i32
      %add3A_747 = vector.broadcast %add3A_746 : i32 to vector<16xi32>
      %add3A_748 = arith.addi %iota3A, %add3A_747 : vector<16xi32>
      %and3A_749 = arith.constant 15 : i32
      %and3A_750 = vector.broadcast %and3A_749 : i32 to vector<16xi32>
      %and3A_751 = arith.andi %add3A_748, %and3A_750 : vector<16xi32>
      %or3A_752 = arith.ori %and3A_745, %and3A_751 : vector<16xi32>
      %lt3A_753 = arith.constant 0 : i32
      %lt3A_754 = vector.broadcast %lt3A_753 : i32 to vector<16xi32>
      %lt3A_755 = arith.cmpi slt, %or3A_752, %lt3A_754 : vector<16xi32>
      %add3A_756 = arith.constant 16 : i32
      %add3A_757 = vector.broadcast %add3A_756 : i32 to vector<16xi32>
      %add3A_758 = arith.addi %or3A_752, %add3A_757 : vector<16xi32>
      %select_n3A_759 = arith.select %lt3A_755, %add3A_758, %or3A_752 : vector<16xi1>, vector<16xi32>
      %broadcast_in_dim3A_760 = vector.shape_cast %select_n3A_759 : vector<16xi32> to vector<16x1xi32>
      %gather3A_761 = vector.shape_cast %broadcast_in_dim3A_760 : vector<16x1xi32> to vector<16xi32>
      %gather3A_762 = tpu.dynamic_gather %parallel_loop3A_76#17[%gather3A_761] in [0] : vector<16xf32>, vector<16xi32> -> vector<16xf32>
      %add3A_763 = arith.addf %parallel_loop3A_76#17, %gather3A_762 : vector<16xf32>
      %select_n3A_764 = arith.select %lt3A_29, %add3A_742, %add3A_763 : vector<16xi1>, vector<16xf32>
      %and3A_765 = arith.constant -16 : i32
      %and3A_766 = vector.broadcast %and3A_765 : i32 to vector<16xi32>
      %and3A_767 = arith.andi %iota3A, %and3A_766 : vector<16xi32>
      %add3A_768 = arith.constant 8 : i32
      %add3A_769 = vector.broadcast %add3A_768 : i32 to vector<16xi32>
      %add3A_770 = arith.addi %iota3A, %add3A_769 : vector<16xi32>
      %and3A_771 = arith.constant 15 : i32
      %and3A_772 = vector.broadcast %and3A_771 : i32 to vector<16xi32>
      %and3A_773 = arith.andi %add3A_770, %and3A_772 : vector<16xi32>
      %or3A_774 = arith.ori %and3A_767, %and3A_773 : vector<16xi32>
      %lt3A_775 = arith.constant 0 : i32
      %lt3A_776 = vector.broadcast %lt3A_775 : i32 to vector<16xi32>
      %lt3A_777 = arith.cmpi slt, %or3A_774, %lt3A_776 : vector<16xi32>
      %add3A_778 = arith.constant 16 : i32
      %add3A_779 = vector.broadcast %add3A_778 : i32 to vector<16xi32>
      %add3A_780 = arith.addi %or3A_774, %add3A_779 : vector<16xi32>
      %select_n3A_781 = arith.select %lt3A_777, %add3A_780, %or3A_774 : vector<16xi1>, vector<16xi32>
      %broadcast_in_dim3A_782 = vector.shape_cast %select_n3A_781 : vector<16xi32> to vector<16x1xi32>
      %gather3A_783 = vector.shape_cast %broadcast_in_dim3A_782 : vector<16x1xi32> to vector<16xi32>
      %gather3A_784 = tpu.dynamic_gather %parallel_loop3A_76#18[%gather3A_783] in [0] : vector<16xf32>, vector<16xi32> -> vector<16xf32>
      %add3A_785 = arith.addf %parallel_loop3A_76#18, %gather3A_784 : vector<16xf32>
      %and3A_786 = arith.constant -16 : i32
      %and3A_787 = vector.broadcast %and3A_786 : i32 to vector<16xi32>
      %and3A_788 = arith.andi %iota3A, %and3A_787 : vector<16xi32>
      %add3A_789 = arith.constant 8 : i32
      %add3A_790 = vector.broadcast %add3A_789 : i32 to vector<16xi32>
      %add3A_791 = arith.addi %iota3A, %add3A_790 : vector<16xi32>
      %and3A_792 = arith.constant 15 : i32
      %and3A_793 = vector.broadcast %and3A_792 : i32 to vector<16xi32>
      %and3A_794 = arith.andi %add3A_791, %and3A_793 : vector<16xi32>
      %or3A_795 = arith.ori %and3A_788, %and3A_794 : vector<16xi32>
      %lt3A_796 = arith.constant 0 : i32
      %lt3A_797 = vector.broadcast %lt3A_796 : i32 to vector<16xi32>
      %lt3A_798 = arith.cmpi slt, %or3A_795, %lt3A_797 : vector<16xi32>
      %add3A_799 = arith.constant 16 : i32
      %add3A_800 = vector.broadcast %add3A_799 : i32 to vector<16xi32>
      %add3A_801 = arith.addi %or3A_795, %add3A_800 : vector<16xi32>
      %select_n3A_802 = arith.select %lt3A_798, %add3A_801, %or3A_795 : vector<16xi1>, vector<16xi32>
      %broadcast_in_dim3A_803 = vector.shape_cast %select_n3A_802 : vector<16xi32> to vector<16x1xi32>
      %gather3A_804 = vector.shape_cast %broadcast_in_dim3A_803 : vector<16x1xi32> to vector<16xi32>
      %gather3A_805 = tpu.dynamic_gather %parallel_loop3A_76#19[%gather3A_804] in [0] : vector<16xf32>, vector<16xi32> -> vector<16xf32>
      %add3A_806 = arith.addf %parallel_loop3A_76#19, %gather3A_805 : vector<16xf32>
      %select_n3A_807 = arith.select %lt3A_29, %add3A_785, %add3A_806 : vector<16xi1>, vector<16xf32>
      %and3A_808 = arith.constant -16 : i32
      %and3A_809 = vector.broadcast %and3A_808 : i32 to vector<16xi32>
      %and3A_810 = arith.andi %iota3A, %and3A_809 : vector<16xi32>
      %add3A_811 = arith.constant 8 : i32
      %add3A_812 = vector.broadcast %add3A_811 : i32 to vector<16xi32>
      %add3A_813 = arith.addi %iota3A, %add3A_812 : vector<16xi32>
      %and3A_814 = arith.constant 15 : i32
      %and3A_815 = vector.broadcast %and3A_814 : i32 to vector<16xi32>
      %and3A_816 = arith.andi %add3A_813, %and3A_815 : vector<16xi32>
      %or3A_817 = arith.ori %and3A_810, %and3A_816 : vector<16xi32>
      %lt3A_818 = arith.constant 0 : i32
      %lt3A_819 = vector.broadcast %lt3A_818 : i32 to vector<16xi32>
      %lt3A_820 = arith.cmpi slt, %or3A_817, %lt3A_819 : vector<16xi32>
      %add3A_821 = arith.constant 16 : i32
      %add3A_822 = vector.broadcast %add3A_821 : i32 to vector<16xi32>
      %add3A_823 = arith.addi %or3A_817, %add3A_822 : vector<16xi32>
      %select_n3A_824 = arith.select %lt3A_820, %add3A_823, %or3A_817 : vector<16xi1>, vector<16xi32>
      %broadcast_in_dim3A_825 = vector.shape_cast %select_n3A_824 : vector<16xi32> to vector<16x1xi32>
      %gather3A_826 = vector.shape_cast %broadcast_in_dim3A_825 : vector<16x1xi32> to vector<16xi32>
      %gather3A_827 = tpu.dynamic_gather %parallel_loop3A_76#20[%gather3A_826] in [0] : vector<16xf32>, vector<16xi32> -> vector<16xf32>
      %add3A_828 = arith.addf %parallel_loop3A_76#20, %gather3A_827 : vector<16xf32>
      %and3A_829 = arith.constant -16 : i32
      %and3A_830 = vector.broadcast %and3A_829 : i32 to vector<16xi32>
      %and3A_831 = arith.andi %iota3A, %and3A_830 : vector<16xi32>
      %add3A_832 = arith.constant 8 : i32
      %add3A_833 = vector.broadcast %add3A_832 : i32 to vector<16xi32>
      %add3A_834 = arith.addi %iota3A, %add3A_833 : vector<16xi32>
      %and3A_835 = arith.constant 15 : i32
      %and3A_836 = vector.broadcast %and3A_835 : i32 to vector<16xi32>
      %and3A_837 = arith.andi %add3A_834, %and3A_836 : vector<16xi32>
      %or3A_838 = arith.ori %and3A_831, %and3A_837 : vector<16xi32>
      %lt3A_839 = arith.constant 0 : i32
      %lt3A_840 = vector.broadcast %lt3A_839 : i32 to vector<16xi32>
      %lt3A_841 = arith.cmpi slt, %or3A_838, %lt3A_840 : vector<16xi32>
      %add3A_842 = arith.constant 16 : i32
      %add3A_843 = vector.broadcast %add3A_842 : i32 to vector<16xi32>
      %add3A_844 = arith.addi %or3A_838, %add3A_843 : vector<16xi32>
      %select_n3A_845 = arith.select %lt3A_841, %add3A_844, %or3A_838 : vector<16xi1>, vector<16xi32>
      %broadcast_in_dim3A_846 = vector.shape_cast %select_n3A_845 : vector<16xi32> to vector<16x1xi32>
      %gather3A_847 = vector.shape_cast %broadcast_in_dim3A_846 : vector<16x1xi32> to vector<16xi32>
      %gather3A_848 = tpu.dynamic_gather %parallel_loop3A_76#21[%gather3A_847] in [0] : vector<16xf32>, vector<16xi32> -> vector<16xf32>
      %add3A_849 = arith.addf %parallel_loop3A_76#21, %gather3A_848 : vector<16xf32>
      %select_n3A_850 = arith.select %lt3A_29, %add3A_828, %add3A_849 : vector<16xi1>, vector<16xf32>
      %and3A_851 = arith.constant -16 : i32
      %and3A_852 = vector.broadcast %and3A_851 : i32 to vector<16xi32>
      %and3A_853 = arith.andi %iota3A, %and3A_852 : vector<16xi32>
      %add3A_854 = arith.constant 8 : i32
      %add3A_855 = vector.broadcast %add3A_854 : i32 to vector<16xi32>
      %add3A_856 = arith.addi %iota3A, %add3A_855 : vector<16xi32>
      %and3A_857 = arith.constant 15 : i32
      %and3A_858 = vector.broadcast %and3A_857 : i32 to vector<16xi32>
      %and3A_859 = arith.andi %add3A_856, %and3A_858 : vector<16xi32>
      %or3A_860 = arith.ori %and3A_853, %and3A_859 : vector<16xi32>
      %lt3A_861 = arith.constant 0 : i32
      %lt3A_862 = vector.broadcast %lt3A_861 : i32 to vector<16xi32>
      %lt3A_863 = arith.cmpi slt, %or3A_860, %lt3A_862 : vector<16xi32>
      %add3A_864 = arith.constant 16 : i32
      %add3A_865 = vector.broadcast %add3A_864 : i32 to vector<16xi32>
      %add3A_866 = arith.addi %or3A_860, %add3A_865 : vector<16xi32>
      %select_n3A_867 = arith.select %lt3A_863, %add3A_866, %or3A_860 : vector<16xi1>, vector<16xi32>
      %broadcast_in_dim3A_868 = vector.shape_cast %select_n3A_867 : vector<16xi32> to vector<16x1xi32>
      %gather3A_869 = vector.shape_cast %broadcast_in_dim3A_868 : vector<16x1xi32> to vector<16xi32>
      %gather3A_870 = tpu.dynamic_gather %parallel_loop3A_76#22[%gather3A_869] in [0] : vector<16xf32>, vector<16xi32> -> vector<16xf32>
      %add3A_871 = arith.addf %parallel_loop3A_76#22, %gather3A_870 : vector<16xf32>
      %and3A_872 = arith.constant -16 : i32
      %and3A_873 = vector.broadcast %and3A_872 : i32 to vector<16xi32>
      %and3A_874 = arith.andi %iota3A, %and3A_873 : vector<16xi32>
      %add3A_875 = arith.constant 8 : i32
      %add3A_876 = vector.broadcast %add3A_875 : i32 to vector<16xi32>
      %add3A_877 = arith.addi %iota3A, %add3A_876 : vector<16xi32>
      %and3A_878 = arith.constant 15 : i32
      %and3A_879 = vector.broadcast %and3A_878 : i32 to vector<16xi32>
      %and3A_880 = arith.andi %add3A_877, %and3A_879 : vector<16xi32>
      %or3A_881 = arith.ori %and3A_874, %and3A_880 : vector<16xi32>
      %lt3A_882 = arith.constant 0 : i32
      %lt3A_883 = vector.broadcast %lt3A_882 : i32 to vector<16xi32>
      %lt3A_884 = arith.cmpi slt, %or3A_881, %lt3A_883 : vector<16xi32>
      %add3A_885 = arith.constant 16 : i32
      %add3A_886 = vector.broadcast %add3A_885 : i32 to vector<16xi32>
      %add3A_887 = arith.addi %or3A_881, %add3A_886 : vector<16xi32>
      %select_n3A_888 = arith.select %lt3A_884, %add3A_887, %or3A_881 : vector<16xi1>, vector<16xi32>
      %broadcast_in_dim3A_889 = vector.shape_cast %select_n3A_888 : vector<16xi32> to vector<16x1xi32>
      %gather3A_890 = vector.shape_cast %broadcast_in_dim3A_889 : vector<16x1xi32> to vector<16xi32>
      %gather3A_891 = tpu.dynamic_gather %parallel_loop3A_76#23[%gather3A_890] in [0] : vector<16xf32>, vector<16xi32> -> vector<16xf32>
      %add3A_892 = arith.addf %parallel_loop3A_76#23, %gather3A_891 : vector<16xf32>
      %select_n3A_893 = arith.select %lt3A_29, %add3A_871, %add3A_892 : vector<16xi1>, vector<16xf32>
      %and3A_894 = arith.constant -16 : i32
      %and3A_895 = vector.broadcast %and3A_894 : i32 to vector<16xi32>
      %and3A_896 = arith.andi %iota3A, %and3A_895 : vector<16xi32>
      %add3A_897 = arith.constant 8 : i32
      %add3A_898 = vector.broadcast %add3A_897 : i32 to vector<16xi32>
      %add3A_899 = arith.addi %iota3A, %add3A_898 : vector<16xi32>
      %and3A_900 = arith.constant 15 : i32
      %and3A_901 = vector.broadcast %and3A_900 : i32 to vector<16xi32>
      %and3A_902 = arith.andi %add3A_899, %and3A_901 : vector<16xi32>
      %or3A_903 = arith.ori %and3A_896, %and3A_902 : vector<16xi32>
      %lt3A_904 = arith.constant 0 : i32
      %lt3A_905 = vector.broadcast %lt3A_904 : i32 to vector<16xi32>
      %lt3A_906 = arith.cmpi slt, %or3A_903, %lt3A_905 : vector<16xi32>
      %add3A_907 = arith.constant 16 : i32
      %add3A_908 = vector.broadcast %add3A_907 : i32 to vector<16xi32>
      %add3A_909 = arith.addi %or3A_903, %add3A_908 : vector<16xi32>
      %select_n3A_910 = arith.select %lt3A_906, %add3A_909, %or3A_903 : vector<16xi1>, vector<16xi32>
      %broadcast_in_dim3A_911 = vector.shape_cast %select_n3A_910 : vector<16xi32> to vector<16x1xi32>
      %gather3A_912 = vector.shape_cast %broadcast_in_dim3A_911 : vector<16x1xi32> to vector<16xi32>
      %gather3A_913 = tpu.dynamic_gather %parallel_loop3A_76#24[%gather3A_912] in [0] : vector<16xf32>, vector<16xi32> -> vector<16xf32>
      %add3A_914 = arith.addf %parallel_loop3A_76#24, %gather3A_913 : vector<16xf32>
      %and3A_915 = arith.constant -16 : i32
      %and3A_916 = vector.broadcast %and3A_915 : i32 to vector<16xi32>
      %and3A_917 = arith.andi %iota3A, %and3A_916 : vector<16xi32>
      %add3A_918 = arith.constant 8 : i32
      %add3A_919 = vector.broadcast %add3A_918 : i32 to vector<16xi32>
      %add3A_920 = arith.addi %iota3A, %add3A_919 : vector<16xi32>
      %and3A_921 = arith.constant 15 : i32
      %and3A_922 = vector.broadcast %and3A_921 : i32 to vector<16xi32>
      %and3A_923 = arith.andi %add3A_920, %and3A_922 : vector<16xi32>
      %or3A_924 = arith.ori %and3A_917, %and3A_923 : vector<16xi32>
      %lt3A_925 = arith.constant 0 : i32
      %lt3A_926 = vector.broadcast %lt3A_925 : i32 to vector<16xi32>
      %lt3A_927 = arith.cmpi slt, %or3A_924, %lt3A_926 : vector<16xi32>
      %add3A_928 = arith.constant 16 : i32
      %add3A_929 = vector.broadcast %add3A_928 : i32 to vector<16xi32>
      %add3A_930 = arith.addi %or3A_924, %add3A_929 : vector<16xi32>
      %select_n3A_931 = arith.select %lt3A_927, %add3A_930, %or3A_924 : vector<16xi1>, vector<16xi32>
      %broadcast_in_dim3A_932 = vector.shape_cast %select_n3A_931 : vector<16xi32> to vector<16x1xi32>
      %gather3A_933 = vector.shape_cast %broadcast_in_dim3A_932 : vector<16x1xi32> to vector<16xi32>
      %gather3A_934 = tpu.dynamic_gather %parallel_loop3A_76#25[%gather3A_933] in [0] : vector<16xf32>, vector<16xi32> -> vector<16xf32>
      %add3A_935 = arith.addf %parallel_loop3A_76#25, %gather3A_934 : vector<16xf32>
      %select_n3A_936 = arith.select %lt3A_29, %add3A_914, %add3A_935 : vector<16xi1>, vector<16xf32>
      %and3A_937 = arith.constant -16 : i32
      %and3A_938 = vector.broadcast %and3A_937 : i32 to vector<16xi32>
      %and3A_939 = arith.andi %iota3A, %and3A_938 : vector<16xi32>
      %add3A_940 = arith.constant 8 : i32
      %add3A_941 = vector.broadcast %add3A_940 : i32 to vector<16xi32>
      %add3A_942 = arith.addi %iota3A, %add3A_941 : vector<16xi32>
      %and3A_943 = arith.constant 15 : i32
      %and3A_944 = vector.broadcast %and3A_943 : i32 to vector<16xi32>
      %and3A_945 = arith.andi %add3A_942, %and3A_944 : vector<16xi32>
      %or3A_946 = arith.ori %and3A_939, %and3A_945 : vector<16xi32>
      %lt3A_947 = arith.constant 0 : i32
      %lt3A_948 = vector.broadcast %lt3A_947 : i32 to vector<16xi32>
      %lt3A_949 = arith.cmpi slt, %or3A_946, %lt3A_948 : vector<16xi32>
      %add3A_950 = arith.constant 16 : i32
      %add3A_951 = vector.broadcast %add3A_950 : i32 to vector<16xi32>
      %add3A_952 = arith.addi %or3A_946, %add3A_951 : vector<16xi32>
      %select_n3A_953 = arith.select %lt3A_949, %add3A_952, %or3A_946 : vector<16xi1>, vector<16xi32>
      %broadcast_in_dim3A_954 = vector.shape_cast %select_n3A_953 : vector<16xi32> to vector<16x1xi32>
      %gather3A_955 = vector.shape_cast %broadcast_in_dim3A_954 : vector<16x1xi32> to vector<16xi32>
      %gather3A_956 = tpu.dynamic_gather %parallel_loop3A_76#26[%gather3A_955] in [0] : vector<16xf32>, vector<16xi32> -> vector<16xf32>
      %add3A_957 = arith.addf %parallel_loop3A_76#26, %gather3A_956 : vector<16xf32>
      %and3A_958 = arith.constant -16 : i32
      %and3A_959 = vector.broadcast %and3A_958 : i32 to vector<16xi32>
      %and3A_960 = arith.andi %iota3A, %and3A_959 : vector<16xi32>
      %add3A_961 = arith.constant 8 : i32
      %add3A_962 = vector.broadcast %add3A_961 : i32 to vector<16xi32>
      %add3A_963 = arith.addi %iota3A, %add3A_962 : vector<16xi32>
      %and3A_964 = arith.constant 15 : i32
      %and3A_965 = vector.broadcast %and3A_964 : i32 to vector<16xi32>
      %and3A_966 = arith.andi %add3A_963, %and3A_965 : vector<16xi32>
      %or3A_967 = arith.ori %and3A_960, %and3A_966 : vector<16xi32>
      %lt3A_968 = arith.constant 0 : i32
      %lt3A_969 = vector.broadcast %lt3A_968 : i32 to vector<16xi32>
      %lt3A_970 = arith.cmpi slt, %or3A_967, %lt3A_969 : vector<16xi32>
      %add3A_971 = arith.constant 16 : i32
      %add3A_972 = vector.broadcast %add3A_971 : i32 to vector<16xi32>
      %add3A_973 = arith.addi %or3A_967, %add3A_972 : vector<16xi32>
      %select_n3A_974 = arith.select %lt3A_970, %add3A_973, %or3A_967 : vector<16xi1>, vector<16xi32>
      %broadcast_in_dim3A_975 = vector.shape_cast %select_n3A_974 : vector<16xi32> to vector<16x1xi32>
      %gather3A_976 = vector.shape_cast %broadcast_in_dim3A_975 : vector<16x1xi32> to vector<16xi32>
      %gather3A_977 = tpu.dynamic_gather %parallel_loop3A_76#27[%gather3A_976] in [0] : vector<16xf32>, vector<16xi32> -> vector<16xf32>
      %add3A_978 = arith.addf %parallel_loop3A_76#27, %gather3A_977 : vector<16xf32>
      %select_n3A_979 = arith.select %lt3A_29, %add3A_957, %add3A_978 : vector<16xi1>, vector<16xf32>
      %and3A_980 = arith.constant -16 : i32
      %and3A_981 = vector.broadcast %and3A_980 : i32 to vector<16xi32>
      %and3A_982 = arith.andi %iota3A, %and3A_981 : vector<16xi32>
      %add3A_983 = arith.constant 8 : i32
      %add3A_984 = vector.broadcast %add3A_983 : i32 to vector<16xi32>
      %add3A_985 = arith.addi %iota3A, %add3A_984 : vector<16xi32>
      %and3A_986 = arith.constant 15 : i32
      %and3A_987 = vector.broadcast %and3A_986 : i32 to vector<16xi32>
      %and3A_988 = arith.andi %add3A_985, %and3A_987 : vector<16xi32>
      %or3A_989 = arith.ori %and3A_982, %and3A_988 : vector<16xi32>
      %lt3A_990 = arith.constant 0 : i32
      %lt3A_991 = vector.broadcast %lt3A_990 : i32 to vector<16xi32>
      %lt3A_992 = arith.cmpi slt, %or3A_989, %lt3A_991 : vector<16xi32>
      %add3A_993 = arith.constant 16 : i32
      %add3A_994 = vector.broadcast %add3A_993 : i32 to vector<16xi32>
      %add3A_995 = arith.addi %or3A_989, %add3A_994 : vector<16xi32>
      %select_n3A_996 = arith.select %lt3A_992, %add3A_995, %or3A_989 : vector<16xi1>, vector<16xi32>
      %broadcast_in_dim3A_997 = vector.shape_cast %select_n3A_996 : vector<16xi32> to vector<16x1xi32>
      %gather3A_998 = vector.shape_cast %broadcast_in_dim3A_997 : vector<16x1xi32> to vector<16xi32>
      %gather3A_999 = tpu.dynamic_gather %parallel_loop3A_76#28[%gather3A_998] in [0] : vector<16xf32>, vector<16xi32> -> vector<16xf32>
      %add3A_1000 = arith.addf %parallel_loop3A_76#28, %gather3A_999 : vector<16xf32>
      %and3A_1001 = arith.constant -16 : i32
      %and3A_1002 = vector.broadcast %and3A_1001 : i32 to vector<16xi32>
      %and3A_1003 = arith.andi %iota3A, %and3A_1002 : vector<16xi32>
      %add3A_1004 = arith.constant 8 : i32
      %add3A_1005 = vector.broadcast %add3A_1004 : i32 to vector<16xi32>
      %add3A_1006 = arith.addi %iota3A, %add3A_1005 : vector<16xi32>
      %and3A_1007 = arith.constant 15 : i32
      %and3A_1008 = vector.broadcast %and3A_1007 : i32 to vector<16xi32>
      %and3A_1009 = arith.andi %add3A_1006, %and3A_1008 : vector<16xi32>
      %or3A_1010 = arith.ori %and3A_1003, %and3A_1009 : vector<16xi32>
      %lt3A_1011 = arith.constant 0 : i32
      %lt3A_1012 = vector.broadcast %lt3A_1011 : i32 to vector<16xi32>
      %lt3A_1013 = arith.cmpi slt, %or3A_1010, %lt3A_1012 : vector<16xi32>
      %add3A_1014 = arith.constant 16 : i32
      %add3A_1015 = vector.broadcast %add3A_1014 : i32 to vector<16xi32>
      %add3A_1016 = arith.addi %or3A_1010, %add3A_1015 : vector<16xi32>
      %select_n3A_1017 = arith.select %lt3A_1013, %add3A_1016, %or3A_1010 : vector<16xi1>, vector<16xi32>
      %broadcast_in_dim3A_1018 = vector.shape_cast %select_n3A_1017 : vector<16xi32> to vector<16x1xi32>
      %gather3A_1019 = vector.shape_cast %broadcast_in_dim3A_1018 : vector<16x1xi32> to vector<16xi32>
      %gather3A_1020 = tpu.dynamic_gather %parallel_loop3A_76#29[%gather3A_1019] in [0] : vector<16xf32>, vector<16xi32> -> vector<16xf32>
      %add3A_1021 = arith.addf %parallel_loop3A_76#29, %gather3A_1020 : vector<16xf32>
      %select_n3A_1022 = arith.select %lt3A_29, %add3A_1000, %add3A_1021 : vector<16xi1>, vector<16xf32>
      %and3A_1023 = arith.constant -16 : i32
      %and3A_1024 = vector.broadcast %and3A_1023 : i32 to vector<16xi32>
      %and3A_1025 = arith.andi %iota3A, %and3A_1024 : vector<16xi32>
      %add3A_1026 = arith.constant 8 : i32
      %add3A_1027 = vector.broadcast %add3A_1026 : i32 to vector<16xi32>
      %add3A_1028 = arith.addi %iota3A, %add3A_1027 : vector<16xi32>
      %and3A_1029 = arith.constant 15 : i32
      %and3A_1030 = vector.broadcast %and3A_1029 : i32 to vector<16xi32>
      %and3A_1031 = arith.andi %add3A_1028, %and3A_1030 : vector<16xi32>
      %or3A_1032 = arith.ori %and3A_1025, %and3A_1031 : vector<16xi32>
      %lt3A_1033 = arith.constant 0 : i32
      %lt3A_1034 = vector.broadcast %lt3A_1033 : i32 to vector<16xi32>
      %lt3A_1035 = arith.cmpi slt, %or3A_1032, %lt3A_1034 : vector<16xi32>
      %add3A_1036 = arith.constant 16 : i32
      %add3A_1037 = vector.broadcast %add3A_1036 : i32 to vector<16xi32>
      %add3A_1038 = arith.addi %or3A_1032, %add3A_1037 : vector<16xi32>
      %select_n3A_1039 = arith.select %lt3A_1035, %add3A_1038, %or3A_1032 : vector<16xi1>, vector<16xi32>
      %broadcast_in_dim3A_1040 = vector.shape_cast %select_n3A_1039 : vector<16xi32> to vector<16x1xi32>
      %gather3A_1041 = vector.shape_cast %broadcast_in_dim3A_1040 : vector<16x1xi32> to vector<16xi32>
      %gather3A_1042 = tpu.dynamic_gather %parallel_loop3A_76#30[%gather3A_1041] in [0] : vector<16xf32>, vector<16xi32> -> vector<16xf32>
      %add3A_1043 = arith.addf %parallel_loop3A_76#30, %gather3A_1042 : vector<16xf32>
      %and3A_1044 = arith.constant -16 : i32
      %and3A_1045 = vector.broadcast %and3A_1044 : i32 to vector<16xi32>
      %and3A_1046 = arith.andi %iota3A, %and3A_1045 : vector<16xi32>
      %add3A_1047 = arith.constant 8 : i32
      %add3A_1048 = vector.broadcast %add3A_1047 : i32 to vector<16xi32>
      %add3A_1049 = arith.addi %iota3A, %add3A_1048 : vector<16xi32>
      %and3A_1050 = arith.constant 15 : i32
      %and3A_1051 = vector.broadcast %and3A_1050 : i32 to vector<16xi32>
      %and3A_1052 = arith.andi %add3A_1049, %and3A_1051 : vector<16xi32>
      %or3A_1053 = arith.ori %and3A_1046, %and3A_1052 : vector<16xi32>
      %lt3A_1054 = arith.constant 0 : i32
      %lt3A_1055 = vector.broadcast %lt3A_1054 : i32 to vector<16xi32>
      %lt3A_1056 = arith.cmpi slt, %or3A_1053, %lt3A_1055 : vector<16xi32>
      %add3A_1057 = arith.constant 16 : i32
      %add3A_1058 = vector.broadcast %add3A_1057 : i32 to vector<16xi32>
      %add3A_1059 = arith.addi %or3A_1053, %add3A_1058 : vector<16xi32>
      %select_n3A_1060 = arith.select %lt3A_1056, %add3A_1059, %or3A_1053 : vector<16xi1>, vector<16xi32>
      %broadcast_in_dim3A_1061 = vector.shape_cast %select_n3A_1060 : vector<16xi32> to vector<16x1xi32>
      %gather3A_1062 = vector.shape_cast %broadcast_in_dim3A_1061 : vector<16x1xi32> to vector<16xi32>
      %gather3A_1063 = tpu.dynamic_gather %parallel_loop3A_76#31[%gather3A_1062] in [0] : vector<16xf32>, vector<16xi32> -> vector<16xf32>
      %add3A_1064 = arith.addf %parallel_loop3A_76#31, %gather3A_1063 : vector<16xf32>
      %select_n3A_1065 = arith.select %lt3A_29, %add3A_1043, %add3A_1064 : vector<16xi1>, vector<16xf32>
      %and3A_1066 = arith.constant -8 : i32
      %and3A_1067 = vector.broadcast %and3A_1066 : i32 to vector<16xi32>
      %and3A_1068 = arith.andi %iota3A, %and3A_1067 : vector<16xi32>
      %add3A_1069 = arith.constant 4 : i32
      %add3A_1070 = vector.broadcast %add3A_1069 : i32 to vector<16xi32>
      %add3A_1071 = arith.addi %iota3A, %add3A_1070 : vector<16xi32>
      %and3A_1072 = arith.constant 7 : i32
      %and3A_1073 = vector.broadcast %and3A_1072 : i32 to vector<16xi32>
      %and3A_1074 = arith.andi %add3A_1071, %and3A_1073 : vector<16xi32>
      %or3A_1075 = arith.ori %and3A_1068, %and3A_1074 : vector<16xi32>
      %lt3A_1076 = arith.constant 0 : i32
      %lt3A_1077 = vector.broadcast %lt3A_1076 : i32 to vector<16xi32>
      %lt3A_1078 = arith.cmpi slt, %or3A_1075, %lt3A_1077 : vector<16xi32>
      %add3A_1079 = arith.constant 16 : i32
      %add3A_1080 = vector.broadcast %add3A_1079 : i32 to vector<16xi32>
      %add3A_1081 = arith.addi %or3A_1075, %add3A_1080 : vector<16xi32>
      %select_n3A_1082 = arith.select %lt3A_1078, %add3A_1081, %or3A_1075 : vector<16xi1>, vector<16xi32>
      %broadcast_in_dim3A_1083 = vector.shape_cast %select_n3A_1082 : vector<16xi32> to vector<16x1xi32>
      %gather3A_1084 = vector.shape_cast %broadcast_in_dim3A_1083 : vector<16x1xi32> to vector<16xi32>
      %gather3A_1085 = tpu.dynamic_gather %select_n3A_764[%gather3A_1084] in [0] : vector<16xf32>, vector<16xi32> -> vector<16xf32>
      %add3A_1086 = arith.addf %select_n3A_764, %gather3A_1085 : vector<16xf32>
      %and3A_1087 = arith.constant -8 : i32
      %and3A_1088 = vector.broadcast %and3A_1087 : i32 to vector<16xi32>
      %and3A_1089 = arith.andi %iota3A, %and3A_1088 : vector<16xi32>
      %add3A_1090 = arith.constant 4 : i32
      %add3A_1091 = vector.broadcast %add3A_1090 : i32 to vector<16xi32>
      %add3A_1092 = arith.addi %iota3A, %add3A_1091 : vector<16xi32>
      %and3A_1093 = arith.constant 7 : i32
      %and3A_1094 = vector.broadcast %and3A_1093 : i32 to vector<16xi32>
      %and3A_1095 = arith.andi %add3A_1092, %and3A_1094 : vector<16xi32>
      %or3A_1096 = arith.ori %and3A_1089, %and3A_1095 : vector<16xi32>
      %lt3A_1097 = arith.constant 0 : i32
      %lt3A_1098 = vector.broadcast %lt3A_1097 : i32 to vector<16xi32>
      %lt3A_1099 = arith.cmpi slt, %or3A_1096, %lt3A_1098 : vector<16xi32>
      %add3A_1100 = arith.constant 16 : i32
      %add3A_1101 = vector.broadcast %add3A_1100 : i32 to vector<16xi32>
      %add3A_1102 = arith.addi %or3A_1096, %add3A_1101 : vector<16xi32>
      %select_n3A_1103 = arith.select %lt3A_1099, %add3A_1102, %or3A_1096 : vector<16xi1>, vector<16xi32>
      %broadcast_in_dim3A_1104 = vector.shape_cast %select_n3A_1103 : vector<16xi32> to vector<16x1xi32>
      %gather3A_1105 = vector.shape_cast %broadcast_in_dim3A_1104 : vector<16x1xi32> to vector<16xi32>
      %gather3A_1106 = tpu.dynamic_gather %select_n3A_807[%gather3A_1105] in [0] : vector<16xf32>, vector<16xi32> -> vector<16xf32>
      %add3A_1107 = arith.addf %select_n3A_807, %gather3A_1106 : vector<16xf32>
      %select_n3A_1108 = arith.select %eq3A_33, %add3A_1086, %add3A_1107 : vector<16xi1>, vector<16xf32>
      %and3A_1109 = arith.constant -8 : i32
      %and3A_1110 = vector.broadcast %and3A_1109 : i32 to vector<16xi32>
      %and3A_1111 = arith.andi %iota3A, %and3A_1110 : vector<16xi32>
      %add3A_1112 = arith.constant 4 : i32
      %add3A_1113 = vector.broadcast %add3A_1112 : i32 to vector<16xi32>
      %add3A_1114 = arith.addi %iota3A, %add3A_1113 : vector<16xi32>
      %and3A_1115 = arith.constant 7 : i32
      %and3A_1116 = vector.broadcast %and3A_1115 : i32 to vector<16xi32>
      %and3A_1117 = arith.andi %add3A_1114, %and3A_1116 : vector<16xi32>
      %or3A_1118 = arith.ori %and3A_1111, %and3A_1117 : vector<16xi32>
      %lt3A_1119 = arith.constant 0 : i32
      %lt3A_1120 = vector.broadcast %lt3A_1119 : i32 to vector<16xi32>
      %lt3A_1121 = arith.cmpi slt, %or3A_1118, %lt3A_1120 : vector<16xi32>
      %add3A_1122 = arith.constant 16 : i32
      %add3A_1123 = vector.broadcast %add3A_1122 : i32 to vector<16xi32>
      %add3A_1124 = arith.addi %or3A_1118, %add3A_1123 : vector<16xi32>
      %select_n3A_1125 = arith.select %lt3A_1121, %add3A_1124, %or3A_1118 : vector<16xi1>, vector<16xi32>
      %broadcast_in_dim3A_1126 = vector.shape_cast %select_n3A_1125 : vector<16xi32> to vector<16x1xi32>
      %gather3A_1127 = vector.shape_cast %broadcast_in_dim3A_1126 : vector<16x1xi32> to vector<16xi32>
      %gather3A_1128 = tpu.dynamic_gather %select_n3A_850[%gather3A_1127] in [0] : vector<16xf32>, vector<16xi32> -> vector<16xf32>
      %add3A_1129 = arith.addf %select_n3A_850, %gather3A_1128 : vector<16xf32>
      %and3A_1130 = arith.constant -8 : i32
      %and3A_1131 = vector.broadcast %and3A_1130 : i32 to vector<16xi32>
      %and3A_1132 = arith.andi %iota3A, %and3A_1131 : vector<16xi32>
      %add3A_1133 = arith.constant 4 : i32
      %add3A_1134 = vector.broadcast %add3A_1133 : i32 to vector<16xi32>
      %add3A_1135 = arith.addi %iota3A, %add3A_1134 : vector<16xi32>
      %and3A_1136 = arith.constant 7 : i32
      %and3A_1137 = vector.broadcast %and3A_1136 : i32 to vector<16xi32>
      %and3A_1138 = arith.andi %add3A_1135, %and3A_1137 : vector<16xi32>
      %or3A_1139 = arith.ori %and3A_1132, %and3A_1138 : vector<16xi32>
      %lt3A_1140 = arith.constant 0 : i32
      %lt3A_1141 = vector.broadcast %lt3A_1140 : i32 to vector<16xi32>
      %lt3A_1142 = arith.cmpi slt, %or3A_1139, %lt3A_1141 : vector<16xi32>
      %add3A_1143 = arith.constant 16 : i32
      %add3A_1144 = vector.broadcast %add3A_1143 : i32 to vector<16xi32>
      %add3A_1145 = arith.addi %or3A_1139, %add3A_1144 : vector<16xi32>
      %select_n3A_1146 = arith.select %lt3A_1142, %add3A_1145, %or3A_1139 : vector<16xi1>, vector<16xi32>
      %broadcast_in_dim3A_1147 = vector.shape_cast %select_n3A_1146 : vector<16xi32> to vector<16x1xi32>
      %gather3A_1148 = vector.shape_cast %broadcast_in_dim3A_1147 : vector<16x1xi32> to vector<16xi32>
      %gather3A_1149 = tpu.dynamic_gather %select_n3A_893[%gather3A_1148] in [0] : vector<16xf32>, vector<16xi32> -> vector<16xf32>
      %add3A_1150 = arith.addf %select_n3A_893, %gather3A_1149 : vector<16xf32>
      %select_n3A_1151 = arith.select %eq3A_33, %add3A_1129, %add3A_1150 : vector<16xi1>, vector<16xf32>
      %and3A_1152 = arith.constant -8 : i32
      %and3A_1153 = vector.broadcast %and3A_1152 : i32 to vector<16xi32>
      %and3A_1154 = arith.andi %iota3A, %and3A_1153 : vector<16xi32>
      %add3A_1155 = arith.constant 4 : i32
      %add3A_1156 = vector.broadcast %add3A_1155 : i32 to vector<16xi32>
      %add3A_1157 = arith.addi %iota3A, %add3A_1156 : vector<16xi32>
      %and3A_1158 = arith.constant 7 : i32
      %and3A_1159 = vector.broadcast %and3A_1158 : i32 to vector<16xi32>
      %and3A_1160 = arith.andi %add3A_1157, %and3A_1159 : vector<16xi32>
      %or3A_1161 = arith.ori %and3A_1154, %and3A_1160 : vector<16xi32>
      %lt3A_1162 = arith.constant 0 : i32
      %lt3A_1163 = vector.broadcast %lt3A_1162 : i32 to vector<16xi32>
      %lt3A_1164 = arith.cmpi slt, %or3A_1161, %lt3A_1163 : vector<16xi32>
      %add3A_1165 = arith.constant 16 : i32
      %add3A_1166 = vector.broadcast %add3A_1165 : i32 to vector<16xi32>
      %add3A_1167 = arith.addi %or3A_1161, %add3A_1166 : vector<16xi32>
      %select_n3A_1168 = arith.select %lt3A_1164, %add3A_1167, %or3A_1161 : vector<16xi1>, vector<16xi32>
      %broadcast_in_dim3A_1169 = vector.shape_cast %select_n3A_1168 : vector<16xi32> to vector<16x1xi32>
      %gather3A_1170 = vector.shape_cast %broadcast_in_dim3A_1169 : vector<16x1xi32> to vector<16xi32>
      %gather3A_1171 = tpu.dynamic_gather %select_n3A_936[%gather3A_1170] in [0] : vector<16xf32>, vector<16xi32> -> vector<16xf32>
      %add3A_1172 = arith.addf %select_n3A_936, %gather3A_1171 : vector<16xf32>
      %and3A_1173 = arith.constant -8 : i32
      %and3A_1174 = vector.broadcast %and3A_1173 : i32 to vector<16xi32>
      %and3A_1175 = arith.andi %iota3A, %and3A_1174 : vector<16xi32>
      %add3A_1176 = arith.constant 4 : i32
      %add3A_1177 = vector.broadcast %add3A_1176 : i32 to vector<16xi32>
      %add3A_1178 = arith.addi %iota3A, %add3A_1177 : vector<16xi32>
      %and3A_1179 = arith.constant 7 : i32
      %and3A_1180 = vector.broadcast %and3A_1179 : i32 to vector<16xi32>
      %and3A_1181 = arith.andi %add3A_1178, %and3A_1180 : vector<16xi32>
      %or3A_1182 = arith.ori %and3A_1175, %and3A_1181 : vector<16xi32>
      %lt3A_1183 = arith.constant 0 : i32
      %lt3A_1184 = vector.broadcast %lt3A_1183 : i32 to vector<16xi32>
      %lt3A_1185 = arith.cmpi slt, %or3A_1182, %lt3A_1184 : vector<16xi32>
      %add3A_1186 = arith.constant 16 : i32
      %add3A_1187 = vector.broadcast %add3A_1186 : i32 to vector<16xi32>
      %add3A_1188 = arith.addi %or3A_1182, %add3A_1187 : vector<16xi32>
      %select_n3A_1189 = arith.select %lt3A_1185, %add3A_1188, %or3A_1182 : vector<16xi1>, vector<16xi32>
      %broadcast_in_dim3A_1190 = vector.shape_cast %select_n3A_1189 : vector<16xi32> to vector<16x1xi32>
      %gather3A_1191 = vector.shape_cast %broadcast_in_dim3A_1190 : vector<16x1xi32> to vector<16xi32>
      %gather3A_1192 = tpu.dynamic_gather %select_n3A_979[%gather3A_1191] in [0] : vector<16xf32>, vector<16xi32> -> vector<16xf32>
      %add3A_1193 = arith.addf %select_n3A_979, %gather3A_1192 : vector<16xf32>
      %select_n3A_1194 = arith.select %eq3A_33, %add3A_1172, %add3A_1193 : vector<16xi1>, vector<16xf32>
      %and3A_1195 = arith.constant -8 : i32
      %and3A_1196 = vector.broadcast %and3A_1195 : i32 to vector<16xi32>
      %and3A_1197 = arith.andi %iota3A, %and3A_1196 : vector<16xi32>
      %add3A_1198 = arith.constant 4 : i32
      %add3A_1199 = vector.broadcast %add3A_1198 : i32 to vector<16xi32>
      %add3A_1200 = arith.addi %iota3A, %add3A_1199 : vector<16xi32>
      %and3A_1201 = arith.constant 7 : i32
      %and3A_1202 = vector.broadcast %and3A_1201 : i32 to vector<16xi32>
      %and3A_1203 = arith.andi %add3A_1200, %and3A_1202 : vector<16xi32>
      %or3A_1204 = arith.ori %and3A_1197, %and3A_1203 : vector<16xi32>
      %lt3A_1205 = arith.constant 0 : i32
      %lt3A_1206 = vector.broadcast %lt3A_1205 : i32 to vector<16xi32>
      %lt3A_1207 = arith.cmpi slt, %or3A_1204, %lt3A_1206 : vector<16xi32>
      %add3A_1208 = arith.constant 16 : i32
      %add3A_1209 = vector.broadcast %add3A_1208 : i32 to vector<16xi32>
      %add3A_1210 = arith.addi %or3A_1204, %add3A_1209 : vector<16xi32>
      %select_n3A_1211 = arith.select %lt3A_1207, %add3A_1210, %or3A_1204 : vector<16xi1>, vector<16xi32>
      %broadcast_in_dim3A_1212 = vector.shape_cast %select_n3A_1211 : vector<16xi32> to vector<16x1xi32>
      %gather3A_1213 = vector.shape_cast %broadcast_in_dim3A_1212 : vector<16x1xi32> to vector<16xi32>
      %gather3A_1214 = tpu.dynamic_gather %select_n3A_1022[%gather3A_1213] in [0] : vector<16xf32>, vector<16xi32> -> vector<16xf32>
      %add3A_1215 = arith.addf %select_n3A_1022, %gather3A_1214 : vector<16xf32>
      %and3A_1216 = arith.constant -8 : i32
      %and3A_1217 = vector.broadcast %and3A_1216 : i32 to vector<16xi32>
      %and3A_1218 = arith.andi %iota3A, %and3A_1217 : vector<16xi32>
      %add3A_1219 = arith.constant 4 : i32
      %add3A_1220 = vector.broadcast %add3A_1219 : i32 to vector<16xi32>
      %add3A_1221 = arith.addi %iota3A, %add3A_1220 : vector<16xi32>
      %and3A_1222 = arith.constant 7 : i32
      %and3A_1223 = vector.broadcast %and3A_1222 : i32 to vector<16xi32>
      %and3A_1224 = arith.andi %add3A_1221, %and3A_1223 : vector<16xi32>
      %or3A_1225 = arith.ori %and3A_1218, %and3A_1224 : vector<16xi32>
      %lt3A_1226 = arith.constant 0 : i32
      %lt3A_1227 = vector.broadcast %lt3A_1226 : i32 to vector<16xi32>
      %lt3A_1228 = arith.cmpi slt, %or3A_1225, %lt3A_1227 : vector<16xi32>
      %add3A_1229 = arith.constant 16 : i32
      %add3A_1230 = vector.broadcast %add3A_1229 : i32 to vector<16xi32>
      %add3A_1231 = arith.addi %or3A_1225, %add3A_1230 : vector<16xi32>
      %select_n3A_1232 = arith.select %lt3A_1228, %add3A_1231, %or3A_1225 : vector<16xi1>, vector<16xi32>
      %broadcast_in_dim3A_1233 = vector.shape_cast %select_n3A_1232 : vector<16xi32> to vector<16x1xi32>
      %gather3A_1234 = vector.shape_cast %broadcast_in_dim3A_1233 : vector<16x1xi32> to vector<16xi32>
      %gather3A_1235 = tpu.dynamic_gather %select_n3A_1065[%gather3A_1234] in [0] : vector<16xf32>, vector<16xi32> -> vector<16xf32>
      %add3A_1236 = arith.addf %select_n3A_1065, %gather3A_1235 : vector<16xf32>
      %select_n3A_1237 = arith.select %eq3A_33, %add3A_1215, %add3A_1236 : vector<16xi1>, vector<16xf32>
      %and3A_1238 = arith.constant -4 : i32
      %and3A_1239 = vector.broadcast %and3A_1238 : i32 to vector<16xi32>
      %and3A_1240 = arith.andi %iota3A, %and3A_1239 : vector<16xi32>
      %add3A_1241 = arith.constant 2 : i32
      %add3A_1242 = vector.broadcast %add3A_1241 : i32 to vector<16xi32>
      %add3A_1243 = arith.addi %iota3A, %add3A_1242 : vector<16xi32>
      %and3A_1244 = arith.constant 3 : i32
      %and3A_1245 = vector.broadcast %and3A_1244 : i32 to vector<16xi32>
      %and3A_1246 = arith.andi %add3A_1243, %and3A_1245 : vector<16xi32>
      %or3A_1247 = arith.ori %and3A_1240, %and3A_1246 : vector<16xi32>
      %lt3A_1248 = arith.constant 0 : i32
      %lt3A_1249 = vector.broadcast %lt3A_1248 : i32 to vector<16xi32>
      %lt3A_1250 = arith.cmpi slt, %or3A_1247, %lt3A_1249 : vector<16xi32>
      %add3A_1251 = arith.constant 16 : i32
      %add3A_1252 = vector.broadcast %add3A_1251 : i32 to vector<16xi32>
      %add3A_1253 = arith.addi %or3A_1247, %add3A_1252 : vector<16xi32>
      %select_n3A_1254 = arith.select %lt3A_1250, %add3A_1253, %or3A_1247 : vector<16xi1>, vector<16xi32>
      %broadcast_in_dim3A_1255 = vector.shape_cast %select_n3A_1254 : vector<16xi32> to vector<16x1xi32>
      %gather3A_1256 = vector.shape_cast %broadcast_in_dim3A_1255 : vector<16x1xi32> to vector<16xi32>
      %gather3A_1257 = tpu.dynamic_gather %select_n3A_1108[%gather3A_1256] in [0] : vector<16xf32>, vector<16xi32> -> vector<16xf32>
      %add3A_1258 = arith.addf %select_n3A_1108, %gather3A_1257 : vector<16xf32>
      %and3A_1259 = arith.constant -4 : i32
      %and3A_1260 = vector.broadcast %and3A_1259 : i32 to vector<16xi32>
      %and3A_1261 = arith.andi %iota3A, %and3A_1260 : vector<16xi32>
      %add3A_1262 = arith.constant 2 : i32
      %add3A_1263 = vector.broadcast %add3A_1262 : i32 to vector<16xi32>
      %add3A_1264 = arith.addi %iota3A, %add3A_1263 : vector<16xi32>
      %and3A_1265 = arith.constant 3 : i32
      %and3A_1266 = vector.broadcast %and3A_1265 : i32 to vector<16xi32>
      %and3A_1267 = arith.andi %add3A_1264, %and3A_1266 : vector<16xi32>
      %or3A_1268 = arith.ori %and3A_1261, %and3A_1267 : vector<16xi32>
      %lt3A_1269 = arith.constant 0 : i32
      %lt3A_1270 = vector.broadcast %lt3A_1269 : i32 to vector<16xi32>
      %lt3A_1271 = arith.cmpi slt, %or3A_1268, %lt3A_1270 : vector<16xi32>
      %add3A_1272 = arith.constant 16 : i32
      %add3A_1273 = vector.broadcast %add3A_1272 : i32 to vector<16xi32>
      %add3A_1274 = arith.addi %or3A_1268, %add3A_1273 : vector<16xi32>
      %select_n3A_1275 = arith.select %lt3A_1271, %add3A_1274, %or3A_1268 : vector<16xi1>, vector<16xi32>
      %broadcast_in_dim3A_1276 = vector.shape_cast %select_n3A_1275 : vector<16xi32> to vector<16x1xi32>
      %gather3A_1277 = vector.shape_cast %broadcast_in_dim3A_1276 : vector<16x1xi32> to vector<16xi32>
      %gather3A_1278 = tpu.dynamic_gather %select_n3A_1151[%gather3A_1277] in [0] : vector<16xf32>, vector<16xi32> -> vector<16xf32>
      %add3A_1279 = arith.addf %select_n3A_1151, %gather3A_1278 : vector<16xf32>
      %select_n3A_1280 = arith.select %eq3A_39, %add3A_1258, %add3A_1279 : vector<16xi1>, vector<16xf32>
      %and3A_1281 = arith.constant -4 : i32
      %and3A_1282 = vector.broadcast %and3A_1281 : i32 to vector<16xi32>
      %and3A_1283 = arith.andi %iota3A, %and3A_1282 : vector<16xi32>
      %add3A_1284 = arith.constant 2 : i32
      %add3A_1285 = vector.broadcast %add3A_1284 : i32 to vector<16xi32>
      %add3A_1286 = arith.addi %iota3A, %add3A_1285 : vector<16xi32>
      %and3A_1287 = arith.constant 3 : i32
      %and3A_1288 = vector.broadcast %and3A_1287 : i32 to vector<16xi32>
      %and3A_1289 = arith.andi %add3A_1286, %and3A_1288 : vector<16xi32>
      %or3A_1290 = arith.ori %and3A_1283, %and3A_1289 : vector<16xi32>
      %lt3A_1291 = arith.constant 0 : i32
      %lt3A_1292 = vector.broadcast %lt3A_1291 : i32 to vector<16xi32>
      %lt3A_1293 = arith.cmpi slt, %or3A_1290, %lt3A_1292 : vector<16xi32>
      %add3A_1294 = arith.constant 16 : i32
      %add3A_1295 = vector.broadcast %add3A_1294 : i32 to vector<16xi32>
      %add3A_1296 = arith.addi %or3A_1290, %add3A_1295 : vector<16xi32>
      %select_n3A_1297 = arith.select %lt3A_1293, %add3A_1296, %or3A_1290 : vector<16xi1>, vector<16xi32>
      %broadcast_in_dim3A_1298 = vector.shape_cast %select_n3A_1297 : vector<16xi32> to vector<16x1xi32>
      %gather3A_1299 = vector.shape_cast %broadcast_in_dim3A_1298 : vector<16x1xi32> to vector<16xi32>
      %gather3A_1300 = tpu.dynamic_gather %select_n3A_1194[%gather3A_1299] in [0] : vector<16xf32>, vector<16xi32> -> vector<16xf32>
      %add3A_1301 = arith.addf %select_n3A_1194, %gather3A_1300 : vector<16xf32>
      %and3A_1302 = arith.constant -4 : i32
      %and3A_1303 = vector.broadcast %and3A_1302 : i32 to vector<16xi32>
      %and3A_1304 = arith.andi %iota3A, %and3A_1303 : vector<16xi32>
      %add3A_1305 = arith.constant 2 : i32
      %add3A_1306 = vector.broadcast %add3A_1305 : i32 to vector<16xi32>
      %add3A_1307 = arith.addi %iota3A, %add3A_1306 : vector<16xi32>
      %and3A_1308 = arith.constant 3 : i32
      %and3A_1309 = vector.broadcast %and3A_1308 : i32 to vector<16xi32>
      %and3A_1310 = arith.andi %add3A_1307, %and3A_1309 : vector<16xi32>
      %or3A_1311 = arith.ori %and3A_1304, %and3A_1310 : vector<16xi32>
      %lt3A_1312 = arith.constant 0 : i32
      %lt3A_1313 = vector.broadcast %lt3A_1312 : i32 to vector<16xi32>
      %lt3A_1314 = arith.cmpi slt, %or3A_1311, %lt3A_1313 : vector<16xi32>
      %add3A_1315 = arith.constant 16 : i32
      %add3A_1316 = vector.broadcast %add3A_1315 : i32 to vector<16xi32>
      %add3A_1317 = arith.addi %or3A_1311, %add3A_1316 : vector<16xi32>
      %select_n3A_1318 = arith.select %lt3A_1314, %add3A_1317, %or3A_1311 : vector<16xi1>, vector<16xi32>
      %broadcast_in_dim3A_1319 = vector.shape_cast %select_n3A_1318 : vector<16xi32> to vector<16x1xi32>
      %gather3A_1320 = vector.shape_cast %broadcast_in_dim3A_1319 : vector<16x1xi32> to vector<16xi32>
      %gather3A_1321 = tpu.dynamic_gather %select_n3A_1237[%gather3A_1320] in [0] : vector<16xf32>, vector<16xi32> -> vector<16xf32>
      %add3A_1322 = arith.addf %select_n3A_1237, %gather3A_1321 : vector<16xf32>
      %select_n3A_1323 = arith.select %eq3A_39, %add3A_1301, %add3A_1322 : vector<16xi1>, vector<16xf32>
      %and3A_1324 = arith.constant -2 : i32
      %and3A_1325 = vector.broadcast %and3A_1324 : i32 to vector<16xi32>
      %and3A_1326 = arith.andi %iota3A, %and3A_1325 : vector<16xi32>
      %add3A_1327 = arith.constant 1 : i32
      %add3A_1328 = vector.broadcast %add3A_1327 : i32 to vector<16xi32>
      %add3A_1329 = arith.addi %iota3A, %add3A_1328 : vector<16xi32>
      %and3A_1330 = arith.constant 1 : i32
      %and3A_1331 = vector.broadcast %and3A_1330 : i32 to vector<16xi32>
      %and3A_1332 = arith.andi %add3A_1329, %and3A_1331 : vector<16xi32>
      %or3A_1333 = arith.ori %and3A_1326, %and3A_1332 : vector<16xi32>
      %lt3A_1334 = arith.constant 0 : i32
      %lt3A_1335 = vector.broadcast %lt3A_1334 : i32 to vector<16xi32>
      %lt3A_1336 = arith.cmpi slt, %or3A_1333, %lt3A_1335 : vector<16xi32>
      %add3A_1337 = arith.constant 16 : i32
      %add3A_1338 = vector.broadcast %add3A_1337 : i32 to vector<16xi32>
      %add3A_1339 = arith.addi %or3A_1333, %add3A_1338 : vector<16xi32>
      %select_n3A_1340 = arith.select %lt3A_1336, %add3A_1339, %or3A_1333 : vector<16xi1>, vector<16xi32>
      %broadcast_in_dim3A_1341 = vector.shape_cast %select_n3A_1340 : vector<16xi32> to vector<16x1xi32>
      %gather3A_1342 = vector.shape_cast %broadcast_in_dim3A_1341 : vector<16x1xi32> to vector<16xi32>
      %gather3A_1343 = tpu.dynamic_gather %select_n3A_1280[%gather3A_1342] in [0] : vector<16xf32>, vector<16xi32> -> vector<16xf32>
      %add3A_1344 = arith.addf %select_n3A_1280, %gather3A_1343 : vector<16xf32>
      %and3A_1345 = arith.constant -2 : i32
      %and3A_1346 = vector.broadcast %and3A_1345 : i32 to vector<16xi32>
      %and3A_1347 = arith.andi %iota3A, %and3A_1346 : vector<16xi32>
      %add3A_1348 = arith.constant 1 : i32
      %add3A_1349 = vector.broadcast %add3A_1348 : i32 to vector<16xi32>
      %add3A_1350 = arith.addi %iota3A, %add3A_1349 : vector<16xi32>
      %and3A_1351 = arith.constant 1 : i32
      %and3A_1352 = vector.broadcast %and3A_1351 : i32 to vector<16xi32>
      %and3A_1353 = arith.andi %add3A_1350, %and3A_1352 : vector<16xi32>
      %or3A_1354 = arith.ori %and3A_1347, %and3A_1353 : vector<16xi32>
      %lt3A_1355 = arith.constant 0 : i32
      %lt3A_1356 = vector.broadcast %lt3A_1355 : i32 to vector<16xi32>
      %lt3A_1357 = arith.cmpi slt, %or3A_1354, %lt3A_1356 : vector<16xi32>
      %add3A_1358 = arith.constant 16 : i32
      %add3A_1359 = vector.broadcast %add3A_1358 : i32 to vector<16xi32>
      %add3A_1360 = arith.addi %or3A_1354, %add3A_1359 : vector<16xi32>
      %select_n3A_1361 = arith.select %lt3A_1357, %add3A_1360, %or3A_1354 : vector<16xi1>, vector<16xi32>
      %broadcast_in_dim3A_1362 = vector.shape_cast %select_n3A_1361 : vector<16xi32> to vector<16x1xi32>
      %gather3A_1363 = vector.shape_cast %broadcast_in_dim3A_1362 : vector<16x1xi32> to vector<16xi32>
      %gather3A_1364 = tpu.dynamic_gather %select_n3A_1323[%gather3A_1363] in [0] : vector<16xf32>, vector<16xi32> -> vector<16xf32>
      %add3A_1365 = arith.addf %select_n3A_1323, %gather3A_1364 : vector<16xf32>
      %select_n3A_1366 = arith.select %eq3A_45, %add3A_1344, %add3A_1365 : vector<16xi1>, vector<16xf32>
      %mul3A_1367 = arith.constant 0.00130208337 : f32
      %mul3A_1368 = vector.broadcast %mul3A_1367 : f32 to vector<16xf32>
      %mul3A_1369 = arith.mulf %select_n3A_1366, %mul3A_1368 : vector<16xf32>
      %mul3A_1370 = arith.mulf %mul3A_721, %mul3A_721 : vector<16xf32>
      %sub3A = arith.subf %mul3A_1369, %mul3A_1370 : vector<16xf32>
      %add3A_1371 = arith.constant 9.99999996E-13 : f32
      %add3A_1372 = vector.broadcast %add3A_1371 : f32 to vector<16xf32>
      %add3A_1373 = arith.addf %sub3A, %add3A_1372 : vector<16xf32>
      %bitcast_convert_type3A = tpu.bitcast %add3A_1373 : vector<16xf32> -> vector<16xi32>
      %shift_right_arithmetic3A = arith.constant 1 : i32
      %shift_right_arithmetic3A_1374 = vector.broadcast %shift_right_arithmetic3A : i32 to vector<16xi32>
      %shift_right_arithmetic3A_1375 = arith.shrsi %bitcast_convert_type3A, %shift_right_arithmetic3A_1374 : vector<16xi32>
      %sub3A_1376 = arith.constant 1597463007 : i32
      %sub3A_1377 = vector.broadcast %sub3A_1376 : i32 to vector<16xi32>
      %sub3A_1378 = arith.subi %sub3A_1377, %shift_right_arithmetic3A_1375 : vector<16xi32>
      %bitcast_convert_type3A_1379 = tpu.bitcast %sub3A_1378 : vector<16xi32> -> vector<16xf32>
      %mul3A_1380 = arith.constant 5.000000e-01 : f32
      %mul3A_1381 = vector.broadcast %mul3A_1380 : f32 to vector<16xf32>
      %mul3A_1382 = arith.mulf %mul3A_1381, %add3A_1373 : vector<16xf32>
      %mul3A_1383 = arith.mulf %mul3A_1382, %bitcast_convert_type3A_1379 : vector<16xf32>
      %mul3A_1384 = arith.mulf %mul3A_1383, %bitcast_convert_type3A_1379 : vector<16xf32>
      %sub3A_1385 = arith.constant 1.500000e+00 : f32
      %sub3A_1386 = vector.broadcast %sub3A_1385 : f32 to vector<16xf32>
      %sub3A_1387 = arith.subf %sub3A_1386, %mul3A_1384 : vector<16xf32>
      %mul3A_1388 = arith.mulf %bitcast_convert_type3A_1379, %sub3A_1387 : vector<16xf32>
      %mul3A_1389 = arith.constant 5.000000e-01 : f32
      %mul3A_1390 = vector.broadcast %mul3A_1389 : f32 to vector<16xf32>
      %mul3A_1391 = arith.mulf %mul3A_1390, %add3A_1373 : vector<16xf32>
      %mul3A_1392 = arith.mulf %mul3A_1391, %mul3A_1388 : vector<16xf32>
      %mul3A_1393 = arith.mulf %mul3A_1392, %mul3A_1388 : vector<16xf32>
      %sub3A_1394 = arith.constant 1.500000e+00 : f32
      %sub3A_1395 = vector.broadcast %sub3A_1394 : f32 to vector<16xf32>
      %sub3A_1396 = arith.subf %sub3A_1395, %mul3A_1393 : vector<16xf32>
      %mul3A_1397 = arith.mulf %mul3A_1388, %sub3A_1396 : vector<16xf32>
      %mul3A_1398 = arith.mulf %mul3A_721, %mul3A_1397 : vector<16xf32>
      %ge3A = arith.constant 2 : i32
      %ge3A_1399 = arith.cmpi sge, %mul3A_67, %ge3A : i32
      %convert_element_type3A = arith.extui %ge3A_1399 : i1 to i32
      %cond3A = arith.constant 0 : i32
      %cond3A_1400 = arith.cmpi ne, %convert_element_type3A, %cond3A : i32
      scf.if %cond3A_1400 {
        %sub3A_3552 = arith.constant 2 : i32
        %sub3A_3553 = arith.subi %mul3A_67, %sub3A_3552 : i32
        %dma_wait3A_3554 = arith.constant 0 : i32
        %dma_wait3A_3555 = tpu.memref_slice %arg7[%sub3A_3553, %mul3A_2, %dma_wait3A_3554] : memref<32x512x768xf32, #tpu.memory_space<hbm>> -> memref<1x16x768xf32, #tpu.memory_space<hbm>>
        %dma_wait3A_3556 = tpu.memref_squeeze %dma_wait3A_3555 : memref<1x16x768xf32, #tpu.memory_space<hbm>> -> memref<16x768xf32, #tpu.memory_space<hbm>>
        %dma_wait3A_3557 = arith.constant 0 : i32
        %dma_wait3A_3558 = tpu.memref_slice %arg7[%sub3A_3553, %mul3A_2, %dma_wait3A_3557] : memref<32x512x768xf32, #tpu.memory_space<hbm>> -> memref<1x16x768xf32, #tpu.memory_space<hbm>>
        %dma_wait3A_3559 = tpu.memref_squeeze %dma_wait3A_3558 : memref<1x16x768xf32, #tpu.memory_space<hbm>> -> memref<16x768xf32, #tpu.memory_space<hbm>>
        tpu.wait_dma2 semaphore(%arg18 : memref<!tpu.dma_semaphore, #tpu.memory_space<semaphore_mem>>) src(%arg11 : memref<16x768xf32, #tpu.memory_space<vmem>>) dst(%dma_wait3A_3559 : memref<16x768xf32, #tpu.memory_space<hbm>>)
      } else {
      }
      %broadcast_in_dim3A_1401 = arith.constant 0 : i32
      %broadcast_in_dim3A_1402 = vector.broadcast %broadcast_in_dim3A_1401 : i32 to vector<16xi32>
      %lt3A_1403 = arith.constant 0 : i32
      %lt3A_1404 = vector.broadcast %lt3A_1403 : i32 to vector<16xi32>
      %lt3A_1405 = arith.cmpi slt, %broadcast_in_dim3A_1402, %lt3A_1404 : vector<16xi32>
      %add3A_1406 = arith.constant 16 : i32
      %add3A_1407 = vector.broadcast %add3A_1406 : i32 to vector<16xi32>
      %add3A_1408 = arith.addi %broadcast_in_dim3A_1402, %add3A_1407 : vector<16xi32>
      %select_n3A_1409 = arith.select %lt3A_1405, %add3A_1408, %broadcast_in_dim3A_1402 : vector<16xi1>, vector<16xi32>
      %broadcast_in_dim3A_1410 = vector.shape_cast %select_n3A_1409 : vector<16xi32> to vector<16x1xi32>
      %gather3A_1411 = vector.shape_cast %broadcast_in_dim3A_1410 : vector<16x1xi32> to vector<16xi32>
      %gather3A_1412 = tpu.dynamic_gather %mul3A_1397[%gather3A_1411] in [0] : vector<16xf32>, vector<16xi32> -> vector<16xf32>
      %broadcast_in_dim3A_1413 = arith.constant 8 : i32
      %broadcast_in_dim3A_1414 = vector.broadcast %broadcast_in_dim3A_1413 : i32 to vector<16xi32>
      %lt3A_1415 = arith.constant 0 : i32
      %lt3A_1416 = vector.broadcast %lt3A_1415 : i32 to vector<16xi32>
      %lt3A_1417 = arith.cmpi slt, %broadcast_in_dim3A_1414, %lt3A_1416 : vector<16xi32>
      %add3A_1418 = arith.constant 16 : i32
      %add3A_1419 = vector.broadcast %add3A_1418 : i32 to vector<16xi32>
      %add3A_1420 = arith.addi %broadcast_in_dim3A_1414, %add3A_1419 : vector<16xi32>
      %select_n3A_1421 = arith.select %lt3A_1417, %add3A_1420, %broadcast_in_dim3A_1414 : vector<16xi1>, vector<16xi32>
      %broadcast_in_dim3A_1422 = vector.shape_cast %select_n3A_1421 : vector<16xi32> to vector<16x1xi32>
      %gather3A_1423 = vector.shape_cast %broadcast_in_dim3A_1422 : vector<16x1xi32> to vector<16xi32>
      %gather3A_1424 = tpu.dynamic_gather %mul3A_1397[%gather3A_1423] in [0] : vector<16xf32>, vector<16xi32> -> vector<16xf32>
      %broadcast_in_dim3A_1425 = arith.constant 4 : i32
      %broadcast_in_dim3A_1426 = vector.broadcast %broadcast_in_dim3A_1425 : i32 to vector<16xi32>
      %lt3A_1427 = arith.constant 0 : i32
      %lt3A_1428 = vector.broadcast %lt3A_1427 : i32 to vector<16xi32>
      %lt3A_1429 = arith.cmpi slt, %broadcast_in_dim3A_1426, %lt3A_1428 : vector<16xi32>
      %add3A_1430 = arith.constant 16 : i32
      %add3A_1431 = vector.broadcast %add3A_1430 : i32 to vector<16xi32>
      %add3A_1432 = arith.addi %broadcast_in_dim3A_1426, %add3A_1431 : vector<16xi32>
      %select_n3A_1433 = arith.select %lt3A_1429, %add3A_1432, %broadcast_in_dim3A_1426 : vector<16xi1>, vector<16xi32>
      %broadcast_in_dim3A_1434 = vector.shape_cast %select_n3A_1433 : vector<16xi32> to vector<16x1xi32>
      %gather3A_1435 = vector.shape_cast %broadcast_in_dim3A_1434 : vector<16x1xi32> to vector<16xi32>
      %gather3A_1436 = tpu.dynamic_gather %mul3A_1397[%gather3A_1435] in [0] : vector<16xf32>, vector<16xi32> -> vector<16xf32>
      %broadcast_in_dim3A_1437 = arith.constant 12 : i32
      %broadcast_in_dim3A_1438 = vector.broadcast %broadcast_in_dim3A_1437 : i32 to vector<16xi32>
      %lt3A_1439 = arith.constant 0 : i32
      %lt3A_1440 = vector.broadcast %lt3A_1439 : i32 to vector<16xi32>
      %lt3A_1441 = arith.cmpi slt, %broadcast_in_dim3A_1438, %lt3A_1440 : vector<16xi32>
      %add3A_1442 = arith.constant 16 : i32
      %add3A_1443 = vector.broadcast %add3A_1442 : i32 to vector<16xi32>
      %add3A_1444 = arith.addi %broadcast_in_dim3A_1438, %add3A_1443 : vector<16xi32>
      %select_n3A_1445 = arith.select %lt3A_1441, %add3A_1444, %broadcast_in_dim3A_1438 : vector<16xi1>, vector<16xi32>
      %broadcast_in_dim3A_1446 = vector.shape_cast %select_n3A_1445 : vector<16xi32> to vector<16x1xi32>
      %gather3A_1447 = vector.shape_cast %broadcast_in_dim3A_1446 : vector<16x1xi32> to vector<16xi32>
      %gather3A_1448 = tpu.dynamic_gather %mul3A_1397[%gather3A_1447] in [0] : vector<16xf32>, vector<16xi32> -> vector<16xf32>
      %broadcast_in_dim3A_1449 = arith.constant 2 : i32
      %broadcast_in_dim3A_1450 = vector.broadcast %broadcast_in_dim3A_1449 : i32 to vector<16xi32>
      %lt3A_1451 = arith.constant 0 : i32
      %lt3A_1452 = vector.broadcast %lt3A_1451 : i32 to vector<16xi32>
      %lt3A_1453 = arith.cmpi slt, %broadcast_in_dim3A_1450, %lt3A_1452 : vector<16xi32>
      %add3A_1454 = arith.constant 16 : i32
      %add3A_1455 = vector.broadcast %add3A_1454 : i32 to vector<16xi32>
      %add3A_1456 = arith.addi %broadcast_in_dim3A_1450, %add3A_1455 : vector<16xi32>
      %select_n3A_1457 = arith.select %lt3A_1453, %add3A_1456, %broadcast_in_dim3A_1450 : vector<16xi1>, vector<16xi32>
      %broadcast_in_dim3A_1458 = vector.shape_cast %select_n3A_1457 : vector<16xi32> to vector<16x1xi32>
      %gather3A_1459 = vector.shape_cast %broadcast_in_dim3A_1458 : vector<16x1xi32> to vector<16xi32>
      %gather3A_1460 = tpu.dynamic_gather %mul3A_1397[%gather3A_1459] in [0] : vector<16xf32>, vector<16xi32> -> vector<16xf32>
      %broadcast_in_dim3A_1461 = arith.constant 10 : i32
      %broadcast_in_dim3A_1462 = vector.broadcast %broadcast_in_dim3A_1461 : i32 to vector<16xi32>
      %lt3A_1463 = arith.constant 0 : i32
      %lt3A_1464 = vector.broadcast %lt3A_1463 : i32 to vector<16xi32>
      %lt3A_1465 = arith.cmpi slt, %broadcast_in_dim3A_1462, %lt3A_1464 : vector<16xi32>
      %add3A_1466 = arith.constant 16 : i32
      %add3A_1467 = vector.broadcast %add3A_1466 : i32 to vector<16xi32>
      %add3A_1468 = arith.addi %broadcast_in_dim3A_1462, %add3A_1467 : vector<16xi32>
      %select_n3A_1469 = arith.select %lt3A_1465, %add3A_1468, %broadcast_in_dim3A_1462 : vector<16xi1>, vector<16xi32>
      %broadcast_in_dim3A_1470 = vector.shape_cast %select_n3A_1469 : vector<16xi32> to vector<16x1xi32>
      %gather3A_1471 = vector.shape_cast %broadcast_in_dim3A_1470 : vector<16x1xi32> to vector<16xi32>
      %gather3A_1472 = tpu.dynamic_gather %mul3A_1397[%gather3A_1471] in [0] : vector<16xf32>, vector<16xi32> -> vector<16xf32>
      %broadcast_in_dim3A_1473 = arith.constant 6 : i32
      %broadcast_in_dim3A_1474 = vector.broadcast %broadcast_in_dim3A_1473 : i32 to vector<16xi32>
      %lt3A_1475 = arith.constant 0 : i32
      %lt3A_1476 = vector.broadcast %lt3A_1475 : i32 to vector<16xi32>
      %lt3A_1477 = arith.cmpi slt, %broadcast_in_dim3A_1474, %lt3A_1476 : vector<16xi32>
      %add3A_1478 = arith.constant 16 : i32
      %add3A_1479 = vector.broadcast %add3A_1478 : i32 to vector<16xi32>
      %add3A_1480 = arith.addi %broadcast_in_dim3A_1474, %add3A_1479 : vector<16xi32>
      %select_n3A_1481 = arith.select %lt3A_1477, %add3A_1480, %broadcast_in_dim3A_1474 : vector<16xi1>, vector<16xi32>
      %broadcast_in_dim3A_1482 = vector.shape_cast %select_n3A_1481 : vector<16xi32> to vector<16x1xi32>
      %gather3A_1483 = vector.shape_cast %broadcast_in_dim3A_1482 : vector<16x1xi32> to vector<16xi32>
      %gather3A_1484 = tpu.dynamic_gather %mul3A_1397[%gather3A_1483] in [0] : vector<16xf32>, vector<16xi32> -> vector<16xf32>
      %broadcast_in_dim3A_1485 = arith.constant 14 : i32
      %broadcast_in_dim3A_1486 = vector.broadcast %broadcast_in_dim3A_1485 : i32 to vector<16xi32>
      %lt3A_1487 = arith.constant 0 : i32
      %lt3A_1488 = vector.broadcast %lt3A_1487 : i32 to vector<16xi32>
      %lt3A_1489 = arith.cmpi slt, %broadcast_in_dim3A_1486, %lt3A_1488 : vector<16xi32>
      %add3A_1490 = arith.constant 16 : i32
      %add3A_1491 = vector.broadcast %add3A_1490 : i32 to vector<16xi32>
      %add3A_1492 = arith.addi %broadcast_in_dim3A_1486, %add3A_1491 : vector<16xi32>
      %select_n3A_1493 = arith.select %lt3A_1489, %add3A_1492, %broadcast_in_dim3A_1486 : vector<16xi1>, vector<16xi32>
      %broadcast_in_dim3A_1494 = vector.shape_cast %select_n3A_1493 : vector<16xi32> to vector<16x1xi32>
      %gather3A_1495 = vector.shape_cast %broadcast_in_dim3A_1494 : vector<16x1xi32> to vector<16xi32>
      %gather3A_1496 = tpu.dynamic_gather %mul3A_1397[%gather3A_1495] in [0] : vector<16xf32>, vector<16xi32> -> vector<16xf32>
      %broadcast_in_dim3A_1497 = arith.constant 0 : i32
      %broadcast_in_dim3A_1498 = vector.broadcast %broadcast_in_dim3A_1497 : i32 to vector<16xi32>
      %lt3A_1499 = arith.constant 0 : i32
      %lt3A_1500 = vector.broadcast %lt3A_1499 : i32 to vector<16xi32>
      %lt3A_1501 = arith.cmpi slt, %broadcast_in_dim3A_1498, %lt3A_1500 : vector<16xi32>
      %add3A_1502 = arith.constant 16 : i32
      %add3A_1503 = vector.broadcast %add3A_1502 : i32 to vector<16xi32>
      %add3A_1504 = arith.addi %broadcast_in_dim3A_1498, %add3A_1503 : vector<16xi32>
      %select_n3A_1505 = arith.select %lt3A_1501, %add3A_1504, %broadcast_in_dim3A_1498 : vector<16xi1>, vector<16xi32>
      %broadcast_in_dim3A_1506 = vector.shape_cast %select_n3A_1505 : vector<16xi32> to vector<16x1xi32>
      %gather3A_1507 = vector.shape_cast %broadcast_in_dim3A_1506 : vector<16x1xi32> to vector<16xi32>
      %gather3A_1508 = tpu.dynamic_gather %mul3A_1398[%gather3A_1507] in [0] : vector<16xf32>, vector<16xi32> -> vector<16xf32>
      %broadcast_in_dim3A_1509 = arith.constant 8 : i32
      %broadcast_in_dim3A_1510 = vector.broadcast %broadcast_in_dim3A_1509 : i32 to vector<16xi32>
      %lt3A_1511 = arith.constant 0 : i32
      %lt3A_1512 = vector.broadcast %lt3A_1511 : i32 to vector<16xi32>
      %lt3A_1513 = arith.cmpi slt, %broadcast_in_dim3A_1510, %lt3A_1512 : vector<16xi32>
      %add3A_1514 = arith.constant 16 : i32
      %add3A_1515 = vector.broadcast %add3A_1514 : i32 to vector<16xi32>
      %add3A_1516 = arith.addi %broadcast_in_dim3A_1510, %add3A_1515 : vector<16xi32>
      %select_n3A_1517 = arith.select %lt3A_1513, %add3A_1516, %broadcast_in_dim3A_1510 : vector<16xi1>, vector<16xi32>
      %broadcast_in_dim3A_1518 = vector.shape_cast %select_n3A_1517 : vector<16xi32> to vector<16x1xi32>
      %gather3A_1519 = vector.shape_cast %broadcast_in_dim3A_1518 : vector<16x1xi32> to vector<16xi32>
      %gather3A_1520 = tpu.dynamic_gather %mul3A_1398[%gather3A_1519] in [0] : vector<16xf32>, vector<16xi32> -> vector<16xf32>
      %broadcast_in_dim3A_1521 = arith.constant 4 : i32
      %broadcast_in_dim3A_1522 = vector.broadcast %broadcast_in_dim3A_1521 : i32 to vector<16xi32>
      %lt3A_1523 = arith.constant 0 : i32
      %lt3A_1524 = vector.broadcast %lt3A_1523 : i32 to vector<16xi32>
      %lt3A_1525 = arith.cmpi slt, %broadcast_in_dim3A_1522, %lt3A_1524 : vector<16xi32>
      %add3A_1526 = arith.constant 16 : i32
      %add3A_1527 = vector.broadcast %add3A_1526 : i32 to vector<16xi32>
      %add3A_1528 = arith.addi %broadcast_in_dim3A_1522, %add3A_1527 : vector<16xi32>
      %select_n3A_1529 = arith.select %lt3A_1525, %add3A_1528, %broadcast_in_dim3A_1522 : vector<16xi1>, vector<16xi32>
      %broadcast_in_dim3A_1530 = vector.shape_cast %select_n3A_1529 : vector<16xi32> to vector<16x1xi32>
      %gather3A_1531 = vector.shape_cast %broadcast_in_dim3A_1530 : vector<16x1xi32> to vector<16xi32>
      %gather3A_1532 = tpu.dynamic_gather %mul3A_1398[%gather3A_1531] in [0] : vector<16xf32>, vector<16xi32> -> vector<16xf32>
      %broadcast_in_dim3A_1533 = arith.constant 12 : i32
      %broadcast_in_dim3A_1534 = vector.broadcast %broadcast_in_dim3A_1533 : i32 to vector<16xi32>
      %lt3A_1535 = arith.constant 0 : i32
      %lt3A_1536 = vector.broadcast %lt3A_1535 : i32 to vector<16xi32>
      %lt3A_1537 = arith.cmpi slt, %broadcast_in_dim3A_1534, %lt3A_1536 : vector<16xi32>
      %add3A_1538 = arith.constant 16 : i32
      %add3A_1539 = vector.broadcast %add3A_1538 : i32 to vector<16xi32>
      %add3A_1540 = arith.addi %broadcast_in_dim3A_1534, %add3A_1539 : vector<16xi32>
      %select_n3A_1541 = arith.select %lt3A_1537, %add3A_1540, %broadcast_in_dim3A_1534 : vector<16xi1>, vector<16xi32>
      %broadcast_in_dim3A_1542 = vector.shape_cast %select_n3A_1541 : vector<16xi32> to vector<16x1xi32>
      %gather3A_1543 = vector.shape_cast %broadcast_in_dim3A_1542 : vector<16x1xi32> to vector<16xi32>
      %gather3A_1544 = tpu.dynamic_gather %mul3A_1398[%gather3A_1543] in [0] : vector<16xf32>, vector<16xi32> -> vector<16xf32>
      %broadcast_in_dim3A_1545 = arith.constant 2 : i32
      %broadcast_in_dim3A_1546 = vector.broadcast %broadcast_in_dim3A_1545 : i32 to vector<16xi32>
      %lt3A_1547 = arith.constant 0 : i32
      %lt3A_1548 = vector.broadcast %lt3A_1547 : i32 to vector<16xi32>
      %lt3A_1549 = arith.cmpi slt, %broadcast_in_dim3A_1546, %lt3A_1548 : vector<16xi32>
      %add3A_1550 = arith.constant 16 : i32
      %add3A_1551 = vector.broadcast %add3A_1550 : i32 to vector<16xi32>
      %add3A_1552 = arith.addi %broadcast_in_dim3A_1546, %add3A_1551 : vector<16xi32>
      %select_n3A_1553 = arith.select %lt3A_1549, %add3A_1552, %broadcast_in_dim3A_1546 : vector<16xi1>, vector<16xi32>
      %broadcast_in_dim3A_1554 = vector.shape_cast %select_n3A_1553 : vector<16xi32> to vector<16x1xi32>
      %gather3A_1555 = vector.shape_cast %broadcast_in_dim3A_1554 : vector<16x1xi32> to vector<16xi32>
      %gather3A_1556 = tpu.dynamic_gather %mul3A_1398[%gather3A_1555] in [0] : vector<16xf32>, vector<16xi32> -> vector<16xf32>
      %broadcast_in_dim3A_1557 = arith.constant 10 : i32
      %broadcast_in_dim3A_1558 = vector.broadcast %broadcast_in_dim3A_1557 : i32 to vector<16xi32>
      %lt3A_1559 = arith.constant 0 : i32
      %lt3A_1560 = vector.broadcast %lt3A_1559 : i32 to vector<16xi32>
      %lt3A_1561 = arith.cmpi slt, %broadcast_in_dim3A_1558, %lt3A_1560 : vector<16xi32>
      %add3A_1562 = arith.constant 16 : i32
      %add3A_1563 = vector.broadcast %add3A_1562 : i32 to vector<16xi32>
      %add3A_1564 = arith.addi %broadcast_in_dim3A_1558, %add3A_1563 : vector<16xi32>
      %select_n3A_1565 = arith.select %lt3A_1561, %add3A_1564, %broadcast_in_dim3A_1558 : vector<16xi1>, vector<16xi32>
      %broadcast_in_dim3A_1566 = vector.shape_cast %select_n3A_1565 : vector<16xi32> to vector<16x1xi32>
      %gather3A_1567 = vector.shape_cast %broadcast_in_dim3A_1566 : vector<16x1xi32> to vector<16xi32>
      %gather3A_1568 = tpu.dynamic_gather %mul3A_1398[%gather3A_1567] in [0] : vector<16xf32>, vector<16xi32> -> vector<16xf32>
      %broadcast_in_dim3A_1569 = arith.constant 6 : i32
      %broadcast_in_dim3A_1570 = vector.broadcast %broadcast_in_dim3A_1569 : i32 to vector<16xi32>
      %lt3A_1571 = arith.constant 0 : i32
      %lt3A_1572 = vector.broadcast %lt3A_1571 : i32 to vector<16xi32>
      %lt3A_1573 = arith.cmpi slt, %broadcast_in_dim3A_1570, %lt3A_1572 : vector<16xi32>
      %add3A_1574 = arith.constant 16 : i32
      %add3A_1575 = vector.broadcast %add3A_1574 : i32 to vector<16xi32>
      %add3A_1576 = arith.addi %broadcast_in_dim3A_1570, %add3A_1575 : vector<16xi32>
      %select_n3A_1577 = arith.select %lt3A_1573, %add3A_1576, %broadcast_in_dim3A_1570 : vector<16xi1>, vector<16xi32>
      %broadcast_in_dim3A_1578 = vector.shape_cast %select_n3A_1577 : vector<16xi32> to vector<16x1xi32>
      %gather3A_1579 = vector.shape_cast %broadcast_in_dim3A_1578 : vector<16x1xi32> to vector<16xi32>
      %gather3A_1580 = tpu.dynamic_gather %mul3A_1398[%gather3A_1579] in [0] : vector<16xf32>, vector<16xi32> -> vector<16xf32>
      %broadcast_in_dim3A_1581 = arith.constant 14 : i32
      %broadcast_in_dim3A_1582 = vector.broadcast %broadcast_in_dim3A_1581 : i32 to vector<16xi32>
      %lt3A_1583 = arith.constant 0 : i32
      %lt3A_1584 = vector.broadcast %lt3A_1583 : i32 to vector<16xi32>
      %lt3A_1585 = arith.cmpi slt, %broadcast_in_dim3A_1582, %lt3A_1584 : vector<16xi32>
      %add3A_1586 = arith.constant 16 : i32
      %add3A_1587 = vector.broadcast %add3A_1586 : i32 to vector<16xi32>
      %add3A_1588 = arith.addi %broadcast_in_dim3A_1582, %add3A_1587 : vector<16xi32>
      %select_n3A_1589 = arith.select %lt3A_1585, %add3A_1588, %broadcast_in_dim3A_1582 : vector<16xi1>, vector<16xi32>
      %broadcast_in_dim3A_1590 = vector.shape_cast %select_n3A_1589 : vector<16xi32> to vector<16x1xi32>
      %gather3A_1591 = vector.shape_cast %broadcast_in_dim3A_1590 : vector<16x1xi32> to vector<16xi32>
      %gather3A_1592 = tpu.dynamic_gather %mul3A_1398[%gather3A_1591] in [0] : vector<16xf32>, vector<16xi32> -> vector<16xf32>
      %parallel_loop3A_1593 = arith.constant 0 : i32
      %parallel_loop3A_1594 = arith.constant 48 : i32
      %parallel_loop3A_1595 = arith.constant 1 : i32
      scf.for %parallel_loop3A_3552 = %parallel_loop3A_1593 to %parallel_loop3A_1594 step %parallel_loop3A_1595  : i32 {
        %parallel_loop3A_3553 = arith.constant 16 : i32
        %parallel_loop3A_3554 = arith.muli %parallel_loop3A_3552, %parallel_loop3A_3553 : i32
        %parallel_loop3A_3555 = arith.index_cast %parallel_loop3A_3554 : i32 to index
        %parallel_loop3A_3556 = tpu.vector_load %arg14[%parallel_loop3A_3555] {strides = array<i32>} : memref<768xf32, #tpu.memory_space<vmem>>, vector<16xf32>,
        %parallel_loop3A_3557 = vector.shape_cast %parallel_loop3A_3556 : vector<16xf32> to vector<16xf32>
        %parallel_loop3A_3558 = arith.index_cast %parallel_loop3A_3554 : i32 to index
        %parallel_loop3A_3559 = tpu.vector_load %arg15[%parallel_loop3A_3558] {strides = array<i32>} : memref<768xf32, #tpu.memory_space<vmem>>, vector<16xf32>,
        %parallel_loop3A_3560 = vector.shape_cast %parallel_loop3A_3559 : vector<16xf32> to vector<16xf32>
        %parallel_loop3A_3561 = arith.constant 0 : i32
        %parallel_loop3A_3562 = arith.index_cast %parallel_loop3A_3561 : i32 to index
        %parallel_loop3A_3563 = arith.index_cast %parallel_loop3A_3554 : i32 to index
        %parallel_loop3A_3564 = tpu.vector_load %arg9[%parallel_loop3A_3562, %parallel_loop3A_3563] {strides = array<i32>} : memref<16x768xf32, #tpu.memory_space<vmem>>, vector<1x16xf32>,
        %parallel_loop3A_3565 = vector.shape_cast %parallel_loop3A_3564 : vector<1x16xf32> to vector<16xf32>
        %parallel_loop3A_3566 = arith.mulf %parallel_loop3A_3565, %gather3A_1412 : vector<16xf32>
        %parallel_loop3A_3567 = arith.subf %parallel_loop3A_3566, %gather3A_1508 : vector<16xf32>
        %parallel_loop3A_3568 = arith.mulf %parallel_loop3A_3567, %parallel_loop3A_3557 : vector<16xf32>
        %parallel_loop3A_3569 = arith.addf %parallel_loop3A_3568, %parallel_loop3A_3560 : vector<16xf32>
        %parallel_loop3A_3570 = arith.constant 0 : i32
        %parallel_loop3A_3571 = arith.index_cast %parallel_loop3A_3570 : i32 to index
        %parallel_loop3A_3572 = arith.index_cast %parallel_loop3A_3554 : i32 to index
        %parallel_loop3A_3573 = tpu.vector_load %arg11[%parallel_loop3A_3571, %parallel_loop3A_3572] {strides = array<i32>} : memref<16x768xf32, #tpu.memory_space<vmem>>, vector<1x16xf32>,
        %parallel_loop3A_3574 = vector.shape_cast %parallel_loop3A_3573 : vector<1x16xf32> to vector<16xf32>
        %parallel_loop3A_3575 = vector.shape_cast %parallel_loop3A_3569 : vector<16xf32> to vector<1x16xf32>
        tpu.vector_store %arg11[%parallel_loop3A_3571, %parallel_loop3A_3572], %parallel_loop3A_3575 {strides = array<i32>} : memref<16x768xf32, #tpu.memory_space<vmem>>, vector<1x16xf32>,
        %parallel_loop3A_3576 = arith.constant 1 : i32
        %parallel_loop3A_3577 = arith.index_cast %parallel_loop3A_3576 : i32 to index
        %parallel_loop3A_3578 = arith.index_cast %parallel_loop3A_3554 : i32 to index
        %parallel_loop3A_3579 = tpu.vector_load %arg9[%parallel_loop3A_3577, %parallel_loop3A_3578] {strides = array<i32>} : memref<16x768xf32, #tpu.memory_space<vmem>>, vector<1x16xf32>,
        %parallel_loop3A_3580 = vector.shape_cast %parallel_loop3A_3579 : vector<1x16xf32> to vector<16xf32>
        %parallel_loop3A_3581 = arith.mulf %parallel_loop3A_3580, %gather3A_1424 : vector<16xf32>
        %parallel_loop3A_3582 = arith.subf %parallel_loop3A_3581, %gather3A_1520 : vector<16xf32>
        %parallel_loop3A_3583 = arith.mulf %parallel_loop3A_3582, %parallel_loop3A_3557 : vector<16xf32>
        %parallel_loop3A_3584 = arith.addf %parallel_loop3A_3583, %parallel_loop3A_3560 : vector<16xf32>
        %parallel_loop3A_3585 = arith.constant 1 : i32
        %parallel_loop3A_3586 = arith.index_cast %parallel_loop3A_3585 : i32 to index
        %parallel_loop3A_3587 = arith.index_cast %parallel_loop3A_3554 : i32 to index
        %parallel_loop3A_3588 = tpu.vector_load %arg11[%parallel_loop3A_3586, %parallel_loop3A_3587] {strides = array<i32>} : memref<16x768xf32, #tpu.memory_space<vmem>>, vector<1x16xf32>,
        %parallel_loop3A_3589 = vector.shape_cast %parallel_loop3A_3588 : vector<1x16xf32> to vector<16xf32>
        %parallel_loop3A_3590 = vector.shape_cast %parallel_loop3A_3584 : vector<16xf32> to vector<1x16xf32>
        tpu.vector_store %arg11[%parallel_loop3A_3586, %parallel_loop3A_3587], %parallel_loop3A_3590 {strides = array<i32>} : memref<16x768xf32, #tpu.memory_space<vmem>>, vector<1x16xf32>,
        %parallel_loop3A_3591 = arith.constant 2 : i32
        %parallel_loop3A_3592 = arith.index_cast %parallel_loop3A_3591 : i32 to index
        %parallel_loop3A_3593 = arith.index_cast %parallel_loop3A_3554 : i32 to index
        %parallel_loop3A_3594 = tpu.vector_load %arg9[%parallel_loop3A_3592, %parallel_loop3A_3593] {strides = array<i32>} : memref<16x768xf32, #tpu.memory_space<vmem>>, vector<1x16xf32>,
        %parallel_loop3A_3595 = vector.shape_cast %parallel_loop3A_3594 : vector<1x16xf32> to vector<16xf32>
        %parallel_loop3A_3596 = arith.mulf %parallel_loop3A_3595, %gather3A_1436 : vector<16xf32>
        %parallel_loop3A_3597 = arith.subf %parallel_loop3A_3596, %gather3A_1532 : vector<16xf32>
        %parallel_loop3A_3598 = arith.mulf %parallel_loop3A_3597, %parallel_loop3A_3557 : vector<16xf32>
        %parallel_loop3A_3599 = arith.addf %parallel_loop3A_3598, %parallel_loop3A_3560 : vector<16xf32>
        %parallel_loop3A_3600 = arith.constant 2 : i32
        %parallel_loop3A_3601 = arith.index_cast %parallel_loop3A_3600 : i32 to index
        %parallel_loop3A_3602 = arith.index_cast %parallel_loop3A_3554 : i32 to index
        %parallel_loop3A_3603 = tpu.vector_load %arg11[%parallel_loop3A_3601, %parallel_loop3A_3602] {strides = array<i32>} : memref<16x768xf32, #tpu.memory_space<vmem>>, vector<1x16xf32>,
        %parallel_loop3A_3604 = vector.shape_cast %parallel_loop3A_3603 : vector<1x16xf32> to vector<16xf32>
        %parallel_loop3A_3605 = vector.shape_cast %parallel_loop3A_3599 : vector<16xf32> to vector<1x16xf32>
        tpu.vector_store %arg11[%parallel_loop3A_3601, %parallel_loop3A_3602], %parallel_loop3A_3605 {strides = array<i32>} : memref<16x768xf32, #tpu.memory_space<vmem>>, vector<1x16xf32>,
        %parallel_loop3A_3606 = arith.constant 3 : i32
        %parallel_loop3A_3607 = arith.index_cast %parallel_loop3A_3606 : i32 to index
        %parallel_loop3A_3608 = arith.index_cast %parallel_loop3A_3554 : i32 to index
        %parallel_loop3A_3609 = tpu.vector_load %arg9[%parallel_loop3A_3607, %parallel_loop3A_3608] {strides = array<i32>} : memref<16x768xf32, #tpu.memory_space<vmem>>, vector<1x16xf32>,
        %parallel_loop3A_3610 = vector.shape_cast %parallel_loop3A_3609 : vector<1x16xf32> to vector<16xf32>
        %parallel_loop3A_3611 = arith.mulf %parallel_loop3A_3610, %gather3A_1448 : vector<16xf32>
        %parallel_loop3A_3612 = arith.subf %parallel_loop3A_3611, %gather3A_1544 : vector<16xf32>
        %parallel_loop3A_3613 = arith.mulf %parallel_loop3A_3612, %parallel_loop3A_3557 : vector<16xf32>
        %parallel_loop3A_3614 = arith.addf %parallel_loop3A_3613, %parallel_loop3A_3560 : vector<16xf32>
        %parallel_loop3A_3615 = arith.constant 3 : i32
        %parallel_loop3A_3616 = arith.index_cast %parallel_loop3A_3615 : i32 to index
        %parallel_loop3A_3617 = arith.index_cast %parallel_loop3A_3554 : i32 to index
        %parallel_loop3A_3618 = tpu.vector_load %arg11[%parallel_loop3A_3616, %parallel_loop3A_3617] {strides = array<i32>} : memref<16x768xf32, #tpu.memory_space<vmem>>, vector<1x16xf32>,
        %parallel_loop3A_3619 = vector.shape_cast %parallel_loop3A_3618 : vector<1x16xf32> to vector<16xf32>
        %parallel_loop3A_3620 = vector.shape_cast %parallel_loop3A_3614 : vector<16xf32> to vector<1x16xf32>
        tpu.vector_store %arg11[%parallel_loop3A_3616, %parallel_loop3A_3617], %parallel_loop3A_3620 {strides = array<i32>} : memref<16x768xf32, #tpu.memory_space<vmem>>, vector<1x16xf32>,
        %parallel_loop3A_3621 = arith.constant 4 : i32
        %parallel_loop3A_3622 = arith.index_cast %parallel_loop3A_3621 : i32 to index
        %parallel_loop3A_3623 = arith.index_cast %parallel_loop3A_3554 : i32 to index
        %parallel_loop3A_3624 = tpu.vector_load %arg9[%parallel_loop3A_3622, %parallel_loop3A_3623] {strides = array<i32>} : memref<16x768xf32, #tpu.memory_space<vmem>>, vector<1x16xf32>,
        %parallel_loop3A_3625 = vector.shape_cast %parallel_loop3A_3624 : vector<1x16xf32> to vector<16xf32>
        %parallel_loop3A_3626 = arith.mulf %parallel_loop3A_3625, %gather3A_1460 : vector<16xf32>
        %parallel_loop3A_3627 = arith.subf %parallel_loop3A_3626, %gather3A_1556 : vector<16xf32>
        %parallel_loop3A_3628 = arith.mulf %parallel_loop3A_3627, %parallel_loop3A_3557 : vector<16xf32>
        %parallel_loop3A_3629 = arith.addf %parallel_loop3A_3628, %parallel_loop3A_3560 : vector<16xf32>
        %parallel_loop3A_3630 = arith.constant 4 : i32
        %parallel_loop3A_3631 = arith.index_cast %parallel_loop3A_3630 : i32 to index
        %parallel_loop3A_3632 = arith.index_cast %parallel_loop3A_3554 : i32 to index
        %parallel_loop3A_3633 = tpu.vector_load %arg11[%parallel_loop3A_3631, %parallel_loop3A_3632] {strides = array<i32>} : memref<16x768xf32, #tpu.memory_space<vmem>>, vector<1x16xf32>,
        %parallel_loop3A_3634 = vector.shape_cast %parallel_loop3A_3633 : vector<1x16xf32> to vector<16xf32>
        %parallel_loop3A_3635 = vector.shape_cast %parallel_loop3A_3629 : vector<16xf32> to vector<1x16xf32>
        tpu.vector_store %arg11[%parallel_loop3A_3631, %parallel_loop3A_3632], %parallel_loop3A_3635 {strides = array<i32>} : memref<16x768xf32, #tpu.memory_space<vmem>>, vector<1x16xf32>,
        %parallel_loop3A_3636 = arith.constant 5 : i32
        %parallel_loop3A_3637 = arith.index_cast %parallel_loop3A_3636 : i32 to index
        %parallel_loop3A_3638 = arith.index_cast %parallel_loop3A_3554 : i32 to index
        %parallel_loop3A_3639 = tpu.vector_load %arg9[%parallel_loop3A_3637, %parallel_loop3A_3638] {strides = array<i32>} : memref<16x768xf32, #tpu.memory_space<vmem>>, vector<1x16xf32>,
        %parallel_loop3A_3640 = vector.shape_cast %parallel_loop3A_3639 : vector<1x16xf32> to vector<16xf32>
        %parallel_loop3A_3641 = arith.mulf %parallel_loop3A_3640, %gather3A_1472 : vector<16xf32>
        %parallel_loop3A_3642 = arith.subf %parallel_loop3A_3641, %gather3A_1568 : vector<16xf32>
        %parallel_loop3A_3643 = arith.mulf %parallel_loop3A_3642, %parallel_loop3A_3557 : vector<16xf32>
        %parallel_loop3A_3644 = arith.addf %parallel_loop3A_3643, %parallel_loop3A_3560 : vector<16xf32>
        %parallel_loop3A_3645 = arith.constant 5 : i32
        %parallel_loop3A_3646 = arith.index_cast %parallel_loop3A_3645 : i32 to index
        %parallel_loop3A_3647 = arith.index_cast %parallel_loop3A_3554 : i32 to index
        %parallel_loop3A_3648 = tpu.vector_load %arg11[%parallel_loop3A_3646, %parallel_loop3A_3647] {strides = array<i32>} : memref<16x768xf32, #tpu.memory_space<vmem>>, vector<1x16xf32>,
        %parallel_loop3A_3649 = vector.shape_cast %parallel_loop3A_3648 : vector<1x16xf32> to vector<16xf32>
        %parallel_loop3A_3650 = vector.shape_cast %parallel_loop3A_3644 : vector<16xf32> to vector<1x16xf32>
        tpu.vector_store %arg11[%parallel_loop3A_3646, %parallel_loop3A_3647], %parallel_loop3A_3650 {strides = array<i32>} : memref<16x768xf32, #tpu.memory_space<vmem>>, vector<1x16xf32>,
        %parallel_loop3A_3651 = arith.constant 6 : i32
        %parallel_loop3A_3652 = arith.index_cast %parallel_loop3A_3651 : i32 to index
        %parallel_loop3A_3653 = arith.index_cast %parallel_loop3A_3554 : i32 to index
        %parallel_loop3A_3654 = tpu.vector_load %arg9[%parallel_loop3A_3652, %parallel_loop3A_3653] {strides = array<i32>} : memref<16x768xf32, #tpu.memory_space<vmem>>, vector<1x16xf32>,
        %parallel_loop3A_3655 = vector.shape_cast %parallel_loop3A_3654 : vector<1x16xf32> to vector<16xf32>
        %parallel_loop3A_3656 = arith.mulf %parallel_loop3A_3655, %gather3A_1484 : vector<16xf32>
        %parallel_loop3A_3657 = arith.subf %parallel_loop3A_3656, %gather3A_1580 : vector<16xf32>
        %parallel_loop3A_3658 = arith.mulf %parallel_loop3A_3657, %parallel_loop3A_3557 : vector<16xf32>
        %parallel_loop3A_3659 = arith.addf %parallel_loop3A_3658, %parallel_loop3A_3560 : vector<16xf32>
        %parallel_loop3A_3660 = arith.constant 6 : i32
        %parallel_loop3A_3661 = arith.index_cast %parallel_loop3A_3660 : i32 to index
        %parallel_loop3A_3662 = arith.index_cast %parallel_loop3A_3554 : i32 to index
        %parallel_loop3A_3663 = tpu.vector_load %arg11[%parallel_loop3A_3661, %parallel_loop3A_3662] {strides = array<i32>} : memref<16x768xf32, #tpu.memory_space<vmem>>, vector<1x16xf32>,
        %parallel_loop3A_3664 = vector.shape_cast %parallel_loop3A_3663 : vector<1x16xf32> to vector<16xf32>
        %parallel_loop3A_3665 = vector.shape_cast %parallel_loop3A_3659 : vector<16xf32> to vector<1x16xf32>
        tpu.vector_store %arg11[%parallel_loop3A_3661, %parallel_loop3A_3662], %parallel_loop3A_3665 {strides = array<i32>} : memref<16x768xf32, #tpu.memory_space<vmem>>, vector<1x16xf32>,
        %parallel_loop3A_3666 = arith.constant 7 : i32
        %parallel_loop3A_3667 = arith.index_cast %parallel_loop3A_3666 : i32 to index
        %parallel_loop3A_3668 = arith.index_cast %parallel_loop3A_3554 : i32 to index
        %parallel_loop3A_3669 = tpu.vector_load %arg9[%parallel_loop3A_3667, %parallel_loop3A_3668] {strides = array<i32>} : memref<16x768xf32, #tpu.memory_space<vmem>>, vector<1x16xf32>,
        %parallel_loop3A_3670 = vector.shape_cast %parallel_loop3A_3669 : vector<1x16xf32> to vector<16xf32>
        %parallel_loop3A_3671 = arith.mulf %parallel_loop3A_3670, %gather3A_1496 : vector<16xf32>
        %parallel_loop3A_3672 = arith.subf %parallel_loop3A_3671, %gather3A_1592 : vector<16xf32>
        %parallel_loop3A_3673 = arith.mulf %parallel_loop3A_3672, %parallel_loop3A_3557 : vector<16xf32>
        %parallel_loop3A_3674 = arith.addf %parallel_loop3A_3673, %parallel_loop3A_3560 : vector<16xf32>
        %parallel_loop3A_3675 = arith.constant 7 : i32
        %parallel_loop3A_3676 = arith.index_cast %parallel_loop3A_3675 : i32 to index
        %parallel_loop3A_3677 = arith.index_cast %parallel_loop3A_3554 : i32 to index
        %parallel_loop3A_3678 = tpu.vector_load %arg11[%parallel_loop3A_3676, %parallel_loop3A_3677] {strides = array<i32>} : memref<16x768xf32, #tpu.memory_space<vmem>>, vector<1x16xf32>,
        %parallel_loop3A_3679 = vector.shape_cast %parallel_loop3A_3678 : vector<1x16xf32> to vector<16xf32>
        %parallel_loop3A_3680 = vector.shape_cast %parallel_loop3A_3674 : vector<16xf32> to vector<1x16xf32>
        tpu.vector_store %arg11[%parallel_loop3A_3676, %parallel_loop3A_3677], %parallel_loop3A_3680 {strides = array<i32>} : memref<16x768xf32, #tpu.memory_space<vmem>>, vector<1x16xf32>,
      } {sc.loop_unroll_factor = 1 : i64, sc.parallel_access}
      %broadcast_in_dim3A_1596 = arith.constant 1 : i32
      %broadcast_in_dim3A_1597 = vector.broadcast %broadcast_in_dim3A_1596 : i32 to vector<16xi32>
      %lt3A_1598 = arith.constant 0 : i32
      %lt3A_1599 = vector.broadcast %lt3A_1598 : i32 to vector<16xi32>
      %lt3A_1600 = arith.cmpi slt, %broadcast_in_dim3A_1597, %lt3A_1599 : vector<16xi32>
      %add3A_1601 = arith.constant 16 : i32
      %add3A_1602 = vector.broadcast %add3A_1601 : i32 to vector<16xi32>
      %add3A_1603 = arith.addi %broadcast_in_dim3A_1597, %add3A_1602 : vector<16xi32>
      %select_n3A_1604 = arith.select %lt3A_1600, %add3A_1603, %broadcast_in_dim3A_1597 : vector<16xi1>, vector<16xi32>
      %broadcast_in_dim3A_1605 = vector.shape_cast %select_n3A_1604 : vector<16xi32> to vector<16x1xi32>
      %gather3A_1606 = vector.shape_cast %broadcast_in_dim3A_1605 : vector<16x1xi32> to vector<16xi32>
      %gather3A_1607 = tpu.dynamic_gather %mul3A_1397[%gather3A_1606] in [0] : vector<16xf32>, vector<16xi32> -> vector<16xf32>
      %broadcast_in_dim3A_1608 = arith.constant 9 : i32
      %broadcast_in_dim3A_1609 = vector.broadcast %broadcast_in_dim3A_1608 : i32 to vector<16xi32>
      %lt3A_1610 = arith.constant 0 : i32
      %lt3A_1611 = vector.broadcast %lt3A_1610 : i32 to vector<16xi32>
      %lt3A_1612 = arith.cmpi slt, %broadcast_in_dim3A_1609, %lt3A_1611 : vector<16xi32>
      %add3A_1613 = arith.constant 16 : i32
      %add3A_1614 = vector.broadcast %add3A_1613 : i32 to vector<16xi32>
      %add3A_1615 = arith.addi %broadcast_in_dim3A_1609, %add3A_1614 : vector<16xi32>
      %select_n3A_1616 = arith.select %lt3A_1612, %add3A_1615, %broadcast_in_dim3A_1609 : vector<16xi1>, vector<16xi32>
      %broadcast_in_dim3A_1617 = vector.shape_cast %select_n3A_1616 : vector<16xi32> to vector<16x1xi32>
      %gather3A_1618 = vector.shape_cast %broadcast_in_dim3A_1617 : vector<16x1xi32> to vector<16xi32>
      %gather3A_1619 = tpu.dynamic_gather %mul3A_1397[%gather3A_1618] in [0] : vector<16xf32>, vector<16xi32> -> vector<16xf32>
      %broadcast_in_dim3A_1620 = arith.constant 5 : i32
      %broadcast_in_dim3A_1621 = vector.broadcast %broadcast_in_dim3A_1620 : i32 to vector<16xi32>
      %lt3A_1622 = arith.constant 0 : i32
      %lt3A_1623 = vector.broadcast %lt3A_1622 : i32 to vector<16xi32>
      %lt3A_1624 = arith.cmpi slt, %broadcast_in_dim3A_1621, %lt3A_1623 : vector<16xi32>
      %add3A_1625 = arith.constant 16 : i32
      %add3A_1626 = vector.broadcast %add3A_1625 : i32 to vector<16xi32>
      %add3A_1627 = arith.addi %broadcast_in_dim3A_1621, %add3A_1626 : vector<16xi32>
      %select_n3A_1628 = arith.select %lt3A_1624, %add3A_1627, %broadcast_in_dim3A_1621 : vector<16xi1>, vector<16xi32>
      %broadcast_in_dim3A_1629 = vector.shape_cast %select_n3A_1628 : vector<16xi32> to vector<16x1xi32>
      %gather3A_1630 = vector.shape_cast %broadcast_in_dim3A_1629 : vector<16x1xi32> to vector<16xi32>
      %gather3A_1631 = tpu.dynamic_gather %mul3A_1397[%gather3A_1630] in [0] : vector<16xf32>, vector<16xi32> -> vector<16xf32>
      %broadcast_in_dim3A_1632 = arith.constant 13 : i32
      %broadcast_in_dim3A_1633 = vector.broadcast %broadcast_in_dim3A_1632 : i32 to vector<16xi32>
      %lt3A_1634 = arith.constant 0 : i32
      %lt3A_1635 = vector.broadcast %lt3A_1634 : i32 to vector<16xi32>
      %lt3A_1636 = arith.cmpi slt, %broadcast_in_dim3A_1633, %lt3A_1635 : vector<16xi32>
      %add3A_1637 = arith.constant 16 : i32
      %add3A_1638 = vector.broadcast %add3A_1637 : i32 to vector<16xi32>
      %add3A_1639 = arith.addi %broadcast_in_dim3A_1633, %add3A_1638 : vector<16xi32>
      %select_n3A_1640 = arith.select %lt3A_1636, %add3A_1639, %broadcast_in_dim3A_1633 : vector<16xi1>, vector<16xi32>
      %broadcast_in_dim3A_1641 = vector.shape_cast %select_n3A_1640 : vector<16xi32> to vector<16x1xi32>
      %gather3A_1642 = vector.shape_cast %broadcast_in_dim3A_1641 : vector<16x1xi32> to vector<16xi32>
      %gather3A_1643 = tpu.dynamic_gather %mul3A_1397[%gather3A_1642] in [0] : vector<16xf32>, vector<16xi32> -> vector<16xf32>
      %broadcast_in_dim3A_1644 = arith.constant 3 : i32
      %broadcast_in_dim3A_1645 = vector.broadcast %broadcast_in_dim3A_1644 : i32 to vector<16xi32>
      %lt3A_1646 = arith.constant 0 : i32
      %lt3A_1647 = vector.broadcast %lt3A_1646 : i32 to vector<16xi32>
      %lt3A_1648 = arith.cmpi slt, %broadcast_in_dim3A_1645, %lt3A_1647 : vector<16xi32>
      %add3A_1649 = arith.constant 16 : i32
      %add3A_1650 = vector.broadcast %add3A_1649 : i32 to vector<16xi32>
      %add3A_1651 = arith.addi %broadcast_in_dim3A_1645, %add3A_1650 : vector<16xi32>
      %select_n3A_1652 = arith.select %lt3A_1648, %add3A_1651, %broadcast_in_dim3A_1645 : vector<16xi1>, vector<16xi32>
      %broadcast_in_dim3A_1653 = vector.shape_cast %select_n3A_1652 : vector<16xi32> to vector<16x1xi32>
      %gather3A_1654 = vector.shape_cast %broadcast_in_dim3A_1653 : vector<16x1xi32> to vector<16xi32>
      %gather3A_1655 = tpu.dynamic_gather %mul3A_1397[%gather3A_1654] in [0] : vector<16xf32>, vector<16xi32> -> vector<16xf32>
      %broadcast_in_dim3A_1656 = arith.constant 11 : i32
      %broadcast_in_dim3A_1657 = vector.broadcast %broadcast_in_dim3A_1656 : i32 to vector<16xi32>
      %lt3A_1658 = arith.constant 0 : i32
      %lt3A_1659 = vector.broadcast %lt3A_1658 : i32 to vector<16xi32>
      %lt3A_1660 = arith.cmpi slt, %broadcast_in_dim3A_1657, %lt3A_1659 : vector<16xi32>
      %add3A_1661 = arith.constant 16 : i32
      %add3A_1662 = vector.broadcast %add3A_1661 : i32 to vector<16xi32>
      %add3A_1663 = arith.addi %broadcast_in_dim3A_1657, %add3A_1662 : vector<16xi32>
      %select_n3A_1664 = arith.select %lt3A_1660, %add3A_1663, %broadcast_in_dim3A_1657 : vector<16xi1>, vector<16xi32>
      %broadcast_in_dim3A_1665 = vector.shape_cast %select_n3A_1664 : vector<16xi32> to vector<16x1xi32>
      %gather3A_1666 = vector.shape_cast %broadcast_in_dim3A_1665 : vector<16x1xi32> to vector<16xi32>
      %gather3A_1667 = tpu.dynamic_gather %mul3A_1397[%gather3A_1666] in [0] : vector<16xf32>, vector<16xi32> -> vector<16xf32>
      %broadcast_in_dim3A_1668 = arith.constant 7 : i32
      %broadcast_in_dim3A_1669 = vector.broadcast %broadcast_in_dim3A_1668 : i32 to vector<16xi32>
      %lt3A_1670 = arith.constant 0 : i32
      %lt3A_1671 = vector.broadcast %lt3A_1670 : i32 to vector<16xi32>
      %lt3A_1672 = arith.cmpi slt, %broadcast_in_dim3A_1669, %lt3A_1671 : vector<16xi32>
      %add3A_1673 = arith.constant 16 : i32
      %add3A_1674 = vector.broadcast %add3A_1673 : i32 to vector<16xi32>
      %add3A_1675 = arith.addi %broadcast_in_dim3A_1669, %add3A_1674 : vector<16xi32>
      %select_n3A_1676 = arith.select %lt3A_1672, %add3A_1675, %broadcast_in_dim3A_1669 : vector<16xi1>, vector<16xi32>
      %broadcast_in_dim3A_1677 = vector.shape_cast %select_n3A_1676 : vector<16xi32> to vector<16x1xi32>
      %gather3A_1678 = vector.shape_cast %broadcast_in_dim3A_1677 : vector<16x1xi32> to vector<16xi32>
      %gather3A_1679 = tpu.dynamic_gather %mul3A_1397[%gather3A_1678] in [0] : vector<16xf32>, vector<16xi32> -> vector<16xf32>
      %broadcast_in_dim3A_1680 = arith.constant 15 : i32
      %broadcast_in_dim3A_1681 = vector.broadcast %broadcast_in_dim3A_1680 : i32 to vector<16xi32>
      %lt3A_1682 = arith.constant 0 : i32
      %lt3A_1683 = vector.broadcast %lt3A_1682 : i32 to vector<16xi32>
      %lt3A_1684 = arith.cmpi slt, %broadcast_in_dim3A_1681, %lt3A_1683 : vector<16xi32>
      %add3A_1685 = arith.constant 16 : i32
      %add3A_1686 = vector.broadcast %add3A_1685 : i32 to vector<16xi32>
      %add3A_1687 = arith.addi %broadcast_in_dim3A_1681, %add3A_1686 : vector<16xi32>
      %select_n3A_1688 = arith.select %lt3A_1684, %add3A_1687, %broadcast_in_dim3A_1681 : vector<16xi1>, vector<16xi32>
      %broadcast_in_dim3A_1689 = vector.shape_cast %select_n3A_1688 : vector<16xi32> to vector<16x1xi32>
      %gather3A_1690 = vector.shape_cast %broadcast_in_dim3A_1689 : vector<16x1xi32> to vector<16xi32>
      %gather3A_1691 = tpu.dynamic_gather %mul3A_1397[%gather3A_1690] in [0] : vector<16xf32>, vector<16xi32> -> vector<16xf32>
      %broadcast_in_dim3A_1692 = arith.constant 1 : i32
      %broadcast_in_dim3A_1693 = vector.broadcast %broadcast_in_dim3A_1692 : i32 to vector<16xi32>
      %lt3A_1694 = arith.constant 0 : i32
      %lt3A_1695 = vector.broadcast %lt3A_1694 : i32 to vector<16xi32>
      %lt3A_1696 = arith.cmpi slt, %broadcast_in_dim3A_1693, %lt3A_1695 : vector<16xi32>
      %add3A_1697 = arith.constant 16 : i32
      %add3A_1698 = vector.broadcast %add3A_1697 : i32 to vector<16xi32>
      %add3A_1699 = arith.addi %broadcast_in_dim3A_1693, %add3A_1698 : vector<16xi32>
      %select_n3A_1700 = arith.select %lt3A_1696, %add3A_1699, %broadcast_in_dim3A_1693 : vector<16xi1>, vector<16xi32>
      %broadcast_in_dim3A_1701 = vector.shape_cast %select_n3A_1700 : vector<16xi32> to vector<16x1xi32>
      %gather3A_1702 = vector.shape_cast %broadcast_in_dim3A_1701 : vector<16x1xi32> to vector<16xi32>
      %gather3A_1703 = tpu.dynamic_gather %mul3A_1398[%gather3A_1702] in [0] : vector<16xf32>, vector<16xi32> -> vector<16xf32>
      %broadcast_in_dim3A_1704 = arith.constant 9 : i32
      %broadcast_in_dim3A_1705 = vector.broadcast %broadcast_in_dim3A_1704 : i32 to vector<16xi32>
      %lt3A_1706 = arith.constant 0 : i32
      %lt3A_1707 = vector.broadcast %lt3A_1706 : i32 to vector<16xi32>
      %lt3A_1708 = arith.cmpi slt, %broadcast_in_dim3A_1705, %lt3A_1707 : vector<16xi32>
      %add3A_1709 = arith.constant 16 : i32
      %add3A_1710 = vector.broadcast %add3A_1709 : i32 to vector<16xi32>
      %add3A_1711 = arith.addi %broadcast_in_dim3A_1705, %add3A_1710 : vector<16xi32>
      %select_n3A_1712 = arith.select %lt3A_1708, %add3A_1711, %broadcast_in_dim3A_1705 : vector<16xi1>, vector<16xi32>
      %broadcast_in_dim3A_1713 = vector.shape_cast %select_n3A_1712 : vector<16xi32> to vector<16x1xi32>
      %gather3A_1714 = vector.shape_cast %broadcast_in_dim3A_1713 : vector<16x1xi32> to vector<16xi32>
      %gather3A_1715 = tpu.dynamic_gather %mul3A_1398[%gather3A_1714] in [0] : vector<16xf32>, vector<16xi32> -> vector<16xf32>
      %broadcast_in_dim3A_1716 = arith.constant 5 : i32
      %broadcast_in_dim3A_1717 = vector.broadcast %broadcast_in_dim3A_1716 : i32 to vector<16xi32>
      %lt3A_1718 = arith.constant 0 : i32
      %lt3A_1719 = vector.broadcast %lt3A_1718 : i32 to vector<16xi32>
      %lt3A_1720 = arith.cmpi slt, %broadcast_in_dim3A_1717, %lt3A_1719 : vector<16xi32>
      %add3A_1721 = arith.constant 16 : i32
      %add3A_1722 = vector.broadcast %add3A_1721 : i32 to vector<16xi32>
      %add3A_1723 = arith.addi %broadcast_in_dim3A_1717, %add3A_1722 : vector<16xi32>
      %select_n3A_1724 = arith.select %lt3A_1720, %add3A_1723, %broadcast_in_dim3A_1717 : vector<16xi1>, vector<16xi32>
      %broadcast_in_dim3A_1725 = vector.shape_cast %select_n3A_1724 : vector<16xi32> to vector<16x1xi32>
      %gather3A_1726 = vector.shape_cast %broadcast_in_dim3A_1725 : vector<16x1xi32> to vector<16xi32>
      %gather3A_1727 = tpu.dynamic_gather %mul3A_1398[%gather3A_1726] in [0] : vector<16xf32>, vector<16xi32> -> vector<16xf32>
      %broadcast_in_dim3A_1728 = arith.constant 13 : i32
      %broadcast_in_dim3A_1729 = vector.broadcast %broadcast_in_dim3A_1728 : i32 to vector<16xi32>
      %lt3A_1730 = arith.constant 0 : i32
      %lt3A_1731 = vector.broadcast %lt3A_1730 : i32 to vector<16xi32>
      %lt3A_1732 = arith.cmpi slt, %broadcast_in_dim3A_1729, %lt3A_1731 : vector<16xi32>
      %add3A_1733 = arith.constant 16 : i32
      %add3A_1734 = vector.broadcast %add3A_1733 : i32 to vector<16xi32>
      %add3A_1735 = arith.addi %broadcast_in_dim3A_1729, %add3A_1734 : vector<16xi32>
      %select_n3A_1736 = arith.select %lt3A_1732, %add3A_1735, %broadcast_in_dim3A_1729 : vector<16xi1>, vector<16xi32>
      %broadcast_in_dim3A_1737 = vector.shape_cast %select_n3A_1736 : vector<16xi32> to vector<16x1xi32>
      %gather3A_1738 = vector.shape_cast %broadcast_in_dim3A_1737 : vector<16x1xi32> to vector<16xi32>
      %gather3A_1739 = tpu.dynamic_gather %mul3A_1398[%gather3A_1738] in [0] : vector<16xf32>, vector<16xi32> -> vector<16xf32>
      %broadcast_in_dim3A_1740 = arith.constant 3 : i32
      %broadcast_in_dim3A_1741 = vector.broadcast %broadcast_in_dim3A_1740 : i32 to vector<16xi32>
      %lt3A_1742 = arith.constant 0 : i32
      %lt3A_1743 = vector.broadcast %lt3A_1742 : i32 to vector<16xi32>
      %lt3A_1744 = arith.cmpi slt, %broadcast_in_dim3A_1741, %lt3A_1743 : vector<16xi32>
      %add3A_1745 = arith.constant 16 : i32
      %add3A_1746 = vector.broadcast %add3A_1745 : i32 to vector<16xi32>
      %add3A_1747 = arith.addi %broadcast_in_dim3A_1741, %add3A_1746 : vector<16xi32>
      %select_n3A_1748 = arith.select %lt3A_1744, %add3A_1747, %broadcast_in_dim3A_1741 : vector<16xi1>, vector<16xi32>
      %broadcast_in_dim3A_1749 = vector.shape_cast %select_n3A_1748 : vector<16xi32> to vector<16x1xi32>
      %gather3A_1750 = vector.shape_cast %broadcast_in_dim3A_1749 : vector<16x1xi32> to vector<16xi32>
      %gather3A_1751 = tpu.dynamic_gather %mul3A_1398[%gather3A_1750] in [0] : vector<16xf32>, vector<16xi32> -> vector<16xf32>
      %broadcast_in_dim3A_1752 = arith.constant 11 : i32
      %broadcast_in_dim3A_1753 = vector.broadcast %broadcast_in_dim3A_1752 : i32 to vector<16xi32>
      %lt3A_1754 = arith.constant 0 : i32
      %lt3A_1755 = vector.broadcast %lt3A_1754 : i32 to vector<16xi32>
      %lt3A_1756 = arith.cmpi slt, %broadcast_in_dim3A_1753, %lt3A_1755 : vector<16xi32>
      %add3A_1757 = arith.constant 16 : i32
      %add3A_1758 = vector.broadcast %add3A_1757 : i32 to vector<16xi32>
      %add3A_1759 = arith.addi %broadcast_in_dim3A_1753, %add3A_1758 : vector<16xi32>
      %select_n3A_1760 = arith.select %lt3A_1756, %add3A_1759, %broadcast_in_dim3A_1753 : vector<16xi1>, vector<16xi32>
      %broadcast_in_dim3A_1761 = vector.shape_cast %select_n3A_1760 : vector<16xi32> to vector<16x1xi32>
      %gather3A_1762 = vector.shape_cast %broadcast_in_dim3A_1761 : vector<16x1xi32> to vector<16xi32>
      %gather3A_1763 = tpu.dynamic_gather %mul3A_1398[%gather3A_1762] in [0] : vector<16xf32>, vector<16xi32> -> vector<16xf32>
      %broadcast_in_dim3A_1764 = arith.constant 7 : i32
      %broadcast_in_dim3A_1765 = vector.broadcast %broadcast_in_dim3A_1764 : i32 to vector<16xi32>
      %lt3A_1766 = arith.constant 0 : i32
      %lt3A_1767 = vector.broadcast %lt3A_1766 : i32 to vector<16xi32>
      %lt3A_1768 = arith.cmpi slt, %broadcast_in_dim3A_1765, %lt3A_1767 : vector<16xi32>
      %add3A_1769 = arith.constant 16 : i32
      %add3A_1770 = vector.broadcast %add3A_1769 : i32 to vector<16xi32>
      %add3A_1771 = arith.addi %broadcast_in_dim3A_1765, %add3A_1770 : vector<16xi32>
      %select_n3A_1772 = arith.select %lt3A_1768, %add3A_1771, %broadcast_in_dim3A_1765 : vector<16xi1>, vector<16xi32>
      %broadcast_in_dim3A_1773 = vector.shape_cast %select_n3A_1772 : vector<16xi32> to vector<16x1xi32>
      %gather3A_1774 = vector.shape_cast %broadcast_in_dim3A_1773 : vector<16x1xi32> to vector<16xi32>
      %gather3A_1775 = tpu.dynamic_gather %mul3A_1398[%gather3A_1774] in [0] : vector<16xf32>, vector<16xi32> -> vector<16xf32>
      %broadcast_in_dim3A_1776 = arith.constant 15 : i32
      %broadcast_in_dim3A_1777 = vector.broadcast %broadcast_in_dim3A_1776 : i32 to vector<16xi32>
      %lt3A_1778 = arith.constant 0 : i32
      %lt3A_1779 = vector.broadcast %lt3A_1778 : i32 to vector<16xi32>
      %lt3A_1780 = arith.cmpi slt, %broadcast_in_dim3A_1777, %lt3A_1779 : vector<16xi32>
      %add3A_1781 = arith.constant 16 : i32
      %add3A_1782 = vector.broadcast %add3A_1781 : i32 to vector<16xi32>
      %add3A_1783 = arith.addi %broadcast_in_dim3A_1777, %add3A_1782 : vector<16xi32>
      %select_n3A_1784 = arith.select %lt3A_1780, %add3A_1783, %broadcast_in_dim3A_1777 : vector<16xi1>, vector<16xi32>
      %broadcast_in_dim3A_1785 = vector.shape_cast %select_n3A_1784 : vector<16xi32> to vector<16x1xi32>
      %gather3A_1786 = vector.shape_cast %broadcast_in_dim3A_1785 : vector<16x1xi32> to vector<16xi32>
      %gather3A_1787 = tpu.dynamic_gather %mul3A_1398[%gather3A_1786] in [0] : vector<16xf32>, vector<16xi32> -> vector<16xf32>
      %parallel_loop3A_1788 = arith.constant 0 : i32
      %parallel_loop3A_1789 = arith.constant 48 : i32
      %parallel_loop3A_1790 = arith.constant 1 : i32
      scf.for %parallel_loop3A_3552 = %parallel_loop3A_1788 to %parallel_loop3A_1789 step %parallel_loop3A_1790  : i32 {
        %parallel_loop3A_3553 = arith.constant 16 : i32
        %parallel_loop3A_3554 = arith.muli %parallel_loop3A_3552, %parallel_loop3A_3553 : i32
        %parallel_loop3A_3555 = arith.index_cast %parallel_loop3A_3554 : i32 to index
        %parallel_loop3A_3556 = tpu.vector_load %arg14[%parallel_loop3A_3555] {strides = array<i32>} : memref<768xf32, #tpu.memory_space<vmem>>, vector<16xf32>,
        %parallel_loop3A_3557 = vector.shape_cast %parallel_loop3A_3556 : vector<16xf32> to vector<16xf32>
        %parallel_loop3A_3558 = arith.index_cast %parallel_loop3A_3554 : i32 to index
        %parallel_loop3A_3559 = tpu.vector_load %arg15[%parallel_loop3A_3558] {strides = array<i32>} : memref<768xf32, #tpu.memory_space<vmem>>, vector<16xf32>,
        %parallel_loop3A_3560 = vector.shape_cast %parallel_loop3A_3559 : vector<16xf32> to vector<16xf32>
        %parallel_loop3A_3561 = arith.constant 8 : i32
        %parallel_loop3A_3562 = arith.index_cast %parallel_loop3A_3561 : i32 to index
        %parallel_loop3A_3563 = arith.index_cast %parallel_loop3A_3554 : i32 to index
        %parallel_loop3A_3564 = tpu.vector_load %arg9[%parallel_loop3A_3562, %parallel_loop3A_3563] {strides = array<i32>} : memref<16x768xf32, #tpu.memory_space<vmem>>, vector<1x16xf32>,
        %parallel_loop3A_3565 = vector.shape_cast %parallel_loop3A_3564 : vector<1x16xf32> to vector<16xf32>
        %parallel_loop3A_3566 = arith.mulf %parallel_loop3A_3565, %gather3A_1607 : vector<16xf32>
        %parallel_loop3A_3567 = arith.subf %parallel_loop3A_3566, %gather3A_1703 : vector<16xf32>
        %parallel_loop3A_3568 = arith.mulf %parallel_loop3A_3567, %parallel_loop3A_3557 : vector<16xf32>
        %parallel_loop3A_3569 = arith.addf %parallel_loop3A_3568, %parallel_loop3A_3560 : vector<16xf32>
        %parallel_loop3A_3570 = arith.constant 8 : i32
        %parallel_loop3A_3571 = arith.index_cast %parallel_loop3A_3570 : i32 to index
        %parallel_loop3A_3572 = arith.index_cast %parallel_loop3A_3554 : i32 to index
        %parallel_loop3A_3573 = tpu.vector_load %arg11[%parallel_loop3A_3571, %parallel_loop3A_3572] {strides = array<i32>} : memref<16x768xf32, #tpu.memory_space<vmem>>, vector<1x16xf32>,
        %parallel_loop3A_3574 = vector.shape_cast %parallel_loop3A_3573 : vector<1x16xf32> to vector<16xf32>
        %parallel_loop3A_3575 = vector.shape_cast %parallel_loop3A_3569 : vector<16xf32> to vector<1x16xf32>
        tpu.vector_store %arg11[%parallel_loop3A_3571, %parallel_loop3A_3572], %parallel_loop3A_3575 {strides = array<i32>} : memref<16x768xf32, #tpu.memory_space<vmem>>, vector<1x16xf32>,
        %parallel_loop3A_3576 = arith.constant 9 : i32
        %parallel_loop3A_3577 = arith.index_cast %parallel_loop3A_3576 : i32 to index
        %parallel_loop3A_3578 = arith.index_cast %parallel_loop3A_3554 : i32 to index
        %parallel_loop3A_3579 = tpu.vector_load %arg9[%parallel_loop3A_3577, %parallel_loop3A_3578] {strides = array<i32>} : memref<16x768xf32, #tpu.memory_space<vmem>>, vector<1x16xf32>,
        %parallel_loop3A_3580 = vector.shape_cast %parallel_loop3A_3579 : vector<1x16xf32> to vector<16xf32>
        %parallel_loop3A_3581 = arith.mulf %parallel_loop3A_3580, %gather3A_1619 : vector<16xf32>
        %parallel_loop3A_3582 = arith.subf %parallel_loop3A_3581, %gather3A_1715 : vector<16xf32>
        %parallel_loop3A_3583 = arith.mulf %parallel_loop3A_3582, %parallel_loop3A_3557 : vector<16xf32>
        %parallel_loop3A_3584 = arith.addf %parallel_loop3A_3583, %parallel_loop3A_3560 : vector<16xf32>
        %parallel_loop3A_3585 = arith.constant 9 : i32
        %parallel_loop3A_3586 = arith.index_cast %parallel_loop3A_3585 : i32 to index
        %parallel_loop3A_3587 = arith.index_cast %parallel_loop3A_3554 : i32 to index
        %parallel_loop3A_3588 = tpu.vector_load %arg11[%parallel_loop3A_3586, %parallel_loop3A_3587] {strides = array<i32>} : memref<16x768xf32, #tpu.memory_space<vmem>>, vector<1x16xf32>,
        %parallel_loop3A_3589 = vector.shape_cast %parallel_loop3A_3588 : vector<1x16xf32> to vector<16xf32>
        %parallel_loop3A_3590 = vector.shape_cast %parallel_loop3A_3584 : vector<16xf32> to vector<1x16xf32>
        tpu.vector_store %arg11[%parallel_loop3A_3586, %parallel_loop3A_3587], %parallel_loop3A_3590 {strides = array<i32>} : memref<16x768xf32, #tpu.memory_space<vmem>>, vector<1x16xf32>,
        %parallel_loop3A_3591 = arith.constant 10 : i32
        %parallel_loop3A_3592 = arith.index_cast %parallel_loop3A_3591 : i32 to index
        %parallel_loop3A_3593 = arith.index_cast %parallel_loop3A_3554 : i32 to index
        %parallel_loop3A_3594 = tpu.vector_load %arg9[%parallel_loop3A_3592, %parallel_loop3A_3593] {strides = array<i32>} : memref<16x768xf32, #tpu.memory_space<vmem>>, vector<1x16xf32>,
        %parallel_loop3A_3595 = vector.shape_cast %parallel_loop3A_3594 : vector<1x16xf32> to vector<16xf32>
        %parallel_loop3A_3596 = arith.mulf %parallel_loop3A_3595, %gather3A_1631 : vector<16xf32>
        %parallel_loop3A_3597 = arith.subf %parallel_loop3A_3596, %gather3A_1727 : vector<16xf32>
        %parallel_loop3A_3598 = arith.mulf %parallel_loop3A_3597, %parallel_loop3A_3557 : vector<16xf32>
        %parallel_loop3A_3599 = arith.addf %parallel_loop3A_3598, %parallel_loop3A_3560 : vector<16xf32>
        %parallel_loop3A_3600 = arith.constant 10 : i32
        %parallel_loop3A_3601 = arith.index_cast %parallel_loop3A_3600 : i32 to index
        %parallel_loop3A_3602 = arith.index_cast %parallel_loop3A_3554 : i32 to index
        %parallel_loop3A_3603 = tpu.vector_load %arg11[%parallel_loop3A_3601, %parallel_loop3A_3602] {strides = array<i32>} : memref<16x768xf32, #tpu.memory_space<vmem>>, vector<1x16xf32>,
        %parallel_loop3A_3604 = vector.shape_cast %parallel_loop3A_3603 : vector<1x16xf32> to vector<16xf32>
        %parallel_loop3A_3605 = vector.shape_cast %parallel_loop3A_3599 : vector<16xf32> to vector<1x16xf32>
        tpu.vector_store %arg11[%parallel_loop3A_3601, %parallel_loop3A_3602], %parallel_loop3A_3605 {strides = array<i32>} : memref<16x768xf32, #tpu.memory_space<vmem>>, vector<1x16xf32>,
        %parallel_loop3A_3606 = arith.constant 11 : i32
        %parallel_loop3A_3607 = arith.index_cast %parallel_loop3A_3606 : i32 to index
        %parallel_loop3A_3608 = arith.index_cast %parallel_loop3A_3554 : i32 to index
        %parallel_loop3A_3609 = tpu.vector_load %arg9[%parallel_loop3A_3607, %parallel_loop3A_3608] {strides = array<i32>} : memref<16x768xf32, #tpu.memory_space<vmem>>, vector<1x16xf32>,
        %parallel_loop3A_3610 = vector.shape_cast %parallel_loop3A_3609 : vector<1x16xf32> to vector<16xf32>
        %parallel_loop3A_3611 = arith.mulf %parallel_loop3A_3610, %gather3A_1643 : vector<16xf32>
        %parallel_loop3A_3612 = arith.subf %parallel_loop3A_3611, %gather3A_1739 : vector<16xf32>
        %parallel_loop3A_3613 = arith.mulf %parallel_loop3A_3612, %parallel_loop3A_3557 : vector<16xf32>
        %parallel_loop3A_3614 = arith.addf %parallel_loop3A_3613, %parallel_loop3A_3560 : vector<16xf32>
        %parallel_loop3A_3615 = arith.constant 11 : i32
        %parallel_loop3A_3616 = arith.index_cast %parallel_loop3A_3615 : i32 to index
        %parallel_loop3A_3617 = arith.index_cast %parallel_loop3A_3554 : i32 to index
        %parallel_loop3A_3618 = tpu.vector_load %arg11[%parallel_loop3A_3616, %parallel_loop3A_3617] {strides = array<i32>} : memref<16x768xf32, #tpu.memory_space<vmem>>, vector<1x16xf32>,
        %parallel_loop3A_3619 = vector.shape_cast %parallel_loop3A_3618 : vector<1x16xf32> to vector<16xf32>
        %parallel_loop3A_3620 = vector.shape_cast %parallel_loop3A_3614 : vector<16xf32> to vector<1x16xf32>
        tpu.vector_store %arg11[%parallel_loop3A_3616, %parallel_loop3A_3617], %parallel_loop3A_3620 {strides = array<i32>} : memref<16x768xf32, #tpu.memory_space<vmem>>, vector<1x16xf32>,
        %parallel_loop3A_3621 = arith.constant 12 : i32
        %parallel_loop3A_3622 = arith.index_cast %parallel_loop3A_3621 : i32 to index
        %parallel_loop3A_3623 = arith.index_cast %parallel_loop3A_3554 : i32 to index
        %parallel_loop3A_3624 = tpu.vector_load %arg9[%parallel_loop3A_3622, %parallel_loop3A_3623] {strides = array<i32>} : memref<16x768xf32, #tpu.memory_space<vmem>>, vector<1x16xf32>,
        %parallel_loop3A_3625 = vector.shape_cast %parallel_loop3A_3624 : vector<1x16xf32> to vector<16xf32>
        %parallel_loop3A_3626 = arith.mulf %parallel_loop3A_3625, %gather3A_1655 : vector<16xf32>
        %parallel_loop3A_3627 = arith.subf %parallel_loop3A_3626, %gather3A_1751 : vector<16xf32>
        %parallel_loop3A_3628 = arith.mulf %parallel_loop3A_3627, %parallel_loop3A_3557 : vector<16xf32>
        %parallel_loop3A_3629 = arith.addf %parallel_loop3A_3628, %parallel_loop3A_3560 : vector<16xf32>
        %parallel_loop3A_3630 = arith.constant 12 : i32
        %parallel_loop3A_3631 = arith.index_cast %parallel_loop3A_3630 : i32 to index
        %parallel_loop3A_3632 = arith.index_cast %parallel_loop3A_3554 : i32 to index
        %parallel_loop3A_3633 = tpu.vector_load %arg11[%parallel_loop3A_3631, %parallel_loop3A_3632] {strides = array<i32>} : memref<16x768xf32, #tpu.memory_space<vmem>>, vector<1x16xf32>,
        %parallel_loop3A_3634 = vector.shape_cast %parallel_loop3A_3633 : vector<1x16xf32> to vector<16xf32>
        %parallel_loop3A_3635 = vector.shape_cast %parallel_loop3A_3629 : vector<16xf32> to vector<1x16xf32>
        tpu.vector_store %arg11[%parallel_loop3A_3631, %parallel_loop3A_3632], %parallel_loop3A_3635 {strides = array<i32>} : memref<16x768xf32, #tpu.memory_space<vmem>>, vector<1x16xf32>,
        %parallel_loop3A_3636 = arith.constant 13 : i32
        %parallel_loop3A_3637 = arith.index_cast %parallel_loop3A_3636 : i32 to index
        %parallel_loop3A_3638 = arith.index_cast %parallel_loop3A_3554 : i32 to index
        %parallel_loop3A_3639 = tpu.vector_load %arg9[%parallel_loop3A_3637, %parallel_loop3A_3638] {strides = array<i32>} : memref<16x768xf32, #tpu.memory_space<vmem>>, vector<1x16xf32>,
        %parallel_loop3A_3640 = vector.shape_cast %parallel_loop3A_3639 : vector<1x16xf32> to vector<16xf32>
        %parallel_loop3A_3641 = arith.mulf %parallel_loop3A_3640, %gather3A_1667 : vector<16xf32>
        %parallel_loop3A_3642 = arith.subf %parallel_loop3A_3641, %gather3A_1763 : vector<16xf32>
        %parallel_loop3A_3643 = arith.mulf %parallel_loop3A_3642, %parallel_loop3A_3557 : vector<16xf32>
        %parallel_loop3A_3644 = arith.addf %parallel_loop3A_3643, %parallel_loop3A_3560 : vector<16xf32>
        %parallel_loop3A_3645 = arith.constant 13 : i32
        %parallel_loop3A_3646 = arith.index_cast %parallel_loop3A_3645 : i32 to index
        %parallel_loop3A_3647 = arith.index_cast %parallel_loop3A_3554 : i32 to index
        %parallel_loop3A_3648 = tpu.vector_load %arg11[%parallel_loop3A_3646, %parallel_loop3A_3647] {strides = array<i32>} : memref<16x768xf32, #tpu.memory_space<vmem>>, vector<1x16xf32>,
        %parallel_loop3A_3649 = vector.shape_cast %parallel_loop3A_3648 : vector<1x16xf32> to vector<16xf32>
        %parallel_loop3A_3650 = vector.shape_cast %parallel_loop3A_3644 : vector<16xf32> to vector<1x16xf32>
        tpu.vector_store %arg11[%parallel_loop3A_3646, %parallel_loop3A_3647], %parallel_loop3A_3650 {strides = array<i32>} : memref<16x768xf32, #tpu.memory_space<vmem>>, vector<1x16xf32>,
        %parallel_loop3A_3651 = arith.constant 14 : i32
        %parallel_loop3A_3652 = arith.index_cast %parallel_loop3A_3651 : i32 to index
        %parallel_loop3A_3653 = arith.index_cast %parallel_loop3A_3554 : i32 to index
        %parallel_loop3A_3654 = tpu.vector_load %arg9[%parallel_loop3A_3652, %parallel_loop3A_3653] {strides = array<i32>} : memref<16x768xf32, #tpu.memory_space<vmem>>, vector<1x16xf32>,
        %parallel_loop3A_3655 = vector.shape_cast %parallel_loop3A_3654 : vector<1x16xf32> to vector<16xf32>
        %parallel_loop3A_3656 = arith.mulf %parallel_loop3A_3655, %gather3A_1679 : vector<16xf32>
        %parallel_loop3A_3657 = arith.subf %parallel_loop3A_3656, %gather3A_1775 : vector<16xf32>
        %parallel_loop3A_3658 = arith.mulf %parallel_loop3A_3657, %parallel_loop3A_3557 : vector<16xf32>
        %parallel_loop3A_3659 = arith.addf %parallel_loop3A_3658, %parallel_loop3A_3560 : vector<16xf32>
        %parallel_loop3A_3660 = arith.constant 14 : i32
        %parallel_loop3A_3661 = arith.index_cast %parallel_loop3A_3660 : i32 to index
        %parallel_loop3A_3662 = arith.index_cast %parallel_loop3A_3554 : i32 to index
        %parallel_loop3A_3663 = tpu.vector_load %arg11[%parallel_loop3A_3661, %parallel_loop3A_3662] {strides = array<i32>} : memref<16x768xf32, #tpu.memory_space<vmem>>, vector<1x16xf32>,
        %parallel_loop3A_3664 = vector.shape_cast %parallel_loop3A_3663 : vector<1x16xf32> to vector<16xf32>
        %parallel_loop3A_3665 = vector.shape_cast %parallel_loop3A_3659 : vector<16xf32> to vector<1x16xf32>
        tpu.vector_store %arg11[%parallel_loop3A_3661, %parallel_loop3A_3662], %parallel_loop3A_3665 {strides = array<i32>} : memref<16x768xf32, #tpu.memory_space<vmem>>, vector<1x16xf32>,
        %parallel_loop3A_3666 = arith.constant 15 : i32
        %parallel_loop3A_3667 = arith.index_cast %parallel_loop3A_3666 : i32 to index
        %parallel_loop3A_3668 = arith.index_cast %parallel_loop3A_3554 : i32 to index
        %parallel_loop3A_3669 = tpu.vector_load %arg9[%parallel_loop3A_3667, %parallel_loop3A_3668] {strides = array<i32>} : memref<16x768xf32, #tpu.memory_space<vmem>>, vector<1x16xf32>,
        %parallel_loop3A_3670 = vector.shape_cast %parallel_loop3A_3669 : vector<1x16xf32> to vector<16xf32>
        %parallel_loop3A_3671 = arith.mulf %parallel_loop3A_3670, %gather3A_1691 : vector<16xf32>
        %parallel_loop3A_3672 = arith.subf %parallel_loop3A_3671, %gather3A_1787 : vector<16xf32>
        %parallel_loop3A_3673 = arith.mulf %parallel_loop3A_3672, %parallel_loop3A_3557 : vector<16xf32>
        %parallel_loop3A_3674 = arith.addf %parallel_loop3A_3673, %parallel_loop3A_3560 : vector<16xf32>
        %parallel_loop3A_3675 = arith.constant 15 : i32
        %parallel_loop3A_3676 = arith.index_cast %parallel_loop3A_3675 : i32 to index
        %parallel_loop3A_3677 = arith.index_cast %parallel_loop3A_3554 : i32 to index
        %parallel_loop3A_3678 = tpu.vector_load %arg11[%parallel_loop3A_3676, %parallel_loop3A_3677] {strides = array<i32>} : memref<16x768xf32, #tpu.memory_space<vmem>>, vector<1x16xf32>,
        %parallel_loop3A_3679 = vector.shape_cast %parallel_loop3A_3678 : vector<1x16xf32> to vector<16xf32>
        %parallel_loop3A_3680 = vector.shape_cast %parallel_loop3A_3674 : vector<16xf32> to vector<1x16xf32>
        tpu.vector_store %arg11[%parallel_loop3A_3676, %parallel_loop3A_3677], %parallel_loop3A_3680 {strides = array<i32>} : memref<16x768xf32, #tpu.memory_space<vmem>>, vector<1x16xf32>,
      } {sc.loop_unroll_factor = 1 : i64, sc.parallel_access}
      %dma_start3A_1791 = arith.constant 0 : i32
      %dma_start3A_1792 = tpu.memref_slice %arg7[%mul3A_67, %mul3A_2, %dma_start3A_1791] : memref<32x512x768xf32, #tpu.memory_space<hbm>> -> memref<1x16x768xf32, #tpu.memory_space<hbm>>
      %dma_start3A_1793 = tpu.memref_squeeze %dma_start3A_1792 : memref<1x16x768xf32, #tpu.memory_space<hbm>> -> memref<16x768xf32, #tpu.memory_space<hbm>>
      %dma_start3A_1794 = arith.constant 0 : i32
      %dma_start3A_1795 = tpu.memref_slice %arg7[%mul3A_67, %mul3A_2, %dma_start3A_1794] : memref<32x512x768xf32, #tpu.memory_space<hbm>> -> memref<1x16x768xf32, #tpu.memory_space<hbm>>
      %dma_start3A_1796 = tpu.memref_squeeze %dma_start3A_1795 : memref<1x16x768xf32, #tpu.memory_space<hbm>> -> memref<16x768xf32, #tpu.memory_space<hbm>>
      tpu.enqueue_dma source(%arg11 : memref<16x768xf32, #tpu.memory_space<vmem>>) target(%dma_start3A_1796 : memref<16x768xf32, #tpu.memory_space<hbm>>) target_semaphore(%arg18 : memref<!tpu.dma_semaphore, #tpu.memory_space<semaphore_mem>>)
      %add3A_1797 = arith.constant 2 : i32
      %add3A_1798 = arith.addi %mul3A_67, %add3A_1797 : i32
      %lt3A_1799 = arith.constant 32 : i32
      %lt3A_1800 = arith.cmpi slt, %add3A_1798, %lt3A_1799 : i32
      %convert_element_type3A_1801 = arith.extui %lt3A_1800 : i1 to i32
      %cond3A_1802 = arith.constant 0 : i32
      %cond3A_1803 = arith.cmpi ne, %convert_element_type3A_1801, %cond3A_1802 : i32
      scf.if %cond3A_1803 {
        %add3A_3552 = arith.constant 2 : i32
        %add3A_3553 = arith.addi %mul3A_67, %add3A_3552 : i32
        %mul3A_3554 = arith.constant 16 : i32
        %mul3A_3555 = arith.muli %add3A_3553, %mul3A_3554 : i32
        %dma_start3A_3556 = tpu.memref_slice %arg8[%mul3A_3555] : memref<512xi32, #tpu.memory_space<vmem>> -> memref<16xi32, #tpu.memory_space<vmem>>
        %dma_start3A_3557 = arith.constant 0 : i32
        %dma_start3A_3558 = arith.constant 0 : i32
        %dma_start3A_3559 = tpu.memref_slice %arg3[%dma_start3A_3557, %dma_start3A_3558] : memref<100000x768xf32, #tpu.memory_space<hbm>> -> memref<100000x768xf32, #tpu.memory_space<hbm>>
        tpu.enqueue_indirect_dma source(%dma_start3A_3559 : memref<100000x768xf32, #tpu.memory_space<hbm>>) target(%arg9 : memref<16x768xf32, #tpu.memory_space<vmem>>) offsets(%dma_start3A_3556 : memref<16xi32, #tpu.memory_space<vmem>>) semaphore(%arg16 : memref<!tpu.dma_semaphore, #tpu.memory_space<semaphore_mem>>)
      } else {
      }
      %add3A_1804 = arith.constant 1 : i32
      %add3A_1805 = arith.addi %mul3A_67, %add3A_1804 : i32
      %mul3A_1806 = arith.constant 16 : i32
      %mul3A_1807 = arith.muli %add3A_1805, %mul3A_1806 : i32
      %dma_wait3A_1808 = tpu.memref_slice %arg8[%mul3A_1807] : memref<512xi32, #tpu.memory_space<vmem>> -> memref<16xi32, #tpu.memory_space<vmem>>
      %dma_wait3A_1809 = arith.constant 0 : i32
      %dma_wait3A_1810 = arith.constant 0 : i32
      %dma_wait3A_1811 = tpu.memref_slice %arg3[%dma_wait3A_1809, %dma_wait3A_1810] : memref<100000x768xf32, #tpu.memory_space<hbm>> -> memref<100000x768xf32, #tpu.memory_space<hbm>>
      tpu.wait_indirect_dma semaphore(%arg17 : memref<!tpu.dma_semaphore, #tpu.memory_space<semaphore_mem>>) src(%dma_wait3A_1811 : memref<100000x768xf32, #tpu.memory_space<hbm>>) dst(%arg10 : memref<16x768xf32, #tpu.memory_space<vmem>>)
      %parallel_loop3A_1812 = arith.constant 0 : i32
      %parallel_loop3A_1813 = arith.constant 48 : i32
      %parallel_loop3A_1814 = arith.constant 1 : i32
      %parallel_loop3A_1815:32 = scf.for %parallel_loop3A_3552 = %parallel_loop3A_1812 to %parallel_loop3A_1813 step %parallel_loop3A_1814 iter_args(%parallel_loop3A_3553 = %broadcast_in_dim3A_27, %parallel_loop3A_3554 = %broadcast_in_dim3A_27, %parallel_loop3A_3555 = %broadcast_in_dim3A_27, %parallel_loop3A_3556 = %broadcast_in_dim3A_27, %parallel_loop3A_3557 = %broadcast_in_dim3A_27, %parallel_loop3A_3558 = %broadcast_in_dim3A_27, %parallel_loop3A_3559 = %broadcast_in_dim3A_27, %parallel_loop3A_3560 = %broadcast_in_dim3A_27, %parallel_loop3A_3561 = %broadcast_in_dim3A_27, %parallel_loop3A_3562 = %broadcast_in_dim3A_27, %parallel_loop3A_3563 = %broadcast_in_dim3A_27, %parallel_loop3A_3564 = %broadcast_in_dim3A_27, %parallel_loop3A_3565 = %broadcast_in_dim3A_27, %parallel_loop3A_3566 = %broadcast_in_dim3A_27, %parallel_loop3A_3567 = %broadcast_in_dim3A_27, %parallel_loop3A_3568 = %broadcast_in_dim3A_27, %parallel_loop3A_3569 = %broadcast_in_dim3A_27, %parallel_loop3A_3570 = %broadcast_in_dim3A_27, %parallel_loop3A_3571 = %broadcast_in_dim3A_27, %parallel_loop3A_3572 = %broadcast_in_dim3A_27, %parallel_loop3A_3573 = %broadcast_in_dim3A_27, %parallel_loop3A_3574 = %broadcast_in_dim3A_27, %parallel_loop3A_3575 = %broadcast_in_dim3A_27, %parallel_loop3A_3576 = %broadcast_in_dim3A_27, %parallel_loop3A_3577 = %broadcast_in_dim3A_27, %parallel_loop3A_3578 = %broadcast_in_dim3A_27, %parallel_loop3A_3579 = %broadcast_in_dim3A_27, %parallel_loop3A_3580 = %broadcast_in_dim3A_27, %parallel_loop3A_3581 = %broadcast_in_dim3A_27, %parallel_loop3A_3582 = %broadcast_in_dim3A_27, %parallel_loop3A_3583 = %broadcast_in_dim3A_27, %parallel_loop3A_3584 = %broadcast_in_dim3A_27) -> (vector<16xf32>, vector<16xf32>, vector<16xf32>, vector<16xf32>, vector<16xf32>, vector<16xf32>, vector<16xf32>, vector<16xf32>, vector<16xf32>, vector<16xf32>, vector<16xf32>, vector<16xf32>, vector<16xf32>, vector<16xf32>, vector<16xf32>, vector<16xf32>, vector<16xf32>, vector<16xf32>, vector<16xf32>, vector<16xf32>, vector<16xf32>, vector<16xf32>, vector<16xf32>, vector<16xf32>, vector<16xf32>, vector<16xf32>, vector<16xf32>, vector<16xf32>, vector<16xf32>, vector<16xf32>, vector<16xf32>, vector<16xf32>)  : i32 {
        %parallel_loop3A_3585 = arith.constant 16 : i32
        %parallel_loop3A_3586 = arith.muli %parallel_loop3A_3552, %parallel_loop3A_3585 : i32
        %parallel_loop3A_3587 = arith.constant 0 : i32
        %parallel_loop3A_3588 = arith.index_cast %parallel_loop3A_3587 : i32 to index
        %parallel_loop3A_3589 = arith.index_cast %parallel_loop3A_3586 : i32 to index
        %parallel_loop3A_3590 = tpu.vector_load %arg10[%parallel_loop3A_3588, %parallel_loop3A_3589] {strides = array<i32>} : memref<16x768xf32, #tpu.memory_space<vmem>>, vector<1x16xf32>,
        %parallel_loop3A_3591 = vector.shape_cast %parallel_loop3A_3590 : vector<1x16xf32> to vector<16xf32>
        %parallel_loop3A_3592 = arith.constant 0 : i32
        %parallel_loop3A_3593 = arith.index_cast %parallel_loop3A_3592 : i32 to index
        %parallel_loop3A_3594 = arith.index_cast %parallel_loop3A_3586 : i32 to index
        %parallel_loop3A_3595 = tpu.vector_load %arg13[%parallel_loop3A_3593, %parallel_loop3A_3594] {strides = array<i32>} : memref<16x768xf32, #tpu.memory_space<vmem>>, vector<1x16xf32>,
        %parallel_loop3A_3596 = vector.shape_cast %parallel_loop3A_3595 : vector<1x16xf32> to vector<16xf32>
        %parallel_loop3A_3597 = arith.addf %parallel_loop3A_3591, %parallel_loop3A_3596 : vector<16xf32>
        %parallel_loop3A_3598 = arith.constant 0 : i32
        %parallel_loop3A_3599 = arith.index_cast %parallel_loop3A_3598 : i32 to index
        %parallel_loop3A_3600 = arith.index_cast %parallel_loop3A_3586 : i32 to index
        %parallel_loop3A_3601 = tpu.vector_load %arg10[%parallel_loop3A_3599, %parallel_loop3A_3600] {strides = array<i32>} : memref<16x768xf32, #tpu.memory_space<vmem>>, vector<1x16xf32>,
        %parallel_loop3A_3602 = vector.shape_cast %parallel_loop3A_3601 : vector<1x16xf32> to vector<16xf32>
        %parallel_loop3A_3603 = vector.shape_cast %parallel_loop3A_3597 : vector<16xf32> to vector<1x16xf32>
        tpu.vector_store %arg10[%parallel_loop3A_3599, %parallel_loop3A_3600], %parallel_loop3A_3603 {strides = array<i32>} : memref<16x768xf32, #tpu.memory_space<vmem>>, vector<1x16xf32>,
        %parallel_loop3A_3604 = arith.addf %parallel_loop3A_3553, %parallel_loop3A_3597 : vector<16xf32>
        %parallel_loop3A_3605 = arith.mulf %parallel_loop3A_3597, %parallel_loop3A_3597 : vector<16xf32>
        %parallel_loop3A_3606 = arith.addf %parallel_loop3A_3569, %parallel_loop3A_3605 : vector<16xf32>
        %parallel_loop3A_3607 = arith.constant 1 : i32
        %parallel_loop3A_3608 = arith.index_cast %parallel_loop3A_3607 : i32 to index
        %parallel_loop3A_3609 = arith.index_cast %parallel_loop3A_3586 : i32 to index
        %parallel_loop3A_3610 = tpu.vector_load %arg10[%parallel_loop3A_3608, %parallel_loop3A_3609] {strides = array<i32>} : memref<16x768xf32, #tpu.memory_space<vmem>>, vector<1x16xf32>,
        %parallel_loop3A_3611 = vector.shape_cast %parallel_loop3A_3610 : vector<1x16xf32> to vector<16xf32>
        %parallel_loop3A_3612 = arith.constant 1 : i32
        %parallel_loop3A_3613 = arith.index_cast %parallel_loop3A_3612 : i32 to index
        %parallel_loop3A_3614 = arith.index_cast %parallel_loop3A_3586 : i32 to index
        %parallel_loop3A_3615 = tpu.vector_load %arg13[%parallel_loop3A_3613, %parallel_loop3A_3614] {strides = array<i32>} : memref<16x768xf32, #tpu.memory_space<vmem>>, vector<1x16xf32>,
        %parallel_loop3A_3616 = vector.shape_cast %parallel_loop3A_3615 : vector<1x16xf32> to vector<16xf32>
        %parallel_loop3A_3617 = arith.addf %parallel_loop3A_3611, %parallel_loop3A_3616 : vector<16xf32>
        %parallel_loop3A_3618 = arith.constant 1 : i32
        %parallel_loop3A_3619 = arith.index_cast %parallel_loop3A_3618 : i32 to index
        %parallel_loop3A_3620 = arith.index_cast %parallel_loop3A_3586 : i32 to index
        %parallel_loop3A_3621 = tpu.vector_load %arg10[%parallel_loop3A_3619, %parallel_loop3A_3620] {strides = array<i32>} : memref<16x768xf32, #tpu.memory_space<vmem>>, vector<1x16xf32>,
        %parallel_loop3A_3622 = vector.shape_cast %parallel_loop3A_3621 : vector<1x16xf32> to vector<16xf32>
        %parallel_loop3A_3623 = vector.shape_cast %parallel_loop3A_3617 : vector<16xf32> to vector<1x16xf32>
        tpu.vector_store %arg10[%parallel_loop3A_3619, %parallel_loop3A_3620], %parallel_loop3A_3623 {strides = array<i32>} : memref<16x768xf32, #tpu.memory_space<vmem>>, vector<1x16xf32>,
        %parallel_loop3A_3624 = arith.addf %parallel_loop3A_3554, %parallel_loop3A_3617 : vector<16xf32>
        %parallel_loop3A_3625 = arith.mulf %parallel_loop3A_3617, %parallel_loop3A_3617 : vector<16xf32>
        %parallel_loop3A_3626 = arith.addf %parallel_loop3A_3570, %parallel_loop3A_3625 : vector<16xf32>
        %parallel_loop3A_3627 = arith.constant 2 : i32
        %parallel_loop3A_3628 = arith.index_cast %parallel_loop3A_3627 : i32 to index
        %parallel_loop3A_3629 = arith.index_cast %parallel_loop3A_3586 : i32 to index
        %parallel_loop3A_3630 = tpu.vector_load %arg10[%parallel_loop3A_3628, %parallel_loop3A_3629] {strides = array<i32>} : memref<16x768xf32, #tpu.memory_space<vmem>>, vector<1x16xf32>,
        %parallel_loop3A_3631 = vector.shape_cast %parallel_loop3A_3630 : vector<1x16xf32> to vector<16xf32>
        %parallel_loop3A_3632 = arith.constant 2 : i32
        %parallel_loop3A_3633 = arith.index_cast %parallel_loop3A_3632 : i32 to index
        %parallel_loop3A_3634 = arith.index_cast %parallel_loop3A_3586 : i32 to index
        %parallel_loop3A_3635 = tpu.vector_load %arg13[%parallel_loop3A_3633, %parallel_loop3A_3634] {strides = array<i32>} : memref<16x768xf32, #tpu.memory_space<vmem>>, vector<1x16xf32>,
        %parallel_loop3A_3636 = vector.shape_cast %parallel_loop3A_3635 : vector<1x16xf32> to vector<16xf32>
        %parallel_loop3A_3637 = arith.addf %parallel_loop3A_3631, %parallel_loop3A_3636 : vector<16xf32>
        %parallel_loop3A_3638 = arith.constant 2 : i32
        %parallel_loop3A_3639 = arith.index_cast %parallel_loop3A_3638 : i32 to index
        %parallel_loop3A_3640 = arith.index_cast %parallel_loop3A_3586 : i32 to index
        %parallel_loop3A_3641 = tpu.vector_load %arg10[%parallel_loop3A_3639, %parallel_loop3A_3640] {strides = array<i32>} : memref<16x768xf32, #tpu.memory_space<vmem>>, vector<1x16xf32>,
        %parallel_loop3A_3642 = vector.shape_cast %parallel_loop3A_3641 : vector<1x16xf32> to vector<16xf32>
        %parallel_loop3A_3643 = vector.shape_cast %parallel_loop3A_3637 : vector<16xf32> to vector<1x16xf32>
        tpu.vector_store %arg10[%parallel_loop3A_3639, %parallel_loop3A_3640], %parallel_loop3A_3643 {strides = array<i32>} : memref<16x768xf32, #tpu.memory_space<vmem>>, vector<1x16xf32>,
        %parallel_loop3A_3644 = arith.addf %parallel_loop3A_3555, %parallel_loop3A_3637 : vector<16xf32>
        %parallel_loop3A_3645 = arith.mulf %parallel_loop3A_3637, %parallel_loop3A_3637 : vector<16xf32>
        %parallel_loop3A_3646 = arith.addf %parallel_loop3A_3571, %parallel_loop3A_3645 : vector<16xf32>
        %parallel_loop3A_3647 = arith.constant 3 : i32
        %parallel_loop3A_3648 = arith.index_cast %parallel_loop3A_3647 : i32 to index
        %parallel_loop3A_3649 = arith.index_cast %parallel_loop3A_3586 : i32 to index
        %parallel_loop3A_3650 = tpu.vector_load %arg10[%parallel_loop3A_3648, %parallel_loop3A_3649] {strides = array<i32>} : memref<16x768xf32, #tpu.memory_space<vmem>>, vector<1x16xf32>,
        %parallel_loop3A_3651 = vector.shape_cast %parallel_loop3A_3650 : vector<1x16xf32> to vector<16xf32>
        %parallel_loop3A_3652 = arith.constant 3 : i32
        %parallel_loop3A_3653 = arith.index_cast %parallel_loop3A_3652 : i32 to index
        %parallel_loop3A_3654 = arith.index_cast %parallel_loop3A_3586 : i32 to index
        %parallel_loop3A_3655 = tpu.vector_load %arg13[%parallel_loop3A_3653, %parallel_loop3A_3654] {strides = array<i32>} : memref<16x768xf32, #tpu.memory_space<vmem>>, vector<1x16xf32>,
        %parallel_loop3A_3656 = vector.shape_cast %parallel_loop3A_3655 : vector<1x16xf32> to vector<16xf32>
        %parallel_loop3A_3657 = arith.addf %parallel_loop3A_3651, %parallel_loop3A_3656 : vector<16xf32>
        %parallel_loop3A_3658 = arith.constant 3 : i32
        %parallel_loop3A_3659 = arith.index_cast %parallel_loop3A_3658 : i32 to index
        %parallel_loop3A_3660 = arith.index_cast %parallel_loop3A_3586 : i32 to index
        %parallel_loop3A_3661 = tpu.vector_load %arg10[%parallel_loop3A_3659, %parallel_loop3A_3660] {strides = array<i32>} : memref<16x768xf32, #tpu.memory_space<vmem>>, vector<1x16xf32>,
        %parallel_loop3A_3662 = vector.shape_cast %parallel_loop3A_3661 : vector<1x16xf32> to vector<16xf32>
        %parallel_loop3A_3663 = vector.shape_cast %parallel_loop3A_3657 : vector<16xf32> to vector<1x16xf32>
        tpu.vector_store %arg10[%parallel_loop3A_3659, %parallel_loop3A_3660], %parallel_loop3A_3663 {strides = array<i32>} : memref<16x768xf32, #tpu.memory_space<vmem>>, vector<1x16xf32>,
        %parallel_loop3A_3664 = arith.addf %parallel_loop3A_3556, %parallel_loop3A_3657 : vector<16xf32>
        %parallel_loop3A_3665 = arith.mulf %parallel_loop3A_3657, %parallel_loop3A_3657 : vector<16xf32>
        %parallel_loop3A_3666 = arith.addf %parallel_loop3A_3572, %parallel_loop3A_3665 : vector<16xf32>
        %parallel_loop3A_3667 = arith.constant 4 : i32
        %parallel_loop3A_3668 = arith.index_cast %parallel_loop3A_3667 : i32 to index
        %parallel_loop3A_3669 = arith.index_cast %parallel_loop3A_3586 : i32 to index
        %parallel_loop3A_3670 = tpu.vector_load %arg10[%parallel_loop3A_3668, %parallel_loop3A_3669] {strides = array<i32>} : memref<16x768xf32, #tpu.memory_space<vmem>>, vector<1x16xf32>,
        %parallel_loop3A_3671 = vector.shape_cast %parallel_loop3A_3670 : vector<1x16xf32> to vector<16xf32>
        %parallel_loop3A_3672 = arith.constant 4 : i32
        %parallel_loop3A_3673 = arith.index_cast %parallel_loop3A_3672 : i32 to index
        %parallel_loop3A_3674 = arith.index_cast %parallel_loop3A_3586 : i32 to index
        %parallel_loop3A_3675 = tpu.vector_load %arg13[%parallel_loop3A_3673, %parallel_loop3A_3674] {strides = array<i32>} : memref<16x768xf32, #tpu.memory_space<vmem>>, vector<1x16xf32>,
        %parallel_loop3A_3676 = vector.shape_cast %parallel_loop3A_3675 : vector<1x16xf32> to vector<16xf32>
        %parallel_loop3A_3677 = arith.addf %parallel_loop3A_3671, %parallel_loop3A_3676 : vector<16xf32>
        %parallel_loop3A_3678 = arith.constant 4 : i32
        %parallel_loop3A_3679 = arith.index_cast %parallel_loop3A_3678 : i32 to index
        %parallel_loop3A_3680 = arith.index_cast %parallel_loop3A_3586 : i32 to index
        %parallel_loop3A_3681 = tpu.vector_load %arg10[%parallel_loop3A_3679, %parallel_loop3A_3680] {strides = array<i32>} : memref<16x768xf32, #tpu.memory_space<vmem>>, vector<1x16xf32>,
        %parallel_loop3A_3682 = vector.shape_cast %parallel_loop3A_3681 : vector<1x16xf32> to vector<16xf32>
        %parallel_loop3A_3683 = vector.shape_cast %parallel_loop3A_3677 : vector<16xf32> to vector<1x16xf32>
        tpu.vector_store %arg10[%parallel_loop3A_3679, %parallel_loop3A_3680], %parallel_loop3A_3683 {strides = array<i32>} : memref<16x768xf32, #tpu.memory_space<vmem>>, vector<1x16xf32>,
        %parallel_loop3A_3684 = arith.addf %parallel_loop3A_3557, %parallel_loop3A_3677 : vector<16xf32>
        %parallel_loop3A_3685 = arith.mulf %parallel_loop3A_3677, %parallel_loop3A_3677 : vector<16xf32>
        %parallel_loop3A_3686 = arith.addf %parallel_loop3A_3573, %parallel_loop3A_3685 : vector<16xf32>
        %parallel_loop3A_3687 = arith.constant 5 : i32
        %parallel_loop3A_3688 = arith.index_cast %parallel_loop3A_3687 : i32 to index
        %parallel_loop3A_3689 = arith.index_cast %parallel_loop3A_3586 : i32 to index
        %parallel_loop3A_3690 = tpu.vector_load %arg10[%parallel_loop3A_3688, %parallel_loop3A_3689] {strides = array<i32>} : memref<16x768xf32, #tpu.memory_space<vmem>>, vector<1x16xf32>,
        %parallel_loop3A_3691 = vector.shape_cast %parallel_loop3A_3690 : vector<1x16xf32> to vector<16xf32>
        %parallel_loop3A_3692 = arith.constant 5 : i32
        %parallel_loop3A_3693 = arith.index_cast %parallel_loop3A_3692 : i32 to index
        %parallel_loop3A_3694 = arith.index_cast %parallel_loop3A_3586 : i32 to index
        %parallel_loop3A_3695 = tpu.vector_load %arg13[%parallel_loop3A_3693, %parallel_loop3A_3694] {strides = array<i32>} : memref<16x768xf32, #tpu.memory_space<vmem>>, vector<1x16xf32>,
        %parallel_loop3A_3696 = vector.shape_cast %parallel_loop3A_3695 : vector<1x16xf32> to vector<16xf32>
        %parallel_loop3A_3697 = arith.addf %parallel_loop3A_3691, %parallel_loop3A_3696 : vector<16xf32>
        %parallel_loop3A_3698 = arith.constant 5 : i32
        %parallel_loop3A_3699 = arith.index_cast %parallel_loop3A_3698 : i32 to index
        %parallel_loop3A_3700 = arith.index_cast %parallel_loop3A_3586 : i32 to index
        %parallel_loop3A_3701 = tpu.vector_load %arg10[%parallel_loop3A_3699, %parallel_loop3A_3700] {strides = array<i32>} : memref<16x768xf32, #tpu.memory_space<vmem>>, vector<1x16xf32>,
        %parallel_loop3A_3702 = vector.shape_cast %parallel_loop3A_3701 : vector<1x16xf32> to vector<16xf32>
        %parallel_loop3A_3703 = vector.shape_cast %parallel_loop3A_3697 : vector<16xf32> to vector<1x16xf32>
        tpu.vector_store %arg10[%parallel_loop3A_3699, %parallel_loop3A_3700], %parallel_loop3A_3703 {strides = array<i32>} : memref<16x768xf32, #tpu.memory_space<vmem>>, vector<1x16xf32>,
        %parallel_loop3A_3704 = arith.addf %parallel_loop3A_3558, %parallel_loop3A_3697 : vector<16xf32>
        %parallel_loop3A_3705 = arith.mulf %parallel_loop3A_3697, %parallel_loop3A_3697 : vector<16xf32>
        %parallel_loop3A_3706 = arith.addf %parallel_loop3A_3574, %parallel_loop3A_3705 : vector<16xf32>
        %parallel_loop3A_3707 = arith.constant 6 : i32
        %parallel_loop3A_3708 = arith.index_cast %parallel_loop3A_3707 : i32 to index
        %parallel_loop3A_3709 = arith.index_cast %parallel_loop3A_3586 : i32 to index
        %parallel_loop3A_3710 = tpu.vector_load %arg10[%parallel_loop3A_3708, %parallel_loop3A_3709] {strides = array<i32>} : memref<16x768xf32, #tpu.memory_space<vmem>>, vector<1x16xf32>,
        %parallel_loop3A_3711 = vector.shape_cast %parallel_loop3A_3710 : vector<1x16xf32> to vector<16xf32>
        %parallel_loop3A_3712 = arith.constant 6 : i32
        %parallel_loop3A_3713 = arith.index_cast %parallel_loop3A_3712 : i32 to index
        %parallel_loop3A_3714 = arith.index_cast %parallel_loop3A_3586 : i32 to index
        %parallel_loop3A_3715 = tpu.vector_load %arg13[%parallel_loop3A_3713, %parallel_loop3A_3714] {strides = array<i32>} : memref<16x768xf32, #tpu.memory_space<vmem>>, vector<1x16xf32>,
        %parallel_loop3A_3716 = vector.shape_cast %parallel_loop3A_3715 : vector<1x16xf32> to vector<16xf32>
        %parallel_loop3A_3717 = arith.addf %parallel_loop3A_3711, %parallel_loop3A_3716 : vector<16xf32>
        %parallel_loop3A_3718 = arith.constant 6 : i32
        %parallel_loop3A_3719 = arith.index_cast %parallel_loop3A_3718 : i32 to index
        %parallel_loop3A_3720 = arith.index_cast %parallel_loop3A_3586 : i32 to index
        %parallel_loop3A_3721 = tpu.vector_load %arg10[%parallel_loop3A_3719, %parallel_loop3A_3720] {strides = array<i32>} : memref<16x768xf32, #tpu.memory_space<vmem>>, vector<1x16xf32>,
        %parallel_loop3A_3722 = vector.shape_cast %parallel_loop3A_3721 : vector<1x16xf32> to vector<16xf32>
        %parallel_loop3A_3723 = vector.shape_cast %parallel_loop3A_3717 : vector<16xf32> to vector<1x16xf32>
        tpu.vector_store %arg10[%parallel_loop3A_3719, %parallel_loop3A_3720], %parallel_loop3A_3723 {strides = array<i32>} : memref<16x768xf32, #tpu.memory_space<vmem>>, vector<1x16xf32>,
        %parallel_loop3A_3724 = arith.addf %parallel_loop3A_3559, %parallel_loop3A_3717 : vector<16xf32>
        %parallel_loop3A_3725 = arith.mulf %parallel_loop3A_3717, %parallel_loop3A_3717 : vector<16xf32>
        %parallel_loop3A_3726 = arith.addf %parallel_loop3A_3575, %parallel_loop3A_3725 : vector<16xf32>
        %parallel_loop3A_3727 = arith.constant 7 : i32
        %parallel_loop3A_3728 = arith.index_cast %parallel_loop3A_3727 : i32 to index
        %parallel_loop3A_3729 = arith.index_cast %parallel_loop3A_3586 : i32 to index
        %parallel_loop3A_3730 = tpu.vector_load %arg10[%parallel_loop3A_3728, %parallel_loop3A_3729] {strides = array<i32>} : memref<16x768xf32, #tpu.memory_space<vmem>>, vector<1x16xf32>,
        %parallel_loop3A_3731 = vector.shape_cast %parallel_loop3A_3730 : vector<1x16xf32> to vector<16xf32>
        %parallel_loop3A_3732 = arith.constant 7 : i32
        %parallel_loop3A_3733 = arith.index_cast %parallel_loop3A_3732 : i32 to index
        %parallel_loop3A_3734 = arith.index_cast %parallel_loop3A_3586 : i32 to index
        %parallel_loop3A_3735 = tpu.vector_load %arg13[%parallel_loop3A_3733, %parallel_loop3A_3734] {strides = array<i32>} : memref<16x768xf32, #tpu.memory_space<vmem>>, vector<1x16xf32>,
        %parallel_loop3A_3736 = vector.shape_cast %parallel_loop3A_3735 : vector<1x16xf32> to vector<16xf32>
        %parallel_loop3A_3737 = arith.addf %parallel_loop3A_3731, %parallel_loop3A_3736 : vector<16xf32>
        %parallel_loop3A_3738 = arith.constant 7 : i32
        %parallel_loop3A_3739 = arith.index_cast %parallel_loop3A_3738 : i32 to index
        %parallel_loop3A_3740 = arith.index_cast %parallel_loop3A_3586 : i32 to index
        %parallel_loop3A_3741 = tpu.vector_load %arg10[%parallel_loop3A_3739, %parallel_loop3A_3740] {strides = array<i32>} : memref<16x768xf32, #tpu.memory_space<vmem>>, vector<1x16xf32>,
        %parallel_loop3A_3742 = vector.shape_cast %parallel_loop3A_3741 : vector<1x16xf32> to vector<16xf32>
        %parallel_loop3A_3743 = vector.shape_cast %parallel_loop3A_3737 : vector<16xf32> to vector<1x16xf32>
        tpu.vector_store %arg10[%parallel_loop3A_3739, %parallel_loop3A_3740], %parallel_loop3A_3743 {strides = array<i32>} : memref<16x768xf32, #tpu.memory_space<vmem>>, vector<1x16xf32>,
        %parallel_loop3A_3744 = arith.addf %parallel_loop3A_3560, %parallel_loop3A_3737 : vector<16xf32>
        %parallel_loop3A_3745 = arith.mulf %parallel_loop3A_3737, %parallel_loop3A_3737 : vector<16xf32>
        %parallel_loop3A_3746 = arith.addf %parallel_loop3A_3576, %parallel_loop3A_3745 : vector<16xf32>
        %parallel_loop3A_3747 = arith.constant 8 : i32
        %parallel_loop3A_3748 = arith.index_cast %parallel_loop3A_3747 : i32 to index
        %parallel_loop3A_3749 = arith.index_cast %parallel_loop3A_3586 : i32 to index
        %parallel_loop3A_3750 = tpu.vector_load %arg10[%parallel_loop3A_3748, %parallel_loop3A_3749] {strides = array<i32>} : memref<16x768xf32, #tpu.memory_space<vmem>>, vector<1x16xf32>,
        %parallel_loop3A_3751 = vector.shape_cast %parallel_loop3A_3750 : vector<1x16xf32> to vector<16xf32>
        %parallel_loop3A_3752 = arith.constant 8 : i32
        %parallel_loop3A_3753 = arith.index_cast %parallel_loop3A_3752 : i32 to index
        %parallel_loop3A_3754 = arith.index_cast %parallel_loop3A_3586 : i32 to index
        %parallel_loop3A_3755 = tpu.vector_load %arg13[%parallel_loop3A_3753, %parallel_loop3A_3754] {strides = array<i32>} : memref<16x768xf32, #tpu.memory_space<vmem>>, vector<1x16xf32>,
        %parallel_loop3A_3756 = vector.shape_cast %parallel_loop3A_3755 : vector<1x16xf32> to vector<16xf32>
        %parallel_loop3A_3757 = arith.addf %parallel_loop3A_3751, %parallel_loop3A_3756 : vector<16xf32>
        %parallel_loop3A_3758 = arith.constant 8 : i32
        %parallel_loop3A_3759 = arith.index_cast %parallel_loop3A_3758 : i32 to index
        %parallel_loop3A_3760 = arith.index_cast %parallel_loop3A_3586 : i32 to index
        %parallel_loop3A_3761 = tpu.vector_load %arg10[%parallel_loop3A_3759, %parallel_loop3A_3760] {strides = array<i32>} : memref<16x768xf32, #tpu.memory_space<vmem>>, vector<1x16xf32>,
        %parallel_loop3A_3762 = vector.shape_cast %parallel_loop3A_3761 : vector<1x16xf32> to vector<16xf32>
        %parallel_loop3A_3763 = vector.shape_cast %parallel_loop3A_3757 : vector<16xf32> to vector<1x16xf32>
        tpu.vector_store %arg10[%parallel_loop3A_3759, %parallel_loop3A_3760], %parallel_loop3A_3763 {strides = array<i32>} : memref<16x768xf32, #tpu.memory_space<vmem>>, vector<1x16xf32>,
        %parallel_loop3A_3764 = arith.addf %parallel_loop3A_3561, %parallel_loop3A_3757 : vector<16xf32>
        %parallel_loop3A_3765 = arith.mulf %parallel_loop3A_3757, %parallel_loop3A_3757 : vector<16xf32>
        %parallel_loop3A_3766 = arith.addf %parallel_loop3A_3577, %parallel_loop3A_3765 : vector<16xf32>
        %parallel_loop3A_3767 = arith.constant 9 : i32
        %parallel_loop3A_3768 = arith.index_cast %parallel_loop3A_3767 : i32 to index
        %parallel_loop3A_3769 = arith.index_cast %parallel_loop3A_3586 : i32 to index
        %parallel_loop3A_3770 = tpu.vector_load %arg10[%parallel_loop3A_3768, %parallel_loop3A_3769] {strides = array<i32>} : memref<16x768xf32, #tpu.memory_space<vmem>>, vector<1x16xf32>,
        %parallel_loop3A_3771 = vector.shape_cast %parallel_loop3A_3770 : vector<1x16xf32> to vector<16xf32>
        %parallel_loop3A_3772 = arith.constant 9 : i32
        %parallel_loop3A_3773 = arith.index_cast %parallel_loop3A_3772 : i32 to index
        %parallel_loop3A_3774 = arith.index_cast %parallel_loop3A_3586 : i32 to index
        %parallel_loop3A_3775 = tpu.vector_load %arg13[%parallel_loop3A_3773, %parallel_loop3A_3774] {strides = array<i32>} : memref<16x768xf32, #tpu.memory_space<vmem>>, vector<1x16xf32>,
        %parallel_loop3A_3776 = vector.shape_cast %parallel_loop3A_3775 : vector<1x16xf32> to vector<16xf32>
        %parallel_loop3A_3777 = arith.addf %parallel_loop3A_3771, %parallel_loop3A_3776 : vector<16xf32>
        %parallel_loop3A_3778 = arith.constant 9 : i32
        %parallel_loop3A_3779 = arith.index_cast %parallel_loop3A_3778 : i32 to index
        %parallel_loop3A_3780 = arith.index_cast %parallel_loop3A_3586 : i32 to index
        %parallel_loop3A_3781 = tpu.vector_load %arg10[%parallel_loop3A_3779, %parallel_loop3A_3780] {strides = array<i32>} : memref<16x768xf32, #tpu.memory_space<vmem>>, vector<1x16xf32>,
        %parallel_loop3A_3782 = vector.shape_cast %parallel_loop3A_3781 : vector<1x16xf32> to vector<16xf32>
        %parallel_loop3A_3783 = vector.shape_cast %parallel_loop3A_3777 : vector<16xf32> to vector<1x16xf32>
        tpu.vector_store %arg10[%parallel_loop3A_3779, %parallel_loop3A_3780], %parallel_loop3A_3783 {strides = array<i32>} : memref<16x768xf32, #tpu.memory_space<vmem>>, vector<1x16xf32>,
        %parallel_loop3A_3784 = arith.addf %parallel_loop3A_3562, %parallel_loop3A_3777 : vector<16xf32>
        %parallel_loop3A_3785 = arith.mulf %parallel_loop3A_3777, %parallel_loop3A_3777 : vector<16xf32>
        %parallel_loop3A_3786 = arith.addf %parallel_loop3A_3578, %parallel_loop3A_3785 : vector<16xf32>
        %parallel_loop3A_3787 = arith.constant 10 : i32
        %parallel_loop3A_3788 = arith.index_cast %parallel_loop3A_3787 : i32 to index
        %parallel_loop3A_3789 = arith.index_cast %parallel_loop3A_3586 : i32 to index
        %parallel_loop3A_3790 = tpu.vector_load %arg10[%parallel_loop3A_3788, %parallel_loop3A_3789] {strides = array<i32>} : memref<16x768xf32, #tpu.memory_space<vmem>>, vector<1x16xf32>,
        %parallel_loop3A_3791 = vector.shape_cast %parallel_loop3A_3790 : vector<1x16xf32> to vector<16xf32>
        %parallel_loop3A_3792 = arith.constant 10 : i32
        %parallel_loop3A_3793 = arith.index_cast %parallel_loop3A_3792 : i32 to index
        %parallel_loop3A_3794 = arith.index_cast %parallel_loop3A_3586 : i32 to index
        %parallel_loop3A_3795 = tpu.vector_load %arg13[%parallel_loop3A_3793, %parallel_loop3A_3794] {strides = array<i32>} : memref<16x768xf32, #tpu.memory_space<vmem>>, vector<1x16xf32>,
        %parallel_loop3A_3796 = vector.shape_cast %parallel_loop3A_3795 : vector<1x16xf32> to vector<16xf32>
        %parallel_loop3A_3797 = arith.addf %parallel_loop3A_3791, %parallel_loop3A_3796 : vector<16xf32>
        %parallel_loop3A_3798 = arith.constant 10 : i32
        %parallel_loop3A_3799 = arith.index_cast %parallel_loop3A_3798 : i32 to index
        %parallel_loop3A_3800 = arith.index_cast %parallel_loop3A_3586 : i32 to index
        %parallel_loop3A_3801 = tpu.vector_load %arg10[%parallel_loop3A_3799, %parallel_loop3A_3800] {strides = array<i32>} : memref<16x768xf32, #tpu.memory_space<vmem>>, vector<1x16xf32>,
        %parallel_loop3A_3802 = vector.shape_cast %parallel_loop3A_3801 : vector<1x16xf32> to vector<16xf32>
        %parallel_loop3A_3803 = vector.shape_cast %parallel_loop3A_3797 : vector<16xf32> to vector<1x16xf32>
        tpu.vector_store %arg10[%parallel_loop3A_3799, %parallel_loop3A_3800], %parallel_loop3A_3803 {strides = array<i32>} : memref<16x768xf32, #tpu.memory_space<vmem>>, vector<1x16xf32>,
        %parallel_loop3A_3804 = arith.addf %parallel_loop3A_3563, %parallel_loop3A_3797 : vector<16xf32>
        %parallel_loop3A_3805 = arith.mulf %parallel_loop3A_3797, %parallel_loop3A_3797 : vector<16xf32>
        %parallel_loop3A_3806 = arith.addf %parallel_loop3A_3579, %parallel_loop3A_3805 : vector<16xf32>
        %parallel_loop3A_3807 = arith.constant 11 : i32
        %parallel_loop3A_3808 = arith.index_cast %parallel_loop3A_3807 : i32 to index
        %parallel_loop3A_3809 = arith.index_cast %parallel_loop3A_3586 : i32 to index
        %parallel_loop3A_3810 = tpu.vector_load %arg10[%parallel_loop3A_3808, %parallel_loop3A_3809] {strides = array<i32>} : memref<16x768xf32, #tpu.memory_space<vmem>>, vector<1x16xf32>,
        %parallel_loop3A_3811 = vector.shape_cast %parallel_loop3A_3810 : vector<1x16xf32> to vector<16xf32>
        %parallel_loop3A_3812 = arith.constant 11 : i32
        %parallel_loop3A_3813 = arith.index_cast %parallel_loop3A_3812 : i32 to index
        %parallel_loop3A_3814 = arith.index_cast %parallel_loop3A_3586 : i32 to index
        %parallel_loop3A_3815 = tpu.vector_load %arg13[%parallel_loop3A_3813, %parallel_loop3A_3814] {strides = array<i32>} : memref<16x768xf32, #tpu.memory_space<vmem>>, vector<1x16xf32>,
        %parallel_loop3A_3816 = vector.shape_cast %parallel_loop3A_3815 : vector<1x16xf32> to vector<16xf32>
        %parallel_loop3A_3817 = arith.addf %parallel_loop3A_3811, %parallel_loop3A_3816 : vector<16xf32>
        %parallel_loop3A_3818 = arith.constant 11 : i32
        %parallel_loop3A_3819 = arith.index_cast %parallel_loop3A_3818 : i32 to index
        %parallel_loop3A_3820 = arith.index_cast %parallel_loop3A_3586 : i32 to index
        %parallel_loop3A_3821 = tpu.vector_load %arg10[%parallel_loop3A_3819, %parallel_loop3A_3820] {strides = array<i32>} : memref<16x768xf32, #tpu.memory_space<vmem>>, vector<1x16xf32>,
        %parallel_loop3A_3822 = vector.shape_cast %parallel_loop3A_3821 : vector<1x16xf32> to vector<16xf32>
        %parallel_loop3A_3823 = vector.shape_cast %parallel_loop3A_3817 : vector<16xf32> to vector<1x16xf32>
        tpu.vector_store %arg10[%parallel_loop3A_3819, %parallel_loop3A_3820], %parallel_loop3A_3823 {strides = array<i32>} : memref<16x768xf32, #tpu.memory_space<vmem>>, vector<1x16xf32>,
        %parallel_loop3A_3824 = arith.addf %parallel_loop3A_3564, %parallel_loop3A_3817 : vector<16xf32>
        %parallel_loop3A_3825 = arith.mulf %parallel_loop3A_3817, %parallel_loop3A_3817 : vector<16xf32>
        %parallel_loop3A_3826 = arith.addf %parallel_loop3A_3580, %parallel_loop3A_3825 : vector<16xf32>
        %parallel_loop3A_3827 = arith.constant 12 : i32
        %parallel_loop3A_3828 = arith.index_cast %parallel_loop3A_3827 : i32 to index
        %parallel_loop3A_3829 = arith.index_cast %parallel_loop3A_3586 : i32 to index
        %parallel_loop3A_3830 = tpu.vector_load %arg10[%parallel_loop3A_3828, %parallel_loop3A_3829] {strides = array<i32>} : memref<16x768xf32, #tpu.memory_space<vmem>>, vector<1x16xf32>,
        %parallel_loop3A_3831 = vector.shape_cast %parallel_loop3A_3830 : vector<1x16xf32> to vector<16xf32>
        %parallel_loop3A_3832 = arith.constant 12 : i32
        %parallel_loop3A_3833 = arith.index_cast %parallel_loop3A_3832 : i32 to index
        %parallel_loop3A_3834 = arith.index_cast %parallel_loop3A_3586 : i32 to index
        %parallel_loop3A_3835 = tpu.vector_load %arg13[%parallel_loop3A_3833, %parallel_loop3A_3834] {strides = array<i32>} : memref<16x768xf32, #tpu.memory_space<vmem>>, vector<1x16xf32>,
        %parallel_loop3A_3836 = vector.shape_cast %parallel_loop3A_3835 : vector<1x16xf32> to vector<16xf32>
        %parallel_loop3A_3837 = arith.addf %parallel_loop3A_3831, %parallel_loop3A_3836 : vector<16xf32>
        %parallel_loop3A_3838 = arith.constant 12 : i32
        %parallel_loop3A_3839 = arith.index_cast %parallel_loop3A_3838 : i32 to index
        %parallel_loop3A_3840 = arith.index_cast %parallel_loop3A_3586 : i32 to index
        %parallel_loop3A_3841 = tpu.vector_load %arg10[%parallel_loop3A_3839, %parallel_loop3A_3840] {strides = array<i32>} : memref<16x768xf32, #tpu.memory_space<vmem>>, vector<1x16xf32>,
        %parallel_loop3A_3842 = vector.shape_cast %parallel_loop3A_3841 : vector<1x16xf32> to vector<16xf32>
        %parallel_loop3A_3843 = vector.shape_cast %parallel_loop3A_3837 : vector<16xf32> to vector<1x16xf32>
        tpu.vector_store %arg10[%parallel_loop3A_3839, %parallel_loop3A_3840], %parallel_loop3A_3843 {strides = array<i32>} : memref<16x768xf32, #tpu.memory_space<vmem>>, vector<1x16xf32>,
        %parallel_loop3A_3844 = arith.addf %parallel_loop3A_3565, %parallel_loop3A_3837 : vector<16xf32>
        %parallel_loop3A_3845 = arith.mulf %parallel_loop3A_3837, %parallel_loop3A_3837 : vector<16xf32>
        %parallel_loop3A_3846 = arith.addf %parallel_loop3A_3581, %parallel_loop3A_3845 : vector<16xf32>
        %parallel_loop3A_3847 = arith.constant 13 : i32
        %parallel_loop3A_3848 = arith.index_cast %parallel_loop3A_3847 : i32 to index
        %parallel_loop3A_3849 = arith.index_cast %parallel_loop3A_3586 : i32 to index
        %parallel_loop3A_3850 = tpu.vector_load %arg10[%parallel_loop3A_3848, %parallel_loop3A_3849] {strides = array<i32>} : memref<16x768xf32, #tpu.memory_space<vmem>>, vector<1x16xf32>,
        %parallel_loop3A_3851 = vector.shape_cast %parallel_loop3A_3850 : vector<1x16xf32> to vector<16xf32>
        %parallel_loop3A_3852 = arith.constant 13 : i32
        %parallel_loop3A_3853 = arith.index_cast %parallel_loop3A_3852 : i32 to index
        %parallel_loop3A_3854 = arith.index_cast %parallel_loop3A_3586 : i32 to index
        %parallel_loop3A_3855 = tpu.vector_load %arg13[%parallel_loop3A_3853, %parallel_loop3A_3854] {strides = array<i32>} : memref<16x768xf32, #tpu.memory_space<vmem>>, vector<1x16xf32>,
        %parallel_loop3A_3856 = vector.shape_cast %parallel_loop3A_3855 : vector<1x16xf32> to vector<16xf32>
        %parallel_loop3A_3857 = arith.addf %parallel_loop3A_3851, %parallel_loop3A_3856 : vector<16xf32>
        %parallel_loop3A_3858 = arith.constant 13 : i32
        %parallel_loop3A_3859 = arith.index_cast %parallel_loop3A_3858 : i32 to index
        %parallel_loop3A_3860 = arith.index_cast %parallel_loop3A_3586 : i32 to index
        %parallel_loop3A_3861 = tpu.vector_load %arg10[%parallel_loop3A_3859, %parallel_loop3A_3860] {strides = array<i32>} : memref<16x768xf32, #tpu.memory_space<vmem>>, vector<1x16xf32>,
        %parallel_loop3A_3862 = vector.shape_cast %parallel_loop3A_3861 : vector<1x16xf32> to vector<16xf32>
        %parallel_loop3A_3863 = vector.shape_cast %parallel_loop3A_3857 : vector<16xf32> to vector<1x16xf32>
        tpu.vector_store %arg10[%parallel_loop3A_3859, %parallel_loop3A_3860], %parallel_loop3A_3863 {strides = array<i32>} : memref<16x768xf32, #tpu.memory_space<vmem>>, vector<1x16xf32>,
        %parallel_loop3A_3864 = arith.addf %parallel_loop3A_3566, %parallel_loop3A_3857 : vector<16xf32>
        %parallel_loop3A_3865 = arith.mulf %parallel_loop3A_3857, %parallel_loop3A_3857 : vector<16xf32>
        %parallel_loop3A_3866 = arith.addf %parallel_loop3A_3582, %parallel_loop3A_3865 : vector<16xf32>
        %parallel_loop3A_3867 = arith.constant 14 : i32
        %parallel_loop3A_3868 = arith.index_cast %parallel_loop3A_3867 : i32 to index
        %parallel_loop3A_3869 = arith.index_cast %parallel_loop3A_3586 : i32 to index
        %parallel_loop3A_3870 = tpu.vector_load %arg10[%parallel_loop3A_3868, %parallel_loop3A_3869] {strides = array<i32>} : memref<16x768xf32, #tpu.memory_space<vmem>>, vector<1x16xf32>,
        %parallel_loop3A_3871 = vector.shape_cast %parallel_loop3A_3870 : vector<1x16xf32> to vector<16xf32>
        %parallel_loop3A_3872 = arith.constant 14 : i32
        %parallel_loop3A_3873 = arith.index_cast %parallel_loop3A_3872 : i32 to index
        %parallel_loop3A_3874 = arith.index_cast %parallel_loop3A_3586 : i32 to index
        %parallel_loop3A_3875 = tpu.vector_load %arg13[%parallel_loop3A_3873, %parallel_loop3A_3874] {strides = array<i32>} : memref<16x768xf32, #tpu.memory_space<vmem>>, vector<1x16xf32>,
        %parallel_loop3A_3876 = vector.shape_cast %parallel_loop3A_3875 : vector<1x16xf32> to vector<16xf32>
        %parallel_loop3A_3877 = arith.addf %parallel_loop3A_3871, %parallel_loop3A_3876 : vector<16xf32>
        %parallel_loop3A_3878 = arith.constant 14 : i32
        %parallel_loop3A_3879 = arith.index_cast %parallel_loop3A_3878 : i32 to index
        %parallel_loop3A_3880 = arith.index_cast %parallel_loop3A_3586 : i32 to index
        %parallel_loop3A_3881 = tpu.vector_load %arg10[%parallel_loop3A_3879, %parallel_loop3A_3880] {strides = array<i32>} : memref<16x768xf32, #tpu.memory_space<vmem>>, vector<1x16xf32>,
        %parallel_loop3A_3882 = vector.shape_cast %parallel_loop3A_3881 : vector<1x16xf32> to vector<16xf32>
        %parallel_loop3A_3883 = vector.shape_cast %parallel_loop3A_3877 : vector<16xf32> to vector<1x16xf32>
        tpu.vector_store %arg10[%parallel_loop3A_3879, %parallel_loop3A_3880], %parallel_loop3A_3883 {strides = array<i32>} : memref<16x768xf32, #tpu.memory_space<vmem>>, vector<1x16xf32>,
        %parallel_loop3A_3884 = arith.addf %parallel_loop3A_3567, %parallel_loop3A_3877 : vector<16xf32>
        %parallel_loop3A_3885 = arith.mulf %parallel_loop3A_3877, %parallel_loop3A_3877 : vector<16xf32>
        %parallel_loop3A_3886 = arith.addf %parallel_loop3A_3583, %parallel_loop3A_3885 : vector<16xf32>
        %parallel_loop3A_3887 = arith.constant 15 : i32
        %parallel_loop3A_3888 = arith.index_cast %parallel_loop3A_3887 : i32 to index
        %parallel_loop3A_3889 = arith.index_cast %parallel_loop3A_3586 : i32 to index
        %parallel_loop3A_3890 = tpu.vector_load %arg10[%parallel_loop3A_3888, %parallel_loop3A_3889] {strides = array<i32>} : memref<16x768xf32, #tpu.memory_space<vmem>>, vector<1x16xf32>,
        %parallel_loop3A_3891 = vector.shape_cast %parallel_loop3A_3890 : vector<1x16xf32> to vector<16xf32>
        %parallel_loop3A_3892 = arith.constant 15 : i32
        %parallel_loop3A_3893 = arith.index_cast %parallel_loop3A_3892 : i32 to index
        %parallel_loop3A_3894 = arith.index_cast %parallel_loop3A_3586 : i32 to index
        %parallel_loop3A_3895 = tpu.vector_load %arg13[%parallel_loop3A_3893, %parallel_loop3A_3894] {strides = array<i32>} : memref<16x768xf32, #tpu.memory_space<vmem>>, vector<1x16xf32>,
        %parallel_loop3A_3896 = vector.shape_cast %parallel_loop3A_3895 : vector<1x16xf32> to vector<16xf32>
        %parallel_loop3A_3897 = arith.addf %parallel_loop3A_3891, %parallel_loop3A_3896 : vector<16xf32>
        %parallel_loop3A_3898 = arith.constant 15 : i32
        %parallel_loop3A_3899 = arith.index_cast %parallel_loop3A_3898 : i32 to index
        %parallel_loop3A_3900 = arith.index_cast %parallel_loop3A_3586 : i32 to index
        %parallel_loop3A_3901 = tpu.vector_load %arg10[%parallel_loop3A_3899, %parallel_loop3A_3900] {strides = array<i32>} : memref<16x768xf32, #tpu.memory_space<vmem>>, vector<1x16xf32>,
        %parallel_loop3A_3902 = vector.shape_cast %parallel_loop3A_3901 : vector<1x16xf32> to vector<16xf32>
        %parallel_loop3A_3903 = vector.shape_cast %parallel_loop3A_3897 : vector<16xf32> to vector<1x16xf32>
        tpu.vector_store %arg10[%parallel_loop3A_3899, %parallel_loop3A_3900], %parallel_loop3A_3903 {strides = array<i32>} : memref<16x768xf32, #tpu.memory_space<vmem>>, vector<1x16xf32>,
        %parallel_loop3A_3904 = arith.addf %parallel_loop3A_3568, %parallel_loop3A_3897 : vector<16xf32>
        %parallel_loop3A_3905 = arith.mulf %parallel_loop3A_3897, %parallel_loop3A_3897 : vector<16xf32>
        %parallel_loop3A_3906 = arith.addf %parallel_loop3A_3584, %parallel_loop3A_3905 : vector<16xf32>
        scf.yield %parallel_loop3A_3604, %parallel_loop3A_3624, %parallel_loop3A_3644, %parallel_loop3A_3664, %parallel_loop3A_3684, %parallel_loop3A_3704, %parallel_loop3A_3724, %parallel_loop3A_3744, %parallel_loop3A_3764, %parallel_loop3A_3784, %parallel_loop3A_3804, %parallel_loop3A_3824, %parallel_loop3A_3844, %parallel_loop3A_3864, %parallel_loop3A_3884, %parallel_loop3A_3904, %parallel_loop3A_3606, %parallel_loop3A_3626, %parallel_loop3A_3646, %parallel_loop3A_3666, %parallel_loop3A_3686, %parallel_loop3A_3706, %parallel_loop3A_3726, %parallel_loop3A_3746, %parallel_loop3A_3766, %parallel_loop3A_3786, %parallel_loop3A_3806, %parallel_loop3A_3826, %parallel_loop3A_3846, %parallel_loop3A_3866, %parallel_loop3A_3886, %parallel_loop3A_3906 : vector<16xf32>, vector<16xf32>, vector<16xf32>, vector<16xf32>, vector<16xf32>, vector<16xf32>, vector<16xf32>, vector<16xf32>, vector<16xf32>, vector<16xf32>, vector<16xf32>, vector<16xf32>, vector<16xf32>, vector<16xf32>, vector<16xf32>, vector<16xf32>, vector<16xf32>, vector<16xf32>, vector<16xf32>, vector<16xf32>, vector<16xf32>, vector<16xf32>, vector<16xf32>, vector<16xf32>, vector<16xf32>, vector<16xf32>, vector<16xf32>, vector<16xf32>, vector<16xf32>, vector<16xf32>, vector<16xf32>, vector<16xf32>
      } {sc.loop_unroll_factor = 1 : i64, sc.parallel_access}
      %and3A_1816 = arith.constant -16 : i32
      %and3A_1817 = vector.broadcast %and3A_1816 : i32 to vector<16xi32>
      %and3A_1818 = arith.andi %iota3A, %and3A_1817 : vector<16xi32>
      %add3A_1819 = arith.constant 8 : i32
      %add3A_1820 = vector.broadcast %add3A_1819 : i32 to vector<16xi32>
      %add3A_1821 = arith.addi %iota3A, %add3A_1820 : vector<16xi32>
      %and3A_1822 = arith.constant 15 : i32
      %and3A_1823 = vector.broadcast %and3A_1822 : i32 to vector<16xi32>
      %and3A_1824 = arith.andi %add3A_1821, %and3A_1823 : vector<16xi32>
      %or3A_1825 = arith.ori %and3A_1818, %and3A_1824 : vector<16xi32>
      %lt3A_1826 = arith.constant 0 : i32
      %lt3A_1827 = vector.broadcast %lt3A_1826 : i32 to vector<16xi32>
      %lt3A_1828 = arith.cmpi slt, %or3A_1825, %lt3A_1827 : vector<16xi32>
      %add3A_1829 = arith.constant 16 : i32
      %add3A_1830 = vector.broadcast %add3A_1829 : i32 to vector<16xi32>
      %add3A_1831 = arith.addi %or3A_1825, %add3A_1830 : vector<16xi32>
      %select_n3A_1832 = arith.select %lt3A_1828, %add3A_1831, %or3A_1825 : vector<16xi1>, vector<16xi32>
      %broadcast_in_dim3A_1833 = vector.shape_cast %select_n3A_1832 : vector<16xi32> to vector<16x1xi32>
      %gather3A_1834 = vector.shape_cast %broadcast_in_dim3A_1833 : vector<16x1xi32> to vector<16xi32>
      %gather3A_1835 = tpu.dynamic_gather %parallel_loop3A_1815#0[%gather3A_1834] in [0] : vector<16xf32>, vector<16xi32> -> vector<16xf32>
      %add3A_1836 = arith.addf %parallel_loop3A_1815#0, %gather3A_1835 : vector<16xf32>
      %and3A_1837 = arith.constant -16 : i32
      %and3A_1838 = vector.broadcast %and3A_1837 : i32 to vector<16xi32>
      %and3A_1839 = arith.andi %iota3A, %and3A_1838 : vector<16xi32>
      %add3A_1840 = arith.constant 8 : i32
      %add3A_1841 = vector.broadcast %add3A_1840 : i32 to vector<16xi32>
      %add3A_1842 = arith.addi %iota3A, %add3A_1841 : vector<16xi32>
      %and3A_1843 = arith.constant 15 : i32
      %and3A_1844 = vector.broadcast %and3A_1843 : i32 to vector<16xi32>
      %and3A_1845 = arith.andi %add3A_1842, %and3A_1844 : vector<16xi32>
      %or3A_1846 = arith.ori %and3A_1839, %and3A_1845 : vector<16xi32>
      %lt3A_1847 = arith.constant 0 : i32
      %lt3A_1848 = vector.broadcast %lt3A_1847 : i32 to vector<16xi32>
      %lt3A_1849 = arith.cmpi slt, %or3A_1846, %lt3A_1848 : vector<16xi32>
      %add3A_1850 = arith.constant 16 : i32
      %add3A_1851 = vector.broadcast %add3A_1850 : i32 to vector<16xi32>
      %add3A_1852 = arith.addi %or3A_1846, %add3A_1851 : vector<16xi32>
      %select_n3A_1853 = arith.select %lt3A_1849, %add3A_1852, %or3A_1846 : vector<16xi1>, vector<16xi32>
      %broadcast_in_dim3A_1854 = vector.shape_cast %select_n3A_1853 : vector<16xi32> to vector<16x1xi32>
      %gather3A_1855 = vector.shape_cast %broadcast_in_dim3A_1854 : vector<16x1xi32> to vector<16xi32>
      %gather3A_1856 = tpu.dynamic_gather %parallel_loop3A_1815#1[%gather3A_1855] in [0] : vector<16xf32>, vector<16xi32> -> vector<16xf32>
      %add3A_1857 = arith.addf %parallel_loop3A_1815#1, %gather3A_1856 : vector<16xf32>
      %select_n3A_1858 = arith.select %lt3A_29, %add3A_1836, %add3A_1857 : vector<16xi1>, vector<16xf32>
      %and3A_1859 = arith.constant -16 : i32
      %and3A_1860 = vector.broadcast %and3A_1859 : i32 to vector<16xi32>
      %and3A_1861 = arith.andi %iota3A, %and3A_1860 : vector<16xi32>
      %add3A_1862 = arith.constant 8 : i32
      %add3A_1863 = vector.broadcast %add3A_1862 : i32 to vector<16xi32>
      %add3A_1864 = arith.addi %iota3A, %add3A_1863 : vector<16xi32>
      %and3A_1865 = arith.constant 15 : i32
      %and3A_1866 = vector.broadcast %and3A_1865 : i32 to vector<16xi32>
      %and3A_1867 = arith.andi %add3A_1864, %and3A_1866 : vector<16xi32>
      %or3A_1868 = arith.ori %and3A_1861, %and3A_1867 : vector<16xi32>
      %lt3A_1869 = arith.constant 0 : i32
      %lt3A_1870 = vector.broadcast %lt3A_1869 : i32 to vector<16xi32>
      %lt3A_1871 = arith.cmpi slt, %or3A_1868, %lt3A_1870 : vector<16xi32>
      %add3A_1872 = arith.constant 16 : i32
      %add3A_1873 = vector.broadcast %add3A_1872 : i32 to vector<16xi32>
      %add3A_1874 = arith.addi %or3A_1868, %add3A_1873 : vector<16xi32>
      %select_n3A_1875 = arith.select %lt3A_1871, %add3A_1874, %or3A_1868 : vector<16xi1>, vector<16xi32>
      %broadcast_in_dim3A_1876 = vector.shape_cast %select_n3A_1875 : vector<16xi32> to vector<16x1xi32>
      %gather3A_1877 = vector.shape_cast %broadcast_in_dim3A_1876 : vector<16x1xi32> to vector<16xi32>
      %gather3A_1878 = tpu.dynamic_gather %parallel_loop3A_1815#2[%gather3A_1877] in [0] : vector<16xf32>, vector<16xi32> -> vector<16xf32>
      %add3A_1879 = arith.addf %parallel_loop3A_1815#2, %gather3A_1878 : vector<16xf32>
      %and3A_1880 = arith.constant -16 : i32
      %and3A_1881 = vector.broadcast %and3A_1880 : i32 to vector<16xi32>
      %and3A_1882 = arith.andi %iota3A, %and3A_1881 : vector<16xi32>
      %add3A_1883 = arith.constant 8 : i32
      %add3A_1884 = vector.broadcast %add3A_1883 : i32 to vector<16xi32>
      %add3A_1885 = arith.addi %iota3A, %add3A_1884 : vector<16xi32>
      %and3A_1886 = arith.constant 15 : i32
      %and3A_1887 = vector.broadcast %and3A_1886 : i32 to vector<16xi32>
      %and3A_1888 = arith.andi %add3A_1885, %and3A_1887 : vector<16xi32>
      %or3A_1889 = arith.ori %and3A_1882, %and3A_1888 : vector<16xi32>
      %lt3A_1890 = arith.constant 0 : i32
      %lt3A_1891 = vector.broadcast %lt3A_1890 : i32 to vector<16xi32>
      %lt3A_1892 = arith.cmpi slt, %or3A_1889, %lt3A_1891 : vector<16xi32>
      %add3A_1893 = arith.constant 16 : i32
      %add3A_1894 = vector.broadcast %add3A_1893 : i32 to vector<16xi32>
      %add3A_1895 = arith.addi %or3A_1889, %add3A_1894 : vector<16xi32>
      %select_n3A_1896 = arith.select %lt3A_1892, %add3A_1895, %or3A_1889 : vector<16xi1>, vector<16xi32>
      %broadcast_in_dim3A_1897 = vector.shape_cast %select_n3A_1896 : vector<16xi32> to vector<16x1xi32>
      %gather3A_1898 = vector.shape_cast %broadcast_in_dim3A_1897 : vector<16x1xi32> to vector<16xi32>
      %gather3A_1899 = tpu.dynamic_gather %parallel_loop3A_1815#3[%gather3A_1898] in [0] : vector<16xf32>, vector<16xi32> -> vector<16xf32>
      %add3A_1900 = arith.addf %parallel_loop3A_1815#3, %gather3A_1899 : vector<16xf32>
      %select_n3A_1901 = arith.select %lt3A_29, %add3A_1879, %add3A_1900 : vector<16xi1>, vector<16xf32>
      %and3A_1902 = arith.constant -16 : i32
      %and3A_1903 = vector.broadcast %and3A_1902 : i32 to vector<16xi32>
      %and3A_1904 = arith.andi %iota3A, %and3A_1903 : vector<16xi32>
      %add3A_1905 = arith.constant 8 : i32
      %add3A_1906 = vector.broadcast %add3A_1905 : i32 to vector<16xi32>
      %add3A_1907 = arith.addi %iota3A, %add3A_1906 : vector<16xi32>
      %and3A_1908 = arith.constant 15 : i32
      %and3A_1909 = vector.broadcast %and3A_1908 : i32 to vector<16xi32>
      %and3A_1910 = arith.andi %add3A_1907, %and3A_1909 : vector<16xi32>
      %or3A_1911 = arith.ori %and3A_1904, %and3A_1910 : vector<16xi32>
      %lt3A_1912 = arith.constant 0 : i32
      %lt3A_1913 = vector.broadcast %lt3A_1912 : i32 to vector<16xi32>
      %lt3A_1914 = arith.cmpi slt, %or3A_1911, %lt3A_1913 : vector<16xi32>
      %add3A_1915 = arith.constant 16 : i32
      %add3A_1916 = vector.broadcast %add3A_1915 : i32 to vector<16xi32>
      %add3A_1917 = arith.addi %or3A_1911, %add3A_1916 : vector<16xi32>
      %select_n3A_1918 = arith.select %lt3A_1914, %add3A_1917, %or3A_1911 : vector<16xi1>, vector<16xi32>
      %broadcast_in_dim3A_1919 = vector.shape_cast %select_n3A_1918 : vector<16xi32> to vector<16x1xi32>
      %gather3A_1920 = vector.shape_cast %broadcast_in_dim3A_1919 : vector<16x1xi32> to vector<16xi32>
      %gather3A_1921 = tpu.dynamic_gather %parallel_loop3A_1815#4[%gather3A_1920] in [0] : vector<16xf32>, vector<16xi32> -> vector<16xf32>
      %add3A_1922 = arith.addf %parallel_loop3A_1815#4, %gather3A_1921 : vector<16xf32>
      %and3A_1923 = arith.constant -16 : i32
      %and3A_1924 = vector.broadcast %and3A_1923 : i32 to vector<16xi32>
      %and3A_1925 = arith.andi %iota3A, %and3A_1924 : vector<16xi32>
      %add3A_1926 = arith.constant 8 : i32
      %add3A_1927 = vector.broadcast %add3A_1926 : i32 to vector<16xi32>
      %add3A_1928 = arith.addi %iota3A, %add3A_1927 : vector<16xi32>
      %and3A_1929 = arith.constant 15 : i32
      %and3A_1930 = vector.broadcast %and3A_1929 : i32 to vector<16xi32>
      %and3A_1931 = arith.andi %add3A_1928, %and3A_1930 : vector<16xi32>
      %or3A_1932 = arith.ori %and3A_1925, %and3A_1931 : vector<16xi32>
      %lt3A_1933 = arith.constant 0 : i32
      %lt3A_1934 = vector.broadcast %lt3A_1933 : i32 to vector<16xi32>
      %lt3A_1935 = arith.cmpi slt, %or3A_1932, %lt3A_1934 : vector<16xi32>
      %add3A_1936 = arith.constant 16 : i32
      %add3A_1937 = vector.broadcast %add3A_1936 : i32 to vector<16xi32>
      %add3A_1938 = arith.addi %or3A_1932, %add3A_1937 : vector<16xi32>
      %select_n3A_1939 = arith.select %lt3A_1935, %add3A_1938, %or3A_1932 : vector<16xi1>, vector<16xi32>
      %broadcast_in_dim3A_1940 = vector.shape_cast %select_n3A_1939 : vector<16xi32> to vector<16x1xi32>
      %gather3A_1941 = vector.shape_cast %broadcast_in_dim3A_1940 : vector<16x1xi32> to vector<16xi32>
      %gather3A_1942 = tpu.dynamic_gather %parallel_loop3A_1815#5[%gather3A_1941] in [0] : vector<16xf32>, vector<16xi32> -> vector<16xf32>
      %add3A_1943 = arith.addf %parallel_loop3A_1815#5, %gather3A_1942 : vector<16xf32>
      %select_n3A_1944 = arith.select %lt3A_29, %add3A_1922, %add3A_1943 : vector<16xi1>, vector<16xf32>
      %and3A_1945 = arith.constant -16 : i32
      %and3A_1946 = vector.broadcast %and3A_1945 : i32 to vector<16xi32>
      %and3A_1947 = arith.andi %iota3A, %and3A_1946 : vector<16xi32>
      %add3A_1948 = arith.constant 8 : i32
      %add3A_1949 = vector.broadcast %add3A_1948 : i32 to vector<16xi32>
      %add3A_1950 = arith.addi %iota3A, %add3A_1949 : vector<16xi32>
      %and3A_1951 = arith.constant 15 : i32
      %and3A_1952 = vector.broadcast %and3A_1951 : i32 to vector<16xi32>
      %and3A_1953 = arith.andi %add3A_1950, %and3A_1952 : vector<16xi32>
      %or3A_1954 = arith.ori %and3A_1947, %and3A_1953 : vector<16xi32>
      %lt3A_1955 = arith.constant 0 : i32
      %lt3A_1956 = vector.broadcast %lt3A_1955 : i32 to vector<16xi32>
      %lt3A_1957 = arith.cmpi slt, %or3A_1954, %lt3A_1956 : vector<16xi32>
      %add3A_1958 = arith.constant 16 : i32
      %add3A_1959 = vector.broadcast %add3A_1958 : i32 to vector<16xi32>
      %add3A_1960 = arith.addi %or3A_1954, %add3A_1959 : vector<16xi32>
      %select_n3A_1961 = arith.select %lt3A_1957, %add3A_1960, %or3A_1954 : vector<16xi1>, vector<16xi32>
      %broadcast_in_dim3A_1962 = vector.shape_cast %select_n3A_1961 : vector<16xi32> to vector<16x1xi32>
      %gather3A_1963 = vector.shape_cast %broadcast_in_dim3A_1962 : vector<16x1xi32> to vector<16xi32>
      %gather3A_1964 = tpu.dynamic_gather %parallel_loop3A_1815#6[%gather3A_1963] in [0] : vector<16xf32>, vector<16xi32> -> vector<16xf32>
      %add3A_1965 = arith.addf %parallel_loop3A_1815#6, %gather3A_1964 : vector<16xf32>
      %and3A_1966 = arith.constant -16 : i32
      %and3A_1967 = vector.broadcast %and3A_1966 : i32 to vector<16xi32>
      %and3A_1968 = arith.andi %iota3A, %and3A_1967 : vector<16xi32>
      %add3A_1969 = arith.constant 8 : i32
      %add3A_1970 = vector.broadcast %add3A_1969 : i32 to vector<16xi32>
      %add3A_1971 = arith.addi %iota3A, %add3A_1970 : vector<16xi32>
      %and3A_1972 = arith.constant 15 : i32
      %and3A_1973 = vector.broadcast %and3A_1972 : i32 to vector<16xi32>
      %and3A_1974 = arith.andi %add3A_1971, %and3A_1973 : vector<16xi32>
      %or3A_1975 = arith.ori %and3A_1968, %and3A_1974 : vector<16xi32>
      %lt3A_1976 = arith.constant 0 : i32
      %lt3A_1977 = vector.broadcast %lt3A_1976 : i32 to vector<16xi32>
      %lt3A_1978 = arith.cmpi slt, %or3A_1975, %lt3A_1977 : vector<16xi32>
      %add3A_1979 = arith.constant 16 : i32
      %add3A_1980 = vector.broadcast %add3A_1979 : i32 to vector<16xi32>
      %add3A_1981 = arith.addi %or3A_1975, %add3A_1980 : vector<16xi32>
      %select_n3A_1982 = arith.select %lt3A_1978, %add3A_1981, %or3A_1975 : vector<16xi1>, vector<16xi32>
      %broadcast_in_dim3A_1983 = vector.shape_cast %select_n3A_1982 : vector<16xi32> to vector<16x1xi32>
      %gather3A_1984 = vector.shape_cast %broadcast_in_dim3A_1983 : vector<16x1xi32> to vector<16xi32>
      %gather3A_1985 = tpu.dynamic_gather %parallel_loop3A_1815#7[%gather3A_1984] in [0] : vector<16xf32>, vector<16xi32> -> vector<16xf32>
      %add3A_1986 = arith.addf %parallel_loop3A_1815#7, %gather3A_1985 : vector<16xf32>
      %select_n3A_1987 = arith.select %lt3A_29, %add3A_1965, %add3A_1986 : vector<16xi1>, vector<16xf32>
      %and3A_1988 = arith.constant -16 : i32
      %and3A_1989 = vector.broadcast %and3A_1988 : i32 to vector<16xi32>
      %and3A_1990 = arith.andi %iota3A, %and3A_1989 : vector<16xi32>
      %add3A_1991 = arith.constant 8 : i32
      %add3A_1992 = vector.broadcast %add3A_1991 : i32 to vector<16xi32>
      %add3A_1993 = arith.addi %iota3A, %add3A_1992 : vector<16xi32>
      %and3A_1994 = arith.constant 15 : i32
      %and3A_1995 = vector.broadcast %and3A_1994 : i32 to vector<16xi32>
      %and3A_1996 = arith.andi %add3A_1993, %and3A_1995 : vector<16xi32>
      %or3A_1997 = arith.ori %and3A_1990, %and3A_1996 : vector<16xi32>
      %lt3A_1998 = arith.constant 0 : i32
      %lt3A_1999 = vector.broadcast %lt3A_1998 : i32 to vector<16xi32>
      %lt3A_2000 = arith.cmpi slt, %or3A_1997, %lt3A_1999 : vector<16xi32>
      %add3A_2001 = arith.constant 16 : i32
      %add3A_2002 = vector.broadcast %add3A_2001 : i32 to vector<16xi32>
      %add3A_2003 = arith.addi %or3A_1997, %add3A_2002 : vector<16xi32>
      %select_n3A_2004 = arith.select %lt3A_2000, %add3A_2003, %or3A_1997 : vector<16xi1>, vector<16xi32>
      %broadcast_in_dim3A_2005 = vector.shape_cast %select_n3A_2004 : vector<16xi32> to vector<16x1xi32>
      %gather3A_2006 = vector.shape_cast %broadcast_in_dim3A_2005 : vector<16x1xi32> to vector<16xi32>
      %gather3A_2007 = tpu.dynamic_gather %parallel_loop3A_1815#8[%gather3A_2006] in [0] : vector<16xf32>, vector<16xi32> -> vector<16xf32>
      %add3A_2008 = arith.addf %parallel_loop3A_1815#8, %gather3A_2007 : vector<16xf32>
      %and3A_2009 = arith.constant -16 : i32
      %and3A_2010 = vector.broadcast %and3A_2009 : i32 to vector<16xi32>
      %and3A_2011 = arith.andi %iota3A, %and3A_2010 : vector<16xi32>
      %add3A_2012 = arith.constant 8 : i32
      %add3A_2013 = vector.broadcast %add3A_2012 : i32 to vector<16xi32>
      %add3A_2014 = arith.addi %iota3A, %add3A_2013 : vector<16xi32>
      %and3A_2015 = arith.constant 15 : i32
      %and3A_2016 = vector.broadcast %and3A_2015 : i32 to vector<16xi32>
      %and3A_2017 = arith.andi %add3A_2014, %and3A_2016 : vector<16xi32>
      %or3A_2018 = arith.ori %and3A_2011, %and3A_2017 : vector<16xi32>
      %lt3A_2019 = arith.constant 0 : i32
      %lt3A_2020 = vector.broadcast %lt3A_2019 : i32 to vector<16xi32>
      %lt3A_2021 = arith.cmpi slt, %or3A_2018, %lt3A_2020 : vector<16xi32>
      %add3A_2022 = arith.constant 16 : i32
      %add3A_2023 = vector.broadcast %add3A_2022 : i32 to vector<16xi32>
      %add3A_2024 = arith.addi %or3A_2018, %add3A_2023 : vector<16xi32>
      %select_n3A_2025 = arith.select %lt3A_2021, %add3A_2024, %or3A_2018 : vector<16xi1>, vector<16xi32>
      %broadcast_in_dim3A_2026 = vector.shape_cast %select_n3A_2025 : vector<16xi32> to vector<16x1xi32>
      %gather3A_2027 = vector.shape_cast %broadcast_in_dim3A_2026 : vector<16x1xi32> to vector<16xi32>
      %gather3A_2028 = tpu.dynamic_gather %parallel_loop3A_1815#9[%gather3A_2027] in [0] : vector<16xf32>, vector<16xi32> -> vector<16xf32>
      %add3A_2029 = arith.addf %parallel_loop3A_1815#9, %gather3A_2028 : vector<16xf32>
      %select_n3A_2030 = arith.select %lt3A_29, %add3A_2008, %add3A_2029 : vector<16xi1>, vector<16xf32>
      %and3A_2031 = arith.constant -16 : i32
      %and3A_2032 = vector.broadcast %and3A_2031 : i32 to vector<16xi32>
      %and3A_2033 = arith.andi %iota3A, %and3A_2032 : vector<16xi32>
      %add3A_2034 = arith.constant 8 : i32
      %add3A_2035 = vector.broadcast %add3A_2034 : i32 to vector<16xi32>
      %add3A_2036 = arith.addi %iota3A, %add3A_2035 : vector<16xi32>
      %and3A_2037 = arith.constant 15 : i32
      %and3A_2038 = vector.broadcast %and3A_2037 : i32 to vector<16xi32>
      %and3A_2039 = arith.andi %add3A_2036, %and3A_2038 : vector<16xi32>
      %or3A_2040 = arith.ori %and3A_2033, %and3A_2039 : vector<16xi32>
      %lt3A_2041 = arith.constant 0 : i32
      %lt3A_2042 = vector.broadcast %lt3A_2041 : i32 to vector<16xi32>
      %lt3A_2043 = arith.cmpi slt, %or3A_2040, %lt3A_2042 : vector<16xi32>
      %add3A_2044 = arith.constant 16 : i32
      %add3A_2045 = vector.broadcast %add3A_2044 : i32 to vector<16xi32>
      %add3A_2046 = arith.addi %or3A_2040, %add3A_2045 : vector<16xi32>
      %select_n3A_2047 = arith.select %lt3A_2043, %add3A_2046, %or3A_2040 : vector<16xi1>, vector<16xi32>
      %broadcast_in_dim3A_2048 = vector.shape_cast %select_n3A_2047 : vector<16xi32> to vector<16x1xi32>
      %gather3A_2049 = vector.shape_cast %broadcast_in_dim3A_2048 : vector<16x1xi32> to vector<16xi32>
      %gather3A_2050 = tpu.dynamic_gather %parallel_loop3A_1815#10[%gather3A_2049] in [0] : vector<16xf32>, vector<16xi32> -> vector<16xf32>
      %add3A_2051 = arith.addf %parallel_loop3A_1815#10, %gather3A_2050 : vector<16xf32>
      %and3A_2052 = arith.constant -16 : i32
      %and3A_2053 = vector.broadcast %and3A_2052 : i32 to vector<16xi32>
      %and3A_2054 = arith.andi %iota3A, %and3A_2053 : vector<16xi32>
      %add3A_2055 = arith.constant 8 : i32
      %add3A_2056 = vector.broadcast %add3A_2055 : i32 to vector<16xi32>
      %add3A_2057 = arith.addi %iota3A, %add3A_2056 : vector<16xi32>
      %and3A_2058 = arith.constant 15 : i32
      %and3A_2059 = vector.broadcast %and3A_2058 : i32 to vector<16xi32>
      %and3A_2060 = arith.andi %add3A_2057, %and3A_2059 : vector<16xi32>
      %or3A_2061 = arith.ori %and3A_2054, %and3A_2060 : vector<16xi32>
      %lt3A_2062 = arith.constant 0 : i32
      %lt3A_2063 = vector.broadcast %lt3A_2062 : i32 to vector<16xi32>
      %lt3A_2064 = arith.cmpi slt, %or3A_2061, %lt3A_2063 : vector<16xi32>
      %add3A_2065 = arith.constant 16 : i32
      %add3A_2066 = vector.broadcast %add3A_2065 : i32 to vector<16xi32>
      %add3A_2067 = arith.addi %or3A_2061, %add3A_2066 : vector<16xi32>
      %select_n3A_2068 = arith.select %lt3A_2064, %add3A_2067, %or3A_2061 : vector<16xi1>, vector<16xi32>
      %broadcast_in_dim3A_2069 = vector.shape_cast %select_n3A_2068 : vector<16xi32> to vector<16x1xi32>
      %gather3A_2070 = vector.shape_cast %broadcast_in_dim3A_2069 : vector<16x1xi32> to vector<16xi32>
      %gather3A_2071 = tpu.dynamic_gather %parallel_loop3A_1815#11[%gather3A_2070] in [0] : vector<16xf32>, vector<16xi32> -> vector<16xf32>
      %add3A_2072 = arith.addf %parallel_loop3A_1815#11, %gather3A_2071 : vector<16xf32>
      %select_n3A_2073 = arith.select %lt3A_29, %add3A_2051, %add3A_2072 : vector<16xi1>, vector<16xf32>
      %and3A_2074 = arith.constant -16 : i32
      %and3A_2075 = vector.broadcast %and3A_2074 : i32 to vector<16xi32>
      %and3A_2076 = arith.andi %iota3A, %and3A_2075 : vector<16xi32>
      %add3A_2077 = arith.constant 8 : i32
      %add3A_2078 = vector.broadcast %add3A_2077 : i32 to vector<16xi32>
      %add3A_2079 = arith.addi %iota3A, %add3A_2078 : vector<16xi32>
      %and3A_2080 = arith.constant 15 : i32
      %and3A_2081 = vector.broadcast %and3A_2080 : i32 to vector<16xi32>
      %and3A_2082 = arith.andi %add3A_2079, %and3A_2081 : vector<16xi32>
      %or3A_2083 = arith.ori %and3A_2076, %and3A_2082 : vector<16xi32>
      %lt3A_2084 = arith.constant 0 : i32
      %lt3A_2085 = vector.broadcast %lt3A_2084 : i32 to vector<16xi32>
      %lt3A_2086 = arith.cmpi slt, %or3A_2083, %lt3A_2085 : vector<16xi32>
      %add3A_2087 = arith.constant 16 : i32
      %add3A_2088 = vector.broadcast %add3A_2087 : i32 to vector<16xi32>
      %add3A_2089 = arith.addi %or3A_2083, %add3A_2088 : vector<16xi32>
      %select_n3A_2090 = arith.select %lt3A_2086, %add3A_2089, %or3A_2083 : vector<16xi1>, vector<16xi32>
      %broadcast_in_dim3A_2091 = vector.shape_cast %select_n3A_2090 : vector<16xi32> to vector<16x1xi32>
      %gather3A_2092 = vector.shape_cast %broadcast_in_dim3A_2091 : vector<16x1xi32> to vector<16xi32>
      %gather3A_2093 = tpu.dynamic_gather %parallel_loop3A_1815#12[%gather3A_2092] in [0] : vector<16xf32>, vector<16xi32> -> vector<16xf32>
      %add3A_2094 = arith.addf %parallel_loop3A_1815#12, %gather3A_2093 : vector<16xf32>
      %and3A_2095 = arith.constant -16 : i32
      %and3A_2096 = vector.broadcast %and3A_2095 : i32 to vector<16xi32>
      %and3A_2097 = arith.andi %iota3A, %and3A_2096 : vector<16xi32>
      %add3A_2098 = arith.constant 8 : i32
      %add3A_2099 = vector.broadcast %add3A_2098 : i32 to vector<16xi32>
      %add3A_2100 = arith.addi %iota3A, %add3A_2099 : vector<16xi32>
      %and3A_2101 = arith.constant 15 : i32
      %and3A_2102 = vector.broadcast %and3A_2101 : i32 to vector<16xi32>
      %and3A_2103 = arith.andi %add3A_2100, %and3A_2102 : vector<16xi32>
      %or3A_2104 = arith.ori %and3A_2097, %and3A_2103 : vector<16xi32>
      %lt3A_2105 = arith.constant 0 : i32
      %lt3A_2106 = vector.broadcast %lt3A_2105 : i32 to vector<16xi32>
      %lt3A_2107 = arith.cmpi slt, %or3A_2104, %lt3A_2106 : vector<16xi32>
      %add3A_2108 = arith.constant 16 : i32
      %add3A_2109 = vector.broadcast %add3A_2108 : i32 to vector<16xi32>
      %add3A_2110 = arith.addi %or3A_2104, %add3A_2109 : vector<16xi32>
      %select_n3A_2111 = arith.select %lt3A_2107, %add3A_2110, %or3A_2104 : vector<16xi1>, vector<16xi32>
      %broadcast_in_dim3A_2112 = vector.shape_cast %select_n3A_2111 : vector<16xi32> to vector<16x1xi32>
      %gather3A_2113 = vector.shape_cast %broadcast_in_dim3A_2112 : vector<16x1xi32> to vector<16xi32>
      %gather3A_2114 = tpu.dynamic_gather %parallel_loop3A_1815#13[%gather3A_2113] in [0] : vector<16xf32>, vector<16xi32> -> vector<16xf32>
      %add3A_2115 = arith.addf %parallel_loop3A_1815#13, %gather3A_2114 : vector<16xf32>
      %select_n3A_2116 = arith.select %lt3A_29, %add3A_2094, %add3A_2115 : vector<16xi1>, vector<16xf32>
      %and3A_2117 = arith.constant -16 : i32
      %and3A_2118 = vector.broadcast %and3A_2117 : i32 to vector<16xi32>
      %and3A_2119 = arith.andi %iota3A, %and3A_2118 : vector<16xi32>
      %add3A_2120 = arith.constant 8 : i32
      %add3A_2121 = vector.broadcast %add3A_2120 : i32 to vector<16xi32>
      %add3A_2122 = arith.addi %iota3A, %add3A_2121 : vector<16xi32>
      %and3A_2123 = arith.constant 15 : i32
      %and3A_2124 = vector.broadcast %and3A_2123 : i32 to vector<16xi32>
      %and3A_2125 = arith.andi %add3A_2122, %and3A_2124 : vector<16xi32>
      %or3A_2126 = arith.ori %and3A_2119, %and3A_2125 : vector<16xi32>
      %lt3A_2127 = arith.constant 0 : i32
      %lt3A_2128 = vector.broadcast %lt3A_2127 : i32 to vector<16xi32>
      %lt3A_2129 = arith.cmpi slt, %or3A_2126, %lt3A_2128 : vector<16xi32>
      %add3A_2130 = arith.constant 16 : i32
      %add3A_2131 = vector.broadcast %add3A_2130 : i32 to vector<16xi32>
      %add3A_2132 = arith.addi %or3A_2126, %add3A_2131 : vector<16xi32>
      %select_n3A_2133 = arith.select %lt3A_2129, %add3A_2132, %or3A_2126 : vector<16xi1>, vector<16xi32>
      %broadcast_in_dim3A_2134 = vector.shape_cast %select_n3A_2133 : vector<16xi32> to vector<16x1xi32>
      %gather3A_2135 = vector.shape_cast %broadcast_in_dim3A_2134 : vector<16x1xi32> to vector<16xi32>
      %gather3A_2136 = tpu.dynamic_gather %parallel_loop3A_1815#14[%gather3A_2135] in [0] : vector<16xf32>, vector<16xi32> -> vector<16xf32>
      %add3A_2137 = arith.addf %parallel_loop3A_1815#14, %gather3A_2136 : vector<16xf32>
      %and3A_2138 = arith.constant -16 : i32
      %and3A_2139 = vector.broadcast %and3A_2138 : i32 to vector<16xi32>
      %and3A_2140 = arith.andi %iota3A, %and3A_2139 : vector<16xi32>
      %add3A_2141 = arith.constant 8 : i32
      %add3A_2142 = vector.broadcast %add3A_2141 : i32 to vector<16xi32>
      %add3A_2143 = arith.addi %iota3A, %add3A_2142 : vector<16xi32>
      %and3A_2144 = arith.constant 15 : i32
      %and3A_2145 = vector.broadcast %and3A_2144 : i32 to vector<16xi32>
      %and3A_2146 = arith.andi %add3A_2143, %and3A_2145 : vector<16xi32>
      %or3A_2147 = arith.ori %and3A_2140, %and3A_2146 : vector<16xi32>
      %lt3A_2148 = arith.constant 0 : i32
      %lt3A_2149 = vector.broadcast %lt3A_2148 : i32 to vector<16xi32>
      %lt3A_2150 = arith.cmpi slt, %or3A_2147, %lt3A_2149 : vector<16xi32>
      %add3A_2151 = arith.constant 16 : i32
      %add3A_2152 = vector.broadcast %add3A_2151 : i32 to vector<16xi32>
      %add3A_2153 = arith.addi %or3A_2147, %add3A_2152 : vector<16xi32>
      %select_n3A_2154 = arith.select %lt3A_2150, %add3A_2153, %or3A_2147 : vector<16xi1>, vector<16xi32>
      %broadcast_in_dim3A_2155 = vector.shape_cast %select_n3A_2154 : vector<16xi32> to vector<16x1xi32>
      %gather3A_2156 = vector.shape_cast %broadcast_in_dim3A_2155 : vector<16x1xi32> to vector<16xi32>
      %gather3A_2157 = tpu.dynamic_gather %parallel_loop3A_1815#15[%gather3A_2156] in [0] : vector<16xf32>, vector<16xi32> -> vector<16xf32>
      %add3A_2158 = arith.addf %parallel_loop3A_1815#15, %gather3A_2157 : vector<16xf32>
      %select_n3A_2159 = arith.select %lt3A_29, %add3A_2137, %add3A_2158 : vector<16xi1>, vector<16xf32>
      %and3A_2160 = arith.constant -8 : i32
      %and3A_2161 = vector.broadcast %and3A_2160 : i32 to vector<16xi32>
      %and3A_2162 = arith.andi %iota3A, %and3A_2161 : vector<16xi32>
      %add3A_2163 = arith.constant 4 : i32
      %add3A_2164 = vector.broadcast %add3A_2163 : i32 to vector<16xi32>
      %add3A_2165 = arith.addi %iota3A, %add3A_2164 : vector<16xi32>
      %and3A_2166 = arith.constant 7 : i32
      %and3A_2167 = vector.broadcast %and3A_2166 : i32 to vector<16xi32>
      %and3A_2168 = arith.andi %add3A_2165, %and3A_2167 : vector<16xi32>
      %or3A_2169 = arith.ori %and3A_2162, %and3A_2168 : vector<16xi32>
      %lt3A_2170 = arith.constant 0 : i32
      %lt3A_2171 = vector.broadcast %lt3A_2170 : i32 to vector<16xi32>
      %lt3A_2172 = arith.cmpi slt, %or3A_2169, %lt3A_2171 : vector<16xi32>
      %add3A_2173 = arith.constant 16 : i32
      %add3A_2174 = vector.broadcast %add3A_2173 : i32 to vector<16xi32>
      %add3A_2175 = arith.addi %or3A_2169, %add3A_2174 : vector<16xi32>
      %select_n3A_2176 = arith.select %lt3A_2172, %add3A_2175, %or3A_2169 : vector<16xi1>, vector<16xi32>
      %broadcast_in_dim3A_2177 = vector.shape_cast %select_n3A_2176 : vector<16xi32> to vector<16x1xi32>
      %gather3A_2178 = vector.shape_cast %broadcast_in_dim3A_2177 : vector<16x1xi32> to vector<16xi32>
      %gather3A_2179 = tpu.dynamic_gather %select_n3A_1858[%gather3A_2178] in [0] : vector<16xf32>, vector<16xi32> -> vector<16xf32>
      %add3A_2180 = arith.addf %select_n3A_1858, %gather3A_2179 : vector<16xf32>
      %and3A_2181 = arith.constant -8 : i32
      %and3A_2182 = vector.broadcast %and3A_2181 : i32 to vector<16xi32>
      %and3A_2183 = arith.andi %iota3A, %and3A_2182 : vector<16xi32>
      %add3A_2184 = arith.constant 4 : i32
      %add3A_2185 = vector.broadcast %add3A_2184 : i32 to vector<16xi32>
      %add3A_2186 = arith.addi %iota3A, %add3A_2185 : vector<16xi32>
      %and3A_2187 = arith.constant 7 : i32
      %and3A_2188 = vector.broadcast %and3A_2187 : i32 to vector<16xi32>
      %and3A_2189 = arith.andi %add3A_2186, %and3A_2188 : vector<16xi32>
      %or3A_2190 = arith.ori %and3A_2183, %and3A_2189 : vector<16xi32>
      %lt3A_2191 = arith.constant 0 : i32
      %lt3A_2192 = vector.broadcast %lt3A_2191 : i32 to vector<16xi32>
      %lt3A_2193 = arith.cmpi slt, %or3A_2190, %lt3A_2192 : vector<16xi32>
      %add3A_2194 = arith.constant 16 : i32
      %add3A_2195 = vector.broadcast %add3A_2194 : i32 to vector<16xi32>
      %add3A_2196 = arith.addi %or3A_2190, %add3A_2195 : vector<16xi32>
      %select_n3A_2197 = arith.select %lt3A_2193, %add3A_2196, %or3A_2190 : vector<16xi1>, vector<16xi32>
      %broadcast_in_dim3A_2198 = vector.shape_cast %select_n3A_2197 : vector<16xi32> to vector<16x1xi32>
      %gather3A_2199 = vector.shape_cast %broadcast_in_dim3A_2198 : vector<16x1xi32> to vector<16xi32>
      %gather3A_2200 = tpu.dynamic_gather %select_n3A_1901[%gather3A_2199] in [0] : vector<16xf32>, vector<16xi32> -> vector<16xf32>
      %add3A_2201 = arith.addf %select_n3A_1901, %gather3A_2200 : vector<16xf32>
      %select_n3A_2202 = arith.select %eq3A_33, %add3A_2180, %add3A_2201 : vector<16xi1>, vector<16xf32>
      %and3A_2203 = arith.constant -8 : i32
      %and3A_2204 = vector.broadcast %and3A_2203 : i32 to vector<16xi32>
      %and3A_2205 = arith.andi %iota3A, %and3A_2204 : vector<16xi32>
      %add3A_2206 = arith.constant 4 : i32
      %add3A_2207 = vector.broadcast %add3A_2206 : i32 to vector<16xi32>
      %add3A_2208 = arith.addi %iota3A, %add3A_2207 : vector<16xi32>
      %and3A_2209 = arith.constant 7 : i32
      %and3A_2210 = vector.broadcast %and3A_2209 : i32 to vector<16xi32>
      %and3A_2211 = arith.andi %add3A_2208, %and3A_2210 : vector<16xi32>
      %or3A_2212 = arith.ori %and3A_2205, %and3A_2211 : vector<16xi32>
      %lt3A_2213 = arith.constant 0 : i32
      %lt3A_2214 = vector.broadcast %lt3A_2213 : i32 to vector<16xi32>
      %lt3A_2215 = arith.cmpi slt, %or3A_2212, %lt3A_2214 : vector<16xi32>
      %add3A_2216 = arith.constant 16 : i32
      %add3A_2217 = vector.broadcast %add3A_2216 : i32 to vector<16xi32>
      %add3A_2218 = arith.addi %or3A_2212, %add3A_2217 : vector<16xi32>
      %select_n3A_2219 = arith.select %lt3A_2215, %add3A_2218, %or3A_2212 : vector<16xi1>, vector<16xi32>
      %broadcast_in_dim3A_2220 = vector.shape_cast %select_n3A_2219 : vector<16xi32> to vector<16x1xi32>
      %gather3A_2221 = vector.shape_cast %broadcast_in_dim3A_2220 : vector<16x1xi32> to vector<16xi32>
      %gather3A_2222 = tpu.dynamic_gather %select_n3A_1944[%gather3A_2221] in [0] : vector<16xf32>, vector<16xi32> -> vector<16xf32>
      %add3A_2223 = arith.addf %select_n3A_1944, %gather3A_2222 : vector<16xf32>
      %and3A_2224 = arith.constant -8 : i32
      %and3A_2225 = vector.broadcast %and3A_2224 : i32 to vector<16xi32>
      %and3A_2226 = arith.andi %iota3A, %and3A_2225 : vector<16xi32>
      %add3A_2227 = arith.constant 4 : i32
      %add3A_2228 = vector.broadcast %add3A_2227 : i32 to vector<16xi32>
      %add3A_2229 = arith.addi %iota3A, %add3A_2228 : vector<16xi32>
      %and3A_2230 = arith.constant 7 : i32
      %and3A_2231 = vector.broadcast %and3A_2230 : i32 to vector<16xi32>
      %and3A_2232 = arith.andi %add3A_2229, %and3A_2231 : vector<16xi32>
      %or3A_2233 = arith.ori %and3A_2226, %and3A_2232 : vector<16xi32>
      %lt3A_2234 = arith.constant 0 : i32
      %lt3A_2235 = vector.broadcast %lt3A_2234 : i32 to vector<16xi32>
      %lt3A_2236 = arith.cmpi slt, %or3A_2233, %lt3A_2235 : vector<16xi32>
      %add3A_2237 = arith.constant 16 : i32
      %add3A_2238 = vector.broadcast %add3A_2237 : i32 to vector<16xi32>
      %add3A_2239 = arith.addi %or3A_2233, %add3A_2238 : vector<16xi32>
      %select_n3A_2240 = arith.select %lt3A_2236, %add3A_2239, %or3A_2233 : vector<16xi1>, vector<16xi32>
      %broadcast_in_dim3A_2241 = vector.shape_cast %select_n3A_2240 : vector<16xi32> to vector<16x1xi32>
      %gather3A_2242 = vector.shape_cast %broadcast_in_dim3A_2241 : vector<16x1xi32> to vector<16xi32>
      %gather3A_2243 = tpu.dynamic_gather %select_n3A_1987[%gather3A_2242] in [0] : vector<16xf32>, vector<16xi32> -> vector<16xf32>
      %add3A_2244 = arith.addf %select_n3A_1987, %gather3A_2243 : vector<16xf32>
      %select_n3A_2245 = arith.select %eq3A_33, %add3A_2223, %add3A_2244 : vector<16xi1>, vector<16xf32>
      %and3A_2246 = arith.constant -8 : i32
      %and3A_2247 = vector.broadcast %and3A_2246 : i32 to vector<16xi32>
      %and3A_2248 = arith.andi %iota3A, %and3A_2247 : vector<16xi32>
      %add3A_2249 = arith.constant 4 : i32
      %add3A_2250 = vector.broadcast %add3A_2249 : i32 to vector<16xi32>
      %add3A_2251 = arith.addi %iota3A, %add3A_2250 : vector<16xi32>
      %and3A_2252 = arith.constant 7 : i32
      %and3A_2253 = vector.broadcast %and3A_2252 : i32 to vector<16xi32>
      %and3A_2254 = arith.andi %add3A_2251, %and3A_2253 : vector<16xi32>
      %or3A_2255 = arith.ori %and3A_2248, %and3A_2254 : vector<16xi32>
      %lt3A_2256 = arith.constant 0 : i32
      %lt3A_2257 = vector.broadcast %lt3A_2256 : i32 to vector<16xi32>
      %lt3A_2258 = arith.cmpi slt, %or3A_2255, %lt3A_2257 : vector<16xi32>
      %add3A_2259 = arith.constant 16 : i32
      %add3A_2260 = vector.broadcast %add3A_2259 : i32 to vector<16xi32>
      %add3A_2261 = arith.addi %or3A_2255, %add3A_2260 : vector<16xi32>
      %select_n3A_2262 = arith.select %lt3A_2258, %add3A_2261, %or3A_2255 : vector<16xi1>, vector<16xi32>
      %broadcast_in_dim3A_2263 = vector.shape_cast %select_n3A_2262 : vector<16xi32> to vector<16x1xi32>
      %gather3A_2264 = vector.shape_cast %broadcast_in_dim3A_2263 : vector<16x1xi32> to vector<16xi32>
      %gather3A_2265 = tpu.dynamic_gather %select_n3A_2030[%gather3A_2264] in [0] : vector<16xf32>, vector<16xi32> -> vector<16xf32>
      %add3A_2266 = arith.addf %select_n3A_2030, %gather3A_2265 : vector<16xf32>
      %and3A_2267 = arith.constant -8 : i32
      %and3A_2268 = vector.broadcast %and3A_2267 : i32 to vector<16xi32>
      %and3A_2269 = arith.andi %iota3A, %and3A_2268 : vector<16xi32>
      %add3A_2270 = arith.constant 4 : i32
      %add3A_2271 = vector.broadcast %add3A_2270 : i32 to vector<16xi32>
      %add3A_2272 = arith.addi %iota3A, %add3A_2271 : vector<16xi32>
      %and3A_2273 = arith.constant 7 : i32
      %and3A_2274 = vector.broadcast %and3A_2273 : i32 to vector<16xi32>
      %and3A_2275 = arith.andi %add3A_2272, %and3A_2274 : vector<16xi32>
      %or3A_2276 = arith.ori %and3A_2269, %and3A_2275 : vector<16xi32>
      %lt3A_2277 = arith.constant 0 : i32
      %lt3A_2278 = vector.broadcast %lt3A_2277 : i32 to vector<16xi32>
      %lt3A_2279 = arith.cmpi slt, %or3A_2276, %lt3A_2278 : vector<16xi32>
      %add3A_2280 = arith.constant 16 : i32
      %add3A_2281 = vector.broadcast %add3A_2280 : i32 to vector<16xi32>
      %add3A_2282 = arith.addi %or3A_2276, %add3A_2281 : vector<16xi32>
      %select_n3A_2283 = arith.select %lt3A_2279, %add3A_2282, %or3A_2276 : vector<16xi1>, vector<16xi32>
      %broadcast_in_dim3A_2284 = vector.shape_cast %select_n3A_2283 : vector<16xi32> to vector<16x1xi32>
      %gather3A_2285 = vector.shape_cast %broadcast_in_dim3A_2284 : vector<16x1xi32> to vector<16xi32>
      %gather3A_2286 = tpu.dynamic_gather %select_n3A_2073[%gather3A_2285] in [0] : vector<16xf32>, vector<16xi32> -> vector<16xf32>
      %add3A_2287 = arith.addf %select_n3A_2073, %gather3A_2286 : vector<16xf32>
      %select_n3A_2288 = arith.select %eq3A_33, %add3A_2266, %add3A_2287 : vector<16xi1>, vector<16xf32>
      %and3A_2289 = arith.constant -8 : i32
      %and3A_2290 = vector.broadcast %and3A_2289 : i32 to vector<16xi32>
      %and3A_2291 = arith.andi %iota3A, %and3A_2290 : vector<16xi32>
      %add3A_2292 = arith.constant 4 : i32
      %add3A_2293 = vector.broadcast %add3A_2292 : i32 to vector<16xi32>
      %add3A_2294 = arith.addi %iota3A, %add3A_2293 : vector<16xi32>
      %and3A_2295 = arith.constant 7 : i32
      %and3A_2296 = vector.broadcast %and3A_2295 : i32 to vector<16xi32>
      %and3A_2297 = arith.andi %add3A_2294, %and3A_2296 : vector<16xi32>
      %or3A_2298 = arith.ori %and3A_2291, %and3A_2297 : vector<16xi32>
      %lt3A_2299 = arith.constant 0 : i32
      %lt3A_2300 = vector.broadcast %lt3A_2299 : i32 to vector<16xi32>
      %lt3A_2301 = arith.cmpi slt, %or3A_2298, %lt3A_2300 : vector<16xi32>
      %add3A_2302 = arith.constant 16 : i32
      %add3A_2303 = vector.broadcast %add3A_2302 : i32 to vector<16xi32>
      %add3A_2304 = arith.addi %or3A_2298, %add3A_2303 : vector<16xi32>
      %select_n3A_2305 = arith.select %lt3A_2301, %add3A_2304, %or3A_2298 : vector<16xi1>, vector<16xi32>
      %broadcast_in_dim3A_2306 = vector.shape_cast %select_n3A_2305 : vector<16xi32> to vector<16x1xi32>
      %gather3A_2307 = vector.shape_cast %broadcast_in_dim3A_2306 : vector<16x1xi32> to vector<16xi32>
      %gather3A_2308 = tpu.dynamic_gather %select_n3A_2116[%gather3A_2307] in [0] : vector<16xf32>, vector<16xi32> -> vector<16xf32>
      %add3A_2309 = arith.addf %select_n3A_2116, %gather3A_2308 : vector<16xf32>
      %and3A_2310 = arith.constant -8 : i32
      %and3A_2311 = vector.broadcast %and3A_2310 : i32 to vector<16xi32>
      %and3A_2312 = arith.andi %iota3A, %and3A_2311 : vector<16xi32>
      %add3A_2313 = arith.constant 4 : i32
      %add3A_2314 = vector.broadcast %add3A_2313 : i32 to vector<16xi32>
      %add3A_2315 = arith.addi %iota3A, %add3A_2314 : vector<16xi32>
      %and3A_2316 = arith.constant 7 : i32
      %and3A_2317 = vector.broadcast %and3A_2316 : i32 to vector<16xi32>
      %and3A_2318 = arith.andi %add3A_2315, %and3A_2317 : vector<16xi32>
      %or3A_2319 = arith.ori %and3A_2312, %and3A_2318 : vector<16xi32>
      %lt3A_2320 = arith.constant 0 : i32
      %lt3A_2321 = vector.broadcast %lt3A_2320 : i32 to vector<16xi32>
      %lt3A_2322 = arith.cmpi slt, %or3A_2319, %lt3A_2321 : vector<16xi32>
      %add3A_2323 = arith.constant 16 : i32
      %add3A_2324 = vector.broadcast %add3A_2323 : i32 to vector<16xi32>
      %add3A_2325 = arith.addi %or3A_2319, %add3A_2324 : vector<16xi32>
      %select_n3A_2326 = arith.select %lt3A_2322, %add3A_2325, %or3A_2319 : vector<16xi1>, vector<16xi32>
      %broadcast_in_dim3A_2327 = vector.shape_cast %select_n3A_2326 : vector<16xi32> to vector<16x1xi32>
      %gather3A_2328 = vector.shape_cast %broadcast_in_dim3A_2327 : vector<16x1xi32> to vector<16xi32>
      %gather3A_2329 = tpu.dynamic_gather %select_n3A_2159[%gather3A_2328] in [0] : vector<16xf32>, vector<16xi32> -> vector<16xf32>
      %add3A_2330 = arith.addf %select_n3A_2159, %gather3A_2329 : vector<16xf32>
      %select_n3A_2331 = arith.select %eq3A_33, %add3A_2309, %add3A_2330 : vector<16xi1>, vector<16xf32>
      %and3A_2332 = arith.constant -4 : i32
      %and3A_2333 = vector.broadcast %and3A_2332 : i32 to vector<16xi32>
      %and3A_2334 = arith.andi %iota3A, %and3A_2333 : vector<16xi32>
      %add3A_2335 = arith.constant 2 : i32
      %add3A_2336 = vector.broadcast %add3A_2335 : i32 to vector<16xi32>
      %add3A_2337 = arith.addi %iota3A, %add3A_2336 : vector<16xi32>
      %and3A_2338 = arith.constant 3 : i32
      %and3A_2339 = vector.broadcast %and3A_2338 : i32 to vector<16xi32>
      %and3A_2340 = arith.andi %add3A_2337, %and3A_2339 : vector<16xi32>
      %or3A_2341 = arith.ori %and3A_2334, %and3A_2340 : vector<16xi32>
      %lt3A_2342 = arith.constant 0 : i32
      %lt3A_2343 = vector.broadcast %lt3A_2342 : i32 to vector<16xi32>
      %lt3A_2344 = arith.cmpi slt, %or3A_2341, %lt3A_2343 : vector<16xi32>
      %add3A_2345 = arith.constant 16 : i32
      %add3A_2346 = vector.broadcast %add3A_2345 : i32 to vector<16xi32>
      %add3A_2347 = arith.addi %or3A_2341, %add3A_2346 : vector<16xi32>
      %select_n3A_2348 = arith.select %lt3A_2344, %add3A_2347, %or3A_2341 : vector<16xi1>, vector<16xi32>
      %broadcast_in_dim3A_2349 = vector.shape_cast %select_n3A_2348 : vector<16xi32> to vector<16x1xi32>
      %gather3A_2350 = vector.shape_cast %broadcast_in_dim3A_2349 : vector<16x1xi32> to vector<16xi32>
      %gather3A_2351 = tpu.dynamic_gather %select_n3A_2202[%gather3A_2350] in [0] : vector<16xf32>, vector<16xi32> -> vector<16xf32>
      %add3A_2352 = arith.addf %select_n3A_2202, %gather3A_2351 : vector<16xf32>
      %and3A_2353 = arith.constant -4 : i32
      %and3A_2354 = vector.broadcast %and3A_2353 : i32 to vector<16xi32>
      %and3A_2355 = arith.andi %iota3A, %and3A_2354 : vector<16xi32>
      %add3A_2356 = arith.constant 2 : i32
      %add3A_2357 = vector.broadcast %add3A_2356 : i32 to vector<16xi32>
      %add3A_2358 = arith.addi %iota3A, %add3A_2357 : vector<16xi32>
      %and3A_2359 = arith.constant 3 : i32
      %and3A_2360 = vector.broadcast %and3A_2359 : i32 to vector<16xi32>
      %and3A_2361 = arith.andi %add3A_2358, %and3A_2360 : vector<16xi32>
      %or3A_2362 = arith.ori %and3A_2355, %and3A_2361 : vector<16xi32>
      %lt3A_2363 = arith.constant 0 : i32
      %lt3A_2364 = vector.broadcast %lt3A_2363 : i32 to vector<16xi32>
      %lt3A_2365 = arith.cmpi slt, %or3A_2362, %lt3A_2364 : vector<16xi32>
      %add3A_2366 = arith.constant 16 : i32
      %add3A_2367 = vector.broadcast %add3A_2366 : i32 to vector<16xi32>
      %add3A_2368 = arith.addi %or3A_2362, %add3A_2367 : vector<16xi32>
      %select_n3A_2369 = arith.select %lt3A_2365, %add3A_2368, %or3A_2362 : vector<16xi1>, vector<16xi32>
      %broadcast_in_dim3A_2370 = vector.shape_cast %select_n3A_2369 : vector<16xi32> to vector<16x1xi32>
      %gather3A_2371 = vector.shape_cast %broadcast_in_dim3A_2370 : vector<16x1xi32> to vector<16xi32>
      %gather3A_2372 = tpu.dynamic_gather %select_n3A_2245[%gather3A_2371] in [0] : vector<16xf32>, vector<16xi32> -> vector<16xf32>
      %add3A_2373 = arith.addf %select_n3A_2245, %gather3A_2372 : vector<16xf32>
      %select_n3A_2374 = arith.select %eq3A_39, %add3A_2352, %add3A_2373 : vector<16xi1>, vector<16xf32>
      %and3A_2375 = arith.constant -4 : i32
      %and3A_2376 = vector.broadcast %and3A_2375 : i32 to vector<16xi32>
      %and3A_2377 = arith.andi %iota3A, %and3A_2376 : vector<16xi32>
      %add3A_2378 = arith.constant 2 : i32
      %add3A_2379 = vector.broadcast %add3A_2378 : i32 to vector<16xi32>
      %add3A_2380 = arith.addi %iota3A, %add3A_2379 : vector<16xi32>
      %and3A_2381 = arith.constant 3 : i32
      %and3A_2382 = vector.broadcast %and3A_2381 : i32 to vector<16xi32>
      %and3A_2383 = arith.andi %add3A_2380, %and3A_2382 : vector<16xi32>
      %or3A_2384 = arith.ori %and3A_2377, %and3A_2383 : vector<16xi32>
      %lt3A_2385 = arith.constant 0 : i32
      %lt3A_2386 = vector.broadcast %lt3A_2385 : i32 to vector<16xi32>
      %lt3A_2387 = arith.cmpi slt, %or3A_2384, %lt3A_2386 : vector<16xi32>
      %add3A_2388 = arith.constant 16 : i32
      %add3A_2389 = vector.broadcast %add3A_2388 : i32 to vector<16xi32>
      %add3A_2390 = arith.addi %or3A_2384, %add3A_2389 : vector<16xi32>
      %select_n3A_2391 = arith.select %lt3A_2387, %add3A_2390, %or3A_2384 : vector<16xi1>, vector<16xi32>
      %broadcast_in_dim3A_2392 = vector.shape_cast %select_n3A_2391 : vector<16xi32> to vector<16x1xi32>
      %gather3A_2393 = vector.shape_cast %broadcast_in_dim3A_2392 : vector<16x1xi32> to vector<16xi32>
      %gather3A_2394 = tpu.dynamic_gather %select_n3A_2288[%gather3A_2393] in [0] : vector<16xf32>, vector<16xi32> -> vector<16xf32>
      %add3A_2395 = arith.addf %select_n3A_2288, %gather3A_2394 : vector<16xf32>
      %and3A_2396 = arith.constant -4 : i32
      %and3A_2397 = vector.broadcast %and3A_2396 : i32 to vector<16xi32>
      %and3A_2398 = arith.andi %iota3A, %and3A_2397 : vector<16xi32>
      %add3A_2399 = arith.constant 2 : i32
      %add3A_2400 = vector.broadcast %add3A_2399 : i32 to vector<16xi32>
      %add3A_2401 = arith.addi %iota3A, %add3A_2400 : vector<16xi32>
      %and3A_2402 = arith.constant 3 : i32
      %and3A_2403 = vector.broadcast %and3A_2402 : i32 to vector<16xi32>
      %and3A_2404 = arith.andi %add3A_2401, %and3A_2403 : vector<16xi32>
      %or3A_2405 = arith.ori %and3A_2398, %and3A_2404 : vector<16xi32>
      %lt3A_2406 = arith.constant 0 : i32
      %lt3A_2407 = vector.broadcast %lt3A_2406 : i32 to vector<16xi32>
      %lt3A_2408 = arith.cmpi slt, %or3A_2405, %lt3A_2407 : vector<16xi32>
      %add3A_2409 = arith.constant 16 : i32
      %add3A_2410 = vector.broadcast %add3A_2409 : i32 to vector<16xi32>
      %add3A_2411 = arith.addi %or3A_2405, %add3A_2410 : vector<16xi32>
      %select_n3A_2412 = arith.select %lt3A_2408, %add3A_2411, %or3A_2405 : vector<16xi1>, vector<16xi32>
      %broadcast_in_dim3A_2413 = vector.shape_cast %select_n3A_2412 : vector<16xi32> to vector<16x1xi32>
      %gather3A_2414 = vector.shape_cast %broadcast_in_dim3A_2413 : vector<16x1xi32> to vector<16xi32>
      %gather3A_2415 = tpu.dynamic_gather %select_n3A_2331[%gather3A_2414] in [0] : vector<16xf32>, vector<16xi32> -> vector<16xf32>
      %add3A_2416 = arith.addf %select_n3A_2331, %gather3A_2415 : vector<16xf32>
      %select_n3A_2417 = arith.select %eq3A_39, %add3A_2395, %add3A_2416 : vector<16xi1>, vector<16xf32>
      %and3A_2418 = arith.constant -2 : i32
      %and3A_2419 = vector.broadcast %and3A_2418 : i32 to vector<16xi32>
      %and3A_2420 = arith.andi %iota3A, %and3A_2419 : vector<16xi32>
      %add3A_2421 = arith.constant 1 : i32
      %add3A_2422 = vector.broadcast %add3A_2421 : i32 to vector<16xi32>
      %add3A_2423 = arith.addi %iota3A, %add3A_2422 : vector<16xi32>
      %and3A_2424 = arith.constant 1 : i32
      %and3A_2425 = vector.broadcast %and3A_2424 : i32 to vector<16xi32>
      %and3A_2426 = arith.andi %add3A_2423, %and3A_2425 : vector<16xi32>
      %or3A_2427 = arith.ori %and3A_2420, %and3A_2426 : vector<16xi32>
      %lt3A_2428 = arith.constant 0 : i32
      %lt3A_2429 = vector.broadcast %lt3A_2428 : i32 to vector<16xi32>
      %lt3A_2430 = arith.cmpi slt, %or3A_2427, %lt3A_2429 : vector<16xi32>
      %add3A_2431 = arith.constant 16 : i32
      %add3A_2432 = vector.broadcast %add3A_2431 : i32 to vector<16xi32>
      %add3A_2433 = arith.addi %or3A_2427, %add3A_2432 : vector<16xi32>
      %select_n3A_2434 = arith.select %lt3A_2430, %add3A_2433, %or3A_2427 : vector<16xi1>, vector<16xi32>
      %broadcast_in_dim3A_2435 = vector.shape_cast %select_n3A_2434 : vector<16xi32> to vector<16x1xi32>
      %gather3A_2436 = vector.shape_cast %broadcast_in_dim3A_2435 : vector<16x1xi32> to vector<16xi32>
      %gather3A_2437 = tpu.dynamic_gather %select_n3A_2374[%gather3A_2436] in [0] : vector<16xf32>, vector<16xi32> -> vector<16xf32>
      %add3A_2438 = arith.addf %select_n3A_2374, %gather3A_2437 : vector<16xf32>
      %and3A_2439 = arith.constant -2 : i32
      %and3A_2440 = vector.broadcast %and3A_2439 : i32 to vector<16xi32>
      %and3A_2441 = arith.andi %iota3A, %and3A_2440 : vector<16xi32>
      %add3A_2442 = arith.constant 1 : i32
      %add3A_2443 = vector.broadcast %add3A_2442 : i32 to vector<16xi32>
      %add3A_2444 = arith.addi %iota3A, %add3A_2443 : vector<16xi32>
      %and3A_2445 = arith.constant 1 : i32
      %and3A_2446 = vector.broadcast %and3A_2445 : i32 to vector<16xi32>
      %and3A_2447 = arith.andi %add3A_2444, %and3A_2446 : vector<16xi32>
      %or3A_2448 = arith.ori %and3A_2441, %and3A_2447 : vector<16xi32>
      %lt3A_2449 = arith.constant 0 : i32
      %lt3A_2450 = vector.broadcast %lt3A_2449 : i32 to vector<16xi32>
      %lt3A_2451 = arith.cmpi slt, %or3A_2448, %lt3A_2450 : vector<16xi32>
      %add3A_2452 = arith.constant 16 : i32
      %add3A_2453 = vector.broadcast %add3A_2452 : i32 to vector<16xi32>
      %add3A_2454 = arith.addi %or3A_2448, %add3A_2453 : vector<16xi32>
      %select_n3A_2455 = arith.select %lt3A_2451, %add3A_2454, %or3A_2448 : vector<16xi1>, vector<16xi32>
      %broadcast_in_dim3A_2456 = vector.shape_cast %select_n3A_2455 : vector<16xi32> to vector<16x1xi32>
      %gather3A_2457 = vector.shape_cast %broadcast_in_dim3A_2456 : vector<16x1xi32> to vector<16xi32>
      %gather3A_2458 = tpu.dynamic_gather %select_n3A_2417[%gather3A_2457] in [0] : vector<16xf32>, vector<16xi32> -> vector<16xf32>
      %add3A_2459 = arith.addf %select_n3A_2417, %gather3A_2458 : vector<16xf32>
      %select_n3A_2460 = arith.select %eq3A_45, %add3A_2438, %add3A_2459 : vector<16xi1>, vector<16xf32>
      %mul3A_2461 = arith.constant 0.00130208337 : f32
      %mul3A_2462 = vector.broadcast %mul3A_2461 : f32 to vector<16xf32>
      %mul3A_2463 = arith.mulf %select_n3A_2460, %mul3A_2462 : vector<16xf32>
      %and3A_2464 = arith.constant -16 : i32
      %and3A_2465 = vector.broadcast %and3A_2464 : i32 to vector<16xi32>
      %and3A_2466 = arith.andi %iota3A, %and3A_2465 : vector<16xi32>
      %add3A_2467 = arith.constant 8 : i32
      %add3A_2468 = vector.broadcast %add3A_2467 : i32 to vector<16xi32>
      %add3A_2469 = arith.addi %iota3A, %add3A_2468 : vector<16xi32>
      %and3A_2470 = arith.constant 15 : i32
      %and3A_2471 = vector.broadcast %and3A_2470 : i32 to vector<16xi32>
      %and3A_2472 = arith.andi %add3A_2469, %and3A_2471 : vector<16xi32>
      %or3A_2473 = arith.ori %and3A_2466, %and3A_2472 : vector<16xi32>
      %lt3A_2474 = arith.constant 0 : i32
      %lt3A_2475 = vector.broadcast %lt3A_2474 : i32 to vector<16xi32>
      %lt3A_2476 = arith.cmpi slt, %or3A_2473, %lt3A_2475 : vector<16xi32>
      %add3A_2477 = arith.constant 16 : i32
      %add3A_2478 = vector.broadcast %add3A_2477 : i32 to vector<16xi32>
      %add3A_2479 = arith.addi %or3A_2473, %add3A_2478 : vector<16xi32>
      %select_n3A_2480 = arith.select %lt3A_2476, %add3A_2479, %or3A_2473 : vector<16xi1>, vector<16xi32>
      %broadcast_in_dim3A_2481 = vector.shape_cast %select_n3A_2480 : vector<16xi32> to vector<16x1xi32>
      %gather3A_2482 = vector.shape_cast %broadcast_in_dim3A_2481 : vector<16x1xi32> to vector<16xi32>
      %gather3A_2483 = tpu.dynamic_gather %parallel_loop3A_1815#16[%gather3A_2482] in [0] : vector<16xf32>, vector<16xi32> -> vector<16xf32>
      %add3A_2484 = arith.addf %parallel_loop3A_1815#16, %gather3A_2483 : vector<16xf32>
      %and3A_2485 = arith.constant -16 : i32
      %and3A_2486 = vector.broadcast %and3A_2485 : i32 to vector<16xi32>
      %and3A_2487 = arith.andi %iota3A, %and3A_2486 : vector<16xi32>
      %add3A_2488 = arith.constant 8 : i32
      %add3A_2489 = vector.broadcast %add3A_2488 : i32 to vector<16xi32>
      %add3A_2490 = arith.addi %iota3A, %add3A_2489 : vector<16xi32>
      %and3A_2491 = arith.constant 15 : i32
      %and3A_2492 = vector.broadcast %and3A_2491 : i32 to vector<16xi32>
      %and3A_2493 = arith.andi %add3A_2490, %and3A_2492 : vector<16xi32>
      %or3A_2494 = arith.ori %and3A_2487, %and3A_2493 : vector<16xi32>
      %lt3A_2495 = arith.constant 0 : i32
      %lt3A_2496 = vector.broadcast %lt3A_2495 : i32 to vector<16xi32>
      %lt3A_2497 = arith.cmpi slt, %or3A_2494, %lt3A_2496 : vector<16xi32>
      %add3A_2498 = arith.constant 16 : i32
      %add3A_2499 = vector.broadcast %add3A_2498 : i32 to vector<16xi32>
      %add3A_2500 = arith.addi %or3A_2494, %add3A_2499 : vector<16xi32>
      %select_n3A_2501 = arith.select %lt3A_2497, %add3A_2500, %or3A_2494 : vector<16xi1>, vector<16xi32>
      %broadcast_in_dim3A_2502 = vector.shape_cast %select_n3A_2501 : vector<16xi32> to vector<16x1xi32>
      %gather3A_2503 = vector.shape_cast %broadcast_in_dim3A_2502 : vector<16x1xi32> to vector<16xi32>
      %gather3A_2504 = tpu.dynamic_gather %parallel_loop3A_1815#17[%gather3A_2503] in [0] : vector<16xf32>, vector<16xi32> -> vector<16xf32>
      %add3A_2505 = arith.addf %parallel_loop3A_1815#17, %gather3A_2504 : vector<16xf32>
      %select_n3A_2506 = arith.select %lt3A_29, %add3A_2484, %add3A_2505 : vector<16xi1>, vector<16xf32>
      %and3A_2507 = arith.constant -16 : i32
      %and3A_2508 = vector.broadcast %and3A_2507 : i32 to vector<16xi32>
      %and3A_2509 = arith.andi %iota3A, %and3A_2508 : vector<16xi32>
      %add3A_2510 = arith.constant 8 : i32
      %add3A_2511 = vector.broadcast %add3A_2510 : i32 to vector<16xi32>
      %add3A_2512 = arith.addi %iota3A, %add3A_2511 : vector<16xi32>
      %and3A_2513 = arith.constant 15 : i32
      %and3A_2514 = vector.broadcast %and3A_2513 : i32 to vector<16xi32>
      %and3A_2515 = arith.andi %add3A_2512, %and3A_2514 : vector<16xi32>
      %or3A_2516 = arith.ori %and3A_2509, %and3A_2515 : vector<16xi32>
      %lt3A_2517 = arith.constant 0 : i32
      %lt3A_2518 = vector.broadcast %lt3A_2517 : i32 to vector<16xi32>
      %lt3A_2519 = arith.cmpi slt, %or3A_2516, %lt3A_2518 : vector<16xi32>
      %add3A_2520 = arith.constant 16 : i32
      %add3A_2521 = vector.broadcast %add3A_2520 : i32 to vector<16xi32>
      %add3A_2522 = arith.addi %or3A_2516, %add3A_2521 : vector<16xi32>
      %select_n3A_2523 = arith.select %lt3A_2519, %add3A_2522, %or3A_2516 : vector<16xi1>, vector<16xi32>
      %broadcast_in_dim3A_2524 = vector.shape_cast %select_n3A_2523 : vector<16xi32> to vector<16x1xi32>
      %gather3A_2525 = vector.shape_cast %broadcast_in_dim3A_2524 : vector<16x1xi32> to vector<16xi32>
      %gather3A_2526 = tpu.dynamic_gather %parallel_loop3A_1815#18[%gather3A_2525] in [0] : vector<16xf32>, vector<16xi32> -> vector<16xf32>
      %add3A_2527 = arith.addf %parallel_loop3A_1815#18, %gather3A_2526 : vector<16xf32>
      %and3A_2528 = arith.constant -16 : i32
      %and3A_2529 = vector.broadcast %and3A_2528 : i32 to vector<16xi32>
      %and3A_2530 = arith.andi %iota3A, %and3A_2529 : vector<16xi32>
      %add3A_2531 = arith.constant 8 : i32
      %add3A_2532 = vector.broadcast %add3A_2531 : i32 to vector<16xi32>
      %add3A_2533 = arith.addi %iota3A, %add3A_2532 : vector<16xi32>
      %and3A_2534 = arith.constant 15 : i32
      %and3A_2535 = vector.broadcast %and3A_2534 : i32 to vector<16xi32>
      %and3A_2536 = arith.andi %add3A_2533, %and3A_2535 : vector<16xi32>
      %or3A_2537 = arith.ori %and3A_2530, %and3A_2536 : vector<16xi32>
      %lt3A_2538 = arith.constant 0 : i32
      %lt3A_2539 = vector.broadcast %lt3A_2538 : i32 to vector<16xi32>
      %lt3A_2540 = arith.cmpi slt, %or3A_2537, %lt3A_2539 : vector<16xi32>
      %add3A_2541 = arith.constant 16 : i32
      %add3A_2542 = vector.broadcast %add3A_2541 : i32 to vector<16xi32>
      %add3A_2543 = arith.addi %or3A_2537, %add3A_2542 : vector<16xi32>
      %select_n3A_2544 = arith.select %lt3A_2540, %add3A_2543, %or3A_2537 : vector<16xi1>, vector<16xi32>
      %broadcast_in_dim3A_2545 = vector.shape_cast %select_n3A_2544 : vector<16xi32> to vector<16x1xi32>
      %gather3A_2546 = vector.shape_cast %broadcast_in_dim3A_2545 : vector<16x1xi32> to vector<16xi32>
      %gather3A_2547 = tpu.dynamic_gather %parallel_loop3A_1815#19[%gather3A_2546] in [0] : vector<16xf32>, vector<16xi32> -> vector<16xf32>
      %add3A_2548 = arith.addf %parallel_loop3A_1815#19, %gather3A_2547 : vector<16xf32>
      %select_n3A_2549 = arith.select %lt3A_29, %add3A_2527, %add3A_2548 : vector<16xi1>, vector<16xf32>
      %and3A_2550 = arith.constant -16 : i32
      %and3A_2551 = vector.broadcast %and3A_2550 : i32 to vector<16xi32>
      %and3A_2552 = arith.andi %iota3A, %and3A_2551 : vector<16xi32>
      %add3A_2553 = arith.constant 8 : i32
      %add3A_2554 = vector.broadcast %add3A_2553 : i32 to vector<16xi32>
      %add3A_2555 = arith.addi %iota3A, %add3A_2554 : vector<16xi32>
      %and3A_2556 = arith.constant 15 : i32
      %and3A_2557 = vector.broadcast %and3A_2556 : i32 to vector<16xi32>
      %and3A_2558 = arith.andi %add3A_2555, %and3A_2557 : vector<16xi32>
      %or3A_2559 = arith.ori %and3A_2552, %and3A_2558 : vector<16xi32>
      %lt3A_2560 = arith.constant 0 : i32
      %lt3A_2561 = vector.broadcast %lt3A_2560 : i32 to vector<16xi32>
      %lt3A_2562 = arith.cmpi slt, %or3A_2559, %lt3A_2561 : vector<16xi32>
      %add3A_2563 = arith.constant 16 : i32
      %add3A_2564 = vector.broadcast %add3A_2563 : i32 to vector<16xi32>
      %add3A_2565 = arith.addi %or3A_2559, %add3A_2564 : vector<16xi32>
      %select_n3A_2566 = arith.select %lt3A_2562, %add3A_2565, %or3A_2559 : vector<16xi1>, vector<16xi32>
      %broadcast_in_dim3A_2567 = vector.shape_cast %select_n3A_2566 : vector<16xi32> to vector<16x1xi32>
      %gather3A_2568 = vector.shape_cast %broadcast_in_dim3A_2567 : vector<16x1xi32> to vector<16xi32>
      %gather3A_2569 = tpu.dynamic_gather %parallel_loop3A_1815#20[%gather3A_2568] in [0] : vector<16xf32>, vector<16xi32> -> vector<16xf32>
      %add3A_2570 = arith.addf %parallel_loop3A_1815#20, %gather3A_2569 : vector<16xf32>
      %and3A_2571 = arith.constant -16 : i32
      %and3A_2572 = vector.broadcast %and3A_2571 : i32 to vector<16xi32>
      %and3A_2573 = arith.andi %iota3A, %and3A_2572 : vector<16xi32>
      %add3A_2574 = arith.constant 8 : i32
      %add3A_2575 = vector.broadcast %add3A_2574 : i32 to vector<16xi32>
      %add3A_2576 = arith.addi %iota3A, %add3A_2575 : vector<16xi32>
      %and3A_2577 = arith.constant 15 : i32
      %and3A_2578 = vector.broadcast %and3A_2577 : i32 to vector<16xi32>
      %and3A_2579 = arith.andi %add3A_2576, %and3A_2578 : vector<16xi32>
      %or3A_2580 = arith.ori %and3A_2573, %and3A_2579 : vector<16xi32>
      %lt3A_2581 = arith.constant 0 : i32
      %lt3A_2582 = vector.broadcast %lt3A_2581 : i32 to vector<16xi32>
      %lt3A_2583 = arith.cmpi slt, %or3A_2580, %lt3A_2582 : vector<16xi32>
      %add3A_2584 = arith.constant 16 : i32
      %add3A_2585 = vector.broadcast %add3A_2584 : i32 to vector<16xi32>
      %add3A_2586 = arith.addi %or3A_2580, %add3A_2585 : vector<16xi32>
      %select_n3A_2587 = arith.select %lt3A_2583, %add3A_2586, %or3A_2580 : vector<16xi1>, vector<16xi32>
      %broadcast_in_dim3A_2588 = vector.shape_cast %select_n3A_2587 : vector<16xi32> to vector<16x1xi32>
      %gather3A_2589 = vector.shape_cast %broadcast_in_dim3A_2588 : vector<16x1xi32> to vector<16xi32>
      %gather3A_2590 = tpu.dynamic_gather %parallel_loop3A_1815#21[%gather3A_2589] in [0] : vector<16xf32>, vector<16xi32> -> vector<16xf32>
      %add3A_2591 = arith.addf %parallel_loop3A_1815#21, %gather3A_2590 : vector<16xf32>
      %select_n3A_2592 = arith.select %lt3A_29, %add3A_2570, %add3A_2591 : vector<16xi1>, vector<16xf32>
      %and3A_2593 = arith.constant -16 : i32
      %and3A_2594 = vector.broadcast %and3A_2593 : i32 to vector<16xi32>
      %and3A_2595 = arith.andi %iota3A, %and3A_2594 : vector<16xi32>
      %add3A_2596 = arith.constant 8 : i32
      %add3A_2597 = vector.broadcast %add3A_2596 : i32 to vector<16xi32>
      %add3A_2598 = arith.addi %iota3A, %add3A_2597 : vector<16xi32>
      %and3A_2599 = arith.constant 15 : i32
      %and3A_2600 = vector.broadcast %and3A_2599 : i32 to vector<16xi32>
      %and3A_2601 = arith.andi %add3A_2598, %and3A_2600 : vector<16xi32>
      %or3A_2602 = arith.ori %and3A_2595, %and3A_2601 : vector<16xi32>
      %lt3A_2603 = arith.constant 0 : i32
      %lt3A_2604 = vector.broadcast %lt3A_2603 : i32 to vector<16xi32>
      %lt3A_2605 = arith.cmpi slt, %or3A_2602, %lt3A_2604 : vector<16xi32>
      %add3A_2606 = arith.constant 16 : i32
      %add3A_2607 = vector.broadcast %add3A_2606 : i32 to vector<16xi32>
      %add3A_2608 = arith.addi %or3A_2602, %add3A_2607 : vector<16xi32>
      %select_n3A_2609 = arith.select %lt3A_2605, %add3A_2608, %or3A_2602 : vector<16xi1>, vector<16xi32>
      %broadcast_in_dim3A_2610 = vector.shape_cast %select_n3A_2609 : vector<16xi32> to vector<16x1xi32>
      %gather3A_2611 = vector.shape_cast %broadcast_in_dim3A_2610 : vector<16x1xi32> to vector<16xi32>
      %gather3A_2612 = tpu.dynamic_gather %parallel_loop3A_1815#22[%gather3A_2611] in [0] : vector<16xf32>, vector<16xi32> -> vector<16xf32>
      %add3A_2613 = arith.addf %parallel_loop3A_1815#22, %gather3A_2612 : vector<16xf32>
      %and3A_2614 = arith.constant -16 : i32
      %and3A_2615 = vector.broadcast %and3A_2614 : i32 to vector<16xi32>
      %and3A_2616 = arith.andi %iota3A, %and3A_2615 : vector<16xi32>
      %add3A_2617 = arith.constant 8 : i32
      %add3A_2618 = vector.broadcast %add3A_2617 : i32 to vector<16xi32>
      %add3A_2619 = arith.addi %iota3A, %add3A_2618 : vector<16xi32>
      %and3A_2620 = arith.constant 15 : i32
      %and3A_2621 = vector.broadcast %and3A_2620 : i32 to vector<16xi32>
      %and3A_2622 = arith.andi %add3A_2619, %and3A_2621 : vector<16xi32>
      %or3A_2623 = arith.ori %and3A_2616, %and3A_2622 : vector<16xi32>
      %lt3A_2624 = arith.constant 0 : i32
      %lt3A_2625 = vector.broadcast %lt3A_2624 : i32 to vector<16xi32>
      %lt3A_2626 = arith.cmpi slt, %or3A_2623, %lt3A_2625 : vector<16xi32>
      %add3A_2627 = arith.constant 16 : i32
      %add3A_2628 = vector.broadcast %add3A_2627 : i32 to vector<16xi32>
      %add3A_2629 = arith.addi %or3A_2623, %add3A_2628 : vector<16xi32>
      %select_n3A_2630 = arith.select %lt3A_2626, %add3A_2629, %or3A_2623 : vector<16xi1>, vector<16xi32>
      %broadcast_in_dim3A_2631 = vector.shape_cast %select_n3A_2630 : vector<16xi32> to vector<16x1xi32>
      %gather3A_2632 = vector.shape_cast %broadcast_in_dim3A_2631 : vector<16x1xi32> to vector<16xi32>
      %gather3A_2633 = tpu.dynamic_gather %parallel_loop3A_1815#23[%gather3A_2632] in [0] : vector<16xf32>, vector<16xi32> -> vector<16xf32>
      %add3A_2634 = arith.addf %parallel_loop3A_1815#23, %gather3A_2633 : vector<16xf32>
      %select_n3A_2635 = arith.select %lt3A_29, %add3A_2613, %add3A_2634 : vector<16xi1>, vector<16xf32>
      %and3A_2636 = arith.constant -16 : i32
      %and3A_2637 = vector.broadcast %and3A_2636 : i32 to vector<16xi32>
      %and3A_2638 = arith.andi %iota3A, %and3A_2637 : vector<16xi32>
      %add3A_2639 = arith.constant 8 : i32
      %add3A_2640 = vector.broadcast %add3A_2639 : i32 to vector<16xi32>
      %add3A_2641 = arith.addi %iota3A, %add3A_2640 : vector<16xi32>
      %and3A_2642 = arith.constant 15 : i32
      %and3A_2643 = vector.broadcast %and3A_2642 : i32 to vector<16xi32>
      %and3A_2644 = arith.andi %add3A_2641, %and3A_2643 : vector<16xi32>
      %or3A_2645 = arith.ori %and3A_2638, %and3A_2644 : vector<16xi32>
      %lt3A_2646 = arith.constant 0 : i32
      %lt3A_2647 = vector.broadcast %lt3A_2646 : i32 to vector<16xi32>
      %lt3A_2648 = arith.cmpi slt, %or3A_2645, %lt3A_2647 : vector<16xi32>
      %add3A_2649 = arith.constant 16 : i32
      %add3A_2650 = vector.broadcast %add3A_2649 : i32 to vector<16xi32>
      %add3A_2651 = arith.addi %or3A_2645, %add3A_2650 : vector<16xi32>
      %select_n3A_2652 = arith.select %lt3A_2648, %add3A_2651, %or3A_2645 : vector<16xi1>, vector<16xi32>
      %broadcast_in_dim3A_2653 = vector.shape_cast %select_n3A_2652 : vector<16xi32> to vector<16x1xi32>
      %gather3A_2654 = vector.shape_cast %broadcast_in_dim3A_2653 : vector<16x1xi32> to vector<16xi32>
      %gather3A_2655 = tpu.dynamic_gather %parallel_loop3A_1815#24[%gather3A_2654] in [0] : vector<16xf32>, vector<16xi32> -> vector<16xf32>
      %add3A_2656 = arith.addf %parallel_loop3A_1815#24, %gather3A_2655 : vector<16xf32>
      %and3A_2657 = arith.constant -16 : i32
      %and3A_2658 = vector.broadcast %and3A_2657 : i32 to vector<16xi32>
      %and3A_2659 = arith.andi %iota3A, %and3A_2658 : vector<16xi32>
      %add3A_2660 = arith.constant 8 : i32
      %add3A_2661 = vector.broadcast %add3A_2660 : i32 to vector<16xi32>
      %add3A_2662 = arith.addi %iota3A, %add3A_2661 : vector<16xi32>
      %and3A_2663 = arith.constant 15 : i32
      %and3A_2664 = vector.broadcast %and3A_2663 : i32 to vector<16xi32>
      %and3A_2665 = arith.andi %add3A_2662, %and3A_2664 : vector<16xi32>
      %or3A_2666 = arith.ori %and3A_2659, %and3A_2665 : vector<16xi32>
      %lt3A_2667 = arith.constant 0 : i32
      %lt3A_2668 = vector.broadcast %lt3A_2667 : i32 to vector<16xi32>
      %lt3A_2669 = arith.cmpi slt, %or3A_2666, %lt3A_2668 : vector<16xi32>
      %add3A_2670 = arith.constant 16 : i32
      %add3A_2671 = vector.broadcast %add3A_2670 : i32 to vector<16xi32>
      %add3A_2672 = arith.addi %or3A_2666, %add3A_2671 : vector<16xi32>
      %select_n3A_2673 = arith.select %lt3A_2669, %add3A_2672, %or3A_2666 : vector<16xi1>, vector<16xi32>
      %broadcast_in_dim3A_2674 = vector.shape_cast %select_n3A_2673 : vector<16xi32> to vector<16x1xi32>
      %gather3A_2675 = vector.shape_cast %broadcast_in_dim3A_2674 : vector<16x1xi32> to vector<16xi32>
      %gather3A_2676 = tpu.dynamic_gather %parallel_loop3A_1815#25[%gather3A_2675] in [0] : vector<16xf32>, vector<16xi32> -> vector<16xf32>
      %add3A_2677 = arith.addf %parallel_loop3A_1815#25, %gather3A_2676 : vector<16xf32>
      %select_n3A_2678 = arith.select %lt3A_29, %add3A_2656, %add3A_2677 : vector<16xi1>, vector<16xf32>
      %and3A_2679 = arith.constant -16 : i32
      %and3A_2680 = vector.broadcast %and3A_2679 : i32 to vector<16xi32>
      %and3A_2681 = arith.andi %iota3A, %and3A_2680 : vector<16xi32>
      %add3A_2682 = arith.constant 8 : i32
      %add3A_2683 = vector.broadcast %add3A_2682 : i32 to vector<16xi32>
      %add3A_2684 = arith.addi %iota3A, %add3A_2683 : vector<16xi32>
      %and3A_2685 = arith.constant 15 : i32
      %and3A_2686 = vector.broadcast %and3A_2685 : i32 to vector<16xi32>
      %and3A_2687 = arith.andi %add3A_2684, %and3A_2686 : vector<16xi32>
      %or3A_2688 = arith.ori %and3A_2681, %and3A_2687 : vector<16xi32>
      %lt3A_2689 = arith.constant 0 : i32
      %lt3A_2690 = vector.broadcast %lt3A_2689 : i32 to vector<16xi32>
      %lt3A_2691 = arith.cmpi slt, %or3A_2688, %lt3A_2690 : vector<16xi32>
      %add3A_2692 = arith.constant 16 : i32
      %add3A_2693 = vector.broadcast %add3A_2692 : i32 to vector<16xi32>
      %add3A_2694 = arith.addi %or3A_2688, %add3A_2693 : vector<16xi32>
      %select_n3A_2695 = arith.select %lt3A_2691, %add3A_2694, %or3A_2688 : vector<16xi1>, vector<16xi32>
      %broadcast_in_dim3A_2696 = vector.shape_cast %select_n3A_2695 : vector<16xi32> to vector<16x1xi32>
      %gather3A_2697 = vector.shape_cast %broadcast_in_dim3A_2696 : vector<16x1xi32> to vector<16xi32>
      %gather3A_2698 = tpu.dynamic_gather %parallel_loop3A_1815#26[%gather3A_2697] in [0] : vector<16xf32>, vector<16xi32> -> vector<16xf32>
      %add3A_2699 = arith.addf %parallel_loop3A_1815#26, %gather3A_2698 : vector<16xf32>
      %and3A_2700 = arith.constant -16 : i32
      %and3A_2701 = vector.broadcast %and3A_2700 : i32 to vector<16xi32>
      %and3A_2702 = arith.andi %iota3A, %and3A_2701 : vector<16xi32>
      %add3A_2703 = arith.constant 8 : i32
      %add3A_2704 = vector.broadcast %add3A_2703 : i32 to vector<16xi32>
      %add3A_2705 = arith.addi %iota3A, %add3A_2704 : vector<16xi32>
      %and3A_2706 = arith.constant 15 : i32
      %and3A_2707 = vector.broadcast %and3A_2706 : i32 to vector<16xi32>
      %and3A_2708 = arith.andi %add3A_2705, %and3A_2707 : vector<16xi32>
      %or3A_2709 = arith.ori %and3A_2702, %and3A_2708 : vector<16xi32>
      %lt3A_2710 = arith.constant 0 : i32
      %lt3A_2711 = vector.broadcast %lt3A_2710 : i32 to vector<16xi32>
      %lt3A_2712 = arith.cmpi slt, %or3A_2709, %lt3A_2711 : vector<16xi32>
      %add3A_2713 = arith.constant 16 : i32
      %add3A_2714 = vector.broadcast %add3A_2713 : i32 to vector<16xi32>
      %add3A_2715 = arith.addi %or3A_2709, %add3A_2714 : vector<16xi32>
      %select_n3A_2716 = arith.select %lt3A_2712, %add3A_2715, %or3A_2709 : vector<16xi1>, vector<16xi32>
      %broadcast_in_dim3A_2717 = vector.shape_cast %select_n3A_2716 : vector<16xi32> to vector<16x1xi32>
      %gather3A_2718 = vector.shape_cast %broadcast_in_dim3A_2717 : vector<16x1xi32> to vector<16xi32>
      %gather3A_2719 = tpu.dynamic_gather %parallel_loop3A_1815#27[%gather3A_2718] in [0] : vector<16xf32>, vector<16xi32> -> vector<16xf32>
      %add3A_2720 = arith.addf %parallel_loop3A_1815#27, %gather3A_2719 : vector<16xf32>
      %select_n3A_2721 = arith.select %lt3A_29, %add3A_2699, %add3A_2720 : vector<16xi1>, vector<16xf32>
      %and3A_2722 = arith.constant -16 : i32
      %and3A_2723 = vector.broadcast %and3A_2722 : i32 to vector<16xi32>
      %and3A_2724 = arith.andi %iota3A, %and3A_2723 : vector<16xi32>
      %add3A_2725 = arith.constant 8 : i32
      %add3A_2726 = vector.broadcast %add3A_2725 : i32 to vector<16xi32>
      %add3A_2727 = arith.addi %iota3A, %add3A_2726 : vector<16xi32>
      %and3A_2728 = arith.constant 15 : i32
      %and3A_2729 = vector.broadcast %and3A_2728 : i32 to vector<16xi32>
      %and3A_2730 = arith.andi %add3A_2727, %and3A_2729 : vector<16xi32>
      %or3A_2731 = arith.ori %and3A_2724, %and3A_2730 : vector<16xi32>
      %lt3A_2732 = arith.constant 0 : i32
      %lt3A_2733 = vector.broadcast %lt3A_2732 : i32 to vector<16xi32>
      %lt3A_2734 = arith.cmpi slt, %or3A_2731, %lt3A_2733 : vector<16xi32>
      %add3A_2735 = arith.constant 16 : i32
      %add3A_2736 = vector.broadcast %add3A_2735 : i32 to vector<16xi32>
      %add3A_2737 = arith.addi %or3A_2731, %add3A_2736 : vector<16xi32>
      %select_n3A_2738 = arith.select %lt3A_2734, %add3A_2737, %or3A_2731 : vector<16xi1>, vector<16xi32>
      %broadcast_in_dim3A_2739 = vector.shape_cast %select_n3A_2738 : vector<16xi32> to vector<16x1xi32>
      %gather3A_2740 = vector.shape_cast %broadcast_in_dim3A_2739 : vector<16x1xi32> to vector<16xi32>
      %gather3A_2741 = tpu.dynamic_gather %parallel_loop3A_1815#28[%gather3A_2740] in [0] : vector<16xf32>, vector<16xi32> -> vector<16xf32>
      %add3A_2742 = arith.addf %parallel_loop3A_1815#28, %gather3A_2741 : vector<16xf32>
      %and3A_2743 = arith.constant -16 : i32
      %and3A_2744 = vector.broadcast %and3A_2743 : i32 to vector<16xi32>
      %and3A_2745 = arith.andi %iota3A, %and3A_2744 : vector<16xi32>
      %add3A_2746 = arith.constant 8 : i32
      %add3A_2747 = vector.broadcast %add3A_2746 : i32 to vector<16xi32>
      %add3A_2748 = arith.addi %iota3A, %add3A_2747 : vector<16xi32>
      %and3A_2749 = arith.constant 15 : i32
      %and3A_2750 = vector.broadcast %and3A_2749 : i32 to vector<16xi32>
      %and3A_2751 = arith.andi %add3A_2748, %and3A_2750 : vector<16xi32>
      %or3A_2752 = arith.ori %and3A_2745, %and3A_2751 : vector<16xi32>
      %lt3A_2753 = arith.constant 0 : i32
      %lt3A_2754 = vector.broadcast %lt3A_2753 : i32 to vector<16xi32>
      %lt3A_2755 = arith.cmpi slt, %or3A_2752, %lt3A_2754 : vector<16xi32>
      %add3A_2756 = arith.constant 16 : i32
      %add3A_2757 = vector.broadcast %add3A_2756 : i32 to vector<16xi32>
      %add3A_2758 = arith.addi %or3A_2752, %add3A_2757 : vector<16xi32>
      %select_n3A_2759 = arith.select %lt3A_2755, %add3A_2758, %or3A_2752 : vector<16xi1>, vector<16xi32>
      %broadcast_in_dim3A_2760 = vector.shape_cast %select_n3A_2759 : vector<16xi32> to vector<16x1xi32>
      %gather3A_2761 = vector.shape_cast %broadcast_in_dim3A_2760 : vector<16x1xi32> to vector<16xi32>
      %gather3A_2762 = tpu.dynamic_gather %parallel_loop3A_1815#29[%gather3A_2761] in [0] : vector<16xf32>, vector<16xi32> -> vector<16xf32>
      %add3A_2763 = arith.addf %parallel_loop3A_1815#29, %gather3A_2762 : vector<16xf32>
      %select_n3A_2764 = arith.select %lt3A_29, %add3A_2742, %add3A_2763 : vector<16xi1>, vector<16xf32>
      %and3A_2765 = arith.constant -16 : i32
      %and3A_2766 = vector.broadcast %and3A_2765 : i32 to vector<16xi32>
      %and3A_2767 = arith.andi %iota3A, %and3A_2766 : vector<16xi32>
      %add3A_2768 = arith.constant 8 : i32
      %add3A_2769 = vector.broadcast %add3A_2768 : i32 to vector<16xi32>
      %add3A_2770 = arith.addi %iota3A, %add3A_2769 : vector<16xi32>
      %and3A_2771 = arith.constant 15 : i32
      %and3A_2772 = vector.broadcast %and3A_2771 : i32 to vector<16xi32>
      %and3A_2773 = arith.andi %add3A_2770, %and3A_2772 : vector<16xi32>
      %or3A_2774 = arith.ori %and3A_2767, %and3A_2773 : vector<16xi32>
      %lt3A_2775 = arith.constant 0 : i32
      %lt3A_2776 = vector.broadcast %lt3A_2775 : i32 to vector<16xi32>
      %lt3A_2777 = arith.cmpi slt, %or3A_2774, %lt3A_2776 : vector<16xi32>
      %add3A_2778 = arith.constant 16 : i32
      %add3A_2779 = vector.broadcast %add3A_2778 : i32 to vector<16xi32>
      %add3A_2780 = arith.addi %or3A_2774, %add3A_2779 : vector<16xi32>
      %select_n3A_2781 = arith.select %lt3A_2777, %add3A_2780, %or3A_2774 : vector<16xi1>, vector<16xi32>
      %broadcast_in_dim3A_2782 = vector.shape_cast %select_n3A_2781 : vector<16xi32> to vector<16x1xi32>
      %gather3A_2783 = vector.shape_cast %broadcast_in_dim3A_2782 : vector<16x1xi32> to vector<16xi32>
      %gather3A_2784 = tpu.dynamic_gather %parallel_loop3A_1815#30[%gather3A_2783] in [0] : vector<16xf32>, vector<16xi32> -> vector<16xf32>
      %add3A_2785 = arith.addf %parallel_loop3A_1815#30, %gather3A_2784 : vector<16xf32>
      %and3A_2786 = arith.constant -16 : i32
      %and3A_2787 = vector.broadcast %and3A_2786 : i32 to vector<16xi32>
      %and3A_2788 = arith.andi %iota3A, %and3A_2787 : vector<16xi32>
      %add3A_2789 = arith.constant 8 : i32
      %add3A_2790 = vector.broadcast %add3A_2789 : i32 to vector<16xi32>
      %add3A_2791 = arith.addi %iota3A, %add3A_2790 : vector<16xi32>
      %and3A_2792 = arith.constant 15 : i32
      %and3A_2793 = vector.broadcast %and3A_2792 : i32 to vector<16xi32>
      %and3A_2794 = arith.andi %add3A_2791, %and3A_2793 : vector<16xi32>
      %or3A_2795 = arith.ori %and3A_2788, %and3A_2794 : vector<16xi32>
      %lt3A_2796 = arith.constant 0 : i32
      %lt3A_2797 = vector.broadcast %lt3A_2796 : i32 to vector<16xi32>
      %lt3A_2798 = arith.cmpi slt, %or3A_2795, %lt3A_2797 : vector<16xi32>
      %add3A_2799 = arith.constant 16 : i32
      %add3A_2800 = vector.broadcast %add3A_2799 : i32 to vector<16xi32>
      %add3A_2801 = arith.addi %or3A_2795, %add3A_2800 : vector<16xi32>
      %select_n3A_2802 = arith.select %lt3A_2798, %add3A_2801, %or3A_2795 : vector<16xi1>, vector<16xi32>
      %broadcast_in_dim3A_2803 = vector.shape_cast %select_n3A_2802 : vector<16xi32> to vector<16x1xi32>
      %gather3A_2804 = vector.shape_cast %broadcast_in_dim3A_2803 : vector<16x1xi32> to vector<16xi32>
      %gather3A_2805 = tpu.dynamic_gather %parallel_loop3A_1815#31[%gather3A_2804] in [0] : vector<16xf32>, vector<16xi32> -> vector<16xf32>
      %add3A_2806 = arith.addf %parallel_loop3A_1815#31, %gather3A_2805 : vector<16xf32>
      %select_n3A_2807 = arith.select %lt3A_29, %add3A_2785, %add3A_2806 : vector<16xi1>, vector<16xf32>
      %and3A_2808 = arith.constant -8 : i32
      %and3A_2809 = vector.broadcast %and3A_2808 : i32 to vector<16xi32>
      %and3A_2810 = arith.andi %iota3A, %and3A_2809 : vector<16xi32>
      %add3A_2811 = arith.constant 4 : i32
      %add3A_2812 = vector.broadcast %add3A_2811 : i32 to vector<16xi32>
      %add3A_2813 = arith.addi %iota3A, %add3A_2812 : vector<16xi32>
      %and3A_2814 = arith.constant 7 : i32
      %and3A_2815 = vector.broadcast %and3A_2814 : i32 to vector<16xi32>
      %and3A_2816 = arith.andi %add3A_2813, %and3A_2815 : vector<16xi32>
      %or3A_2817 = arith.ori %and3A_2810, %and3A_2816 : vector<16xi32>
      %lt3A_2818 = arith.constant 0 : i32
      %lt3A_2819 = vector.broadcast %lt3A_2818 : i32 to vector<16xi32>
      %lt3A_2820 = arith.cmpi slt, %or3A_2817, %lt3A_2819 : vector<16xi32>
      %add3A_2821 = arith.constant 16 : i32
      %add3A_2822 = vector.broadcast %add3A_2821 : i32 to vector<16xi32>
      %add3A_2823 = arith.addi %or3A_2817, %add3A_2822 : vector<16xi32>
      %select_n3A_2824 = arith.select %lt3A_2820, %add3A_2823, %or3A_2817 : vector<16xi1>, vector<16xi32>
      %broadcast_in_dim3A_2825 = vector.shape_cast %select_n3A_2824 : vector<16xi32> to vector<16x1xi32>
      %gather3A_2826 = vector.shape_cast %broadcast_in_dim3A_2825 : vector<16x1xi32> to vector<16xi32>
      %gather3A_2827 = tpu.dynamic_gather %select_n3A_2506[%gather3A_2826] in [0] : vector<16xf32>, vector<16xi32> -> vector<16xf32>
      %add3A_2828 = arith.addf %select_n3A_2506, %gather3A_2827 : vector<16xf32>
      %and3A_2829 = arith.constant -8 : i32
      %and3A_2830 = vector.broadcast %and3A_2829 : i32 to vector<16xi32>
      %and3A_2831 = arith.andi %iota3A, %and3A_2830 : vector<16xi32>
      %add3A_2832 = arith.constant 4 : i32
      %add3A_2833 = vector.broadcast %add3A_2832 : i32 to vector<16xi32>
      %add3A_2834 = arith.addi %iota3A, %add3A_2833 : vector<16xi32>
      %and3A_2835 = arith.constant 7 : i32
      %and3A_2836 = vector.broadcast %and3A_2835 : i32 to vector<16xi32>
      %and3A_2837 = arith.andi %add3A_2834, %and3A_2836 : vector<16xi32>
      %or3A_2838 = arith.ori %and3A_2831, %and3A_2837 : vector<16xi32>
      %lt3A_2839 = arith.constant 0 : i32
      %lt3A_2840 = vector.broadcast %lt3A_2839 : i32 to vector<16xi32>
      %lt3A_2841 = arith.cmpi slt, %or3A_2838, %lt3A_2840 : vector<16xi32>
      %add3A_2842 = arith.constant 16 : i32
      %add3A_2843 = vector.broadcast %add3A_2842 : i32 to vector<16xi32>
      %add3A_2844 = arith.addi %or3A_2838, %add3A_2843 : vector<16xi32>
      %select_n3A_2845 = arith.select %lt3A_2841, %add3A_2844, %or3A_2838 : vector<16xi1>, vector<16xi32>
      %broadcast_in_dim3A_2846 = vector.shape_cast %select_n3A_2845 : vector<16xi32> to vector<16x1xi32>
      %gather3A_2847 = vector.shape_cast %broadcast_in_dim3A_2846 : vector<16x1xi32> to vector<16xi32>
      %gather3A_2848 = tpu.dynamic_gather %select_n3A_2549[%gather3A_2847] in [0] : vector<16xf32>, vector<16xi32> -> vector<16xf32>
      %add3A_2849 = arith.addf %select_n3A_2549, %gather3A_2848 : vector<16xf32>
      %select_n3A_2850 = arith.select %eq3A_33, %add3A_2828, %add3A_2849 : vector<16xi1>, vector<16xf32>
      %and3A_2851 = arith.constant -8 : i32
      %and3A_2852 = vector.broadcast %and3A_2851 : i32 to vector<16xi32>
      %and3A_2853 = arith.andi %iota3A, %and3A_2852 : vector<16xi32>
      %add3A_2854 = arith.constant 4 : i32
      %add3A_2855 = vector.broadcast %add3A_2854 : i32 to vector<16xi32>
      %add3A_2856 = arith.addi %iota3A, %add3A_2855 : vector<16xi32>
      %and3A_2857 = arith.constant 7 : i32
      %and3A_2858 = vector.broadcast %and3A_2857 : i32 to vector<16xi32>
      %and3A_2859 = arith.andi %add3A_2856, %and3A_2858 : vector<16xi32>
      %or3A_2860 = arith.ori %and3A_2853, %and3A_2859 : vector<16xi32>
      %lt3A_2861 = arith.constant 0 : i32
      %lt3A_2862 = vector.broadcast %lt3A_2861 : i32 to vector<16xi32>
      %lt3A_2863 = arith.cmpi slt, %or3A_2860, %lt3A_2862 : vector<16xi32>
      %add3A_2864 = arith.constant 16 : i32
      %add3A_2865 = vector.broadcast %add3A_2864 : i32 to vector<16xi32>
      %add3A_2866 = arith.addi %or3A_2860, %add3A_2865 : vector<16xi32>
      %select_n3A_2867 = arith.select %lt3A_2863, %add3A_2866, %or3A_2860 : vector<16xi1>, vector<16xi32>
      %broadcast_in_dim3A_2868 = vector.shape_cast %select_n3A_2867 : vector<16xi32> to vector<16x1xi32>
      %gather3A_2869 = vector.shape_cast %broadcast_in_dim3A_2868 : vector<16x1xi32> to vector<16xi32>
      %gather3A_2870 = tpu.dynamic_gather %select_n3A_2592[%gather3A_2869] in [0] : vector<16xf32>, vector<16xi32> -> vector<16xf32>
      %add3A_2871 = arith.addf %select_n3A_2592, %gather3A_2870 : vector<16xf32>
      %and3A_2872 = arith.constant -8 : i32
      %and3A_2873 = vector.broadcast %and3A_2872 : i32 to vector<16xi32>
      %and3A_2874 = arith.andi %iota3A, %and3A_2873 : vector<16xi32>
      %add3A_2875 = arith.constant 4 : i32
      %add3A_2876 = vector.broadcast %add3A_2875 : i32 to vector<16xi32>
      %add3A_2877 = arith.addi %iota3A, %add3A_2876 : vector<16xi32>
      %and3A_2878 = arith.constant 7 : i32
      %and3A_2879 = vector.broadcast %and3A_2878 : i32 to vector<16xi32>
      %and3A_2880 = arith.andi %add3A_2877, %and3A_2879 : vector<16xi32>
      %or3A_2881 = arith.ori %and3A_2874, %and3A_2880 : vector<16xi32>
      %lt3A_2882 = arith.constant 0 : i32
      %lt3A_2883 = vector.broadcast %lt3A_2882 : i32 to vector<16xi32>
      %lt3A_2884 = arith.cmpi slt, %or3A_2881, %lt3A_2883 : vector<16xi32>
      %add3A_2885 = arith.constant 16 : i32
      %add3A_2886 = vector.broadcast %add3A_2885 : i32 to vector<16xi32>
      %add3A_2887 = arith.addi %or3A_2881, %add3A_2886 : vector<16xi32>
      %select_n3A_2888 = arith.select %lt3A_2884, %add3A_2887, %or3A_2881 : vector<16xi1>, vector<16xi32>
      %broadcast_in_dim3A_2889 = vector.shape_cast %select_n3A_2888 : vector<16xi32> to vector<16x1xi32>
      %gather3A_2890 = vector.shape_cast %broadcast_in_dim3A_2889 : vector<16x1xi32> to vector<16xi32>
      %gather3A_2891 = tpu.dynamic_gather %select_n3A_2635[%gather3A_2890] in [0] : vector<16xf32>, vector<16xi32> -> vector<16xf32>
      %add3A_2892 = arith.addf %select_n3A_2635, %gather3A_2891 : vector<16xf32>
      %select_n3A_2893 = arith.select %eq3A_33, %add3A_2871, %add3A_2892 : vector<16xi1>, vector<16xf32>
      %and3A_2894 = arith.constant -8 : i32
      %and3A_2895 = vector.broadcast %and3A_2894 : i32 to vector<16xi32>
      %and3A_2896 = arith.andi %iota3A, %and3A_2895 : vector<16xi32>
      %add3A_2897 = arith.constant 4 : i32
      %add3A_2898 = vector.broadcast %add3A_2897 : i32 to vector<16xi32>
      %add3A_2899 = arith.addi %iota3A, %add3A_2898 : vector<16xi32>
      %and3A_2900 = arith.constant 7 : i32
      %and3A_2901 = vector.broadcast %and3A_2900 : i32 to vector<16xi32>
      %and3A_2902 = arith.andi %add3A_2899, %and3A_2901 : vector<16xi32>
      %or3A_2903 = arith.ori %and3A_2896, %and3A_2902 : vector<16xi32>
      %lt3A_2904 = arith.constant 0 : i32
      %lt3A_2905 = vector.broadcast %lt3A_2904 : i32 to vector<16xi32>
      %lt3A_2906 = arith.cmpi slt, %or3A_2903, %lt3A_2905 : vector<16xi32>
      %add3A_2907 = arith.constant 16 : i32
      %add3A_2908 = vector.broadcast %add3A_2907 : i32 to vector<16xi32>
      %add3A_2909 = arith.addi %or3A_2903, %add3A_2908 : vector<16xi32>
      %select_n3A_2910 = arith.select %lt3A_2906, %add3A_2909, %or3A_2903 : vector<16xi1>, vector<16xi32>
      %broadcast_in_dim3A_2911 = vector.shape_cast %select_n3A_2910 : vector<16xi32> to vector<16x1xi32>
      %gather3A_2912 = vector.shape_cast %broadcast_in_dim3A_2911 : vector<16x1xi32> to vector<16xi32>
      %gather3A_2913 = tpu.dynamic_gather %select_n3A_2678[%gather3A_2912] in [0] : vector<16xf32>, vector<16xi32> -> vector<16xf32>
      %add3A_2914 = arith.addf %select_n3A_2678, %gather3A_2913 : vector<16xf32>
      %and3A_2915 = arith.constant -8 : i32
      %and3A_2916 = vector.broadcast %and3A_2915 : i32 to vector<16xi32>
      %and3A_2917 = arith.andi %iota3A, %and3A_2916 : vector<16xi32>
      %add3A_2918 = arith.constant 4 : i32
      %add3A_2919 = vector.broadcast %add3A_2918 : i32 to vector<16xi32>
      %add3A_2920 = arith.addi %iota3A, %add3A_2919 : vector<16xi32>
      %and3A_2921 = arith.constant 7 : i32
      %and3A_2922 = vector.broadcast %and3A_2921 : i32 to vector<16xi32>
      %and3A_2923 = arith.andi %add3A_2920, %and3A_2922 : vector<16xi32>
      %or3A_2924 = arith.ori %and3A_2917, %and3A_2923 : vector<16xi32>
      %lt3A_2925 = arith.constant 0 : i32
      %lt3A_2926 = vector.broadcast %lt3A_2925 : i32 to vector<16xi32>
      %lt3A_2927 = arith.cmpi slt, %or3A_2924, %lt3A_2926 : vector<16xi32>
      %add3A_2928 = arith.constant 16 : i32
      %add3A_2929 = vector.broadcast %add3A_2928 : i32 to vector<16xi32>
      %add3A_2930 = arith.addi %or3A_2924, %add3A_2929 : vector<16xi32>
      %select_n3A_2931 = arith.select %lt3A_2927, %add3A_2930, %or3A_2924 : vector<16xi1>, vector<16xi32>
      %broadcast_in_dim3A_2932 = vector.shape_cast %select_n3A_2931 : vector<16xi32> to vector<16x1xi32>
      %gather3A_2933 = vector.shape_cast %broadcast_in_dim3A_2932 : vector<16x1xi32> to vector<16xi32>
      %gather3A_2934 = tpu.dynamic_gather %select_n3A_2721[%gather3A_2933] in [0] : vector<16xf32>, vector<16xi32> -> vector<16xf32>
      %add3A_2935 = arith.addf %select_n3A_2721, %gather3A_2934 : vector<16xf32>
      %select_n3A_2936 = arith.select %eq3A_33, %add3A_2914, %add3A_2935 : vector<16xi1>, vector<16xf32>
      %and3A_2937 = arith.constant -8 : i32
      %and3A_2938 = vector.broadcast %and3A_2937 : i32 to vector<16xi32>
      %and3A_2939 = arith.andi %iota3A, %and3A_2938 : vector<16xi32>
      %add3A_2940 = arith.constant 4 : i32
      %add3A_2941 = vector.broadcast %add3A_2940 : i32 to vector<16xi32>
      %add3A_2942 = arith.addi %iota3A, %add3A_2941 : vector<16xi32>
      %and3A_2943 = arith.constant 7 : i32
      %and3A_2944 = vector.broadcast %and3A_2943 : i32 to vector<16xi32>
      %and3A_2945 = arith.andi %add3A_2942, %and3A_2944 : vector<16xi32>
      %or3A_2946 = arith.ori %and3A_2939, %and3A_2945 : vector<16xi32>
      %lt3A_2947 = arith.constant 0 : i32
      %lt3A_2948 = vector.broadcast %lt3A_2947 : i32 to vector<16xi32>
      %lt3A_2949 = arith.cmpi slt, %or3A_2946, %lt3A_2948 : vector<16xi32>
      %add3A_2950 = arith.constant 16 : i32
      %add3A_2951 = vector.broadcast %add3A_2950 : i32 to vector<16xi32>
      %add3A_2952 = arith.addi %or3A_2946, %add3A_2951 : vector<16xi32>
      %select_n3A_2953 = arith.select %lt3A_2949, %add3A_2952, %or3A_2946 : vector<16xi1>, vector<16xi32>
      %broadcast_in_dim3A_2954 = vector.shape_cast %select_n3A_2953 : vector<16xi32> to vector<16x1xi32>
      %gather3A_2955 = vector.shape_cast %broadcast_in_dim3A_2954 : vector<16x1xi32> to vector<16xi32>
      %gather3A_2956 = tpu.dynamic_gather %select_n3A_2764[%gather3A_2955] in [0] : vector<16xf32>, vector<16xi32> -> vector<16xf32>
      %add3A_2957 = arith.addf %select_n3A_2764, %gather3A_2956 : vector<16xf32>
      %and3A_2958 = arith.constant -8 : i32
      %and3A_2959 = vector.broadcast %and3A_2958 : i32 to vector<16xi32>
      %and3A_2960 = arith.andi %iota3A, %and3A_2959 : vector<16xi32>
      %add3A_2961 = arith.constant 4 : i32
      %add3A_2962 = vector.broadcast %add3A_2961 : i32 to vector<16xi32>
      %add3A_2963 = arith.addi %iota3A, %add3A_2962 : vector<16xi32>
      %and3A_2964 = arith.constant 7 : i32
      %and3A_2965 = vector.broadcast %and3A_2964 : i32 to vector<16xi32>
      %and3A_2966 = arith.andi %add3A_2963, %and3A_2965 : vector<16xi32>
      %or3A_2967 = arith.ori %and3A_2960, %and3A_2966 : vector<16xi32>
      %lt3A_2968 = arith.constant 0 : i32
      %lt3A_2969 = vector.broadcast %lt3A_2968 : i32 to vector<16xi32>
      %lt3A_2970 = arith.cmpi slt, %or3A_2967, %lt3A_2969 : vector<16xi32>
      %add3A_2971 = arith.constant 16 : i32
      %add3A_2972 = vector.broadcast %add3A_2971 : i32 to vector<16xi32>
      %add3A_2973 = arith.addi %or3A_2967, %add3A_2972 : vector<16xi32>
      %select_n3A_2974 = arith.select %lt3A_2970, %add3A_2973, %or3A_2967 : vector<16xi1>, vector<16xi32>
      %broadcast_in_dim3A_2975 = vector.shape_cast %select_n3A_2974 : vector<16xi32> to vector<16x1xi32>
      %gather3A_2976 = vector.shape_cast %broadcast_in_dim3A_2975 : vector<16x1xi32> to vector<16xi32>
      %gather3A_2977 = tpu.dynamic_gather %select_n3A_2807[%gather3A_2976] in [0] : vector<16xf32>, vector<16xi32> -> vector<16xf32>
      %add3A_2978 = arith.addf %select_n3A_2807, %gather3A_2977 : vector<16xf32>
      %select_n3A_2979 = arith.select %eq3A_33, %add3A_2957, %add3A_2978 : vector<16xi1>, vector<16xf32>
      %and3A_2980 = arith.constant -4 : i32
      %and3A_2981 = vector.broadcast %and3A_2980 : i32 to vector<16xi32>
      %and3A_2982 = arith.andi %iota3A, %and3A_2981 : vector<16xi32>
      %add3A_2983 = arith.constant 2 : i32
      %add3A_2984 = vector.broadcast %add3A_2983 : i32 to vector<16xi32>
      %add3A_2985 = arith.addi %iota3A, %add3A_2984 : vector<16xi32>
      %and3A_2986 = arith.constant 3 : i32
      %and3A_2987 = vector.broadcast %and3A_2986 : i32 to vector<16xi32>
      %and3A_2988 = arith.andi %add3A_2985, %and3A_2987 : vector<16xi32>
      %or3A_2989 = arith.ori %and3A_2982, %and3A_2988 : vector<16xi32>
      %lt3A_2990 = arith.constant 0 : i32
      %lt3A_2991 = vector.broadcast %lt3A_2990 : i32 to vector<16xi32>
      %lt3A_2992 = arith.cmpi slt, %or3A_2989, %lt3A_2991 : vector<16xi32>
      %add3A_2993 = arith.constant 16 : i32
      %add3A_2994 = vector.broadcast %add3A_2993 : i32 to vector<16xi32>
      %add3A_2995 = arith.addi %or3A_2989, %add3A_2994 : vector<16xi32>
      %select_n3A_2996 = arith.select %lt3A_2992, %add3A_2995, %or3A_2989 : vector<16xi1>, vector<16xi32>
      %broadcast_in_dim3A_2997 = vector.shape_cast %select_n3A_2996 : vector<16xi32> to vector<16x1xi32>
      %gather3A_2998 = vector.shape_cast %broadcast_in_dim3A_2997 : vector<16x1xi32> to vector<16xi32>
      %gather3A_2999 = tpu.dynamic_gather %select_n3A_2850[%gather3A_2998] in [0] : vector<16xf32>, vector<16xi32> -> vector<16xf32>
      %add3A_3000 = arith.addf %select_n3A_2850, %gather3A_2999 : vector<16xf32>
      %and3A_3001 = arith.constant -4 : i32
      %and3A_3002 = vector.broadcast %and3A_3001 : i32 to vector<16xi32>
      %and3A_3003 = arith.andi %iota3A, %and3A_3002 : vector<16xi32>
      %add3A_3004 = arith.constant 2 : i32
      %add3A_3005 = vector.broadcast %add3A_3004 : i32 to vector<16xi32>
      %add3A_3006 = arith.addi %iota3A, %add3A_3005 : vector<16xi32>
      %and3A_3007 = arith.constant 3 : i32
      %and3A_3008 = vector.broadcast %and3A_3007 : i32 to vector<16xi32>
      %and3A_3009 = arith.andi %add3A_3006, %and3A_3008 : vector<16xi32>
      %or3A_3010 = arith.ori %and3A_3003, %and3A_3009 : vector<16xi32>
      %lt3A_3011 = arith.constant 0 : i32
      %lt3A_3012 = vector.broadcast %lt3A_3011 : i32 to vector<16xi32>
      %lt3A_3013 = arith.cmpi slt, %or3A_3010, %lt3A_3012 : vector<16xi32>
      %add3A_3014 = arith.constant 16 : i32
      %add3A_3015 = vector.broadcast %add3A_3014 : i32 to vector<16xi32>
      %add3A_3016 = arith.addi %or3A_3010, %add3A_3015 : vector<16xi32>
      %select_n3A_3017 = arith.select %lt3A_3013, %add3A_3016, %or3A_3010 : vector<16xi1>, vector<16xi32>
      %broadcast_in_dim3A_3018 = vector.shape_cast %select_n3A_3017 : vector<16xi32> to vector<16x1xi32>
      %gather3A_3019 = vector.shape_cast %broadcast_in_dim3A_3018 : vector<16x1xi32> to vector<16xi32>
      %gather3A_3020 = tpu.dynamic_gather %select_n3A_2893[%gather3A_3019] in [0] : vector<16xf32>, vector<16xi32> -> vector<16xf32>
      %add3A_3021 = arith.addf %select_n3A_2893, %gather3A_3020 : vector<16xf32>
      %select_n3A_3022 = arith.select %eq3A_39, %add3A_3000, %add3A_3021 : vector<16xi1>, vector<16xf32>
      %and3A_3023 = arith.constant -4 : i32
      %and3A_3024 = vector.broadcast %and3A_3023 : i32 to vector<16xi32>
      %and3A_3025 = arith.andi %iota3A, %and3A_3024 : vector<16xi32>
      %add3A_3026 = arith.constant 2 : i32
      %add3A_3027 = vector.broadcast %add3A_3026 : i32 to vector<16xi32>
      %add3A_3028 = arith.addi %iota3A, %add3A_3027 : vector<16xi32>
      %and3A_3029 = arith.constant 3 : i32
      %and3A_3030 = vector.broadcast %and3A_3029 : i32 to vector<16xi32>
      %and3A_3031 = arith.andi %add3A_3028, %and3A_3030 : vector<16xi32>
      %or3A_3032 = arith.ori %and3A_3025, %and3A_3031 : vector<16xi32>
      %lt3A_3033 = arith.constant 0 : i32
      %lt3A_3034 = vector.broadcast %lt3A_3033 : i32 to vector<16xi32>
      %lt3A_3035 = arith.cmpi slt, %or3A_3032, %lt3A_3034 : vector<16xi32>
      %add3A_3036 = arith.constant 16 : i32
      %add3A_3037 = vector.broadcast %add3A_3036 : i32 to vector<16xi32>
      %add3A_3038 = arith.addi %or3A_3032, %add3A_3037 : vector<16xi32>
      %select_n3A_3039 = arith.select %lt3A_3035, %add3A_3038, %or3A_3032 : vector<16xi1>, vector<16xi32>
      %broadcast_in_dim3A_3040 = vector.shape_cast %select_n3A_3039 : vector<16xi32> to vector<16x1xi32>
      %gather3A_3041 = vector.shape_cast %broadcast_in_dim3A_3040 : vector<16x1xi32> to vector<16xi32>
      %gather3A_3042 = tpu.dynamic_gather %select_n3A_2936[%gather3A_3041] in [0] : vector<16xf32>, vector<16xi32> -> vector<16xf32>
      %add3A_3043 = arith.addf %select_n3A_2936, %gather3A_3042 : vector<16xf32>
      %and3A_3044 = arith.constant -4 : i32
      %and3A_3045 = vector.broadcast %and3A_3044 : i32 to vector<16xi32>
      %and3A_3046 = arith.andi %iota3A, %and3A_3045 : vector<16xi32>
      %add3A_3047 = arith.constant 2 : i32
      %add3A_3048 = vector.broadcast %add3A_3047 : i32 to vector<16xi32>
      %add3A_3049 = arith.addi %iota3A, %add3A_3048 : vector<16xi32>
      %and3A_3050 = arith.constant 3 : i32
      %and3A_3051 = vector.broadcast %and3A_3050 : i32 to vector<16xi32>
      %and3A_3052 = arith.andi %add3A_3049, %and3A_3051 : vector<16xi32>
      %or3A_3053 = arith.ori %and3A_3046, %and3A_3052 : vector<16xi32>
      %lt3A_3054 = arith.constant 0 : i32
      %lt3A_3055 = vector.broadcast %lt3A_3054 : i32 to vector<16xi32>
      %lt3A_3056 = arith.cmpi slt, %or3A_3053, %lt3A_3055 : vector<16xi32>
      %add3A_3057 = arith.constant 16 : i32
      %add3A_3058 = vector.broadcast %add3A_3057 : i32 to vector<16xi32>
      %add3A_3059 = arith.addi %or3A_3053, %add3A_3058 : vector<16xi32>
      %select_n3A_3060 = arith.select %lt3A_3056, %add3A_3059, %or3A_3053 : vector<16xi1>, vector<16xi32>
      %broadcast_in_dim3A_3061 = vector.shape_cast %select_n3A_3060 : vector<16xi32> to vector<16x1xi32>
      %gather3A_3062 = vector.shape_cast %broadcast_in_dim3A_3061 : vector<16x1xi32> to vector<16xi32>
      %gather3A_3063 = tpu.dynamic_gather %select_n3A_2979[%gather3A_3062] in [0] : vector<16xf32>, vector<16xi32> -> vector<16xf32>
      %add3A_3064 = arith.addf %select_n3A_2979, %gather3A_3063 : vector<16xf32>
      %select_n3A_3065 = arith.select %eq3A_39, %add3A_3043, %add3A_3064 : vector<16xi1>, vector<16xf32>
      %and3A_3066 = arith.constant -2 : i32
      %and3A_3067 = vector.broadcast %and3A_3066 : i32 to vector<16xi32>
      %and3A_3068 = arith.andi %iota3A, %and3A_3067 : vector<16xi32>
      %add3A_3069 = arith.constant 1 : i32
      %add3A_3070 = vector.broadcast %add3A_3069 : i32 to vector<16xi32>
      %add3A_3071 = arith.addi %iota3A, %add3A_3070 : vector<16xi32>
      %and3A_3072 = arith.constant 1 : i32
      %and3A_3073 = vector.broadcast %and3A_3072 : i32 to vector<16xi32>
      %and3A_3074 = arith.andi %add3A_3071, %and3A_3073 : vector<16xi32>
      %or3A_3075 = arith.ori %and3A_3068, %and3A_3074 : vector<16xi32>
      %lt3A_3076 = arith.constant 0 : i32
      %lt3A_3077 = vector.broadcast %lt3A_3076 : i32 to vector<16xi32>
      %lt3A_3078 = arith.cmpi slt, %or3A_3075, %lt3A_3077 : vector<16xi32>
      %add3A_3079 = arith.constant 16 : i32
      %add3A_3080 = vector.broadcast %add3A_3079 : i32 to vector<16xi32>
      %add3A_3081 = arith.addi %or3A_3075, %add3A_3080 : vector<16xi32>
      %select_n3A_3082 = arith.select %lt3A_3078, %add3A_3081, %or3A_3075 : vector<16xi1>, vector<16xi32>
      %broadcast_in_dim3A_3083 = vector.shape_cast %select_n3A_3082 : vector<16xi32> to vector<16x1xi32>
      %gather3A_3084 = vector.shape_cast %broadcast_in_dim3A_3083 : vector<16x1xi32> to vector<16xi32>
      %gather3A_3085 = tpu.dynamic_gather %select_n3A_3022[%gather3A_3084] in [0] : vector<16xf32>, vector<16xi32> -> vector<16xf32>
      %add3A_3086 = arith.addf %select_n3A_3022, %gather3A_3085 : vector<16xf32>
      %and3A_3087 = arith.constant -2 : i32
      %and3A_3088 = vector.broadcast %and3A_3087 : i32 to vector<16xi32>
      %and3A_3089 = arith.andi %iota3A, %and3A_3088 : vector<16xi32>
      %add3A_3090 = arith.constant 1 : i32
      %add3A_3091 = vector.broadcast %add3A_3090 : i32 to vector<16xi32>
      %add3A_3092 = arith.addi %iota3A, %add3A_3091 : vector<16xi32>
      %and3A_3093 = arith.constant 1 : i32
      %and3A_3094 = vector.broadcast %and3A_3093 : i32 to vector<16xi32>
      %and3A_3095 = arith.andi %add3A_3092, %and3A_3094 : vector<16xi32>
      %or3A_3096 = arith.ori %and3A_3089, %and3A_3095 : vector<16xi32>
      %lt3A_3097 = arith.constant 0 : i32
      %lt3A_3098 = vector.broadcast %lt3A_3097 : i32 to vector<16xi32>
      %lt3A_3099 = arith.cmpi slt, %or3A_3096, %lt3A_3098 : vector<16xi32>
      %add3A_3100 = arith.constant 16 : i32
      %add3A_3101 = vector.broadcast %add3A_3100 : i32 to vector<16xi32>
      %add3A_3102 = arith.addi %or3A_3096, %add3A_3101 : vector<16xi32>
      %select_n3A_3103 = arith.select %lt3A_3099, %add3A_3102, %or3A_3096 : vector<16xi1>, vector<16xi32>
      %broadcast_in_dim3A_3104 = vector.shape_cast %select_n3A_3103 : vector<16xi32> to vector<16x1xi32>
      %gather3A_3105 = vector.shape_cast %broadcast_in_dim3A_3104 : vector<16x1xi32> to vector<16xi32>
      %gather3A_3106 = tpu.dynamic_gather %select_n3A_3065[%gather3A_3105] in [0] : vector<16xf32>, vector<16xi32> -> vector<16xf32>
      %add3A_3107 = arith.addf %select_n3A_3065, %gather3A_3106 : vector<16xf32>
      %select_n3A_3108 = arith.select %eq3A_45, %add3A_3086, %add3A_3107 : vector<16xi1>, vector<16xf32>
      %mul3A_3109 = arith.constant 0.00130208337 : f32
      %mul3A_3110 = vector.broadcast %mul3A_3109 : f32 to vector<16xf32>
      %mul3A_3111 = arith.mulf %select_n3A_3108, %mul3A_3110 : vector<16xf32>
      %mul3A_3112 = arith.mulf %mul3A_2463, %mul3A_2463 : vector<16xf32>
      %sub3A_3113 = arith.subf %mul3A_3111, %mul3A_3112 : vector<16xf32>
      %add3A_3114 = arith.constant 9.99999996E-13 : f32
      %add3A_3115 = vector.broadcast %add3A_3114 : f32 to vector<16xf32>
      %add3A_3116 = arith.addf %sub3A_3113, %add3A_3115 : vector<16xf32>
      %bitcast_convert_type3A_3117 = tpu.bitcast %add3A_3116 : vector<16xf32> -> vector<16xi32>
      %shift_right_arithmetic3A_3118 = arith.constant 1 : i32
      %shift_right_arithmetic3A_3119 = vector.broadcast %shift_right_arithmetic3A_3118 : i32 to vector<16xi32>
      %shift_right_arithmetic3A_3120 = arith.shrsi %bitcast_convert_type3A_3117, %shift_right_arithmetic3A_3119 : vector<16xi32>
      %sub3A_3121 = arith.constant 1597463007 : i32
      %sub3A_3122 = vector.broadcast %sub3A_3121 : i32 to vector<16xi32>
      %sub3A_3123 = arith.subi %sub3A_3122, %shift_right_arithmetic3A_3120 : vector<16xi32>
      %bitcast_convert_type3A_3124 = tpu.bitcast %sub3A_3123 : vector<16xi32> -> vector<16xf32>
      %mul3A_3125 = arith.constant 5.000000e-01 : f32
      %mul3A_3126 = vector.broadcast %mul3A_3125 : f32 to vector<16xf32>
      %mul3A_3127 = arith.mulf %mul3A_3126, %add3A_3116 : vector<16xf32>
      %mul3A_3128 = arith.mulf %mul3A_3127, %bitcast_convert_type3A_3124 : vector<16xf32>
      %mul3A_3129 = arith.mulf %mul3A_3128, %bitcast_convert_type3A_3124 : vector<16xf32>
      %sub3A_3130 = arith.constant 1.500000e+00 : f32
      %sub3A_3131 = vector.broadcast %sub3A_3130 : f32 to vector<16xf32>
      %sub3A_3132 = arith.subf %sub3A_3131, %mul3A_3129 : vector<16xf32>
      %mul3A_3133 = arith.mulf %bitcast_convert_type3A_3124, %sub3A_3132 : vector<16xf32>
      %mul3A_3134 = arith.constant 5.000000e-01 : f32
      %mul3A_3135 = vector.broadcast %mul3A_3134 : f32 to vector<16xf32>
      %mul3A_3136 = arith.mulf %mul3A_3135, %add3A_3116 : vector<16xf32>
      %mul3A_3137 = arith.mulf %mul3A_3136, %mul3A_3133 : vector<16xf32>
      %mul3A_3138 = arith.mulf %mul3A_3137, %mul3A_3133 : vector<16xf32>
      %sub3A_3139 = arith.constant 1.500000e+00 : f32
      %sub3A_3140 = vector.broadcast %sub3A_3139 : f32 to vector<16xf32>
      %sub3A_3141 = arith.subf %sub3A_3140, %mul3A_3138 : vector<16xf32>
      %mul3A_3142 = arith.mulf %mul3A_3133, %sub3A_3141 : vector<16xf32>
      %mul3A_3143 = arith.mulf %mul3A_2463, %mul3A_3142 : vector<16xf32>
      %ge3A_3144 = arith.constant 2 : i32
      %ge3A_3145 = arith.cmpi sge, %add3A_1805, %ge3A_3144 : i32
      %convert_element_type3A_3146 = arith.extui %ge3A_3145 : i1 to i32
      %cond3A_3147 = arith.constant 0 : i32
      %cond3A_3148 = arith.cmpi ne, %convert_element_type3A_3146, %cond3A_3147 : i32
      scf.if %cond3A_3148 {
        %sub3A_3552 = arith.constant 2 : i32
        %sub3A_3553 = arith.subi %add3A_1805, %sub3A_3552 : i32
        %dma_wait3A_3554 = arith.constant 0 : i32
        %dma_wait3A_3555 = tpu.memref_slice %arg7[%sub3A_3553, %mul3A_2, %dma_wait3A_3554] : memref<32x512x768xf32, #tpu.memory_space<hbm>> -> memref<1x16x768xf32, #tpu.memory_space<hbm>>
        %dma_wait3A_3556 = tpu.memref_squeeze %dma_wait3A_3555 : memref<1x16x768xf32, #tpu.memory_space<hbm>> -> memref<16x768xf32, #tpu.memory_space<hbm>>
        %dma_wait3A_3557 = arith.constant 0 : i32
        %dma_wait3A_3558 = tpu.memref_slice %arg7[%sub3A_3553, %mul3A_2, %dma_wait3A_3557] : memref<32x512x768xf32, #tpu.memory_space<hbm>> -> memref<1x16x768xf32, #tpu.memory_space<hbm>>
        %dma_wait3A_3559 = tpu.memref_squeeze %dma_wait3A_3558 : memref<1x16x768xf32, #tpu.memory_space<hbm>> -> memref<16x768xf32, #tpu.memory_space<hbm>>
        tpu.wait_dma2 semaphore(%arg19 : memref<!tpu.dma_semaphore, #tpu.memory_space<semaphore_mem>>) src(%arg12 : memref<16x768xf32, #tpu.memory_space<vmem>>) dst(%dma_wait3A_3559 : memref<16x768xf32, #tpu.memory_space<hbm>>)
      } else {
      }
      %broadcast_in_dim3A_3149 = arith.constant 0 : i32
      %broadcast_in_dim3A_3150 = vector.broadcast %broadcast_in_dim3A_3149 : i32 to vector<16xi32>
      %lt3A_3151 = arith.constant 0 : i32
      %lt3A_3152 = vector.broadcast %lt3A_3151 : i32 to vector<16xi32>
      %lt3A_3153 = arith.cmpi slt, %broadcast_in_dim3A_3150, %lt3A_3152 : vector<16xi32>
      %add3A_3154 = arith.constant 16 : i32
      %add3A_3155 = vector.broadcast %add3A_3154 : i32 to vector<16xi32>
      %add3A_3156 = arith.addi %broadcast_in_dim3A_3150, %add3A_3155 : vector<16xi32>
      %select_n3A_3157 = arith.select %lt3A_3153, %add3A_3156, %broadcast_in_dim3A_3150 : vector<16xi1>, vector<16xi32>
      %broadcast_in_dim3A_3158 = vector.shape_cast %select_n3A_3157 : vector<16xi32> to vector<16x1xi32>
      %gather3A_3159 = vector.shape_cast %broadcast_in_dim3A_3158 : vector<16x1xi32> to vector<16xi32>
      %gather3A_3160 = tpu.dynamic_gather %mul3A_3142[%gather3A_3159] in [0] : vector<16xf32>, vector<16xi32> -> vector<16xf32>
      %broadcast_in_dim3A_3161 = arith.constant 8 : i32
      %broadcast_in_dim3A_3162 = vector.broadcast %broadcast_in_dim3A_3161 : i32 to vector<16xi32>
      %lt3A_3163 = arith.constant 0 : i32
      %lt3A_3164 = vector.broadcast %lt3A_3163 : i32 to vector<16xi32>
      %lt3A_3165 = arith.cmpi slt, %broadcast_in_dim3A_3162, %lt3A_3164 : vector<16xi32>
      %add3A_3166 = arith.constant 16 : i32
      %add3A_3167 = vector.broadcast %add3A_3166 : i32 to vector<16xi32>
      %add3A_3168 = arith.addi %broadcast_in_dim3A_3162, %add3A_3167 : vector<16xi32>
      %select_n3A_3169 = arith.select %lt3A_3165, %add3A_3168, %broadcast_in_dim3A_3162 : vector<16xi1>, vector<16xi32>
      %broadcast_in_dim3A_3170 = vector.shape_cast %select_n3A_3169 : vector<16xi32> to vector<16x1xi32>
      %gather3A_3171 = vector.shape_cast %broadcast_in_dim3A_3170 : vector<16x1xi32> to vector<16xi32>
      %gather3A_3172 = tpu.dynamic_gather %mul3A_3142[%gather3A_3171] in [0] : vector<16xf32>, vector<16xi32> -> vector<16xf32>
      %broadcast_in_dim3A_3173 = arith.constant 4 : i32
      %broadcast_in_dim3A_3174 = vector.broadcast %broadcast_in_dim3A_3173 : i32 to vector<16xi32>
      %lt3A_3175 = arith.constant 0 : i32
      %lt3A_3176 = vector.broadcast %lt3A_3175 : i32 to vector<16xi32>
      %lt3A_3177 = arith.cmpi slt, %broadcast_in_dim3A_3174, %lt3A_3176 : vector<16xi32>
      %add3A_3178 = arith.constant 16 : i32
      %add3A_3179 = vector.broadcast %add3A_3178 : i32 to vector<16xi32>
      %add3A_3180 = arith.addi %broadcast_in_dim3A_3174, %add3A_3179 : vector<16xi32>
      %select_n3A_3181 = arith.select %lt3A_3177, %add3A_3180, %broadcast_in_dim3A_3174 : vector<16xi1>, vector<16xi32>
      %broadcast_in_dim3A_3182 = vector.shape_cast %select_n3A_3181 : vector<16xi32> to vector<16x1xi32>
      %gather3A_3183 = vector.shape_cast %broadcast_in_dim3A_3182 : vector<16x1xi32> to vector<16xi32>
      %gather3A_3184 = tpu.dynamic_gather %mul3A_3142[%gather3A_3183] in [0] : vector<16xf32>, vector<16xi32> -> vector<16xf32>
      %broadcast_in_dim3A_3185 = arith.constant 12 : i32
      %broadcast_in_dim3A_3186 = vector.broadcast %broadcast_in_dim3A_3185 : i32 to vector<16xi32>
      %lt3A_3187 = arith.constant 0 : i32
      %lt3A_3188 = vector.broadcast %lt3A_3187 : i32 to vector<16xi32>
      %lt3A_3189 = arith.cmpi slt, %broadcast_in_dim3A_3186, %lt3A_3188 : vector<16xi32>
      %add3A_3190 = arith.constant 16 : i32
      %add3A_3191 = vector.broadcast %add3A_3190 : i32 to vector<16xi32>
      %add3A_3192 = arith.addi %broadcast_in_dim3A_3186, %add3A_3191 : vector<16xi32>
      %select_n3A_3193 = arith.select %lt3A_3189, %add3A_3192, %broadcast_in_dim3A_3186 : vector<16xi1>, vector<16xi32>
      %broadcast_in_dim3A_3194 = vector.shape_cast %select_n3A_3193 : vector<16xi32> to vector<16x1xi32>
      %gather3A_3195 = vector.shape_cast %broadcast_in_dim3A_3194 : vector<16x1xi32> to vector<16xi32>
      %gather3A_3196 = tpu.dynamic_gather %mul3A_3142[%gather3A_3195] in [0] : vector<16xf32>, vector<16xi32> -> vector<16xf32>
      %broadcast_in_dim3A_3197 = arith.constant 2 : i32
      %broadcast_in_dim3A_3198 = vector.broadcast %broadcast_in_dim3A_3197 : i32 to vector<16xi32>
      %lt3A_3199 = arith.constant 0 : i32
      %lt3A_3200 = vector.broadcast %lt3A_3199 : i32 to vector<16xi32>
      %lt3A_3201 = arith.cmpi slt, %broadcast_in_dim3A_3198, %lt3A_3200 : vector<16xi32>
      %add3A_3202 = arith.constant 16 : i32
      %add3A_3203 = vector.broadcast %add3A_3202 : i32 to vector<16xi32>
      %add3A_3204 = arith.addi %broadcast_in_dim3A_3198, %add3A_3203 : vector<16xi32>
      %select_n3A_3205 = arith.select %lt3A_3201, %add3A_3204, %broadcast_in_dim3A_3198 : vector<16xi1>, vector<16xi32>
      %broadcast_in_dim3A_3206 = vector.shape_cast %select_n3A_3205 : vector<16xi32> to vector<16x1xi32>
      %gather3A_3207 = vector.shape_cast %broadcast_in_dim3A_3206 : vector<16x1xi32> to vector<16xi32>
      %gather3A_3208 = tpu.dynamic_gather %mul3A_3142[%gather3A_3207] in [0] : vector<16xf32>, vector<16xi32> -> vector<16xf32>
      %broadcast_in_dim3A_3209 = arith.constant 10 : i32
      %broadcast_in_dim3A_3210 = vector.broadcast %broadcast_in_dim3A_3209 : i32 to vector<16xi32>
      %lt3A_3211 = arith.constant 0 : i32
      %lt3A_3212 = vector.broadcast %lt3A_3211 : i32 to vector<16xi32>
      %lt3A_3213 = arith.cmpi slt, %broadcast_in_dim3A_3210, %lt3A_3212 : vector<16xi32>
      %add3A_3214 = arith.constant 16 : i32
      %add3A_3215 = vector.broadcast %add3A_3214 : i32 to vector<16xi32>
      %add3A_3216 = arith.addi %broadcast_in_dim3A_3210, %add3A_3215 : vector<16xi32>
      %select_n3A_3217 = arith.select %lt3A_3213, %add3A_3216, %broadcast_in_dim3A_3210 : vector<16xi1>, vector<16xi32>
      %broadcast_in_dim3A_3218 = vector.shape_cast %select_n3A_3217 : vector<16xi32> to vector<16x1xi32>
      %gather3A_3219 = vector.shape_cast %broadcast_in_dim3A_3218 : vector<16x1xi32> to vector<16xi32>
      %gather3A_3220 = tpu.dynamic_gather %mul3A_3142[%gather3A_3219] in [0] : vector<16xf32>, vector<16xi32> -> vector<16xf32>
      %broadcast_in_dim3A_3221 = arith.constant 6 : i32
      %broadcast_in_dim3A_3222 = vector.broadcast %broadcast_in_dim3A_3221 : i32 to vector<16xi32>
      %lt3A_3223 = arith.constant 0 : i32
      %lt3A_3224 = vector.broadcast %lt3A_3223 : i32 to vector<16xi32>
      %lt3A_3225 = arith.cmpi slt, %broadcast_in_dim3A_3222, %lt3A_3224 : vector<16xi32>
      %add3A_3226 = arith.constant 16 : i32
      %add3A_3227 = vector.broadcast %add3A_3226 : i32 to vector<16xi32>
      %add3A_3228 = arith.addi %broadcast_in_dim3A_3222, %add3A_3227 : vector<16xi32>
      %select_n3A_3229 = arith.select %lt3A_3225, %add3A_3228, %broadcast_in_dim3A_3222 : vector<16xi1>, vector<16xi32>
      %broadcast_in_dim3A_3230 = vector.shape_cast %select_n3A_3229 : vector<16xi32> to vector<16x1xi32>
      %gather3A_3231 = vector.shape_cast %broadcast_in_dim3A_3230 : vector<16x1xi32> to vector<16xi32>
      %gather3A_3232 = tpu.dynamic_gather %mul3A_3142[%gather3A_3231] in [0] : vector<16xf32>, vector<16xi32> -> vector<16xf32>
      %broadcast_in_dim3A_3233 = arith.constant 14 : i32
      %broadcast_in_dim3A_3234 = vector.broadcast %broadcast_in_dim3A_3233 : i32 to vector<16xi32>
      %lt3A_3235 = arith.constant 0 : i32
      %lt3A_3236 = vector.broadcast %lt3A_3235 : i32 to vector<16xi32>
      %lt3A_3237 = arith.cmpi slt, %broadcast_in_dim3A_3234, %lt3A_3236 : vector<16xi32>
      %add3A_3238 = arith.constant 16 : i32
      %add3A_3239 = vector.broadcast %add3A_3238 : i32 to vector<16xi32>
      %add3A_3240 = arith.addi %broadcast_in_dim3A_3234, %add3A_3239 : vector<16xi32>
      %select_n3A_3241 = arith.select %lt3A_3237, %add3A_3240, %broadcast_in_dim3A_3234 : vector<16xi1>, vector<16xi32>
      %broadcast_in_dim3A_3242 = vector.shape_cast %select_n3A_3241 : vector<16xi32> to vector<16x1xi32>
      %gather3A_3243 = vector.shape_cast %broadcast_in_dim3A_3242 : vector<16x1xi32> to vector<16xi32>
      %gather3A_3244 = tpu.dynamic_gather %mul3A_3142[%gather3A_3243] in [0] : vector<16xf32>, vector<16xi32> -> vector<16xf32>
      %broadcast_in_dim3A_3245 = arith.constant 0 : i32
      %broadcast_in_dim3A_3246 = vector.broadcast %broadcast_in_dim3A_3245 : i32 to vector<16xi32>
      %lt3A_3247 = arith.constant 0 : i32
      %lt3A_3248 = vector.broadcast %lt3A_3247 : i32 to vector<16xi32>
      %lt3A_3249 = arith.cmpi slt, %broadcast_in_dim3A_3246, %lt3A_3248 : vector<16xi32>
      %add3A_3250 = arith.constant 16 : i32
      %add3A_3251 = vector.broadcast %add3A_3250 : i32 to vector<16xi32>
      %add3A_3252 = arith.addi %broadcast_in_dim3A_3246, %add3A_3251 : vector<16xi32>
      %select_n3A_3253 = arith.select %lt3A_3249, %add3A_3252, %broadcast_in_dim3A_3246 : vector<16xi1>, vector<16xi32>
      %broadcast_in_dim3A_3254 = vector.shape_cast %select_n3A_3253 : vector<16xi32> to vector<16x1xi32>
      %gather3A_3255 = vector.shape_cast %broadcast_in_dim3A_3254 : vector<16x1xi32> to vector<16xi32>
      %gather3A_3256 = tpu.dynamic_gather %mul3A_3143[%gather3A_3255] in [0] : vector<16xf32>, vector<16xi32> -> vector<16xf32>
      %broadcast_in_dim3A_3257 = arith.constant 8 : i32
      %broadcast_in_dim3A_3258 = vector.broadcast %broadcast_in_dim3A_3257 : i32 to vector<16xi32>
      %lt3A_3259 = arith.constant 0 : i32
      %lt3A_3260 = vector.broadcast %lt3A_3259 : i32 to vector<16xi32>
      %lt3A_3261 = arith.cmpi slt, %broadcast_in_dim3A_3258, %lt3A_3260 : vector<16xi32>
      %add3A_3262 = arith.constant 16 : i32
      %add3A_3263 = vector.broadcast %add3A_3262 : i32 to vector<16xi32>
      %add3A_3264 = arith.addi %broadcast_in_dim3A_3258, %add3A_3263 : vector<16xi32>
      %select_n3A_3265 = arith.select %lt3A_3261, %add3A_3264, %broadcast_in_dim3A_3258 : vector<16xi1>, vector<16xi32>
      %broadcast_in_dim3A_3266 = vector.shape_cast %select_n3A_3265 : vector<16xi32> to vector<16x1xi32>
      %gather3A_3267 = vector.shape_cast %broadcast_in_dim3A_3266 : vector<16x1xi32> to vector<16xi32>
      %gather3A_3268 = tpu.dynamic_gather %mul3A_3143[%gather3A_3267] in [0] : vector<16xf32>, vector<16xi32> -> vector<16xf32>
      %broadcast_in_dim3A_3269 = arith.constant 4 : i32
      %broadcast_in_dim3A_3270 = vector.broadcast %broadcast_in_dim3A_3269 : i32 to vector<16xi32>
      %lt3A_3271 = arith.constant 0 : i32
      %lt3A_3272 = vector.broadcast %lt3A_3271 : i32 to vector<16xi32>
      %lt3A_3273 = arith.cmpi slt, %broadcast_in_dim3A_3270, %lt3A_3272 : vector<16xi32>
      %add3A_3274 = arith.constant 16 : i32
      %add3A_3275 = vector.broadcast %add3A_3274 : i32 to vector<16xi32>
      %add3A_3276 = arith.addi %broadcast_in_dim3A_3270, %add3A_3275 : vector<16xi32>
      %select_n3A_3277 = arith.select %lt3A_3273, %add3A_3276, %broadcast_in_dim3A_3270 : vector<16xi1>, vector<16xi32>
      %broadcast_in_dim3A_3278 = vector.shape_cast %select_n3A_3277 : vector<16xi32> to vector<16x1xi32>
      %gather3A_3279 = vector.shape_cast %broadcast_in_dim3A_3278 : vector<16x1xi32> to vector<16xi32>
      %gather3A_3280 = tpu.dynamic_gather %mul3A_3143[%gather3A_3279] in [0] : vector<16xf32>, vector<16xi32> -> vector<16xf32>
      %broadcast_in_dim3A_3281 = arith.constant 12 : i32
      %broadcast_in_dim3A_3282 = vector.broadcast %broadcast_in_dim3A_3281 : i32 to vector<16xi32>
      %lt3A_3283 = arith.constant 0 : i32
      %lt3A_3284 = vector.broadcast %lt3A_3283 : i32 to vector<16xi32>
      %lt3A_3285 = arith.cmpi slt, %broadcast_in_dim3A_3282, %lt3A_3284 : vector<16xi32>
      %add3A_3286 = arith.constant 16 : i32
      %add3A_3287 = vector.broadcast %add3A_3286 : i32 to vector<16xi32>
      %add3A_3288 = arith.addi %broadcast_in_dim3A_3282, %add3A_3287 : vector<16xi32>
      %select_n3A_3289 = arith.select %lt3A_3285, %add3A_3288, %broadcast_in_dim3A_3282 : vector<16xi1>, vector<16xi32>
      %broadcast_in_dim3A_3290 = vector.shape_cast %select_n3A_3289 : vector<16xi32> to vector<16x1xi32>
      %gather3A_3291 = vector.shape_cast %broadcast_in_dim3A_3290 : vector<16x1xi32> to vector<16xi32>
      %gather3A_3292 = tpu.dynamic_gather %mul3A_3143[%gather3A_3291] in [0] : vector<16xf32>, vector<16xi32> -> vector<16xf32>
      %broadcast_in_dim3A_3293 = arith.constant 2 : i32
      %broadcast_in_dim3A_3294 = vector.broadcast %broadcast_in_dim3A_3293 : i32 to vector<16xi32>
      %lt3A_3295 = arith.constant 0 : i32
      %lt3A_3296 = vector.broadcast %lt3A_3295 : i32 to vector<16xi32>
      %lt3A_3297 = arith.cmpi slt, %broadcast_in_dim3A_3294, %lt3A_3296 : vector<16xi32>
      %add3A_3298 = arith.constant 16 : i32
      %add3A_3299 = vector.broadcast %add3A_3298 : i32 to vector<16xi32>
      %add3A_3300 = arith.addi %broadcast_in_dim3A_3294, %add3A_3299 : vector<16xi32>
      %select_n3A_3301 = arith.select %lt3A_3297, %add3A_3300, %broadcast_in_dim3A_3294 : vector<16xi1>, vector<16xi32>
      %broadcast_in_dim3A_3302 = vector.shape_cast %select_n3A_3301 : vector<16xi32> to vector<16x1xi32>
      %gather3A_3303 = vector.shape_cast %broadcast_in_dim3A_3302 : vector<16x1xi32> to vector<16xi32>
      %gather3A_3304 = tpu.dynamic_gather %mul3A_3143[%gather3A_3303] in [0] : vector<16xf32>, vector<16xi32> -> vector<16xf32>
      %broadcast_in_dim3A_3305 = arith.constant 10 : i32
      %broadcast_in_dim3A_3306 = vector.broadcast %broadcast_in_dim3A_3305 : i32 to vector<16xi32>
      %lt3A_3307 = arith.constant 0 : i32
      %lt3A_3308 = vector.broadcast %lt3A_3307 : i32 to vector<16xi32>
      %lt3A_3309 = arith.cmpi slt, %broadcast_in_dim3A_3306, %lt3A_3308 : vector<16xi32>
      %add3A_3310 = arith.constant 16 : i32
      %add3A_3311 = vector.broadcast %add3A_3310 : i32 to vector<16xi32>
      %add3A_3312 = arith.addi %broadcast_in_dim3A_3306, %add3A_3311 : vector<16xi32>
      %select_n3A_3313 = arith.select %lt3A_3309, %add3A_3312, %broadcast_in_dim3A_3306 : vector<16xi1>, vector<16xi32>
      %broadcast_in_dim3A_3314 = vector.shape_cast %select_n3A_3313 : vector<16xi32> to vector<16x1xi32>
      %gather3A_3315 = vector.shape_cast %broadcast_in_dim3A_3314 : vector<16x1xi32> to vector<16xi32>
      %gather3A_3316 = tpu.dynamic_gather %mul3A_3143[%gather3A_3315] in [0] : vector<16xf32>, vector<16xi32> -> vector<16xf32>
      %broadcast_in_dim3A_3317 = arith.constant 6 : i32
      %broadcast_in_dim3A_3318 = vector.broadcast %broadcast_in_dim3A_3317 : i32 to vector<16xi32>
      %lt3A_3319 = arith.constant 0 : i32
      %lt3A_3320 = vector.broadcast %lt3A_3319 : i32 to vector<16xi32>
      %lt3A_3321 = arith.cmpi slt, %broadcast_in_dim3A_3318, %lt3A_3320 : vector<16xi32>
      %add3A_3322 = arith.constant 16 : i32
      %add3A_3323 = vector.broadcast %add3A_3322 : i32 to vector<16xi32>
      %add3A_3324 = arith.addi %broadcast_in_dim3A_3318, %add3A_3323 : vector<16xi32>
      %select_n3A_3325 = arith.select %lt3A_3321, %add3A_3324, %broadcast_in_dim3A_3318 : vector<16xi1>, vector<16xi32>
      %broadcast_in_dim3A_3326 = vector.shape_cast %select_n3A_3325 : vector<16xi32> to vector<16x1xi32>
      %gather3A_3327 = vector.shape_cast %broadcast_in_dim3A_3326 : vector<16x1xi32> to vector<16xi32>
      %gather3A_3328 = tpu.dynamic_gather %mul3A_3143[%gather3A_3327] in [0] : vector<16xf32>, vector<16xi32> -> vector<16xf32>
      %broadcast_in_dim3A_3329 = arith.constant 14 : i32
      %broadcast_in_dim3A_3330 = vector.broadcast %broadcast_in_dim3A_3329 : i32 to vector<16xi32>
      %lt3A_3331 = arith.constant 0 : i32
      %lt3A_3332 = vector.broadcast %lt3A_3331 : i32 to vector<16xi32>
      %lt3A_3333 = arith.cmpi slt, %broadcast_in_dim3A_3330, %lt3A_3332 : vector<16xi32>
      %add3A_3334 = arith.constant 16 : i32
      %add3A_3335 = vector.broadcast %add3A_3334 : i32 to vector<16xi32>
      %add3A_3336 = arith.addi %broadcast_in_dim3A_3330, %add3A_3335 : vector<16xi32>
      %select_n3A_3337 = arith.select %lt3A_3333, %add3A_3336, %broadcast_in_dim3A_3330 : vector<16xi1>, vector<16xi32>
      %broadcast_in_dim3A_3338 = vector.shape_cast %select_n3A_3337 : vector<16xi32> to vector<16x1xi32>
      %gather3A_3339 = vector.shape_cast %broadcast_in_dim3A_3338 : vector<16x1xi32> to vector<16xi32>
      %gather3A_3340 = tpu.dynamic_gather %mul3A_3143[%gather3A_3339] in [0] : vector<16xf32>, vector<16xi32> -> vector<16xf32>
      %parallel_loop3A_3341 = arith.constant 0 : i32
      %parallel_loop3A_3342 = arith.constant 48 : i32
      %parallel_loop3A_3343 = arith.constant 1 : i32
      scf.for %parallel_loop3A_3552 = %parallel_loop3A_3341 to %parallel_loop3A_3342 step %parallel_loop3A_3343  : i32 {
        %parallel_loop3A_3553 = arith.constant 16 : i32
        %parallel_loop3A_3554 = arith.muli %parallel_loop3A_3552, %parallel_loop3A_3553 : i32
        %parallel_loop3A_3555 = arith.index_cast %parallel_loop3A_3554 : i32 to index
        %parallel_loop3A_3556 = tpu.vector_load %arg14[%parallel_loop3A_3555] {strides = array<i32>} : memref<768xf32, #tpu.memory_space<vmem>>, vector<16xf32>,
        %parallel_loop3A_3557 = vector.shape_cast %parallel_loop3A_3556 : vector<16xf32> to vector<16xf32>
        %parallel_loop3A_3558 = arith.index_cast %parallel_loop3A_3554 : i32 to index
        %parallel_loop3A_3559 = tpu.vector_load %arg15[%parallel_loop3A_3558] {strides = array<i32>} : memref<768xf32, #tpu.memory_space<vmem>>, vector<16xf32>,
        %parallel_loop3A_3560 = vector.shape_cast %parallel_loop3A_3559 : vector<16xf32> to vector<16xf32>
        %parallel_loop3A_3561 = arith.constant 0 : i32
        %parallel_loop3A_3562 = arith.index_cast %parallel_loop3A_3561 : i32 to index
        %parallel_loop3A_3563 = arith.index_cast %parallel_loop3A_3554 : i32 to index
        %parallel_loop3A_3564 = tpu.vector_load %arg10[%parallel_loop3A_3562, %parallel_loop3A_3563] {strides = array<i32>} : memref<16x768xf32, #tpu.memory_space<vmem>>, vector<1x16xf32>,
        %parallel_loop3A_3565 = vector.shape_cast %parallel_loop3A_3564 : vector<1x16xf32> to vector<16xf32>
        %parallel_loop3A_3566 = arith.mulf %parallel_loop3A_3565, %gather3A_3160 : vector<16xf32>
        %parallel_loop3A_3567 = arith.subf %parallel_loop3A_3566, %gather3A_3256 : vector<16xf32>
        %parallel_loop3A_3568 = arith.mulf %parallel_loop3A_3567, %parallel_loop3A_3557 : vector<16xf32>
        %parallel_loop3A_3569 = arith.addf %parallel_loop3A_3568, %parallel_loop3A_3560 : vector<16xf32>
        %parallel_loop3A_3570 = arith.constant 0 : i32
        %parallel_loop3A_3571 = arith.index_cast %parallel_loop3A_3570 : i32 to index
        %parallel_loop3A_3572 = arith.index_cast %parallel_loop3A_3554 : i32 to index
        %parallel_loop3A_3573 = tpu.vector_load %arg12[%parallel_loop3A_3571, %parallel_loop3A_3572] {strides = array<i32>} : memref<16x768xf32, #tpu.memory_space<vmem>>, vector<1x16xf32>,
        %parallel_loop3A_3574 = vector.shape_cast %parallel_loop3A_3573 : vector<1x16xf32> to vector<16xf32>
        %parallel_loop3A_3575 = vector.shape_cast %parallel_loop3A_3569 : vector<16xf32> to vector<1x16xf32>
        tpu.vector_store %arg12[%parallel_loop3A_3571, %parallel_loop3A_3572], %parallel_loop3A_3575 {strides = array<i32>} : memref<16x768xf32, #tpu.memory_space<vmem>>, vector<1x16xf32>,
        %parallel_loop3A_3576 = arith.constant 1 : i32
        %parallel_loop3A_3577 = arith.index_cast %parallel_loop3A_3576 : i32 to index
        %parallel_loop3A_3578 = arith.index_cast %parallel_loop3A_3554 : i32 to index
        %parallel_loop3A_3579 = tpu.vector_load %arg10[%parallel_loop3A_3577, %parallel_loop3A_3578] {strides = array<i32>} : memref<16x768xf32, #tpu.memory_space<vmem>>, vector<1x16xf32>,
        %parallel_loop3A_3580 = vector.shape_cast %parallel_loop3A_3579 : vector<1x16xf32> to vector<16xf32>
        %parallel_loop3A_3581 = arith.mulf %parallel_loop3A_3580, %gather3A_3172 : vector<16xf32>
        %parallel_loop3A_3582 = arith.subf %parallel_loop3A_3581, %gather3A_3268 : vector<16xf32>
        %parallel_loop3A_3583 = arith.mulf %parallel_loop3A_3582, %parallel_loop3A_3557 : vector<16xf32>
        %parallel_loop3A_3584 = arith.addf %parallel_loop3A_3583, %parallel_loop3A_3560 : vector<16xf32>
        %parallel_loop3A_3585 = arith.constant 1 : i32
        %parallel_loop3A_3586 = arith.index_cast %parallel_loop3A_3585 : i32 to index
        %parallel_loop3A_3587 = arith.index_cast %parallel_loop3A_3554 : i32 to index
        %parallel_loop3A_3588 = tpu.vector_load %arg12[%parallel_loop3A_3586, %parallel_loop3A_3587] {strides = array<i32>} : memref<16x768xf32, #tpu.memory_space<vmem>>, vector<1x16xf32>,
        %parallel_loop3A_3589 = vector.shape_cast %parallel_loop3A_3588 : vector<1x16xf32> to vector<16xf32>
        %parallel_loop3A_3590 = vector.shape_cast %parallel_loop3A_3584 : vector<16xf32> to vector<1x16xf32>
        tpu.vector_store %arg12[%parallel_loop3A_3586, %parallel_loop3A_3587], %parallel_loop3A_3590 {strides = array<i32>} : memref<16x768xf32, #tpu.memory_space<vmem>>, vector<1x16xf32>,
        %parallel_loop3A_3591 = arith.constant 2 : i32
        %parallel_loop3A_3592 = arith.index_cast %parallel_loop3A_3591 : i32 to index
        %parallel_loop3A_3593 = arith.index_cast %parallel_loop3A_3554 : i32 to index
        %parallel_loop3A_3594 = tpu.vector_load %arg10[%parallel_loop3A_3592, %parallel_loop3A_3593] {strides = array<i32>} : memref<16x768xf32, #tpu.memory_space<vmem>>, vector<1x16xf32>,
        %parallel_loop3A_3595 = vector.shape_cast %parallel_loop3A_3594 : vector<1x16xf32> to vector<16xf32>
        %parallel_loop3A_3596 = arith.mulf %parallel_loop3A_3595, %gather3A_3184 : vector<16xf32>
        %parallel_loop3A_3597 = arith.subf %parallel_loop3A_3596, %gather3A_3280 : vector<16xf32>
        %parallel_loop3A_3598 = arith.mulf %parallel_loop3A_3597, %parallel_loop3A_3557 : vector<16xf32>
        %parallel_loop3A_3599 = arith.addf %parallel_loop3A_3598, %parallel_loop3A_3560 : vector<16xf32>
        %parallel_loop3A_3600 = arith.constant 2 : i32
        %parallel_loop3A_3601 = arith.index_cast %parallel_loop3A_3600 : i32 to index
        %parallel_loop3A_3602 = arith.index_cast %parallel_loop3A_3554 : i32 to index
        %parallel_loop3A_3603 = tpu.vector_load %arg12[%parallel_loop3A_3601, %parallel_loop3A_3602] {strides = array<i32>} : memref<16x768xf32, #tpu.memory_space<vmem>>, vector<1x16xf32>,
        %parallel_loop3A_3604 = vector.shape_cast %parallel_loop3A_3603 : vector<1x16xf32> to vector<16xf32>
        %parallel_loop3A_3605 = vector.shape_cast %parallel_loop3A_3599 : vector<16xf32> to vector<1x16xf32>
        tpu.vector_store %arg12[%parallel_loop3A_3601, %parallel_loop3A_3602], %parallel_loop3A_3605 {strides = array<i32>} : memref<16x768xf32, #tpu.memory_space<vmem>>, vector<1x16xf32>,
        %parallel_loop3A_3606 = arith.constant 3 : i32
        %parallel_loop3A_3607 = arith.index_cast %parallel_loop3A_3606 : i32 to index
        %parallel_loop3A_3608 = arith.index_cast %parallel_loop3A_3554 : i32 to index
        %parallel_loop3A_3609 = tpu.vector_load %arg10[%parallel_loop3A_3607, %parallel_loop3A_3608] {strides = array<i32>} : memref<16x768xf32, #tpu.memory_space<vmem>>, vector<1x16xf32>,
        %parallel_loop3A_3610 = vector.shape_cast %parallel_loop3A_3609 : vector<1x16xf32> to vector<16xf32>
        %parallel_loop3A_3611 = arith.mulf %parallel_loop3A_3610, %gather3A_3196 : vector<16xf32>
        %parallel_loop3A_3612 = arith.subf %parallel_loop3A_3611, %gather3A_3292 : vector<16xf32>
        %parallel_loop3A_3613 = arith.mulf %parallel_loop3A_3612, %parallel_loop3A_3557 : vector<16xf32>
        %parallel_loop3A_3614 = arith.addf %parallel_loop3A_3613, %parallel_loop3A_3560 : vector<16xf32>
        %parallel_loop3A_3615 = arith.constant 3 : i32
        %parallel_loop3A_3616 = arith.index_cast %parallel_loop3A_3615 : i32 to index
        %parallel_loop3A_3617 = arith.index_cast %parallel_loop3A_3554 : i32 to index
        %parallel_loop3A_3618 = tpu.vector_load %arg12[%parallel_loop3A_3616, %parallel_loop3A_3617] {strides = array<i32>} : memref<16x768xf32, #tpu.memory_space<vmem>>, vector<1x16xf32>,
        %parallel_loop3A_3619 = vector.shape_cast %parallel_loop3A_3618 : vector<1x16xf32> to vector<16xf32>
        %parallel_loop3A_3620 = vector.shape_cast %parallel_loop3A_3614 : vector<16xf32> to vector<1x16xf32>
        tpu.vector_store %arg12[%parallel_loop3A_3616, %parallel_loop3A_3617], %parallel_loop3A_3620 {strides = array<i32>} : memref<16x768xf32, #tpu.memory_space<vmem>>, vector<1x16xf32>,
        %parallel_loop3A_3621 = arith.constant 4 : i32
        %parallel_loop3A_3622 = arith.index_cast %parallel_loop3A_3621 : i32 to index
        %parallel_loop3A_3623 = arith.index_cast %parallel_loop3A_3554 : i32 to index
        %parallel_loop3A_3624 = tpu.vector_load %arg10[%parallel_loop3A_3622, %parallel_loop3A_3623] {strides = array<i32>} : memref<16x768xf32, #tpu.memory_space<vmem>>, vector<1x16xf32>,
        %parallel_loop3A_3625 = vector.shape_cast %parallel_loop3A_3624 : vector<1x16xf32> to vector<16xf32>
        %parallel_loop3A_3626 = arith.mulf %parallel_loop3A_3625, %gather3A_3208 : vector<16xf32>
        %parallel_loop3A_3627 = arith.subf %parallel_loop3A_3626, %gather3A_3304 : vector<16xf32>
        %parallel_loop3A_3628 = arith.mulf %parallel_loop3A_3627, %parallel_loop3A_3557 : vector<16xf32>
        %parallel_loop3A_3629 = arith.addf %parallel_loop3A_3628, %parallel_loop3A_3560 : vector<16xf32>
        %parallel_loop3A_3630 = arith.constant 4 : i32
        %parallel_loop3A_3631 = arith.index_cast %parallel_loop3A_3630 : i32 to index
        %parallel_loop3A_3632 = arith.index_cast %parallel_loop3A_3554 : i32 to index
        %parallel_loop3A_3633 = tpu.vector_load %arg12[%parallel_loop3A_3631, %parallel_loop3A_3632] {strides = array<i32>} : memref<16x768xf32, #tpu.memory_space<vmem>>, vector<1x16xf32>,
        %parallel_loop3A_3634 = vector.shape_cast %parallel_loop3A_3633 : vector<1x16xf32> to vector<16xf32>
        %parallel_loop3A_3635 = vector.shape_cast %parallel_loop3A_3629 : vector<16xf32> to vector<1x16xf32>
        tpu.vector_store %arg12[%parallel_loop3A_3631, %parallel_loop3A_3632], %parallel_loop3A_3635 {strides = array<i32>} : memref<16x768xf32, #tpu.memory_space<vmem>>, vector<1x16xf32>,
        %parallel_loop3A_3636 = arith.constant 5 : i32
        %parallel_loop3A_3637 = arith.index_cast %parallel_loop3A_3636 : i32 to index
        %parallel_loop3A_3638 = arith.index_cast %parallel_loop3A_3554 : i32 to index
        %parallel_loop3A_3639 = tpu.vector_load %arg10[%parallel_loop3A_3637, %parallel_loop3A_3638] {strides = array<i32>} : memref<16x768xf32, #tpu.memory_space<vmem>>, vector<1x16xf32>,
        %parallel_loop3A_3640 = vector.shape_cast %parallel_loop3A_3639 : vector<1x16xf32> to vector<16xf32>
        %parallel_loop3A_3641 = arith.mulf %parallel_loop3A_3640, %gather3A_3220 : vector<16xf32>
        %parallel_loop3A_3642 = arith.subf %parallel_loop3A_3641, %gather3A_3316 : vector<16xf32>
        %parallel_loop3A_3643 = arith.mulf %parallel_loop3A_3642, %parallel_loop3A_3557 : vector<16xf32>
        %parallel_loop3A_3644 = arith.addf %parallel_loop3A_3643, %parallel_loop3A_3560 : vector<16xf32>
        %parallel_loop3A_3645 = arith.constant 5 : i32
        %parallel_loop3A_3646 = arith.index_cast %parallel_loop3A_3645 : i32 to index
        %parallel_loop3A_3647 = arith.index_cast %parallel_loop3A_3554 : i32 to index
        %parallel_loop3A_3648 = tpu.vector_load %arg12[%parallel_loop3A_3646, %parallel_loop3A_3647] {strides = array<i32>} : memref<16x768xf32, #tpu.memory_space<vmem>>, vector<1x16xf32>,
        %parallel_loop3A_3649 = vector.shape_cast %parallel_loop3A_3648 : vector<1x16xf32> to vector<16xf32>
        %parallel_loop3A_3650 = vector.shape_cast %parallel_loop3A_3644 : vector<16xf32> to vector<1x16xf32>
        tpu.vector_store %arg12[%parallel_loop3A_3646, %parallel_loop3A_3647], %parallel_loop3A_3650 {strides = array<i32>} : memref<16x768xf32, #tpu.memory_space<vmem>>, vector<1x16xf32>,
        %parallel_loop3A_3651 = arith.constant 6 : i32
        %parallel_loop3A_3652 = arith.index_cast %parallel_loop3A_3651 : i32 to index
        %parallel_loop3A_3653 = arith.index_cast %parallel_loop3A_3554 : i32 to index
        %parallel_loop3A_3654 = tpu.vector_load %arg10[%parallel_loop3A_3652, %parallel_loop3A_3653] {strides = array<i32>} : memref<16x768xf32, #tpu.memory_space<vmem>>, vector<1x16xf32>,
        %parallel_loop3A_3655 = vector.shape_cast %parallel_loop3A_3654 : vector<1x16xf32> to vector<16xf32>
        %parallel_loop3A_3656 = arith.mulf %parallel_loop3A_3655, %gather3A_3232 : vector<16xf32>
        %parallel_loop3A_3657 = arith.subf %parallel_loop3A_3656, %gather3A_3328 : vector<16xf32>
        %parallel_loop3A_3658 = arith.mulf %parallel_loop3A_3657, %parallel_loop3A_3557 : vector<16xf32>
        %parallel_loop3A_3659 = arith.addf %parallel_loop3A_3658, %parallel_loop3A_3560 : vector<16xf32>
        %parallel_loop3A_3660 = arith.constant 6 : i32
        %parallel_loop3A_3661 = arith.index_cast %parallel_loop3A_3660 : i32 to index
        %parallel_loop3A_3662 = arith.index_cast %parallel_loop3A_3554 : i32 to index
        %parallel_loop3A_3663 = tpu.vector_load %arg12[%parallel_loop3A_3661, %parallel_loop3A_3662] {strides = array<i32>} : memref<16x768xf32, #tpu.memory_space<vmem>>, vector<1x16xf32>,
        %parallel_loop3A_3664 = vector.shape_cast %parallel_loop3A_3663 : vector<1x16xf32> to vector<16xf32>
        %parallel_loop3A_3665 = vector.shape_cast %parallel_loop3A_3659 : vector<16xf32> to vector<1x16xf32>
        tpu.vector_store %arg12[%parallel_loop3A_3661, %parallel_loop3A_3662], %parallel_loop3A_3665 {strides = array<i32>} : memref<16x768xf32, #tpu.memory_space<vmem>>, vector<1x16xf32>,
        %parallel_loop3A_3666 = arith.constant 7 : i32
        %parallel_loop3A_3667 = arith.index_cast %parallel_loop3A_3666 : i32 to index
        %parallel_loop3A_3668 = arith.index_cast %parallel_loop3A_3554 : i32 to index
        %parallel_loop3A_3669 = tpu.vector_load %arg10[%parallel_loop3A_3667, %parallel_loop3A_3668] {strides = array<i32>} : memref<16x768xf32, #tpu.memory_space<vmem>>, vector<1x16xf32>,
        %parallel_loop3A_3670 = vector.shape_cast %parallel_loop3A_3669 : vector<1x16xf32> to vector<16xf32>
        %parallel_loop3A_3671 = arith.mulf %parallel_loop3A_3670, %gather3A_3244 : vector<16xf32>
        %parallel_loop3A_3672 = arith.subf %parallel_loop3A_3671, %gather3A_3340 : vector<16xf32>
        %parallel_loop3A_3673 = arith.mulf %parallel_loop3A_3672, %parallel_loop3A_3557 : vector<16xf32>
        %parallel_loop3A_3674 = arith.addf %parallel_loop3A_3673, %parallel_loop3A_3560 : vector<16xf32>
        %parallel_loop3A_3675 = arith.constant 7 : i32
        %parallel_loop3A_3676 = arith.index_cast %parallel_loop3A_3675 : i32 to index
        %parallel_loop3A_3677 = arith.index_cast %parallel_loop3A_3554 : i32 to index
        %parallel_loop3A_3678 = tpu.vector_load %arg12[%parallel_loop3A_3676, %parallel_loop3A_3677] {strides = array<i32>} : memref<16x768xf32, #tpu.memory_space<vmem>>, vector<1x16xf32>,
        %parallel_loop3A_3679 = vector.shape_cast %parallel_loop3A_3678 : vector<1x16xf32> to vector<16xf32>
        %parallel_loop3A_3680 = vector.shape_cast %parallel_loop3A_3674 : vector<16xf32> to vector<1x16xf32>
        tpu.vector_store %arg12[%parallel_loop3A_3676, %parallel_loop3A_3677], %parallel_loop3A_3680 {strides = array<i32>} : memref<16x768xf32, #tpu.memory_space<vmem>>, vector<1x16xf32>,
      } {sc.loop_unroll_factor = 1 : i64, sc.parallel_access}
      %broadcast_in_dim3A_3344 = arith.constant 1 : i32
      %broadcast_in_dim3A_3345 = vector.broadcast %broadcast_in_dim3A_3344 : i32 to vector<16xi32>
      %lt3A_3346 = arith.constant 0 : i32
      %lt3A_3347 = vector.broadcast %lt3A_3346 : i32 to vector<16xi32>
      %lt3A_3348 = arith.cmpi slt, %broadcast_in_dim3A_3345, %lt3A_3347 : vector<16xi32>
      %add3A_3349 = arith.constant 16 : i32
      %add3A_3350 = vector.broadcast %add3A_3349 : i32 to vector<16xi32>
      %add3A_3351 = arith.addi %broadcast_in_dim3A_3345, %add3A_3350 : vector<16xi32>
      %select_n3A_3352 = arith.select %lt3A_3348, %add3A_3351, %broadcast_in_dim3A_3345 : vector<16xi1>, vector<16xi32>
      %broadcast_in_dim3A_3353 = vector.shape_cast %select_n3A_3352 : vector<16xi32> to vector<16x1xi32>
      %gather3A_3354 = vector.shape_cast %broadcast_in_dim3A_3353 : vector<16x1xi32> to vector<16xi32>
      %gather3A_3355 = tpu.dynamic_gather %mul3A_3142[%gather3A_3354] in [0] : vector<16xf32>, vector<16xi32> -> vector<16xf32>
      %broadcast_in_dim3A_3356 = arith.constant 9 : i32
      %broadcast_in_dim3A_3357 = vector.broadcast %broadcast_in_dim3A_3356 : i32 to vector<16xi32>
      %lt3A_3358 = arith.constant 0 : i32
      %lt3A_3359 = vector.broadcast %lt3A_3358 : i32 to vector<16xi32>
      %lt3A_3360 = arith.cmpi slt, %broadcast_in_dim3A_3357, %lt3A_3359 : vector<16xi32>
      %add3A_3361 = arith.constant 16 : i32
      %add3A_3362 = vector.broadcast %add3A_3361 : i32 to vector<16xi32>
      %add3A_3363 = arith.addi %broadcast_in_dim3A_3357, %add3A_3362 : vector<16xi32>
      %select_n3A_3364 = arith.select %lt3A_3360, %add3A_3363, %broadcast_in_dim3A_3357 : vector<16xi1>, vector<16xi32>
      %broadcast_in_dim3A_3365 = vector.shape_cast %select_n3A_3364 : vector<16xi32> to vector<16x1xi32>
      %gather3A_3366 = vector.shape_cast %broadcast_in_dim3A_3365 : vector<16x1xi32> to vector<16xi32>
      %gather3A_3367 = tpu.dynamic_gather %mul3A_3142[%gather3A_3366] in [0] : vector<16xf32>, vector<16xi32> -> vector<16xf32>
      %broadcast_in_dim3A_3368 = arith.constant 5 : i32
      %broadcast_in_dim3A_3369 = vector.broadcast %broadcast_in_dim3A_3368 : i32 to vector<16xi32>
      %lt3A_3370 = arith.constant 0 : i32
      %lt3A_3371 = vector.broadcast %lt3A_3370 : i32 to vector<16xi32>
      %lt3A_3372 = arith.cmpi slt, %broadcast_in_dim3A_3369, %lt3A_3371 : vector<16xi32>
      %add3A_3373 = arith.constant 16 : i32
      %add3A_3374 = vector.broadcast %add3A_3373 : i32 to vector<16xi32>
      %add3A_3375 = arith.addi %broadcast_in_dim3A_3369, %add3A_3374 : vector<16xi32>
      %select_n3A_3376 = arith.select %lt3A_3372, %add3A_3375, %broadcast_in_dim3A_3369 : vector<16xi1>, vector<16xi32>
      %broadcast_in_dim3A_3377 = vector.shape_cast %select_n3A_3376 : vector<16xi32> to vector<16x1xi32>
      %gather3A_3378 = vector.shape_cast %broadcast_in_dim3A_3377 : vector<16x1xi32> to vector<16xi32>
      %gather3A_3379 = tpu.dynamic_gather %mul3A_3142[%gather3A_3378] in [0] : vector<16xf32>, vector<16xi32> -> vector<16xf32>
      %broadcast_in_dim3A_3380 = arith.constant 13 : i32
      %broadcast_in_dim3A_3381 = vector.broadcast %broadcast_in_dim3A_3380 : i32 to vector<16xi32>
      %lt3A_3382 = arith.constant 0 : i32
      %lt3A_3383 = vector.broadcast %lt3A_3382 : i32 to vector<16xi32>
      %lt3A_3384 = arith.cmpi slt, %broadcast_in_dim3A_3381, %lt3A_3383 : vector<16xi32>
      %add3A_3385 = arith.constant 16 : i32
      %add3A_3386 = vector.broadcast %add3A_3385 : i32 to vector<16xi32>
      %add3A_3387 = arith.addi %broadcast_in_dim3A_3381, %add3A_3386 : vector<16xi32>
      %select_n3A_3388 = arith.select %lt3A_3384, %add3A_3387, %broadcast_in_dim3A_3381 : vector<16xi1>, vector<16xi32>
      %broadcast_in_dim3A_3389 = vector.shape_cast %select_n3A_3388 : vector<16xi32> to vector<16x1xi32>
      %gather3A_3390 = vector.shape_cast %broadcast_in_dim3A_3389 : vector<16x1xi32> to vector<16xi32>
      %gather3A_3391 = tpu.dynamic_gather %mul3A_3142[%gather3A_3390] in [0] : vector<16xf32>, vector<16xi32> -> vector<16xf32>
      %broadcast_in_dim3A_3392 = arith.constant 3 : i32
      %broadcast_in_dim3A_3393 = vector.broadcast %broadcast_in_dim3A_3392 : i32 to vector<16xi32>
      %lt3A_3394 = arith.constant 0 : i32
      %lt3A_3395 = vector.broadcast %lt3A_3394 : i32 to vector<16xi32>
      %lt3A_3396 = arith.cmpi slt, %broadcast_in_dim3A_3393, %lt3A_3395 : vector<16xi32>
      %add3A_3397 = arith.constant 16 : i32
      %add3A_3398 = vector.broadcast %add3A_3397 : i32 to vector<16xi32>
      %add3A_3399 = arith.addi %broadcast_in_dim3A_3393, %add3A_3398 : vector<16xi32>
      %select_n3A_3400 = arith.select %lt3A_3396, %add3A_3399, %broadcast_in_dim3A_3393 : vector<16xi1>, vector<16xi32>
      %broadcast_in_dim3A_3401 = vector.shape_cast %select_n3A_3400 : vector<16xi32> to vector<16x1xi32>
      %gather3A_3402 = vector.shape_cast %broadcast_in_dim3A_3401 : vector<16x1xi32> to vector<16xi32>
      %gather3A_3403 = tpu.dynamic_gather %mul3A_3142[%gather3A_3402] in [0] : vector<16xf32>, vector<16xi32> -> vector<16xf32>
      %broadcast_in_dim3A_3404 = arith.constant 11 : i32
      %broadcast_in_dim3A_3405 = vector.broadcast %broadcast_in_dim3A_3404 : i32 to vector<16xi32>
      %lt3A_3406 = arith.constant 0 : i32
      %lt3A_3407 = vector.broadcast %lt3A_3406 : i32 to vector<16xi32>
      %lt3A_3408 = arith.cmpi slt, %broadcast_in_dim3A_3405, %lt3A_3407 : vector<16xi32>
      %add3A_3409 = arith.constant 16 : i32
      %add3A_3410 = vector.broadcast %add3A_3409 : i32 to vector<16xi32>
      %add3A_3411 = arith.addi %broadcast_in_dim3A_3405, %add3A_3410 : vector<16xi32>
      %select_n3A_3412 = arith.select %lt3A_3408, %add3A_3411, %broadcast_in_dim3A_3405 : vector<16xi1>, vector<16xi32>
      %broadcast_in_dim3A_3413 = vector.shape_cast %select_n3A_3412 : vector<16xi32> to vector<16x1xi32>
      %gather3A_3414 = vector.shape_cast %broadcast_in_dim3A_3413 : vector<16x1xi32> to vector<16xi32>
      %gather3A_3415 = tpu.dynamic_gather %mul3A_3142[%gather3A_3414] in [0] : vector<16xf32>, vector<16xi32> -> vector<16xf32>
      %broadcast_in_dim3A_3416 = arith.constant 7 : i32
      %broadcast_in_dim3A_3417 = vector.broadcast %broadcast_in_dim3A_3416 : i32 to vector<16xi32>
      %lt3A_3418 = arith.constant 0 : i32
      %lt3A_3419 = vector.broadcast %lt3A_3418 : i32 to vector<16xi32>
      %lt3A_3420 = arith.cmpi slt, %broadcast_in_dim3A_3417, %lt3A_3419 : vector<16xi32>
      %add3A_3421 = arith.constant 16 : i32
      %add3A_3422 = vector.broadcast %add3A_3421 : i32 to vector<16xi32>
      %add3A_3423 = arith.addi %broadcast_in_dim3A_3417, %add3A_3422 : vector<16xi32>
      %select_n3A_3424 = arith.select %lt3A_3420, %add3A_3423, %broadcast_in_dim3A_3417 : vector<16xi1>, vector<16xi32>
      %broadcast_in_dim3A_3425 = vector.shape_cast %select_n3A_3424 : vector<16xi32> to vector<16x1xi32>
      %gather3A_3426 = vector.shape_cast %broadcast_in_dim3A_3425 : vector<16x1xi32> to vector<16xi32>
      %gather3A_3427 = tpu.dynamic_gather %mul3A_3142[%gather3A_3426] in [0] : vector<16xf32>, vector<16xi32> -> vector<16xf32>
      %broadcast_in_dim3A_3428 = arith.constant 15 : i32
      %broadcast_in_dim3A_3429 = vector.broadcast %broadcast_in_dim3A_3428 : i32 to vector<16xi32>
      %lt3A_3430 = arith.constant 0 : i32
      %lt3A_3431 = vector.broadcast %lt3A_3430 : i32 to vector<16xi32>
      %lt3A_3432 = arith.cmpi slt, %broadcast_in_dim3A_3429, %lt3A_3431 : vector<16xi32>
      %add3A_3433 = arith.constant 16 : i32
      %add3A_3434 = vector.broadcast %add3A_3433 : i32 to vector<16xi32>
      %add3A_3435 = arith.addi %broadcast_in_dim3A_3429, %add3A_3434 : vector<16xi32>
      %select_n3A_3436 = arith.select %lt3A_3432, %add3A_3435, %broadcast_in_dim3A_3429 : vector<16xi1>, vector<16xi32>
      %broadcast_in_dim3A_3437 = vector.shape_cast %select_n3A_3436 : vector<16xi32> to vector<16x1xi32>
      %gather3A_3438 = vector.shape_cast %broadcast_in_dim3A_3437 : vector<16x1xi32> to vector<16xi32>
      %gather3A_3439 = tpu.dynamic_gather %mul3A_3142[%gather3A_3438] in [0] : vector<16xf32>, vector<16xi32> -> vector<16xf32>
      %broadcast_in_dim3A_3440 = arith.constant 1 : i32
      %broadcast_in_dim3A_3441 = vector.broadcast %broadcast_in_dim3A_3440 : i32 to vector<16xi32>
      %lt3A_3442 = arith.constant 0 : i32
      %lt3A_3443 = vector.broadcast %lt3A_3442 : i32 to vector<16xi32>
      %lt3A_3444 = arith.cmpi slt, %broadcast_in_dim3A_3441, %lt3A_3443 : vector<16xi32>
      %add3A_3445 = arith.constant 16 : i32
      %add3A_3446 = vector.broadcast %add3A_3445 : i32 to vector<16xi32>
      %add3A_3447 = arith.addi %broadcast_in_dim3A_3441, %add3A_3446 : vector<16xi32>
      %select_n3A_3448 = arith.select %lt3A_3444, %add3A_3447, %broadcast_in_dim3A_3441 : vector<16xi1>, vector<16xi32>
      %broadcast_in_dim3A_3449 = vector.shape_cast %select_n3A_3448 : vector<16xi32> to vector<16x1xi32>
      %gather3A_3450 = vector.shape_cast %broadcast_in_dim3A_3449 : vector<16x1xi32> to vector<16xi32>
      %gather3A_3451 = tpu.dynamic_gather %mul3A_3143[%gather3A_3450] in [0] : vector<16xf32>, vector<16xi32> -> vector<16xf32>
      %broadcast_in_dim3A_3452 = arith.constant 9 : i32
      %broadcast_in_dim3A_3453 = vector.broadcast %broadcast_in_dim3A_3452 : i32 to vector<16xi32>
      %lt3A_3454 = arith.constant 0 : i32
      %lt3A_3455 = vector.broadcast %lt3A_3454 : i32 to vector<16xi32>
      %lt3A_3456 = arith.cmpi slt, %broadcast_in_dim3A_3453, %lt3A_3455 : vector<16xi32>
      %add3A_3457 = arith.constant 16 : i32
      %add3A_3458 = vector.broadcast %add3A_3457 : i32 to vector<16xi32>
      %add3A_3459 = arith.addi %broadcast_in_dim3A_3453, %add3A_3458 : vector<16xi32>
      %select_n3A_3460 = arith.select %lt3A_3456, %add3A_3459, %broadcast_in_dim3A_3453 : vector<16xi1>, vector<16xi32>
      %broadcast_in_dim3A_3461 = vector.shape_cast %select_n3A_3460 : vector<16xi32> to vector<16x1xi32>
      %gather3A_3462 = vector.shape_cast %broadcast_in_dim3A_3461 : vector<16x1xi32> to vector<16xi32>
      %gather3A_3463 = tpu.dynamic_gather %mul3A_3143[%gather3A_3462] in [0] : vector<16xf32>, vector<16xi32> -> vector<16xf32>
      %broadcast_in_dim3A_3464 = arith.constant 5 : i32
      %broadcast_in_dim3A_3465 = vector.broadcast %broadcast_in_dim3A_3464 : i32 to vector<16xi32>
      %lt3A_3466 = arith.constant 0 : i32
      %lt3A_3467 = vector.broadcast %lt3A_3466 : i32 to vector<16xi32>
      %lt3A_3468 = arith.cmpi slt, %broadcast_in_dim3A_3465, %lt3A_3467 : vector<16xi32>
      %add3A_3469 = arith.constant 16 : i32
      %add3A_3470 = vector.broadcast %add3A_3469 : i32 to vector<16xi32>
      %add3A_3471 = arith.addi %broadcast_in_dim3A_3465, %add3A_3470 : vector<16xi32>
      %select_n3A_3472 = arith.select %lt3A_3468, %add3A_3471, %broadcast_in_dim3A_3465 : vector<16xi1>, vector<16xi32>
      %broadcast_in_dim3A_3473 = vector.shape_cast %select_n3A_3472 : vector<16xi32> to vector<16x1xi32>
      %gather3A_3474 = vector.shape_cast %broadcast_in_dim3A_3473 : vector<16x1xi32> to vector<16xi32>
      %gather3A_3475 = tpu.dynamic_gather %mul3A_3143[%gather3A_3474] in [0] : vector<16xf32>, vector<16xi32> -> vector<16xf32>
      %broadcast_in_dim3A_3476 = arith.constant 13 : i32
      %broadcast_in_dim3A_3477 = vector.broadcast %broadcast_in_dim3A_3476 : i32 to vector<16xi32>
      %lt3A_3478 = arith.constant 0 : i32
      %lt3A_3479 = vector.broadcast %lt3A_3478 : i32 to vector<16xi32>
      %lt3A_3480 = arith.cmpi slt, %broadcast_in_dim3A_3477, %lt3A_3479 : vector<16xi32>
      %add3A_3481 = arith.constant 16 : i32
      %add3A_3482 = vector.broadcast %add3A_3481 : i32 to vector<16xi32>
      %add3A_3483 = arith.addi %broadcast_in_dim3A_3477, %add3A_3482 : vector<16xi32>
      %select_n3A_3484 = arith.select %lt3A_3480, %add3A_3483, %broadcast_in_dim3A_3477 : vector<16xi1>, vector<16xi32>
      %broadcast_in_dim3A_3485 = vector.shape_cast %select_n3A_3484 : vector<16xi32> to vector<16x1xi32>
      %gather3A_3486 = vector.shape_cast %broadcast_in_dim3A_3485 : vector<16x1xi32> to vector<16xi32>
      %gather3A_3487 = tpu.dynamic_gather %mul3A_3143[%gather3A_3486] in [0] : vector<16xf32>, vector<16xi32> -> vector<16xf32>
      %broadcast_in_dim3A_3488 = arith.constant 3 : i32
      %broadcast_in_dim3A_3489 = vector.broadcast %broadcast_in_dim3A_3488 : i32 to vector<16xi32>
      %lt3A_3490 = arith.constant 0 : i32
      %lt3A_3491 = vector.broadcast %lt3A_3490 : i32 to vector<16xi32>
      %lt3A_3492 = arith.cmpi slt, %broadcast_in_dim3A_3489, %lt3A_3491 : vector<16xi32>
      %add3A_3493 = arith.constant 16 : i32
      %add3A_3494 = vector.broadcast %add3A_3493 : i32 to vector<16xi32>
      %add3A_3495 = arith.addi %broadcast_in_dim3A_3489, %add3A_3494 : vector<16xi32>
      %select_n3A_3496 = arith.select %lt3A_3492, %add3A_3495, %broadcast_in_dim3A_3489 : vector<16xi1>, vector<16xi32>
      %broadcast_in_dim3A_3497 = vector.shape_cast %select_n3A_3496 : vector<16xi32> to vector<16x1xi32>
      %gather3A_3498 = vector.shape_cast %broadcast_in_dim3A_3497 : vector<16x1xi32> to vector<16xi32>
      %gather3A_3499 = tpu.dynamic_gather %mul3A_3143[%gather3A_3498] in [0] : vector<16xf32>, vector<16xi32> -> vector<16xf32>
      %broadcast_in_dim3A_3500 = arith.constant 11 : i32
      %broadcast_in_dim3A_3501 = vector.broadcast %broadcast_in_dim3A_3500 : i32 to vector<16xi32>
      %lt3A_3502 = arith.constant 0 : i32
      %lt3A_3503 = vector.broadcast %lt3A_3502 : i32 to vector<16xi32>
      %lt3A_3504 = arith.cmpi slt, %broadcast_in_dim3A_3501, %lt3A_3503 : vector<16xi32>
      %add3A_3505 = arith.constant 16 : i32
      %add3A_3506 = vector.broadcast %add3A_3505 : i32 to vector<16xi32>
      %add3A_3507 = arith.addi %broadcast_in_dim3A_3501, %add3A_3506 : vector<16xi32>
      %select_n3A_3508 = arith.select %lt3A_3504, %add3A_3507, %broadcast_in_dim3A_3501 : vector<16xi1>, vector<16xi32>
      %broadcast_in_dim3A_3509 = vector.shape_cast %select_n3A_3508 : vector<16xi32> to vector<16x1xi32>
      %gather3A_3510 = vector.shape_cast %broadcast_in_dim3A_3509 : vector<16x1xi32> to vector<16xi32>
      %gather3A_3511 = tpu.dynamic_gather %mul3A_3143[%gather3A_3510] in [0] : vector<16xf32>, vector<16xi32> -> vector<16xf32>
      %broadcast_in_dim3A_3512 = arith.constant 7 : i32
      %broadcast_in_dim3A_3513 = vector.broadcast %broadcast_in_dim3A_3512 : i32 to vector<16xi32>
      %lt3A_3514 = arith.constant 0 : i32
      %lt3A_3515 = vector.broadcast %lt3A_3514 : i32 to vector<16xi32>
      %lt3A_3516 = arith.cmpi slt, %broadcast_in_dim3A_3513, %lt3A_3515 : vector<16xi32>
      %add3A_3517 = arith.constant 16 : i32
      %add3A_3518 = vector.broadcast %add3A_3517 : i32 to vector<16xi32>
      %add3A_3519 = arith.addi %broadcast_in_dim3A_3513, %add3A_3518 : vector<16xi32>
      %select_n3A_3520 = arith.select %lt3A_3516, %add3A_3519, %broadcast_in_dim3A_3513 : vector<16xi1>, vector<16xi32>
      %broadcast_in_dim3A_3521 = vector.shape_cast %select_n3A_3520 : vector<16xi32> to vector<16x1xi32>
      %gather3A_3522 = vector.shape_cast %broadcast_in_dim3A_3521 : vector<16x1xi32> to vector<16xi32>
      %gather3A_3523 = tpu.dynamic_gather %mul3A_3143[%gather3A_3522] in [0] : vector<16xf32>, vector<16xi32> -> vector<16xf32>
      %broadcast_in_dim3A_3524 = arith.constant 15 : i32
      %broadcast_in_dim3A_3525 = vector.broadcast %broadcast_in_dim3A_3524 : i32 to vector<16xi32>
      %lt3A_3526 = arith.constant 0 : i32
      %lt3A_3527 = vector.broadcast %lt3A_3526 : i32 to vector<16xi32>
      %lt3A_3528 = arith.cmpi slt, %broadcast_in_dim3A_3525, %lt3A_3527 : vector<16xi32>
      %add3A_3529 = arith.constant 16 : i32
      %add3A_3530 = vector.broadcast %add3A_3529 : i32 to vector<16xi32>
      %add3A_3531 = arith.addi %broadcast_in_dim3A_3525, %add3A_3530 : vector<16xi32>
      %select_n3A_3532 = arith.select %lt3A_3528, %add3A_3531, %broadcast_in_dim3A_3525 : vector<16xi1>, vector<16xi32>
      %broadcast_in_dim3A_3533 = vector.shape_cast %select_n3A_3532 : vector<16xi32> to vector<16x1xi32>
      %gather3A_3534 = vector.shape_cast %broadcast_in_dim3A_3533 : vector<16x1xi32> to vector<16xi32>
      %gather3A_3535 = tpu.dynamic_gather %mul3A_3143[%gather3A_3534] in [0] : vector<16xf32>, vector<16xi32> -> vector<16xf32>
      %parallel_loop3A_3536 = arith.constant 0 : i32
      %parallel_loop3A_3537 = arith.constant 48 : i32
      %parallel_loop3A_3538 = arith.constant 1 : i32
      scf.for %parallel_loop3A_3552 = %parallel_loop3A_3536 to %parallel_loop3A_3537 step %parallel_loop3A_3538  : i32 {
        %parallel_loop3A_3553 = arith.constant 16 : i32
        %parallel_loop3A_3554 = arith.muli %parallel_loop3A_3552, %parallel_loop3A_3553 : i32
        %parallel_loop3A_3555 = arith.index_cast %parallel_loop3A_3554 : i32 to index
        %parallel_loop3A_3556 = tpu.vector_load %arg14[%parallel_loop3A_3555] {strides = array<i32>} : memref<768xf32, #tpu.memory_space<vmem>>, vector<16xf32>,
        %parallel_loop3A_3557 = vector.shape_cast %parallel_loop3A_3556 : vector<16xf32> to vector<16xf32>
        %parallel_loop3A_3558 = arith.index_cast %parallel_loop3A_3554 : i32 to index
        %parallel_loop3A_3559 = tpu.vector_load %arg15[%parallel_loop3A_3558] {strides = array<i32>} : memref<768xf32, #tpu.memory_space<vmem>>, vector<16xf32>,
        %parallel_loop3A_3560 = vector.shape_cast %parallel_loop3A_3559 : vector<16xf32> to vector<16xf32>
        %parallel_loop3A_3561 = arith.constant 8 : i32
        %parallel_loop3A_3562 = arith.index_cast %parallel_loop3A_3561 : i32 to index
        %parallel_loop3A_3563 = arith.index_cast %parallel_loop3A_3554 : i32 to index
        %parallel_loop3A_3564 = tpu.vector_load %arg10[%parallel_loop3A_3562, %parallel_loop3A_3563] {strides = array<i32>} : memref<16x768xf32, #tpu.memory_space<vmem>>, vector<1x16xf32>,
        %parallel_loop3A_3565 = vector.shape_cast %parallel_loop3A_3564 : vector<1x16xf32> to vector<16xf32>
        %parallel_loop3A_3566 = arith.mulf %parallel_loop3A_3565, %gather3A_3355 : vector<16xf32>
        %parallel_loop3A_3567 = arith.subf %parallel_loop3A_3566, %gather3A_3451 : vector<16xf32>
        %parallel_loop3A_3568 = arith.mulf %parallel_loop3A_3567, %parallel_loop3A_3557 : vector<16xf32>
        %parallel_loop3A_3569 = arith.addf %parallel_loop3A_3568, %parallel_loop3A_3560 : vector<16xf32>
        %parallel_loop3A_3570 = arith.constant 8 : i32
        %parallel_loop3A_3571 = arith.index_cast %parallel_loop3A_3570 : i32 to index
        %parallel_loop3A_3572 = arith.index_cast %parallel_loop3A_3554 : i32 to index
        %parallel_loop3A_3573 = tpu.vector_load %arg12[%parallel_loop3A_3571, %parallel_loop3A_3572] {strides = array<i32>} : memref<16x768xf32, #tpu.memory_space<vmem>>, vector<1x16xf32>,
        %parallel_loop3A_3574 = vector.shape_cast %parallel_loop3A_3573 : vector<1x16xf32> to vector<16xf32>
        %parallel_loop3A_3575 = vector.shape_cast %parallel_loop3A_3569 : vector<16xf32> to vector<1x16xf32>
        tpu.vector_store %arg12[%parallel_loop3A_3571, %parallel_loop3A_3572], %parallel_loop3A_3575 {strides = array<i32>} : memref<16x768xf32, #tpu.memory_space<vmem>>, vector<1x16xf32>,
        %parallel_loop3A_3576 = arith.constant 9 : i32
        %parallel_loop3A_3577 = arith.index_cast %parallel_loop3A_3576 : i32 to index
        %parallel_loop3A_3578 = arith.index_cast %parallel_loop3A_3554 : i32 to index
        %parallel_loop3A_3579 = tpu.vector_load %arg10[%parallel_loop3A_3577, %parallel_loop3A_3578] {strides = array<i32>} : memref<16x768xf32, #tpu.memory_space<vmem>>, vector<1x16xf32>,
        %parallel_loop3A_3580 = vector.shape_cast %parallel_loop3A_3579 : vector<1x16xf32> to vector<16xf32>
        %parallel_loop3A_3581 = arith.mulf %parallel_loop3A_3580, %gather3A_3367 : vector<16xf32>
        %parallel_loop3A_3582 = arith.subf %parallel_loop3A_3581, %gather3A_3463 : vector<16xf32>
        %parallel_loop3A_3583 = arith.mulf %parallel_loop3A_3582, %parallel_loop3A_3557 : vector<16xf32>
        %parallel_loop3A_3584 = arith.addf %parallel_loop3A_3583, %parallel_loop3A_3560 : vector<16xf32>
        %parallel_loop3A_3585 = arith.constant 9 : i32
        %parallel_loop3A_3586 = arith.index_cast %parallel_loop3A_3585 : i32 to index
        %parallel_loop3A_3587 = arith.index_cast %parallel_loop3A_3554 : i32 to index
        %parallel_loop3A_3588 = tpu.vector_load %arg12[%parallel_loop3A_3586, %parallel_loop3A_3587] {strides = array<i32>} : memref<16x768xf32, #tpu.memory_space<vmem>>, vector<1x16xf32>,
        %parallel_loop3A_3589 = vector.shape_cast %parallel_loop3A_3588 : vector<1x16xf32> to vector<16xf32>
        %parallel_loop3A_3590 = vector.shape_cast %parallel_loop3A_3584 : vector<16xf32> to vector<1x16xf32>
        tpu.vector_store %arg12[%parallel_loop3A_3586, %parallel_loop3A_3587], %parallel_loop3A_3590 {strides = array<i32>} : memref<16x768xf32, #tpu.memory_space<vmem>>, vector<1x16xf32>,
        %parallel_loop3A_3591 = arith.constant 10 : i32
        %parallel_loop3A_3592 = arith.index_cast %parallel_loop3A_3591 : i32 to index
        %parallel_loop3A_3593 = arith.index_cast %parallel_loop3A_3554 : i32 to index
        %parallel_loop3A_3594 = tpu.vector_load %arg10[%parallel_loop3A_3592, %parallel_loop3A_3593] {strides = array<i32>} : memref<16x768xf32, #tpu.memory_space<vmem>>, vector<1x16xf32>,
        %parallel_loop3A_3595 = vector.shape_cast %parallel_loop3A_3594 : vector<1x16xf32> to vector<16xf32>
        %parallel_loop3A_3596 = arith.mulf %parallel_loop3A_3595, %gather3A_3379 : vector<16xf32>
        %parallel_loop3A_3597 = arith.subf %parallel_loop3A_3596, %gather3A_3475 : vector<16xf32>
        %parallel_loop3A_3598 = arith.mulf %parallel_loop3A_3597, %parallel_loop3A_3557 : vector<16xf32>
        %parallel_loop3A_3599 = arith.addf %parallel_loop3A_3598, %parallel_loop3A_3560 : vector<16xf32>
        %parallel_loop3A_3600 = arith.constant 10 : i32
        %parallel_loop3A_3601 = arith.index_cast %parallel_loop3A_3600 : i32 to index
        %parallel_loop3A_3602 = arith.index_cast %parallel_loop3A_3554 : i32 to index
        %parallel_loop3A_3603 = tpu.vector_load %arg12[%parallel_loop3A_3601, %parallel_loop3A_3602] {strides = array<i32>} : memref<16x768xf32, #tpu.memory_space<vmem>>, vector<1x16xf32>,
        %parallel_loop3A_3604 = vector.shape_cast %parallel_loop3A_3603 : vector<1x16xf32> to vector<16xf32>
        %parallel_loop3A_3605 = vector.shape_cast %parallel_loop3A_3599 : vector<16xf32> to vector<1x16xf32>
        tpu.vector_store %arg12[%parallel_loop3A_3601, %parallel_loop3A_3602], %parallel_loop3A_3605 {strides = array<i32>} : memref<16x768xf32, #tpu.memory_space<vmem>>, vector<1x16xf32>,
        %parallel_loop3A_3606 = arith.constant 11 : i32
        %parallel_loop3A_3607 = arith.index_cast %parallel_loop3A_3606 : i32 to index
        %parallel_loop3A_3608 = arith.index_cast %parallel_loop3A_3554 : i32 to index
        %parallel_loop3A_3609 = tpu.vector_load %arg10[%parallel_loop3A_3607, %parallel_loop3A_3608] {strides = array<i32>} : memref<16x768xf32, #tpu.memory_space<vmem>>, vector<1x16xf32>,
        %parallel_loop3A_3610 = vector.shape_cast %parallel_loop3A_3609 : vector<1x16xf32> to vector<16xf32>
        %parallel_loop3A_3611 = arith.mulf %parallel_loop3A_3610, %gather3A_3391 : vector<16xf32>
        %parallel_loop3A_3612 = arith.subf %parallel_loop3A_3611, %gather3A_3487 : vector<16xf32>
        %parallel_loop3A_3613 = arith.mulf %parallel_loop3A_3612, %parallel_loop3A_3557 : vector<16xf32>
        %parallel_loop3A_3614 = arith.addf %parallel_loop3A_3613, %parallel_loop3A_3560 : vector<16xf32>
        %parallel_loop3A_3615 = arith.constant 11 : i32
        %parallel_loop3A_3616 = arith.index_cast %parallel_loop3A_3615 : i32 to index
        %parallel_loop3A_3617 = arith.index_cast %parallel_loop3A_3554 : i32 to index
        %parallel_loop3A_3618 = tpu.vector_load %arg12[%parallel_loop3A_3616, %parallel_loop3A_3617] {strides = array<i32>} : memref<16x768xf32, #tpu.memory_space<vmem>>, vector<1x16xf32>,
        %parallel_loop3A_3619 = vector.shape_cast %parallel_loop3A_3618 : vector<1x16xf32> to vector<16xf32>
        %parallel_loop3A_3620 = vector.shape_cast %parallel_loop3A_3614 : vector<16xf32> to vector<1x16xf32>
        tpu.vector_store %arg12[%parallel_loop3A_3616, %parallel_loop3A_3617], %parallel_loop3A_3620 {strides = array<i32>} : memref<16x768xf32, #tpu.memory_space<vmem>>, vector<1x16xf32>,
        %parallel_loop3A_3621 = arith.constant 12 : i32
        %parallel_loop3A_3622 = arith.index_cast %parallel_loop3A_3621 : i32 to index
        %parallel_loop3A_3623 = arith.index_cast %parallel_loop3A_3554 : i32 to index
        %parallel_loop3A_3624 = tpu.vector_load %arg10[%parallel_loop3A_3622, %parallel_loop3A_3623] {strides = array<i32>} : memref<16x768xf32, #tpu.memory_space<vmem>>, vector<1x16xf32>,
        %parallel_loop3A_3625 = vector.shape_cast %parallel_loop3A_3624 : vector<1x16xf32> to vector<16xf32>
        %parallel_loop3A_3626 = arith.mulf %parallel_loop3A_3625, %gather3A_3403 : vector<16xf32>
        %parallel_loop3A_3627 = arith.subf %parallel_loop3A_3626, %gather3A_3499 : vector<16xf32>
        %parallel_loop3A_3628 = arith.mulf %parallel_loop3A_3627, %parallel_loop3A_3557 : vector<16xf32>
        %parallel_loop3A_3629 = arith.addf %parallel_loop3A_3628, %parallel_loop3A_3560 : vector<16xf32>
        %parallel_loop3A_3630 = arith.constant 12 : i32
        %parallel_loop3A_3631 = arith.index_cast %parallel_loop3A_3630 : i32 to index
        %parallel_loop3A_3632 = arith.index_cast %parallel_loop3A_3554 : i32 to index
        %parallel_loop3A_3633 = tpu.vector_load %arg12[%parallel_loop3A_3631, %parallel_loop3A_3632] {strides = array<i32>} : memref<16x768xf32, #tpu.memory_space<vmem>>, vector<1x16xf32>,
        %parallel_loop3A_3634 = vector.shape_cast %parallel_loop3A_3633 : vector<1x16xf32> to vector<16xf32>
        %parallel_loop3A_3635 = vector.shape_cast %parallel_loop3A_3629 : vector<16xf32> to vector<1x16xf32>
        tpu.vector_store %arg12[%parallel_loop3A_3631, %parallel_loop3A_3632], %parallel_loop3A_3635 {strides = array<i32>} : memref<16x768xf32, #tpu.memory_space<vmem>>, vector<1x16xf32>,
        %parallel_loop3A_3636 = arith.constant 13 : i32
        %parallel_loop3A_3637 = arith.index_cast %parallel_loop3A_3636 : i32 to index
        %parallel_loop3A_3638 = arith.index_cast %parallel_loop3A_3554 : i32 to index
        %parallel_loop3A_3639 = tpu.vector_load %arg10[%parallel_loop3A_3637, %parallel_loop3A_3638] {strides = array<i32>} : memref<16x768xf32, #tpu.memory_space<vmem>>, vector<1x16xf32>,
        %parallel_loop3A_3640 = vector.shape_cast %parallel_loop3A_3639 : vector<1x16xf32> to vector<16xf32>
        %parallel_loop3A_3641 = arith.mulf %parallel_loop3A_3640, %gather3A_3415 : vector<16xf32>
        %parallel_loop3A_3642 = arith.subf %parallel_loop3A_3641, %gather3A_3511 : vector<16xf32>
        %parallel_loop3A_3643 = arith.mulf %parallel_loop3A_3642, %parallel_loop3A_3557 : vector<16xf32>
        %parallel_loop3A_3644 = arith.addf %parallel_loop3A_3643, %parallel_loop3A_3560 : vector<16xf32>
        %parallel_loop3A_3645 = arith.constant 13 : i32
        %parallel_loop3A_3646 = arith.index_cast %parallel_loop3A_3645 : i32 to index
        %parallel_loop3A_3647 = arith.index_cast %parallel_loop3A_3554 : i32 to index
        %parallel_loop3A_3648 = tpu.vector_load %arg12[%parallel_loop3A_3646, %parallel_loop3A_3647] {strides = array<i32>} : memref<16x768xf32, #tpu.memory_space<vmem>>, vector<1x16xf32>,
        %parallel_loop3A_3649 = vector.shape_cast %parallel_loop3A_3648 : vector<1x16xf32> to vector<16xf32>
        %parallel_loop3A_3650 = vector.shape_cast %parallel_loop3A_3644 : vector<16xf32> to vector<1x16xf32>
        tpu.vector_store %arg12[%parallel_loop3A_3646, %parallel_loop3A_3647], %parallel_loop3A_3650 {strides = array<i32>} : memref<16x768xf32, #tpu.memory_space<vmem>>, vector<1x16xf32>,
        %parallel_loop3A_3651 = arith.constant 14 : i32
        %parallel_loop3A_3652 = arith.index_cast %parallel_loop3A_3651 : i32 to index
        %parallel_loop3A_3653 = arith.index_cast %parallel_loop3A_3554 : i32 to index
        %parallel_loop3A_3654 = tpu.vector_load %arg10[%parallel_loop3A_3652, %parallel_loop3A_3653] {strides = array<i32>} : memref<16x768xf32, #tpu.memory_space<vmem>>, vector<1x16xf32>,
        %parallel_loop3A_3655 = vector.shape_cast %parallel_loop3A_3654 : vector<1x16xf32> to vector<16xf32>
        %parallel_loop3A_3656 = arith.mulf %parallel_loop3A_3655, %gather3A_3427 : vector<16xf32>
        %parallel_loop3A_3657 = arith.subf %parallel_loop3A_3656, %gather3A_3523 : vector<16xf32>
        %parallel_loop3A_3658 = arith.mulf %parallel_loop3A_3657, %parallel_loop3A_3557 : vector<16xf32>
        %parallel_loop3A_3659 = arith.addf %parallel_loop3A_3658, %parallel_loop3A_3560 : vector<16xf32>
        %parallel_loop3A_3660 = arith.constant 14 : i32
        %parallel_loop3A_3661 = arith.index_cast %parallel_loop3A_3660 : i32 to index
        %parallel_loop3A_3662 = arith.index_cast %parallel_loop3A_3554 : i32 to index
        %parallel_loop3A_3663 = tpu.vector_load %arg12[%parallel_loop3A_3661, %parallel_loop3A_3662] {strides = array<i32>} : memref<16x768xf32, #tpu.memory_space<vmem>>, vector<1x16xf32>,
        %parallel_loop3A_3664 = vector.shape_cast %parallel_loop3A_3663 : vector<1x16xf32> to vector<16xf32>
        %parallel_loop3A_3665 = vector.shape_cast %parallel_loop3A_3659 : vector<16xf32> to vector<1x16xf32>
        tpu.vector_store %arg12[%parallel_loop3A_3661, %parallel_loop3A_3662], %parallel_loop3A_3665 {strides = array<i32>} : memref<16x768xf32, #tpu.memory_space<vmem>>, vector<1x16xf32>,
        %parallel_loop3A_3666 = arith.constant 15 : i32
        %parallel_loop3A_3667 = arith.index_cast %parallel_loop3A_3666 : i32 to index
        %parallel_loop3A_3668 = arith.index_cast %parallel_loop3A_3554 : i32 to index
        %parallel_loop3A_3669 = tpu.vector_load %arg10[%parallel_loop3A_3667, %parallel_loop3A_3668] {strides = array<i32>} : memref<16x768xf32, #tpu.memory_space<vmem>>, vector<1x16xf32>,
        %parallel_loop3A_3670 = vector.shape_cast %parallel_loop3A_3669 : vector<1x16xf32> to vector<16xf32>
        %parallel_loop3A_3671 = arith.mulf %parallel_loop3A_3670, %gather3A_3439 : vector<16xf32>
        %parallel_loop3A_3672 = arith.subf %parallel_loop3A_3671, %gather3A_3535 : vector<16xf32>
        %parallel_loop3A_3673 = arith.mulf %parallel_loop3A_3672, %parallel_loop3A_3557 : vector<16xf32>
        %parallel_loop3A_3674 = arith.addf %parallel_loop3A_3673, %parallel_loop3A_3560 : vector<16xf32>
        %parallel_loop3A_3675 = arith.constant 15 : i32
        %parallel_loop3A_3676 = arith.index_cast %parallel_loop3A_3675 : i32 to index
        %parallel_loop3A_3677 = arith.index_cast %parallel_loop3A_3554 : i32 to index
        %parallel_loop3A_3678 = tpu.vector_load %arg12[%parallel_loop3A_3676, %parallel_loop3A_3677] {strides = array<i32>} : memref<16x768xf32, #tpu.memory_space<vmem>>, vector<1x16xf32>,
        %parallel_loop3A_3679 = vector.shape_cast %parallel_loop3A_3678 : vector<1x16xf32> to vector<16xf32>
        %parallel_loop3A_3680 = vector.shape_cast %parallel_loop3A_3674 : vector<16xf32> to vector<1x16xf32>
        tpu.vector_store %arg12[%parallel_loop3A_3676, %parallel_loop3A_3677], %parallel_loop3A_3680 {strides = array<i32>} : memref<16x768xf32, #tpu.memory_space<vmem>>, vector<1x16xf32>,
      } {sc.loop_unroll_factor = 1 : i64, sc.parallel_access}
      %dma_start3A_3539 = arith.constant 0 : i32
      %dma_start3A_3540 = tpu.memref_slice %arg7[%add3A_1805, %mul3A_2, %dma_start3A_3539] : memref<32x512x768xf32, #tpu.memory_space<hbm>> -> memref<1x16x768xf32, #tpu.memory_space<hbm>>
      %dma_start3A_3541 = tpu.memref_squeeze %dma_start3A_3540 : memref<1x16x768xf32, #tpu.memory_space<hbm>> -> memref<16x768xf32, #tpu.memory_space<hbm>>
      %dma_start3A_3542 = arith.constant 0 : i32
      %dma_start3A_3543 = tpu.memref_slice %arg7[%add3A_1805, %mul3A_2, %dma_start3A_3542] : memref<32x512x768xf32, #tpu.memory_space<hbm>> -> memref<1x16x768xf32, #tpu.memory_space<hbm>>
      %dma_start3A_3544 = tpu.memref_squeeze %dma_start3A_3543 : memref<1x16x768xf32, #tpu.memory_space<hbm>> -> memref<16x768xf32, #tpu.memory_space<hbm>>
      tpu.enqueue_dma source(%arg12 : memref<16x768xf32, #tpu.memory_space<vmem>>) target(%dma_start3A_3544 : memref<16x768xf32, #tpu.memory_space<hbm>>) target_semaphore(%arg19 : memref<!tpu.dma_semaphore, #tpu.memory_space<semaphore_mem>>)
      %add3A_3545 = arith.constant 2 : i32
      %add3A_3546 = arith.addi %add3A_1805, %add3A_3545 : i32
      %lt3A_3547 = arith.constant 32 : i32
      %lt3A_3548 = arith.cmpi slt, %add3A_3546, %lt3A_3547 : i32
      %convert_element_type3A_3549 = arith.extui %lt3A_3548 : i1 to i32
      %cond3A_3550 = arith.constant 0 : i32
      %cond3A_3551 = arith.cmpi ne, %convert_element_type3A_3549, %cond3A_3550 : i32
      scf.if %cond3A_3551 {
        %add3A_3552 = arith.constant 2 : i32
        %add3A_3553 = arith.addi %add3A_1805, %add3A_3552 : i32
        %mul3A_3554 = arith.constant 16 : i32
        %mul3A_3555 = arith.muli %add3A_3553, %mul3A_3554 : i32
        %dma_start3A_3556 = tpu.memref_slice %arg8[%mul3A_3555] : memref<512xi32, #tpu.memory_space<vmem>> -> memref<16xi32, #tpu.memory_space<vmem>>
        %dma_start3A_3557 = arith.constant 0 : i32
        %dma_start3A_3558 = arith.constant 0 : i32
        %dma_start3A_3559 = tpu.memref_slice %arg3[%dma_start3A_3557, %dma_start3A_3558] : memref<100000x768xf32, #tpu.memory_space<hbm>> -> memref<100000x768xf32, #tpu.memory_space<hbm>>
        tpu.enqueue_indirect_dma source(%dma_start3A_3559 : memref<100000x768xf32, #tpu.memory_space<hbm>>) target(%arg10 : memref<16x768xf32, #tpu.memory_space<vmem>>) offsets(%dma_start3A_3556 : memref<16xi32, #tpu.memory_space<vmem>>) semaphore(%arg17 : memref<!tpu.dma_semaphore, #tpu.memory_space<semaphore_mem>>)
      } else {
      }
    }
    %scan3A_50 = arith.constant 16 : i32
    %dma_wait3A_51 = arith.constant 30 : i32
    %dma_wait3A_52 = arith.constant 0 : i32
    %dma_wait3A_53 = tpu.memref_slice %arg7[%dma_wait3A_51, %mul3A_2, %dma_wait3A_52] : memref<32x512x768xf32, #tpu.memory_space<hbm>> -> memref<1x16x768xf32, #tpu.memory_space<hbm>>
    %dma_wait3A_54 = tpu.memref_squeeze %dma_wait3A_53 : memref<1x16x768xf32, #tpu.memory_space<hbm>> -> memref<16x768xf32, #tpu.memory_space<hbm>>
    %dma_wait3A_55 = arith.constant 0 : i32
    %dma_wait3A_56 = tpu.memref_slice %arg7[%dma_wait3A_51, %mul3A_2, %dma_wait3A_55] : memref<32x512x768xf32, #tpu.memory_space<hbm>> -> memref<1x16x768xf32, #tpu.memory_space<hbm>>
    %dma_wait3A_57 = tpu.memref_squeeze %dma_wait3A_56 : memref<1x16x768xf32, #tpu.memory_space<hbm>> -> memref<16x768xf32, #tpu.memory_space<hbm>>
    tpu.wait_dma2 semaphore(%arg18 : memref<!tpu.dma_semaphore, #tpu.memory_space<semaphore_mem>>) src(%arg11 : memref<16x768xf32, #tpu.memory_space<vmem>>) dst(%dma_wait3A_57 : memref<16x768xf32, #tpu.memory_space<hbm>>)
    %dma_wait3A_58 = arith.constant 31 : i32
    %dma_wait3A_59 = arith.constant 0 : i32
    %dma_wait3A_60 = tpu.memref_slice %arg7[%dma_wait3A_58, %mul3A_2, %dma_wait3A_59] : memref<32x512x768xf32, #tpu.memory_space<hbm>> -> memref<1x16x768xf32, #tpu.memory_space<hbm>>
    %dma_wait3A_61 = tpu.memref_squeeze %dma_wait3A_60 : memref<1x16x768xf32, #tpu.memory_space<hbm>> -> memref<16x768xf32, #tpu.memory_space<hbm>>
    %dma_wait3A_62 = arith.constant 0 : i32
    %dma_wait3A_63 = tpu.memref_slice %arg7[%dma_wait3A_58, %mul3A_2, %dma_wait3A_62] : memref<32x512x768xf32, #tpu.memory_space<hbm>> -> memref<1x16x768xf32, #tpu.memory_space<hbm>>
    %dma_wait3A_64 = tpu.memref_squeeze %dma_wait3A_63 : memref<1x16x768xf32, #tpu.memory_space<hbm>> -> memref<16x768xf32, #tpu.memory_space<hbm>>
    tpu.wait_dma2 semaphore(%arg19 : memref<!tpu.dma_semaphore, #tpu.memory_space<semaphore_mem>>) src(%arg12 : memref<16x768xf32, #tpu.memory_space<vmem>>) dst(%dma_wait3A_64 : memref<16x768xf32, #tpu.memory_space<hbm>>)
    return
  }
}

</mosaic_0001>

<sc_bundles>
// kernel: kernel.3.cloned.1.call-start
scs
__scs_entry_jumppad:
0x0: {  	(pc) =	sbr.rel $0x88, $3  }
0x1: {  	(tag) =	ssettag $0x0;
	lr =	simm.s32 $0x1  }
0x2: {  	[smem:$0x3F9C] =	sst lr;
	_ =	strace $0xD0000000  }
0x3: {  	_ = 	snop  }
0x4: {  	_ = 	snop  }
0x5: {  	_ = 	snop  }
0x6: {  	_ = 	snop  }
0x7: {  	_ = 	snop  }
__scs_overlays_trampoline_lowered:
0x8: {  	[smem:$0x3FAB] =	sst s0  }
0x9: {  	[smem:$0x3FAC] =	sst s1  }
0xa: {  	[smem:$0x3FAD] =	sst s2  }
0xb: {  	[smem:$0x3FAE] =	sst s3  }
0xc: {  	[smem:$0x3FAF] =	sst s4  }
0xd: {  	[smem:$0x3FB0] =	sst s5  }
0xe: {  	[smem:$0x3FB1] =	sst s6  }
0xf: {  	[smem:$0x3FB2] =	sst s7  }
0x10: {  	[smem:$0x3FB3] =	sst s8  }
0x11: {  	[smem:$0x3FB4] =	sst s9;
	s0 =	simm.s32 @!p0 $0x0  }
0x12: {  	s1 =	sld [smem:$0x3F9A];
	s0 =	simm.s32 @p0 $0x1  }
0x13: {  	[smem:$0x3FB5] =	sst s0;
	s0 =	simm.s32 @!p1 $0x0  }
0x14: {  	s2 =	sld [smem:$0x3F99];
	s0 =	simm.s32 @p1 $0x1  }
0x15: {  	[smem:$0x3FB6] =	sst s0;
	s0 =	simm.s32 @!p2 $0x0  }
0x16: {  	s3 =	sld [smem:$0x3FDB];
	s0 =	simm.s32 @p2 $0x1  }
0x17: {  	s4 =	simm.s32 $0x1BF5;
	[smem:$0x3FB8] =	sst s0  }
0x18: {  	s0 =	sld [smem:$0x3F9B];
	_ =	swait.ge [sflag:s4], $0x0  }
0x19: {  	s7 =	sld [smem:$0x3F9C]  }
0x1a: {  	s8 =	sadd.s32 $0xFFFFE003, lr  }
0x1b: {  	s9 =	sadd.s32 $0xFFFFFEF7, lr;
	s5 =	simm.s32 $0xFFFFFFFF;
	p2 =	slt.u32 s8, $0xFFFFF086  }
0x1c: {  	p1 =	slt.u32 s9, $0xF7A;
	s5 =	simm.s32 @!p2 $0x0  }
0x1d: {  	s5 =	simm.s32 @p1 $0x1;
	p0 =	seq.s32 s7, s2  }
0x1e: {  	s7 =	smul.u32 @!p0 $0xF7A, s2;
	p2 =	seq.s32 @!p0 s5, $0x0  }
0x1f: {  	s9 =	smul.u32 $0xF7A, s1;
	s8 =	simm.s32 @!p0 $0x1BF5;
	p2 =	por !p2, p0  }
0x20: {  	[sflag:s8] =	ssyncset.s32 @!p0 $0xFFFFF086;
	s6 =	sadd.s32 @!p0 s3, s7;
	s7 =	simm.s32 @!p0 $0x108  }
0x21: {  	s3 =	sadd.s32 s3, s9;
	s6 =	sadd.s32 @!p0 $0x88, s6;
	s7 =	simm.s32 @p2 $0x1082  }
0x22: {  	[simem:s7], [sflag:s8] =	dma.local @!p0 [hbm:s6], $0xF7A  }
0x23: {  	s9 =	sor.u32 $0xD0000000, s2;
	s6 =	simm.s32 $0x108;
	_ =	swait.ge @!p0 [sflag:s8], $0x0  }
0x24: {  	s3 =	sadd.s32 $0x88, s3;
	s6 =	simm.s32 @!p1 $0x1082;
	[sflag:s4] =	ssyncset.s32 $0xFFFFF086  }
0x25: {  	[simem:s6], [sflag:s4] =	dma.local [hbm:s3], $0xF7A  }
0x26: {  	[smem:$0x3F9C] =	sst s1;
	(tag) =	ssettag s2;
	_ =	strace s9  }
0x27: {  	s1 =	sld [smem:$0x3FAC]  }
0x28: {  	s2 =	sld [smem:$0x3FAD]  }
0x29: {  	s4 =	sld [smem:$0x3FAF]  }
0x2a: {  	p0 =	seq.s32 s5, $0x0;
	s5 =	sld [smem:$0x3FB0]  }
0x2b: {  	s6 =	sld [smem:$0x3FB1]  }
0x2c: {  	s7 =	sld [smem:$0x3FB2]  }
0x2d: {  	s3 =	simm.s32 $0x108;
	s8 =	sld [smem:$0x3FB3]  }
0x2e: {  	s3 =	simm.s32 @!p0 $0x1082;
	s9 =	sld [smem:$0x3FB4]  }
0x2f: {  	lr =	sadd.s32 s0, s3;
	s0 =	sld [smem:$0x3FAB]  }
0x30: {  	s3 =	sld [smem:$0x3FAE]  }
0x31: {  	[smem:$0x3FB7] =	sst s10  }
0x32: {  	s10 =	sld [smem:$0x3FB5];
	_ =	sdelay $0x3  }
0x33: {  	p0 =	seq.s32 s10, $0x1;
	s10 =	sld [smem:$0x3FB7];
	_ =	sdelay $0x3  }
0x34: {  	[smem:$0x3FB7] =	sst s10  }
0x35: {  	s10 =	sld [smem:$0x3FB6];
	_ =	sdelay $0x3  }
0x36: {  	p1 =	seq.s32 s10, $0x1;
	s10 =	sld [smem:$0x3FB7];
	_ =	sdelay $0x3  }
0x37: {  	[smem:$0x3FB7] =	sst s10  }
0x38: {  	s10 =	sld [smem:$0x3FB8]  }
0x39: {  	_ = 	snop;
	(pc) =	sbr.ind lr, $3  }
0x3a: {  	_ = 	snop  }
0x3b: {  	_ = 	snop  }
0x3c: {  	p2 =	seq.s32 s10, $0x1;
	s10 =	sld [smem:$0x3FB7]  }
0x3d: {  	_ =	shalt  }
0x3e: {  	_ =	shalt  }
0x3f: {  	_ =	shalt  }
0x40: {  	_ =	shalt  }
0x41: {  	_ =	shalt  }
0x42: {  	_ =	shalt  }
0x43: {  	_ =	shalt  }
0x44: {  	_ =	shalt  }
0x45: {  	_ =	shalt  }
0x46: {  	_ =	shalt  }
0x47: {  	_ =	shalt  }
0x48: {  	_ =	shalt  }
0x49: {  	_ =	shalt  }
0x4a: {  	_ =	shalt  }
0x4b: {  	_ =	shalt  }
0x4c: {  	_ =	shalt  }
0x4d: {  	_ =	shalt  }
0x4e: {  	_ =	shalt  }
0x4f: {  	_ =	shalt  }
0x50: {  	_ =	shalt  }
0x51: {  	_ =	shalt  }
0x52: {  	_ =	shalt  }
0x53: {  	_ =	shalt  }
0x54: {  	_ =	shalt  }
0x55: {  	_ =	shalt  }
0x56: {  	_ =	shalt  }
0x57: {  	_ =	shalt  }
0x58: {  	_ =	shalt  }
0x59: {  	_ =	shalt  }
0x5a: {  	_ =	shalt  }
0x5b: {  	_ =	shalt  }
0x5c: {  	_ =	shalt  }
0x5d: {  	_ =	shalt  }
0x5e: {  	_ =	shalt  }
0x5f: {  	_ =	shalt  }
0x60: {  	_ =	shalt  }
0x61: {  	_ =	shalt  }
0x62: {  	_ =	shalt  }
0x63: {  	_ =	shalt  }
0x64: {  	_ =	shalt  }
0x65: {  	_ =	shalt  }
0x66: {  	_ =	shalt  }
0x67: {  	_ =	shalt  }
0x68: {  	_ =	shalt  }
0x69: {  	_ =	shalt  }
0x6a: {  	_ =	shalt  }
0x6b: {  	_ =	shalt  }
0x6c: {  	_ =	shalt  }
0x6d: {  	_ =	shalt  }
0x6e: {  	_ =	shalt  }
0x6f: {  	_ =	shalt  }
0x70: {  	_ =	shalt  }
0x71: {  	_ =	shalt  }
0x72: {  	_ =	shalt  }
0x73: {  	_ =	shalt  }
0x74: {  	_ =	shalt  }
0x75: {  	_ =	shalt  }
0x76: {  	_ =	shalt  }
0x77: {  	_ =	shalt  }
0x78: {  	_ =	shalt  }
0x79: {  	_ =	shalt  }
0x7a: {  	_ =	shalt  }
0x7b: {  	_ =	shalt  }
0x7c: {  	_ =	shalt  }
0x7d: {  	_ =	shalt  }
0x7e: {  	_ =	shalt  }
0x7f: {  	_ =	shalt  }
0x80: {  	_ =	shalt  }
0x81: {  	_ =	shalt  }
0x82: {  	_ =	shalt  }
0x83: {  	_ =	shalt  }
0x84: {  	_ =	shalt  }
0x85: {  	_ =	shalt  }
0x86: {  	_ =	shalt  }
0x87: {  	_ =	shalt  }
.Lfunc_end0:
.L_simem_size_0:
called_computation_lowered:
.L_overlay_start_0:
0x88: {  	s2 =	sld [smem:$0x3FD9]  }
0x89: {  	s3 =	sld [smem:$0x3FFE];
	_ =	sdelay $0x1  }
0x8a: {  	s1 =	srdreg.scid  }
0x8b: {  	s0 =	sand.u32 $0x1, s1  }
0x8c: {  	s17 =	sshll.u32 s0, $0xA;
	s2 =	sadd.s32 s3, s2  }
0x8d: {  	s2 =	sadd.s32 s2, s17  }
0x8e: {  	[smem:$0x3FC3] =	sst s2  }
0x8f: {  	_ = 	snop  }
0x90: {  	s2 =	sld [smem:$0x3FC8]  }
0x91: {  	s18 =	sld [smem:$0x3FC7]  }
0x92: {  	s4 =	sld [smem:$0x3FC6]  }
0x93: {  	s5 =	sld [smem:$0x3FC5]  }
0x94: {  	s6 =	sld [smem:$0x3FD0];
	(tm) =	ssettm $0x1  }
0x95: {  	s7 =	sld [smem:$0x3FFB];
	_ =	sdelay $0x3  }
0x96: {  	_ =	strace s7  }
0x97: {  	s7 =	sld [smem:$0x3FFC];
	_ =	sdelay $0x3  }
0x98: {  	_ =	strace s7  }
0x99: {  	s7 =	sld [smem:$0x3FFD];
	_ =	sdelay $0x3  }
0x9a: {  	_ =	strace s7  }
0x9b: {  	_ =	strace $0x8FFFFFFF  }
0x9c: {  	s19 =	sld [smem:$0x3FDB];
	_ =	sdelay $0x1  }
0x9d: {  	s8 =	simm.s32 $_scs_section_size  }
0x9e: {  	s9 =	simm.s32 $_size__tile_overlayer_lowered;
	s10 =	simm.s32 $_tile_overlayer_lowered  }
0x9f: {  	s22 =	simm.s32 $0x1BFF;
	s21 =	sshll.u32 s10, $0x1;
	s7 =	sadd.s32 s8, s19  }
0xa0: {  	s11 =	simm.s32 $0x0;
	s20 =	sshll.u32 s9, $0x1;
	s9 =	sadd.s32 s21, s7  }
0xa1: {  	[timem:s11], [sflag:s22] =	dma.local [hbm:s9], s20  }
0xa2: {  	_ =	swait.ge [sflag:s22], s20  }
0xa3: {  	s8 =	ssub.s32 $0x0, s20;
	[sflag:s22] =	ssyncset.done $0x0  }
0xa4: {  	[sflag:s22] =	ssyncadd.s32 s8;
	_ =	sdelay $0x1  }
0xa5: {  	s23 =	simm.s32 $0x1B8B  }
0xa6: {  	_ =	swait.ge [sflag:s23], $0x1  }
0xa7: {  	[sflag:s23] =	ssyncset.done $0x0  }
0xa8: {  	s25 =	simm.s32 $0x1B8E;
	s24 =	sld [smem:$0x3FFE];
	[sflag:s23] =	ssyncadd.s32 $0xFFFFFFFF  }
0xa9: {  	s26 =	simm.s32 $execute0_lowered;
	[smem:$0x3FD2] =	sst s25  }
0xaa: {  	s9 =	sshll.u32 s26, $0x1;
	_ =	strace $0x80000046;
	[dreg:$0x1] =	wrdreg $0xFFFFFFFF  }
0xab: {  	s28 =	simm.s32 $_size_execute0_lowered;
	s7 =	sadd.s32 s7, s9;
	[dreg:$0x0] =	wrdreg $0x0  }
0xac: {  	s9 =	sshll.u32 s28, $0x1;
	[dreg:$0x2] =	wrdreg s7  }
0xad: {  	[dreg:$0x3] =	wrdreg s9  }
0xae: {  	[dreg:$0x4] =	wrdreg $0xC0  }
0xaf: {  	_ =	task [dreg:s11], $0x5FFFF  }
0xb0: {  	[dreg:$0x1] =	wrdreg $0xFFFFFFFF  }
0xb1: {  	[dreg:$0x0] =	wrdreg $0x60  }
0xb2: {  	[dreg:$0x2] =	wrdreg s24  }
0xb3: {  	[dreg:$0x3] =	wrdreg s2  }
0xb4: {  	[dreg:$0x4] =	wrdreg s18  }
0xb5: {  	[dreg:$0x5] =	wrdreg s4  }
0xb6: {  	[dreg:$0x6] =	wrdreg s5  }
0xb7: {  	[dreg:$0x7] =	wrdreg s6  }
0xb8: {  	[dreg:$0x8] =	wrdreg $0x9  }
0xb9: {  	_ =	task.clear_ibuf [dreg:s11], $0x9FFFF;
	_ =	strace $0x90000046  }
0xba: {  	s29 =	simm.s32 $0x9;
	_ =	strace $0x80000048  }
0xbb: {  	_ =	swait.ge [sflag:s29], $0x1  }
0xbc: {  	[sflag:s29] =	ssyncadd.s32 $0xFFFFFFFF  }
0xbd: {  	_ =	strace $0x90000048  }
0xbe: {  	_ =	sfence  }
0xbf: {  	s30 =	sld [smem:$0x0];
	_ =	sdelay $0x2  }
0xc0: {  	s31 =	sshll.u32 s1, $0xD;
	s1 =	sshrl.u32 s1, $0x2  }
0xc1: {  	s3 =	sand.u32 $0x4000, s31;
	s1 =	sadd.s32 s1, s30  }
0xc2: {  	s0 =	sor.u32 s3, s0;
	s1 =	sshll.u32 s1, $0x11  }
0xc3: {  	s0 =	sor.u32 s1, s0  }
0xc4: {  	s0 =	sadd.s32 $0x8F2B, s0  }
0xc5: {  	[sflag:s0] =	ssyncadd.remote.s32 $0x1  }
0xc6: {  	_ =	sfence.sel $0xFFFF  }
0xc7: {  	[dreg:$0x0] =	wrdreg $0xFFFFFFFF;
	(pc) =	sbr.abs _section_cstart, $3  }
0xc8: {  	[dreg:$0x1] =	wrdreg $0xFFFFFFFF  }
0xc9: {  	_ =	task.clear_ibuf [dreg:s11], $0x2FFFF;
	_ =	strace $0x9FFFFFFF  }
0xca: {  	(tm) =	ssettm $0x7FFFFFFF  }
0xcb: {  	_ =	shalt  }
tec
execute0_lowered:
.L_overlay_start_1:
0x0: {  	(tag) =	ssettag $0x1  }
0x1: {  	v2 =	vlaneseq.u32;
	v3 =	vimm.s32 $0x76543210;
	v4 =	vimm.s32 $0xFEDCBA98  }
0x2: {  	v5 =	vimm.s32 $0xBA98FEDC;
	v6 =	vimm.s32 $0x32107654;
	vm0 =	vmmov $0xffff  }
0x3: {  	v7 =	vimm.s32 $0xDCFE98BA;
	vm1 =	vmmov $0xff;
	vm2 =	vcmask $0x2F20  }
0x4: {  	vm3 =	vcmask $0xF00;
	vm4 =	vcmask $0x700;
	v8 =	vimm.s32 $0x67452301  }
0x5: {  	vm5 =	vcmask $0x300;
	v9 =	vimm.s32 $0x4;
	v10 =	vimm.s32 $0xC  }
0x6: {  	v11 =	vimm.s32 $0x2;
	v12 =	vimm.s32 $0xA;
	v13 =	vimm.s32 $0x6  }
0x7: {  	v14 =	vimm.s32 $0xE;
	v15 =	vimm.s32 $0x1;
	v16 =	vimm.s32 $0x9  }
0x8: {  	v17 =	vimm.s32 $0x5;
	v18 =	vimm.s32 $0xD;
	v19 =	vimm.s32 $0x3  }
0x9: {  	v20 =	vimm.s32 $0xB;
	v0 =	vand.u32 $0x7, v2;
	v1 =	vshrl.u32 v2, $0x3  }
0xa: {  	v4 =	vunpack.c.l.s4.s8 v4;
	v3 =	vunpack.c.l.s4.s8 v3;
	v5 =	vunpack.c.l.s4.s8 v5  }
0xb: {  	v6 =	vunpack.c.l.s4.s8 v6;
	vm2 =	vmor vm3, vm2;
	vm3 =	vcmask $0x1710  }
0xc: {  	s1 =	rddreg [dreg:$0x0];
	v8 =	vunpack.c.l.s4.s8 v8;
	[tilespmem:$0x1FFD0] =	vst v0;
	v0 =	vmul.u32 $0x8, v1;
	vm3 =	vmor vm4, vm3  }
0xd: {  	s0 =	rddreg [dreg:$0x1];
	vm4 =	vcmask $0x2720;
	v4 =	vunpack.c.0.s8.s32 v4;
	v3 =	vunpack.c.0.s8.s32 v3  }
0xe: {  	s2 =	rddreg [dreg:$0x2];
	v5 =	vunpack.c.0.s8.s32 v5;
	vm3 =	vmor vm3, vm4;
	vm4 =	vcmask $0x3730  }
0xf: {  	s3 =	srdreg.scid;
	s4 =	stileid.u32;
	v6 =	vunpack.c.0.s8.s32 v6;
	vm3 =	vmor vm3, vm4;
	vm4 =	vcmask $0xB08  }
0x10: {  	s5 =	rddreg [dreg:$0x5];
	s6 =	simm.s32 $0x0;
	s28 =	simm.s32 $0x4A00;
	v8 =	vunpack.c.0.s8.s32 v8;
	v4 =	vand.u32 $0xF, v4;
	vm4 =	vmor vm5, vm4  }
0x11: {  	s29 =	simm.s32 $0x5200;
	s30 =	simm.s32 $0x5A00;
	s31 =	simm.s32 $0x1;
	vm5 =	vcmask $0x1310;
	v3 =	vcombine.low v4, v3;
	v4 =	vcombine.low v6, v5  }
0x12: {  	s9 =	simm.s32 $0x0;
	s3 =	sand.u32 $0x1, s3;
	s4 =	sshll.u32 s4, $0x1;
	v5 =	vunpack.c.l.s4.s8 v7;
	v6 =	vimm.s32 $0x54761032;
	v7 =	vimm.s32 $0xEFCDAB89  }
0x13: {  	[smem:$0x7FF] =	sst s6;
	s10 =	sadd.s32 $0x100, s0;
	s4 =	sor.u32 s3, s4;
	vm4 =	vmor vm4, vm5;
	vm5 =	vcmask $0x1B18;
	v6 =	vunpack.c.l.s4.s8 v6  }
0x14: {  	s3 =	ssub.s32 $0x2, s3;
	s7 =	smul.u32 $0x3000, s4;
	s4 =	sshll.u32 s4, $0x6;
	v7 =	vunpack.c.l.s4.s8 v7;
	vm4 =	vmor vm4, vm5;
	vm5 =	vcmask $0x2320  }
0x15: {  	s11 =	sadd.s32 $0x200, s0;
	s25 =	sshrl.u32 s3, $0x1;
	[tilespmem:$0x1FFE0] =	vst v0;
	v0 =	vor.u32 $0x8, v2;
	s1 =	sadd.s32 s4, s1;
	v5 =	vunpack.c.0.s8.s32 v5;
	vm4 =	vmor vm4, vm5  }
.Ltmp0:
0x16: {  	s3 =	ssub.s32 s3, s25;
	s4 =	simm.s32 $0x6200;
	vm5 =	vcmask $0x2B28;
	v6 =	vunpack.c.0.s8.s32 v6;
	v7 =	vunpack.c.0.s8.s32 v7;
	(pc) =	sbr.rel .LBB2_1-.Ltmp0, $4  }
0x17: {  	v21 =	vimm.s32 $0x7;
	v22 =	vimm.s32 $0xF;
	[tilespmem:$0x1FFF0] =	vst v0;
	s8 =	sshrl.u32 s7, $0x3;
	s1 =	sadd.s32 $0x400, s1;
	s12 =	sadd.s32 $0x60000, s7;
	vm4 =	vmor vm4, vm5  }
0x18: {  	s26 =	smax.u32 s3, $0x1;
	_ =	strace $0x80000047;
	[dreg:$0x8] =	wrdreg s1;
	vm5 =	vcmask $0x3330;
	v5 =	vcombine.low v6, v5;
	v6 =	vcombine.low v8, v7  }
0x19: {  	s3 =	simm.s32 $0x2;
	s2 =	sadd.s32 s2, s8;
	[dreg:$0x9] =	wrdreg s26;
	v4 =	vand.u32 $0xF, v4;
	vm4 =	vmor vm4, vm5;
	vm5 =	vcmask $0x3B38  }
0x1a: {  	s26 =	simm.s32 $0x4200;
	s1 =	simm.s32 $0x9200;
	[dreg:$0x7] =	wrdreg s2;
	vm4 =	vmor vm4, vm5;
	v5 =	vand.u32 $0xF, v5;
	v6 =	vand.u32 $0xF, v6  }
.LBB2_16:
0x1b: {  	s2 =	simm.s32 $0x3  }
0x1c: {  	_ =	swait.ge [sflag:s2], $0x3000  }
0x1d: {  	[sflag:s2] =	ssyncset.done $0x0  }
0x1e: {  	s8 =	simm.s32 $0x4;
	[sflag:s2] =	ssyncadd.s32 $0xFFFFD000  }
0x1f: {  	_ =	swait.ge [sflag:s8], $0x3000  }
0x20: {  	s9 =	rddreg [dreg:$0xa]  }
0x21: {  	s25 =	rddreg [dreg:$0x9];
	s9 =	sadd.s32 $0x1, s9  }
0x22: {  	p0 =	sne.s32 s9, s25  }
.Ltmp1:
0x23: {  	_ = 	snop;
	(pc) =	sbr.rel @!p0 .LBB2_17-.Ltmp1, $3  }
0x24: {  	_ =	sdelay $0x1  }
0x25: {  	[sflag:s8] =	ssyncset.done $0x0  }
0x26: {  	[sflag:s8] =	ssyncadd.s32 $0xFFFFD000  }
.LBB2_1:
0x27: {  	[dreg:$0xa] =	wrdreg s9  }
0x28: {  	s2 =	rddreg [dreg:$0x7];
	s8 =	simm.s32 $0xC200  }
0x29: {  	[tilespmem:s8], [sflag:$0x5] =	stream.linear.gather [hbm4b:s2+s6], $0x3000, $0x38;
	[tilespmem:$0xF800] =	vst v63  }
0x2a: {  	s9 =	rddreg [dreg:$0x3];
	s13 =	simm.s32 $0xF200  }
0x2b: {  	[tilespmem:s13], [sflag:$0x5] =	stream.linear.gather [hbm4b:s9+s6], $0x300, $0x38;
	[tilespmem:$0xF800] =	vst v63  }
0x2c: {  	s14 =	rddreg [dreg:$0x4];
	s15 =	simm.s32 $0xF500  }
0x2d: {  	[tilespmem:s15], [sflag:$0x5] =	stream.linear.gather [hbm4b:s14+s6], $0x300, $0x38;
	[tilespmem:$0xF800] =	vst v63  }
0x2e: {  	s16 =	rddreg [dreg:$0x8];
	s17 =	simm.s32 $0x5  }
0x2f: {  	[tilespmem:s6], [sflag:$0x5] =	stream.linear.gather [hbm4b:s16+s6], $0x200, $0x38;
	[tilespmem:$0xF800] =	vst v63  }
0x30: {  	_ =	swait.ge [sflag:s17], $0x3000  }
0x31: {  	[sflag:s17] =	ssyncset.done $0x0  }
0x32: {  	[sflag:s17] =	ssyncadd.s32 $0xFFFFD000  }
0x33: {  	_ =	swait.ge [sflag:s17], $0x300  }
0x34: {  	[sflag:s17] =	ssyncset.done $0x0  }
0x35: {  	[sflag:s17] =	ssyncadd.s32 $0xFFFFFD00  }
0x36: {  	_ =	swait.ge [sflag:s17], $0x300  }
0x37: {  	[sflag:s17] =	ssyncset.done $0x0  }
0x38: {  	[sflag:s17] =	ssyncadd.s32 $0xFFFFFD00  }
0x39: {  	_ =	swait.ge [sflag:s17], $0x200  }
0x3a: {  	[sflag:s17] =	ssyncset.done $0x0  }
0x3b: {  	[sflag:s17] =	ssyncadd.s32 $0xFFFFFE00  }
0x3c: {  	v23 =	vld [tilespmem:$0x0];
	_ =	sdelay $0x3  }
0x3d: {  	v0 =	vld [tilespmem:$0x1FFD0]  }
0x3e: {  	v24 =	vshrl.u32 v23, $0x3  }
0x3f: {  	v1 =	vld [tilespmem:$0x1FFE0];
	v24 =	vmul.u32 $0x30, v24  }
0x40: {  	v23 =	vand.u32 $0x7, v23  }
0x41: {  	v23 =	vor.u32 v23, v24  }
0x42: {  	v24 =	vperm.xlane v23, v0  }
0x43: {  	v2 =	vld [tilespmem:$0x1FFF0]  }
0x44: {  	v24 =	vadd.s32 v1, v24;
	_ =	sdelay $0x3  }
0x45: {  	s18 =	simm.s32 $0x200;
	v23 =	vperm.xlane v23, v2  }
0x46: {  	[tilespmem:s18], [sflag:$0x1] =	stream.indirect_vreg.gather [hbm4b:s0+s6], $0x80, v24, vm0, $0xb8;
	[tilespmem:$0xF800] =	vst v63  }
0x47: {  	s19 =	simm.s32 $0xA00;
	v23 =	vadd.s32 v1, v23  }
0x48: {  	[tilespmem:s19], [sflag:$0x1] =	stream.indirect_vreg.gather [hbm4b:s10+s6], $0x80, v24, vm0, $0xb8;
	[tilespmem:$0xF800] =	vst v63  }
0x49: {  	s20 =	simm.s32 $0x1200  }
0x4a: {  	[tilespmem:s20], [sflag:$0x1] =	stream.indirect_vreg.gather [hbm4b:s11+s6], $0x80, v24, vm0, $0xb8;
	[tilespmem:$0xF800] =	vst v63  }
0x4b: {  	s21 =	simm.s32 $0x1A00  }
0x4c: {  	[tilespmem:s21], [sflag:$0x1] =	stream.indirect_vreg.gather [hbm4b:s0+s6], $0x80, v23, vm0, $0xb8;
	[tilespmem:$0xF800] =	vst v63  }
0x4d: {  	s22 =	simm.s32 $0x2200  }
0x4e: {  	[tilespmem:s22], [sflag:$0x1] =	stream.indirect_vreg.gather [hbm4b:s10+s6], $0x80, v23, vm0, $0xb8;
	[tilespmem:$0xF800] =	vst v63  }
0x4f: {  	s23 =	simm.s32 $0x2A00  }
0x50: {  	[tilespmem:s23], [sflag:$0x1] =	stream.indirect_vreg.gather [hbm4b:s11+s6], $0x80, v23, vm0, $0xb8;
	[tilespmem:$0xF800] =	vst v63  }
0x51: {  	v23 =	vld [tilespmem:$0x10];
	_ =	sdelay $0x4  }
0x52: {  	v63 =	vshrl.u32 v23, $0x3  }
0x53: {  	v24 =	vmul.u32 $0x30, v63  }
0x54: {  	v23 =	vand.u32 $0x7, v23  }
0x55: {  	v23 =	vor.u32 v23, v24  }
0x56: {  	v24 =	vperm.xlane v23, v0;
	_ =	sdelay $0x1  }
0x57: {  	v24 =	vadd.s32 v1, v24;
	_ =	sdelay $0x3  }
0x58: {  	s24 =	simm.s32 $0x3200;
	v23 =	vperm.xlane v23, v2  }
0x59: {  	[tilespmem:s24], [sflag:$0x2] =	stream.indirect_vreg.gather [hbm4b:s0+s6], $0x80, v24, vm0, $0xb8;
	[tilespmem:$0xF800] =	vst v63  }
0x5a: {  	s25 =	simm.s32 $0x3A00;
	v23 =	vadd.s32 v1, v23  }
0x5b: {  	[tilespmem:s25], [sflag:$0x2] =	stream.indirect_vreg.gather [hbm4b:s10+s6], $0x80, v24, vm0, $0xb8;
	[tilespmem:$0xF800] =	vst v63  }
0x5c: {  	_ = 	snop  }
0x5d: {  	[tilespmem:s26], [sflag:$0x2] =	stream.indirect_vreg.gather [hbm4b:s11+s6], $0x80, v24, vm0, $0xb8;
	[tilespmem:$0xF800] =	vst v63  }
0x5e: {  	_ = 	snop  }
0x5f: {  	[tilespmem:s28], [sflag:$0x2] =	stream.indirect_vreg.gather [hbm4b:s0+s6], $0x80, v23, vm0, $0xb8;
	[tilespmem:$0xF800] =	vst v63  }
0x60: {  	_ = 	snop  }
0x61: {  	[tilespmem:s29], [sflag:$0x2] =	stream.indirect_vreg.gather [hbm4b:s10+s6], $0x80, v23, vm0, $0xb8;
	[tilespmem:$0xF800] =	vst v63  }
0x62: {  	s16 =	simm.s32 $0x0  }
0x63: {  	[tilespmem:s30], [sflag:$0x2] =	stream.indirect_vreg.gather [hbm4b:s11+s6], $0x80, v23, vm0, $0xb8;
	[tilespmem:$0xF800] =	vst v63  }
.LBB2_2:
0x64: {  	_ =	swait.ge [sflag:s31], $0x3000;
	s19 =	simm.s32 $0x0  }
0x65: {  	[sflag:s31] =	ssyncset.done $0x0;
	s2 =	sand.u32 $0x70, s19;
	s8 =	sand.u32 $0x1C00, s19  }
0x66: {  	[sflag:s31] =	ssyncadd.s32 $0xFFFFD000;
	s18 =	sor.u32 s2, s8  }
0x67: {  	v23 =	vld [tilespmem:s18+$0xC380]  }
0x68: {  	v24 =	vld [tilespmem:s18+$0xC500]  }
0x69: {  	v25 =	vld [tilespmem:s18+$0xC480]  }
0x6a: {  	v26 =	vld [tilespmem:s18+$0xC400]  }
0x6b: {  	v27 =	vld [tilespmem:s18+$0x480]  }
0x6c: {  	v28 =	vld [tilespmem:s18+$0xC280]  }
0x6d: {  	v29 =	vld [tilespmem:s18+$0x380]  }
0x6e: {  	v30 =	vld [tilespmem:s18+$0xC300]  }
0x6f: {  	v31 =	vld [tilespmem:s18+$0x280]  }
0x70: {  	v32 =	vld [tilespmem:s18+$0x300]  }
0x71: {  	v33 =	vld [tilespmem:s18+$0xC200]  }
0x72: {  	v34 =	vld [tilespmem:s18+$0x200]  }
0x73: {  	v38 =	vimm.f32 $0.0e+00;
	v35 =	vld [tilespmem:s18+$0x500]  }
0x74: {  	v53 =	vimm.f32 $0.0e+00;
	v54 =	vimm.f32 $0.0e+00;
	v51 =	vimm.f32 $0.0e+00;
	v36 =	vld [tilespmem:s18+$0x400]  }
0x75: {  	v52 =	vimm.f32 $0.0e+00;
	v50 =	vimm.f32 $0.0e+00;
	v48 =	vimm.f32 $0.0e+00  }
0x76: {  	v49 =	vimm.f32 $0.0e+00;
	v46 =	vimm.f32 $0.0e+00;
	v29 =	vadd.f32 v23, v29  }
0x77: {  	v47 =	vimm.f32 $0.0e+00;
	v28 =	vadd.f32 v28, v31;
	v30 =	vadd.f32 v30, v32  }
0x78: {  	v44 =	vimm.f32 $0.0e+00;
	v39 =	vadd.f32 v33, v34;
	v40 =	vadd.f32 v25, v27  }
0x79: {  	v45 =	vimm.f32 $0.0e+00;
	v41 =	vadd.f32 v24, v35;
	v42 =	vadd.f32 v26, v36  }
0x7a: {  	v31 =	vadd.f32 v29, v38;
	v23 =	vmul.f32 v29, v29;
	v32 =	vadd.f32 v28, v38;
	[tilespmem:s18+$0x380] =	vst v29  }
0x7b: {  	v33 =	vadd.f32 v30, v38;
	v24 =	vmul.f32 v39, v39;
	v37 =	vadd.f32 v39, v38;
	[tilespmem:s18+$0x300] =	vst v30  }
0x7c: {  	v34 =	vadd.f32 v40, v38;
	v25 =	vmul.f32 v40, v40;
	v27 =	vmul.f32 v41, v41;
	[tilespmem:s18+$0x280] =	vst v28  }
0x7d: {  	v63 =	vmul.f32 v42, v42;
	v43 =	vmul.f32 v28, v28;
	v36 =	vadd.f32 v42, v38;
	[tilespmem:s18+$0x200] =	vst v39  }
0x7e: {  	v30 =	vmul.f32 v30, v30;
	v35 =	vadd.f32 v41, v38;
	[tilespmem:s18+$0x500] =	vst v41;
	v39 =	vimm.f32 $0.0e+00  }
0x7f: {  	s25 =	sor.u32 s19, s19;
	[tilespmem:s18+$0x480] =	vst v40;
	v40 =	vimm.f32 $0.0e+00;
	v23 =	vadd.f32 v23, v38;
	v26 =	vadd.f32 v24, v38  }
0x80: {  	s2 =	sor.u32 $0x380, s25;
	[tilespmem:s18+$0x400] =	vst v42;
	v41 =	vimm.f32 $0.0e+00;
	v25 =	vadd.f32 v25, v38;
	v24 =	vadd.f32 v27, v38  }
0x81: {  	v42 =	vimm.f32 $0.0e+00;
	v55 =	vld [tilespmem:s2+$0x200];
	v27 =	vadd.f32 v63, v38;
	v29 =	vadd.f32 v43, v38  }
0x82: {  	s8 =	simm.s32 $0x10;
	v56 =	vld [tilespmem:s2+$0xC200];
	v28 =	vadd.f32 v30, v38;
	v43 =	vimm.f32 $0.0e+00;
	v30 =	vimm.f32 $0.0e+00  }
.LBB2_3:
0x83: {  	p0 =	sne.s32 s8, $0x2F0  }
0x84: {  	s19 =	sadd.s32 $0x80, s19;
	s9 =	smov.u32 s8;
	s8 =	sadd.s32 $0x10, s8  }
0x85: {  	_ =	sdelay $0x1  }
0x86: {  	v55 =	vadd.f32 v56, v55;
	_ =	sdelay $0x1  }
0x87: {  	[tilespmem:s2+$0x200] =	vst v55;
	v38 =	vadd.f32 v55, v38;
	v55 =	vmul.f32 v55, v55  }
0x88: {  	v56 =	vld [tilespmem:s18+$0x1A00]  }
0x89: {  	v53 =	vadd.f32 v55, v53;
	v55 =	vld [tilespmem:s18+$0xDA00]  }
0x8a: {  	v57 =	vld [tilespmem:s18+$0x1A80]  }
0x8b: {  	v58 =	vld [tilespmem:s18+$0xDA80]  }
0x8c: {  	v59 =	vld [tilespmem:s18+$0x1B00]  }
0x8d: {  	v60 =	vld [tilespmem:s18+$0xDB00]  }
0x8e: {  	v55 =	vadd.f32 v55, v56;
	v56 =	vld [tilespmem:s18+$0x1B80]  }
0x8f: {  	v61 =	vld [tilespmem:s18+$0xDB80]  }
0x90: {  	[tilespmem:s18+$0x1A00] =	vst v55;
	v54 =	vadd.f32 v55, v54;
	v55 =	vmul.f32 v55, v55;
	v57 =	vadd.f32 v58, v57;
	v58 =	vld [tilespmem:s18+$0x1C00]  }
0x91: {  	v62 =	vld [tilespmem:s18+$0xDC00]  }
0x92: {  	v51 =	vadd.f32 v55, v51;
	[tilespmem:s18+$0x1A80] =	vst v57;
	v52 =	vadd.f32 v57, v52;
	v55 =	vmul.f32 v57, v57;
	v57 =	vld [tilespmem:s18+$0x1C80]  }
0x93: {  	v59 =	vadd.f32 v60, v59;
	v60 =	vld [tilespmem:s18+$0xDC80]  }
0x94: {  	v50 =	vadd.f32 v55, v50;
	v55 =	vadd.f32 v61, v56;
	v56 =	vld [tilespmem:s18+$0x1D00]  }
0x95: {  	v48 =	vadd.f32 v59, v48;
	[tilespmem:s18+$0x1B00] =	vst v59;
	v59 =	vmul.f32 v59, v59;
	v61 =	vld [tilespmem:s18+$0xDD00]  }
0x96: {  	s13 =	sand.u32 $0x1C00, s19;
	s2 =	sand.u32 $0x70, s9;
	[tilespmem:s18+$0x1B80] =	vst v55;
	v49 =	vadd.f32 v55, v49;
	v55 =	vmul.f32 v55, v55;
	v58 =	vadd.f32 v62, v58;
	v62 =	vld [tilespmem:s18+$0x1D80]  }
0x97: {  	s2 =	sor.u32 s2, s13;
	v46 =	vadd.f32 v59, v46;
	v59 =	vld [tilespmem:s18+$0xDD80]  }
0x98: {  	v63 =	vld [tilespmem:s2+$0xC380];
	v47 =	vadd.f32 v55, v47;
	[tilespmem:s18+$0x1C00] =	vst v58;
	v55 =	vmul.f32 v58, v58;
	v57 =	vadd.f32 v60, v57  }
0x99: {  	v43 =	vadd.f32 v58, v43;
	v60 =	vld [tilespmem:s2+$0xC500]  }
0x9a: {  	v58 =	vld [tilespmem:s2+$0xC480];
	v44 =	vadd.f32 v55, v44;
	[tilespmem:s18+$0x1C80] =	vst v57;
	v55 =	vmul.f32 v57, v57;
	v56 =	vadd.f32 v61, v56  }
0x9b: {  	v45 =	vadd.f32 v57, v45;
	v61 =	vld [tilespmem:s2+$0xC400]  }
0x9c: {  	v57 =	vld [tilespmem:s2+$0x480];
	v39 =	vadd.f32 v55, v39;
	[tilespmem:s18+$0x1D00] =	vst v56;
	v55 =	vmul.f32 v56, v56;
	v59 =	vadd.f32 v59, v62  }
0x9d: {  	v40 =	vadd.f32 v56, v40;
	v62 =	vld [tilespmem:s2+$0xC280]  }
0x9e: {  	v56 =	vld [tilespmem:s2+$0x380];
	v41 =	vadd.f32 v55, v41;
	[tilespmem:s18+$0x1D80] =	vst v59;
	v42 =	vadd.f32 v59, v42;
	v55 =	vmul.f32 v59, v59;
	s18 =	smov.u32 s2  }
0x9f: {  	v59 =	vld [tilespmem:s18+$0xC300]  }
0xa0: {  	v0 =	vld [tilespmem:s18+$0x280];
	v30 =	vadd.f32 v55, v30  }
0xa1: {  	v55 =	vld [tilespmem:s18+$0x300]  }
0xa2: {  	v2 =	vld [tilespmem:s18+$0xC200]  }
0xa3: {  	v1 =	vld [tilespmem:s18+$0x200];
	v56 =	vadd.f32 v63, v56  }
0xa4: {  	v63 =	vld [tilespmem:s18+$0x500]  }
0xa5: {  	v0 =	vadd.f32 v62, v0;
	v31 =	vadd.f32 v56, v31;
	v62 =	vmul.f32 v56, v56;
	v7 =	vld [tilespmem:s18+$0x400]  }
0xa6: {  	v55 =	vadd.f32 v59, v55  }
0xa7: {  	v32 =	vadd.f32 v0, v32;
	v59 =	vmul.f32 v0, v0;
	[tilespmem:s18+$0x380] =	vst v56;
	v23 =	vadd.f32 v62, v23  }
0xa8: {  	v1 =	vadd.f32 v2, v1;
	[tilespmem:s18+$0x300] =	vst v55;
	v33 =	vadd.f32 v55, v33;
	v2 =	vmul.f32 v55, v55  }
0xa9: {  	[tilespmem:s18+$0x280] =	vst v0;
	v0 =	vadd.f32 v58, v57;
	v55 =	vadd.f32 v60, v63  }
0xaa: {  	[tilespmem:s18+$0x200] =	vst v1;
	v37 =	vadd.f32 v1, v37;
	v1 =	vmul.f32 v1, v1;
	v7 =	vadd.f32 v61, v7  }
.Ltmp2:
0xab: {  	v34 =	vadd.f32 v0, v34;
	v56 =	vmul.f32 v0, v0;
	[tilespmem:s18+$0x500] =	vst v55;
	v57 =	vmul.f32 v55, v55;
	(pc) =	sbr.rel @p0 .LBB2_3-.Ltmp2, $4  }
0xac: {  	s2 =	sor.u32 s19, s9;
	v26 =	vadd.f32 v1, v26;
	v36 =	vadd.f32 v7, v36;
	v1 =	vmul.f32 v7, v7;
	[tilespmem:s18+$0x480] =	vst v0  }
0xad: {  	s2 =	sor.u32 $0x380, s2;
	[tilespmem:s18+$0x400] =	vst v7;
	v25 =	vadd.f32 v56, v25;
	v24 =	vadd.f32 v57, v24  }
0xae: {  	v35 =	vadd.f32 v55, v35;
	v27 =	vadd.f32 v1, v27;
	v55 =	vld [tilespmem:s2+$0x200]  }
0xaf: {  	v29 =	vadd.f32 v59, v29;
	v28 =	vadd.f32 v2, v28;
	v56 =	vld [tilespmem:s2+$0xC200]  }
0xb0: {  	_ =	sdelay $0x3  }
0xb1: {  	v0 =	vadd.f32 v56, v55;
	_ =	sdelay $0x1  }
0xb2: {  	[tilespmem:s2+$0x200] =	vst v0  }
0xb3: {  	v1 =	vld [tilespmem:s18+$0x1A00]  }
0xb4: {  	v2 =	vld [tilespmem:s18+$0xDA00]  }
0xb5: {  	v7 =	vld [tilespmem:s18+$0x1A80]  }
0xb6: {  	v62 =	vld [tilespmem:s18+$0xDA80]  }
0xb7: {  	v56 =	vld [tilespmem:s18+$0x1B00]  }
0xb8: {  	v57 =	vld [tilespmem:s18+$0xDB00]  }
0xb9: {  	v58 =	vld [tilespmem:s18+$0xDB80]  }
0xba: {  	v55 =	vld [tilespmem:s18+$0x1C00]  }
0xbb: {  	v59 =	vld [tilespmem:s18+$0xDC00];
	v1 =	vadd.f32 v2, v1  }
0xbc: {  	v60 =	vld [tilespmem:s18+$0x1C80];
	v7 =	vadd.f32 v62, v7;
	v62 =	vmul.f32 v0, v0  }
0xbd: {  	v2 =	vld [tilespmem:s18+$0x1B80];
	v56 =	vadd.f32 v57, v56;
	v0 =	vadd.f32 v0, v38;
	v38 =	vmul.f32 v1, v1  }
0xbe: {  	v57 =	vld [tilespmem:s18+$0xDC80];
	[tilespmem:s18+$0x1A00] =	vst v1;
	v53 =	vadd.f32 v62, v53;
	v1 =	vadd.f32 v1, v54;
	v63 =	vmul.f32 v7, v7  }
0xbf: {  	[tilespmem:s18+$0x1A80] =	vst v7;
	v7 =	vadd.f32 v7, v52;
	v62 =	vmul.f32 v56, v56;
	v48 =	vadd.f32 v56, v48  }
0xc0: {  	v61 =	vld [tilespmem:s18+$0x1D00];
	v51 =	vadd.f32 v38, v51;
	v50 =	vadd.f32 v63, v50  }
0xc1: {  	[tilespmem:s18+$0x1B00] =	vst v56;
	v52 =	vld [tilespmem:s18+$0x1D80];
	v56 =	vperm.xlane v35, v3;
	v38 =	vadd.f32 v59, v55;
	v54 =	vadd.f32 v62, v46  }
0xc2: {  	v63 =	vld [tilespmem:s18+$0xDD80];
	v62 =	vperm.xlane v37, v3;
	v59 =	vperm.xlane v1, v3;
	v2 =	vadd.f32 v58, v2  }
0xc3: {  	v58 =	vld [tilespmem:s18+$0xDD00];
	v46 =	vadd.f32 v57, v60;
	v60 =	vmul.f32 v38, v38;
	v57 =	vadd.f32 v38, v43  }
0xc4: {  	v37 =	vadd.f32 v62, v37;
	v62 =	vperm.xlane v36, v3;
	v1 =	vadd.f32 v59, v1  }
0xc5: {  	[tilespmem:s18+$0x1B80] =	vst v2;
	v49 =	vadd.f32 v2, v49;
	v2 =	vmul.f32 v2, v2;
	v45 =	vadd.f32 v46, v45  }
0xc6: {  	v44 =	vadd.f32 v60, v44;
	v60 =	vperm.xlane v33, v3;
	v36 =	vadd.f32 v62, v36  }
0xc7: {  	v2 =	vadd.f32 v2, v47;
	v43 =	vadd.f32 v63, v52;
	v63 =	vperm.xlane v32, v3  }
0xc8: {  	v62 =	vperm.xlane v49, v3;
	v47 =	vadd.f32 v58, v61;
	v61 =	vmul.f32 v46, v46  }
0xc9: {  	v33 =	vadd.f32 v60, v33;
	v60 =	vperm.xlane v7, v3;
	v42 =	vadd.f32 v43, v42  }
0xca: {  	v32 =	vadd.f32 v63, v32;
	v63 =	vperm.xlane v34, v3;
	v58 =	vmul.f32 v47, v47  }
0xcb: {  	v39 =	vadd.f32 v61, v39;
	v40 =	vadd.f32 v47, v40;
	v61 =	vperm.xlane v31, v3  }
0xcc: {  	v7 =	vadd.f32 v60, v7;
	v34 =	vadd.f32 v63, v34;
	v63 =	vperm.xlane v57, v3  }
0xcd: {  	v32 =	vsel vm1, v37, v32;
	v59 =	vperm.xlane v42, v3;
	v37 =	vperm.xlane v23, v3  }
0xce: {  	v41 =	vadd.f32 v58, v41;
	v31 =	vadd.f32 v61, v31;
	v58 =	vperm.xlane v0, v3  }
0xcf: {  	v61 =	vperm.xlane v48, v3;
	v1 =	vsel vm1, v1, v7;
	v34 =	vsel vm1, v36, v34  }
0xd0: {  	v36 =	vadd.f32 v62, v49;
	v60 =	vadd.f32 v63, v57;
	v63 =	vperm.xlane v32, v4  }
0xd1: {  	v62 =	vadd.f32 v59, v42;
	v52 =	vperm.xlane v1, v4;
	v42 =	vperm.xlane v25, v3  }
0xd2: {  	v23 =	vadd.f32 v37, v23;
	v31 =	vsel vm1, v33, v31;
	v33 =	vadd.f32 v56, v35  }
0xd3: {  	v0 =	vadd.f32 v58, v0;
	v35 =	vadd.f32 v61, v48;
	v56 =	vperm.xlane v45, v3  }
0xd4: {  	v58 =	vperm.xlane v40, v3;
	v48 =	vperm.xlane v34, v4;
	v32 =	vadd.f32 v63, v32  }
0xd5: {  	v1 =	vadd.f32 v52, v1;
	v63 =	vperm.xlane v29, v3;
	v0 =	vsel vm1, v33, v0  }
0xd6: {  	v61 =	vadd.f32 v56, v45;
	v7 =	vadd.f32 v58, v40;
	v45 =	vperm.xlane v31, v4  }
0xd7: {  	v35 =	vsel vm1, v35, v36;
	v58 =	vmul.f32 v43, v43;
	v36 =	vperm.xlane v28, v3  }
0xd8: {  	v34 =	vadd.f32 v48, v34;
	v40 =	vperm.xlane v27, v3;
	v48 =	vperm.xlane v2, v3  }
0xd9: {  	v25 =	vadd.f32 v42, v25;
	v49 =	vperm.xlane v0, v4;
	v55 =	vperm.xlane v35, v4  }
0xda: {  	v29 =	vadd.f32 v63, v29;
	v33 =	vsel vm1, v60, v61;
	v7 =	vsel vm1, v7, v62  }
0xdb: {  	v31 =	vadd.f32 v45, v31;
	v30 =	vadd.f32 v58, v30;
	v62 =	vperm.xlane v26, v3  }
0xdc: {  	v28 =	vadd.f32 v36, v28;
	v27 =	vadd.f32 v40, v27;
	v45 =	vperm.xlane v50, v3  }
0xdd: {  	v2 =	vadd.f32 v48, v2;
	v0 =	vadd.f32 v49, v0;
	v56 =	vperm.xlane v33, v4  }
0xde: {  	v57 =	vperm.xlane v7, v4;
	v35 =	vadd.f32 v55, v35;
	v49 =	vperm.xlane v44, v3  }
0xdf: {  	v31 =	vsel vm2, v32, v31;
	v26 =	vadd.f32 v62, v26;
	v23 =	vsel vm1, v28, v23  }
0xe0: {  	v28 =	vperm.xlane v24, v3;
	v25 =	vsel vm1, v27, v25;
	v27 =	vperm.xlane v51, v3  }
0xe1: {  	v52 =	vperm.xlane v30, v3;
	v33 =	vadd.f32 v56, v33;
	v7 =	vadd.f32 v57, v7  }
0xe2: {  	v0 =	vsel vm2, v34, v0;
	v32 =	vperm.xlane v31, v5;
	v55 =	vperm.xlane v23, v4  }
0xe3: {  	v1 =	vsel vm2, v1, v35;
	v56 =	vperm.xlane v25, v4;
	v59 =	vperm.xlane v0, v5  }
0xe4: {  	v60 =	vperm.xlane v1, v5;
	v26 =	vsel vm1, v26, v29;
	v29 =	vperm.xlane v53, v3  }
0xe5: {  	v24 =	vadd.f32 v28, v24;
	v27 =	vadd.f32 v27, v51;
	v51 =	vperm.xlane v41, v3  }
0xe6: {  	v30 =	vadd.f32 v52, v30;
	v7 =	vsel vm2, v33, v7;
	v31 =	vadd.f32 v32, v31  }
0xe7: {  	v32 =	vadd.f32 v45, v50;
	v28 =	vadd.f32 v29, v53;
	v29 =	vperm.xlane v54, v3  }
0xe8: {  	v50 =	vperm.xlane v39, v3;
	v23 =	vadd.f32 v55, v23;
	v25 =	vadd.f32 v56, v25  }
0xe9: {  	v61 =	vperm.xlane v7, v5;
	v0 =	vadd.f32 v59, v0;
	v29 =	vadd.f32 v29, v54  }
0xea: {  	v1 =	vadd.f32 v60, v1;
	v53 =	vadd.f32 v50, v39;
	v27 =	vsel vm1, v27, v32  }
0xeb: {  	v7 =	vadd.f32 v61, v7;
	v2 =	vsel vm1, v29, v2;
	v29 =	vperm.xlane v26, v4  }
0xec: {  	v24 =	vsel vm1, v24, v28;
	v28 =	vadd.f32 v49, v44;
	v54 =	vadd.f32 v51, v41  }
0xed: {  	v57 =	vperm.xlane v27, v4;
	v26 =	vadd.f32 v29, v26;
	v29 =	vperm.xlane v24, v4  }
0xee: {  	v28 =	vsel vm1, v28, v53;
	v30 =	vsel vm1, v54, v30;
	v58 =	vperm.xlane v2, v4  }
0xef: {  	v59 =	vperm.xlane v30, v4;
	v24 =	vadd.f32 v29, v24;
	v29 =	vperm.xlane v28, v4  }
0xf0: {  	v27 =	vadd.f32 v57, v27;
	v2 =	vadd.f32 v58, v2  }
0xf1: {  	v28 =	vadd.f32 v29, v28;
	v29 =	vadd.f32 v59, v30  }
0xf2: {  	v23 =	vsel vm2, v26, v23;
	v2 =	vsel vm2, v27, v2;
	v24 =	vsel vm2, v25, v24  }
0xf3: {  	v26 =	vperm.xlane v23, v5;
	v27 =	vperm.xlane v24, v5;
	v25 =	vsel vm2, v28, v29  }
0xf4: {  	v0 =	vsel vm3, v31, v0;
	v28 =	vperm.xlane v2, v5;
	v29 =	vperm.xlane v25, v5  }
0xf5: {  	v1 =	vsel vm3, v1, v7;
	v7 =	vadd.f32 v26, v23;
	v23 =	vadd.f32 v27, v24  }
0xf6: {  	v26 =	vperm.xlane v1, v6;
	v2 =	vadd.f32 v28, v2;
	v25 =	vadd.f32 v29, v25  }
0xf7: {  	v24 =	vperm.xlane v0, v6  }
0xf8: {  	v1 =	vadd.f32 v26, v1;
	v7 =	vsel vm3, v7, v23;
	v2 =	vsel vm3, v2, v25  }
0xf9: {  	v0 =	vadd.f32 v24, v0;
	v23 =	vperm.xlane v7, v6;
	v24 =	vperm.xlane v2, v6;
	_ =	sdelay $0x1  }
0xfa: {  	v0 =	vsel vm4, v0, v1;
	v1 =	vadd.f32 v23, v7;
	v2 =	vadd.f32 v24, v2  }
0xfb: {  	v0 =	vmul.f32 $1.302083370e-03, v0  }
0xfc: {  	v1 =	vsel vm4, v1, v2  }
0xfd: {  	v2 =	vmul.f32 v0, v0;
	v1 =	vmul.f32 $1.302083370e-03, v1;
	_ =	sdelay $0x1  }
0xfe: {  	v1 =	vsub.f32 v1, v2;
	_ =	sdelay $0x1  }
0xff: {  	v1 =	vadd.f32 $9.999999960e-13, v1;
	_ =	sdelay $0x1  }
0x100: {  	v2 =	vshra.s32 v1, $0x1;
	v1 =	vmul.f32 $5.000000000e-01, v1  }
0x101: {  	v2 =	vsub.s32 $0x5F3759DF, v2  }
0x102: {  	v7 =	vmul.f32 v2, v1;
	_ =	sdelay $0x1  }
0x103: {  	v7 =	vmul.f32 v2, v7;
	_ =	sdelay $0x1  }
0x104: {  	v7 =	vsub.f32 $1.500000000e+00, v7;
	_ =	sdelay $0x1  }
0x105: {  	v2 =	vmul.f32 v2, v7;
	_ =	sdelay $0x1  }
0x106: {  	[tilespmem:s18+$0x1C00] =	vst v38;
	v1 =	vmul.f32 v2, v1  }
0x107: {  	[tilespmem:s18+$0x1C80] =	vst v46  }
0x108: {  	p0 =	seq.s32 s16, $0x0;
	[tilespmem:s18+$0x1D80] =	vst v43;
	v1 =	vmul.f32 v1, v2  }
0x109: {  	s8 =	simm.s32 @!p0 $0x3;
	[tilespmem:s18+$0x1D00] =	vst v47  }
0x10a: {  	s18 =	simm.s32 $0x0;
	_ =	swait.ge @!p0 [sflag:s8], $0x3000;
	v1 =	vsub.f32 $1.500000000e+00, v1  }
0x10b: {  	s9 =	sand.u32 $0x70, s18;
	s13 =	sand.u32 $0x1C00, s18;
	[sflag:s8] =	ssyncset.done @!p0 $0x0  }
0x10c: {  	s14 =	sor.u32 s9, s13;
	[sflag:s8] =	ssyncadd.s32 @!p0 $0xFFFFD000;
	v24 =	vmul.f32 v1, v2  }
0x10d: {  	v8 =	vimm.s32 $0x0;
	v60 =	vld [tilespmem:s14+$0x400]  }
0x10e: {  	v61 =	vld [tilespmem:s14+$0x480];
	v25 =	vimm.s32 $0x8;
	v23 =	vmul.f32 v24, v0;
	v37 =	vperm.xlane v24, v8  }
0x10f: {  	v1 =	vld [tilespmem:s14+$0x200];
	v35 =	vperm.xlane v24, v25;
	v34 =	vperm.xlane v24, v9  }
0x110: {  	v0 =	vld [tilespmem:s14+$0x280];
	v32 =	vperm.xlane v24, v10;
	v28 =	vperm.xlane v24, v11  }
0x111: {  	v2 =	vld [tilespmem:s14+$0x300];
	v29 =	vperm.xlane v24, v12;
	v27 =	vperm.xlane v24, v13  }
0x112: {  	s20 =	simm.s32 $0xF200;
	v7 =	vld [tilespmem:s14+$0x380];
	v40 =	vperm.xlane v23, v8;
	v39 =	vperm.xlane v23, v25  }
0x113: {  	v26 =	vld [tilespmem:s20+$0x0];
	v38 =	vperm.xlane v23, v9;
	v36 =	vperm.xlane v23, v10  }
0x114: {  	s21 =	simm.s32 $0xF500;
	v62 =	vld [tilespmem:s14+$0x500];
	v30 =	vperm.xlane v23, v11;
	v1 =	vmul.f32 v1, v37  }
0x115: {  	s19 =	simm.s32 $0x80;
	s20 =	simm.s32 $0x10;
	v31 =	vperm.xlane v23, v12;
	v25 =	vld [tilespmem:s21+$0x0];
	v0 =	vmul.f32 v0, v35  }
0x116: {  	s23 =	sand.u32 $0x1C00, s19;
	s22 =	sand.u32 $0x70, s20;
	v33 =	vperm.xlane v23, v13;
	v2 =	vmul.f32 v2, v34;
	v1 =	vsub.f32 v1, v40  }
0x117: {  	s21 =	sor.u32 s22, s23;
	v7 =	vmul.f32 v7, v32;
	v41 =	vmul.f32 v60, v28;
	v0 =	vsub.f32 v0, v39  }
0x118: {  	v42 =	vmul.f32 v61, v29;
	v63 =	vld [tilespmem:s21+$0x200];
	v2 =	vsub.f32 v2, v38;
	v1 =	vmul.f32 v1, v26  }
0x119: {  	v43 =	vmul.f32 v62, v27;
	v52 =	vld [tilespmem:s21+$0x280];
	v7 =	vsub.f32 v7, v36;
	v0 =	vmul.f32 v0, v26  }
0x11a: {  	v53 =	vld [tilespmem:s21+$0x300];
	v41 =	vsub.f32 v41, v30;
	v2 =	vmul.f32 v2, v26;
	v1 =	vadd.f32 v1, v25  }
0x11b: {  	v55 =	vld [tilespmem:s21+$0x400];
	v42 =	vsub.f32 v42, v31;
	v7 =	vmul.f32 v7, v26;
	v0 =	vadd.f32 v0, v25  }
0x11c: {  	v58 =	vld [tilespmem:s21+$0x500];
	v56 =	vsub.f32 v43, v33;
	[tilespmem:s14+$0x6200] =	vst v1;
	v1 =	vadd.f32 v2, v25;
	v2 =	vmul.f32 v41, v26  }
0x11d: {  	s24 =	simm.s32 $0xF210;
	v54 =	vld [tilespmem:s21+$0x380];
	[tilespmem:s14+$0x6280] =	vst v0;
	v0 =	vadd.f32 v7, v25;
	v7 =	vmul.f32 v42, v26  }
0x11e: {  	v43 =	vld [tilespmem:s24+$0x0];
	[tilespmem:s14+$0x6300] =	vst v1;
	v1 =	vadd.f32 v2, v25;
	v2 =	vmul.f32 v56, v26  }
0x11f: {  	s13 =	simm.s32 $0x100;
	s9 =	simm.s32 $0xF510;
	s22 =	simm.s32 $0x20;
	v57 =	vld [tilespmem:s21+$0x480];
	v44 =	vmul.f32 v63, v37;
	[tilespmem:s14+$0x6380] =	vst v0;
	v0 =	vadd.f32 v7, v25  }
0x120: {  	s15 =	sand.u32 $0x1C00, s13;
	s25 =	sand.u32 $0x70, s22;
	v59 =	vmul.f32 v55, v28;
	v42 =	vld [tilespmem:s9+$0x0];
	v7 =	vmul.f32 v52, v35;
	[tilespmem:s14+$0x6400] =	vst v1;
	v1 =	vadd.f32 v2, v25  }
0x121: {  	s2 =	sor.u32 s18, s18;
	s8 =	sor.u32 s25, s15;
	v61 =	vmul.f32 v58, v27;
	v44 =	vsub.f32 v44, v40;
	v2 =	vmul.f32 v53, v34;
	[tilespmem:s14+$0x6480] =	vst v0  }
0x122: {  	s23 =	sor.u32 $0x380, s2;
	v46 =	vld [tilespmem:s8+$0x200];
	v45 =	vsub.f32 v59, v30;
	v0 =	vmul.f32 v54, v32;
	v7 =	vsub.f32 v7, v39;
	[tilespmem:s14+$0x6500] =	vst v1  }
0x123: {  	v63 =	vsub.f32 v61, v33;
	v44 =	vmul.f32 v44, v43;
	v2 =	vsub.f32 v2, v38;
	v60 =	vld [tilespmem:s23+$0x200]  }
0x124: {  	v47 =	vld [tilespmem:s8+$0x280];
	v1 =	vmul.f32 v57, v29;
	v7 =	vmul.f32 v7, v43;
	v0 =	vsub.f32 v0, v36  }
0x125: {  	v48 =	vld [tilespmem:s8+$0x300];
	v41 =	vperm.xlane v24, v14;
	v44 =	vadd.f32 v44, v42;
	v2 =	vmul.f32 v2, v43  }
0x126: {  	v49 =	vld [tilespmem:s8+$0x380];
	v1 =	vsub.f32 v1, v31;
	v7 =	vadd.f32 v7, v42;
	v0 =	vmul.f32 v0, v43  }
0x127: {  	v50 =	vld [tilespmem:s8+$0x400];
	v62 =	vmul.f32 v45, v43;
	[tilespmem:s21+$0x6200] =	vst v44;
	v44 =	vperm.xlane v23, v14;
	v2 =	vadd.f32 v2, v42  }
0x128: {  	v52 =	vld [tilespmem:s8+$0x480];
	s14 =	simm.s32 $0xF220;
	v55 =	vmul.f32 v1, v43;
	[tilespmem:s21+$0x6280] =	vst v7;
	v53 =	vadd.f32 v0, v42;
	v51 =	vmul.f32 v60, v41  }
0x129: {  	s17 =	simm.s32 $0x30;
	s18 =	sshll.u32 s16, $0x7;
	s2 =	simm.s32 $0x100;
	v56 =	vmul.f32 v63, v43;
	v45 =	vld [tilespmem:s14+$0x0];
	v54 =	vadd.f32 v62, v42;
	[tilespmem:s21+$0x6300] =	vst v2  }
.LBB2_5:
0x12a: {  	p1 =	sne.s32 s17, $0x2F0;
	v0 =	vmul.f32 v46, v37;
	v1 =	vld [tilespmem:s8+$0x500];
	s13 =	sadd.s32 $0x80, s13;
	[tilespmem:s21+$0x6380] =	vst v53;
	v2 =	vadd.f32 v55, v42;
	s9 =	sadd.s32 $0x10, s9;
	v7 =	vsub.f32 v51, v44  }
0x12b: {  	s15 =	sand.u32 $0x70, s17;
	v47 =	vmul.f32 v47, v35;
	v48 =	vmul.f32 v48, v34;
	s24 =	sand.u32 $0x1C00, s13;
	v51 =	vld [tilespmem:s9+$0x0];
	[tilespmem:s21+$0x6400] =	vst v54;
	v53 =	vadd.f32 v56, v42  }
0x12c: {  	s20 =	sor.u32 s19, s20;
	s19 =	smov.u32 s2;
	v49 =	vmul.f32 v49, v32;
	s15 =	sor.u32 s15, s24;
	v0 =	vsub.f32 v0, v40;
	[tilespmem:s21+$0x6480] =	vst v2;
	v2 =	vmul.f32 v7, v26  }
0x12d: {  	s2 =	smov.u32 s13;
	v7 =	vsub.f32 v47, v39;
	v50 =	vmul.f32 v50, v28;
	s24 =	sor.u32 $0x380, s20;
	v46 =	vld [tilespmem:s15+$0x200];
	v52 =	vmul.f32 v52, v29;
	[tilespmem:s21+$0x6500] =	vst v53;
	s21 =	smov.u32 s8  }
0x12e: {  	s20 =	smov.u32 s22;
	s22 =	smov.u32 s17;
	v53 =	vsub.f32 v48, v38;
	s8 =	smov.u32 s15;
	v0 =	vmul.f32 v0, v45;
	v54 =	vld [tilespmem:s24+$0x200];
	v2 =	vadd.f32 v2, v25;
	v25 =	vmovc v42  }
0x12f: {  	v26 =	vmovc v43;
	v8 =	vsub.f32 v49, v36;
	v7 =	vmul.f32 v7, v45;
	v47 =	vld [tilespmem:s8+$0x280];
	v1 =	vmul.f32 v1, v27  }
.Ltmp3:
0x130: {  	v43 =	vmul.f32 v53, v45;
	v53 =	vsub.f32 v50, v30;
	v48 =	vld [tilespmem:s8+$0x300];
	v0 =	vadd.f32 v0, v51;
	[tilespmem:s23+$0x6200] =	vst v2;
	s23 =	smov.u32 s24;
	(pc) =	sbr.rel @p1 .LBB2_5-.Ltmp3, $4  }
0x131: {  	v55 =	vsub.f32 v52, v31;
	v2 =	vadd.f32 v7, v51;
	v7 =	vmul.f32 v8, v45;
	v42 =	vmovc v51;
	v49 =	vld [tilespmem:s8+$0x380]  }
0x132: {  	v8 =	vmul.f32 v53, v45;
	v1 =	vsub.f32 v1, v33;
	v50 =	vld [tilespmem:s8+$0x400];
	[tilespmem:s21+$0x6200] =	vst v0;
	v0 =	vadd.f32 v43, v42  }
0x133: {  	s14 =	sadd.s32 $0x10, s14;
	v55 =	vmul.f32 v55, v45;
	v53 =	vadd.f32 v7, v42;
	v52 =	vld [tilespmem:s8+$0x480];
	[tilespmem:s21+$0x6280] =	vst v2;
	v51 =	vmul.f32 v54, v41  }
0x134: {  	s17 =	sadd.s32 $0x10, s17;
	v54 =	vadd.f32 v8, v42;
	v56 =	vmul.f32 v1, v45;
	v43 =	vmov v45;
	[tilespmem:s21+$0x6300] =	vst v0;
	v45 =	vld [tilespmem:s14+$0x0]  }
0x135: {  	v0 =	vmul.f32 v46, v37;
	v1 =	vld [tilespmem:s8+$0x500];
	s9 =	sadd.s32 $0x10, s9  }
0x136: {  	v7 =	vmul.f32 v47, v35;
	v34 =	vmul.f32 v48, v34;
	v47 =	vld [tilespmem:s9+$0x0]  }
0x137: {  	v2 =	vadd.f32 v55, v42;
	v32 =	vmul.f32 v49, v32;
	v0 =	vsub.f32 v0, v40  }
0x138: {  	v7 =	vsub.f32 v7, v39;
	v28 =	vmul.f32 v50, v28;
	v34 =	vsub.f32 v34, v38  }
0x139: {  	[tilespmem:s21+$0x6380] =	vst v53;
	v48 =	vadd.f32 v56, v42;
	v29 =	vmul.f32 v52, v29;
	v0 =	vmul.f32 v0, v45  }
0x13a: {  	[tilespmem:s21+$0x6480] =	vst v2;
	v32 =	vsub.f32 v32, v36;
	v7 =	vmul.f32 v7, v45;
	v2 =	vmul.f32 v34, v45  }
0x13b: {  	[tilespmem:s21+$0x6400] =	vst v54;
	v1 =	vmul.f32 v1, v27;
	v27 =	vsub.f32 v28, v30;
	v0 =	vadd.f32 v0, v47  }
0x13c: {  	[tilespmem:s21+$0x6500] =	vst v48;
	v28 =	vmul.f32 v32, v45;
	v29 =	vsub.f32 v29, v31;
	v7 =	vadd.f32 v7, v47  }
0x13d: {  	v1 =	vsub.f32 v1, v33;
	[tilespmem:s8+$0x6200] =	vst v0;
	v0 =	vadd.f32 v2, v47;
	v2 =	vmul.f32 v27, v45  }
0x13e: {  	[tilespmem:s8+$0x6280] =	vst v7;
	v7 =	vadd.f32 v28, v47;
	v27 =	vmul.f32 v29, v45  }
0x13f: {  	v1 =	vmul.f32 v1, v45;
	[tilespmem:s8+$0x6300] =	vst v0;
	v0 =	vadd.f32 v2, v47  }
0x140: {  	[tilespmem:s8+$0x6380] =	vst v7;
	v2 =	vadd.f32 v27, v47  }
0x141: {  	s19 =	sor.u32 s19, s20;
	[tilespmem:s8+$0x6400] =	vst v0;
	v0 =	vadd.f32 v1, v47  }
0x142: {  	s2 =	sor.u32 s2, s22;
	s9 =	sor.u32 $0x380, s19;
	[tilespmem:s8+$0x6480] =	vst v2  }
0x143: {  	s2 =	sor.u32 $0x380, s2;
	v1 =	vld [tilespmem:s9+$0x200];
	[tilespmem:s8+$0x6500] =	vst v0  }
0x144: {  	v0 =	vld [tilespmem:s2+$0x200];
	_ =	sdelay $0x3  }
0x145: {  	v1 =	vmul.f32 v1, v41  }
0x146: {  	v2 =	vsub.f32 v51, v44;
	v0 =	vmul.f32 v0, v41  }
0x147: {  	v1 =	vsub.f32 v1, v44  }
0x148: {  	v2 =	vmul.f32 v2, v26;
	v0 =	vsub.f32 v0, v44  }
0x149: {  	v1 =	vmul.f32 v1, v43  }
0x14a: {  	v2 =	vadd.f32 v2, v25;
	v0 =	vmul.f32 v0, v45  }
0x14b: {  	v1 =	vadd.f32 v1, v42  }
0x14c: {  	s20 =	simm.s32 $0x0;
	[tilespmem:s23+$0x6200] =	vst v2;
	v0 =	vadd.f32 v0, v47  }
0x14d: {  	s21 =	sand.u32 $0x70, s20;
	s8 =	sand.u32 $0x1C00, s20;
	[tilespmem:s9+$0x6200] =	vst v1  }
0x14e: {  	s19 =	sor.u32 s21, s8;
	[tilespmem:s2+$0x6200] =	vst v0  }
0x14f: {  	v0 =	vld [tilespmem:s19+$0x1D80]  }
0x150: {  	v35 =	vperm.xlane v23, v16;
	v37 =	vperm.xlane v23, v22;
	v1 =	vld [tilespmem:s19+$0x1A00]  }
0x151: {  	v38 =	vperm.xlane v24, v22;
	v36 =	vperm.xlane v23, v15;
	v2 =	vld [tilespmem:s19+$0x1A80]  }
0x152: {  	v34 =	vperm.xlane v24, v15;
	v31 =	vperm.xlane v23, v17;
	v7 =	vld [tilespmem:s19+$0x1B00]  }
0x153: {  	v30 =	vperm.xlane v23, v19;
	v32 =	vperm.xlane v23, v20;
	v50 =	vld [tilespmem:s19+$0x1B80]  }
0x154: {  	s24 =	simm.s32 $0x10;
	s25 =	simm.s32 $0x80;
	v33 =	vperm.xlane v24, v16;
	v29 =	vperm.xlane v24, v17;
	v51 =	vld [tilespmem:s19+$0x1C00]  }
0x155: {  	v28 =	vperm.xlane v24, v18;
	v27 =	vperm.xlane v24, v19;
	s8 =	sand.u32 $0x1C00, s25;
	s2 =	sand.u32 $0x70, s24;
	v52 =	vld [tilespmem:s19+$0x1C80]  }
0x156: {  	v26 =	vperm.xlane v24, v20;
	v25 =	vperm.xlane v24, v21;
	v53 =	vld [tilespmem:s19+$0x1D00];
	s20 =	sor.u32 s2, s8  }
0x157: {  	s22 =	simm.s32 $0xF200;
	v24 =	vperm.xlane v23, v18;
	v23 =	vperm.xlane v23, v21;
	v57 =	vld [tilespmem:s20+$0x1B00]  }
0x158: {  	v44 =	vld [tilespmem:s22+$0x0];
	v0 =	vmul.f32 v0, v38;
	v1 =	vmul.f32 v1, v34  }
0x159: {  	s23 =	simm.s32 $0xF500;
	v2 =	vmul.f32 v2, v33;
	v7 =	vmul.f32 v7, v29  }
0x15a: {  	v39 =	vld [tilespmem:s23+$0x0];
	v40 =	vmul.f32 v50, v28;
	v41 =	vmul.f32 v51, v27  }
0x15b: {  	v42 =	vmul.f32 v52, v26;
	v43 =	vmul.f32 v53, v25;
	v0 =	vsub.f32 v0, v37  }
0x15c: {  	v54 =	vld [tilespmem:s20+$0x1D80];
	v50 =	vmul.f32 v57, v29;
	v1 =	vsub.f32 v1, v36;
	v2 =	vsub.f32 v2, v35  }
0x15d: {  	v55 =	vld [tilespmem:s20+$0x1A00];
	v7 =	vsub.f32 v7, v31;
	v40 =	vsub.f32 v40, v24;
	v0 =	vmul.f32 v0, v44  }
0x15e: {  	v56 =	vld [tilespmem:s20+$0x1A80];
	v41 =	vsub.f32 v41, v30;
	v59 =	vsub.f32 v42, v32;
	v1 =	vmul.f32 v1, v44  }
0x15f: {  	s8 =	simm.s32 $0xF210;
	v61 =	vsub.f32 v43, v23;
	v2 =	vmul.f32 v2, v44;
	v0 =	vadd.f32 v0, v39  }
0x160: {  	v7 =	vmul.f32 v7, v44;
	v58 =	vmul.f32 v40, v44;
	v40 =	vld [tilespmem:s8+$0x0];
	v1 =	vadd.f32 v1, v39  }
0x161: {  	s2 =	simm.s32 $0xF510;
	v42 =	vld [tilespmem:s20+$0x1B80];
	v60 =	vmul.f32 v41, v44;
	v2 =	vadd.f32 v2, v39;
	[tilespmem:s19+$0x7D80] =	vst v0;
	v0 =	vmul.f32 v54, v38  }
0x162: {  	v41 =	vld [tilespmem:s2+$0x0];
	v63 =	vmul.f32 v59, v44;
	v7 =	vadd.f32 v7, v39;
	[tilespmem:s19+$0x7A00] =	vst v1;
	v1 =	vmul.f32 v55, v34  }
0x163: {  	v43 =	vld [tilespmem:s20+$0x1C00];
	v62 =	vadd.f32 v58, v39;
	[tilespmem:s19+$0x7A80] =	vst v2;
	v2 =	vmul.f32 v56, v33;
	v0 =	vsub.f32 v0, v37  }
0x164: {  	s13 =	simm.s32 $0x20;
	s9 =	simm.s32 $0x100;
	v46 =	vmul.f32 v61, v44;
	v44 =	vld [tilespmem:s20+$0x1C80];
	v47 =	vadd.f32 v60, v39;
	[tilespmem:s19+$0x7B00] =	vst v7;
	v49 =	vsub.f32 v1, v36  }
0x165: {  	s14 =	sand.u32 $0x70, s13;
	s13 =	simm.s32 $0x30;
	s15 =	sand.u32 $0x1C00, s9;
	v45 =	vld [tilespmem:s20+$0x1D00];
	v48 =	vadd.f32 v63, v39;
	[tilespmem:s19+$0x7B80] =	vst v62;
	v51 =	vsub.f32 v2, v35;
	v52 =	vmul.f32 v0, v40  }
.LBB2_7:
0x166: {  	p1 =	sne.s32 s13, $0x2F0;
	s14 =	sor.u32 s14, s15;
	v0 =	vmul.f32 v49, v40;
	v1 =	vsub.f32 v50, v31;
	v2 =	vmul.f32 v42, v28;
	[tilespmem:s19+$0x7C00] =	vst v47  }
0x167: {  	v46 =	vadd.f32 v46, v39;
	v7 =	vld [tilespmem:s14+$0x1D80];
	v42 =	vmul.f32 v51, v40;
	v47 =	vadd.f32 v52, v41;
	[tilespmem:s19+$0x7C80] =	vst v48  }
0x168: {  	v39 =	vmovc v41;
	v48 =	vld [tilespmem:s14+$0x1A00];
	v1 =	vmul.f32 v1, v40;
	v2 =	vsub.f32 v2, v24;
	v43 =	vmul.f32 v43, v27  }
0x169: {  	v0 =	vadd.f32 v0, v39;
	v49 =	vld [tilespmem:s14+$0x1A80];
	v41 =	vadd.f32 v42, v39;
	v42 =	vmul.f32 v44, v26;
	[tilespmem:s20+$0x7D80] =	vst v47  }
0x16a: {  	s8 =	sadd.s32 $0x10, s8;
	v44 =	vld [tilespmem:s14+$0x1B00];
	v2 =	vmul.f32 v2, v40;
	v43 =	vsub.f32 v43, v30;
	v45 =	vmul.f32 v45, v25;
	[tilespmem:s19+$0x7D00] =	vst v46;
	s19 =	smov.u32 s20;
	s20 =	smov.u32 s14  }
0x16b: {  	v53 =	vld [tilespmem:s8+$0x0];
	[tilespmem:s19+$0x7A00] =	vst v0;
	v0 =	vadd.f32 v1, v39;
	v1 =	vsub.f32 v42, v32  }
.Ltmp4:
0x16c: {  	s2 =	sadd.s32 $0x10, s2;
	v42 =	vld [tilespmem:s20+$0x1B80];
	v7 =	vmul.f32 v7, v38;
	[tilespmem:s19+$0x7A80] =	vst v41;
	v47 =	vmul.f32 v43, v40;
	v45 =	vsub.f32 v45, v23;
	(pc) =	sbr.rel @p1 .LBB2_7-.Ltmp4, $4  }
0x16d: {  	v41 =	vld [tilespmem:s2+$0x0];
	v48 =	vmul.f32 v48, v34;
	[tilespmem:s19+$0x7B00] =	vst v0;
	v0 =	vadd.f32 v2, v39;
	v1 =	vmul.f32 v1, v40  }
0x16e: {  	v2 =	vmul.f32 v49, v33;
	v43 =	vld [tilespmem:s20+$0x1C00];
	v7 =	vsub.f32 v7, v37;
	v46 =	vmul.f32 v45, v40  }
0x16f: {  	s9 =	sadd.s32 $0x80, s9;
	v47 =	vadd.f32 v47, v39;
	v49 =	vsub.f32 v48, v36;
	v50 =	vmul.f32 v44, v29;
	v44 =	vld [tilespmem:s20+$0x1C80];
	[tilespmem:s19+$0x7B80] =	vst v0  }
0x170: {  	s15 =	sand.u32 $0x1C00, s9;
	s14 =	sand.u32 $0x70, s13;
	s13 =	sadd.s32 $0x10, s13;
	v48 =	vadd.f32 v1, v39;
	v51 =	vsub.f32 v2, v35;
	v45 =	vld [tilespmem:s20+$0x1D00];
	v52 =	vmul.f32 v7, v53;
	v40 =	vmovc v53  }
0x171: {  	s9 =	sor.u32 s14, s15  }
0x172: {  	v7 =	vld [tilespmem:s9+$0x1D80]  }
0x173: {  	v61 =	vld [tilespmem:s9+$0x1A00]  }
0x174: {  	v0 =	vmul.f32 v49, v40;
	v1 =	vsub.f32 v50, v31;
	v2 =	vmul.f32 v42, v28;
	v62 =	vld [tilespmem:s9+$0x1A80]  }
0x175: {  	v39 =	vadd.f32 v46, v39;
	v59 =	vmul.f32 v51, v40;
	v60 =	vadd.f32 v52, v41;
	v63 =	vld [tilespmem:s9+$0x1B00]  }
0x176: {  	v53 =	vld [tilespmem:s9+$0x1B80];
	v1 =	vmul.f32 v1, v40;
	v2 =	vsub.f32 v2, v24;
	v43 =	vmul.f32 v43, v27  }
0x177: {  	v58 =	vld [tilespmem:s9+$0x1C00];
	v0 =	vadd.f32 v0, v41;
	v42 =	vadd.f32 v59, v41;
	v44 =	vmul.f32 v44, v26  }
0x178: {  	s8 =	sadd.s32 $0x10, s8;
	[tilespmem:s19+$0x7C00] =	vst v47;
	v2 =	vmul.f32 v2, v40;
	v43 =	vsub.f32 v43, v30;
	v45 =	vmul.f32 v45, v25  }
0x179: {  	v52 =	vld [tilespmem:s8+$0x0];
	[tilespmem:s19+$0x7C80] =	vst v48;
	v1 =	vadd.f32 v1, v41;
	v44 =	vsub.f32 v44, v32;
	v7 =	vmul.f32 v7, v38  }
0x17a: {  	s2 =	sadd.s32 $0x10, s2;
	[tilespmem:s19+$0x7D00] =	vst v39;
	v54 =	vmul.f32 v43, v40;
	v55 =	vsub.f32 v45, v23;
	v34 =	vmul.f32 v61, v34  }
0x17b: {  	v56 =	vld [tilespmem:s2+$0x0];
	[tilespmem:s20+$0x7D80] =	vst v60;
	v2 =	vadd.f32 v2, v41;
	v33 =	vmul.f32 v62, v33;
	v29 =	vmul.f32 v63, v29  }
0x17c: {  	v59 =	vld [tilespmem:s9+$0x1C80];
	[tilespmem:s20+$0x7A00] =	vst v0;
	v28 =	vmul.f32 v53, v28;
	v27 =	vmul.f32 v58, v27;
	v0 =	vsub.f32 v7, v37  }
0x17d: {  	[tilespmem:s20+$0x7A80] =	vst v42;
	v61 =	vld [tilespmem:s9+$0x1D00];
	v57 =	vmul.f32 v44, v40;
	v7 =	vmul.f32 v55, v40;
	v34 =	vsub.f32 v34, v36  }
0x17e: {  	[tilespmem:s20+$0x7B00] =	vst v1;
	v60 =	vadd.f32 v54, v41;
	v33 =	vsub.f32 v33, v35;
	v0 =	vmul.f32 v0, v52  }
0x17f: {  	[tilespmem:s20+$0x7B80] =	vst v2;
	v2 =	vsub.f32 v29, v31;
	v1 =	vadd.f32 v57, v41;
	v34 =	vmul.f32 v34, v52  }
0x180: {  	v29 =	vmul.f32 v33, v52;
	[tilespmem:s20+$0x7C00] =	vst v60;
	v7 =	vadd.f32 v7, v41;
	v0 =	vadd.f32 v0, v56  }
0x181: {  	[tilespmem:s20+$0x7C80] =	vst v1;
	v1 =	vmul.f32 v2, v52;
	v2 =	vsub.f32 v28, v24;
	v24 =	vmul.f32 v59, v26  }
0x182: {  	v25 =	vmul.f32 v61, v25;
	v26 =	vadd.f32 v34, v56;
	[tilespmem:s9+$0x7D80] =	vst v0;
	v0 =	vsub.f32 v27, v30  }
0x183: {  	[tilespmem:s20+$0x7D00] =	vst v7;
	v2 =	vmul.f32 v2, v52;
	v7 =	vsub.f32 v24, v32;
	v1 =	vadd.f32 v1, v56  }
0x184: {  	v23 =	vsub.f32 v25, v23;
	v27 =	vadd.f32 v29, v56;
	[tilespmem:s9+$0x7A00] =	vst v26;
	v0 =	vmul.f32 v0, v52  }
0x185: {  	v2 =	vadd.f32 v2, v56;
	v7 =	vmul.f32 v7, v52;
	[tilespmem:s9+$0x7B00] =	vst v1  }
0x186: {  	s19 =	smul.u32 $0xC0000, s16;
	v1 =	vmul.f32 v23, v52;
	[tilespmem:s9+$0x7A80] =	vst v27;
	v0 =	vadd.f32 v0, v56  }
0x187: {  	[tilespmem:s9+$0x7B80] =	vst v2;
	v2 =	vadd.f32 v7, v56  }
0x188: {  	s22 =	sadd.s32 s7, s19;
	[tilespmem:s9+$0x7C00] =	vst v0;
	v0 =	vadd.f32 v1, v56  }
0x189: {  	s2 =	sshrl.u32 s22, $0x3;
	[tilespmem:s9+$0x7C80] =	vst v2  }
0x18a: {  	p1 =	seq.s32 s16, $0xF;
	s2 =	sadd.s32 s5, s2;
	[tilespmem:s9+$0x7D00] =	vst v0  }
0x18b: {  	[hbm4b:s2+s6] =	stream.linear.scatter [tilespmem:s4], [sflag:$0x3], $0x3000, $0x38;
	[tilespmem:$0xF800] =	vst v63  }
0x18c: {  	s2 =	sshrl.u32 @!p1 s18, $0x2  }
0x18d: {  	v0 =	vld @!p1 [tilespmem:s2+$0x20];
	_ =	sdelay $0x4  }
0x18e: {  	v1 =	vshrl.u32 @!p1 v0, $0x3  }
0x18f: {  	v1 =	vmul.u32 @!p1 $0x30, v1  }
0x190: {  	v2 =	vlaneseq.u32 @!p1;
	v0 =	vand.u32 @!p1 $0x7, v0  }
0x191: {  	v7 =	vshrl.u32 @!p1 v2, $0x3;
	v0 =	vor.u32 @!p1 v0, v1;
	v1 =	vand.u32 @!p1 $0x7, v2  }
0x192: {  	v7 =	vmul.u32 @!p1 $0x8, v7;
	v1 =	vperm.xlane @!p1 v0, v1;
	_ =	sdelay $0x1  }
0x193: {  	v1 =	vadd.s32 @!p1 v7, v1;
	_ =	sdelay $0x2  }
0x194: {  	v2 =	vor.u32 @!p1 $0x8, v2  }
0x195: {  	vm5 =	vmmov @!p1 $0xffff;
	s8 =	simm.s32 @!p1 $0x200;
	s2 =	simm.s32 @!p1 $0x0;
	v0 =	vperm.xlane @!p1 v0, v2  }
0x196: {  	[tilespmem:s8], [sflag:$0x1] =	stream.indirect_vreg.gather @!p1 [hbm4b:s0+s2], $0x80, v1, vm5, $0xb8;
	[tilespmem:$0xF800] =	vst v63  }
0x197: {  	v0 =	vadd.s32 @!p1 v7, v0;
	s8 =	simm.s32 @!p1 $0xA00  }
0x198: {  	[tilespmem:s8], [sflag:$0x1] =	stream.indirect_vreg.gather @!p1 [hbm4b:s10+s2], $0x80, v1, vm5, $0xb8;
	[tilespmem:$0xF800] =	vst v63  }
0x199: {  	s8 =	simm.s32 @!p1 $0x1200  }
0x19a: {  	[tilespmem:s8], [sflag:$0x1] =	stream.indirect_vreg.gather @!p1 [hbm4b:s11+s2], $0x80, v1, vm5, $0xb8;
	[tilespmem:$0xF800] =	vst v63  }
0x19b: {  	s8 =	simm.s32 @!p1 $0x1A00  }
0x19c: {  	[tilespmem:s8], [sflag:$0x1] =	stream.indirect_vreg.gather @!p1 [hbm4b:s0+s2], $0x80, v0, vm5, $0xb8;
	[tilespmem:$0xF800] =	vst v63  }
0x19d: {  	s8 =	simm.s32 @!p1 $0x2200  }
0x19e: {  	[tilespmem:s8], [sflag:$0x1] =	stream.indirect_vreg.gather @!p1 [hbm4b:s10+s2], $0x80, v0, vm5, $0xb8;
	[tilespmem:$0xF800] =	vst v63  }
0x19f: {  	s8 =	simm.s32 @!p1 $0x2A00  }
0x1a0: {  	[tilespmem:s8], [sflag:$0x1] =	stream.indirect_vreg.gather @!p1 [hbm4b:s11+s2], $0x80, v0, vm5, $0xb8;
	[tilespmem:$0xF800] =	vst v63  }
0x1a1: {  	s21 =	simm.s32 $0x0;
	_ =	swait.ge [sflag:s3], $0x3000  }
0x1a2: {  	s23 =	sand.u32 $0x70, s21;
	s24 =	sand.u32 $0x1C00, s21;
	[sflag:s3] =	ssyncset.done $0x0  }
0x1a3: {  	s20 =	sor.u32 s23, s24;
	[sflag:s3] =	ssyncadd.s32 $0xFFFFD000  }
0x1a4: {  	v0 =	vld [tilespmem:s20+$0xC380]  }
0x1a5: {  	v2 =	vld [tilespmem:s20+$0xC480]  }
0x1a6: {  	v23 =	vld [tilespmem:s20+$0xC280]  }
0x1a7: {  	v25 =	vld [tilespmem:s20+$0x3380]  }
0x1a8: {  	v26 =	vld [tilespmem:s20+$0xC300]  }
0x1a9: {  	v27 =	vld [tilespmem:s20+$0x3280]  }
0x1aa: {  	v28 =	vld [tilespmem:s20+$0x3300]  }
0x1ab: {  	v50 =	vimm.f32 $0.0e+00;
	v29 =	vld [tilespmem:s20+$0xC200]  }
0x1ac: {  	v49 =	vimm.f32 $0.0e+00;
	v46 =	vimm.f32 $0.0e+00;
	v47 =	vimm.f32 $0.0e+00;
	v30 =	vld [tilespmem:s20+$0x3200]  }
0x1ad: {  	v51 =	vimm.f32 $0.0e+00;
	v48 =	vimm.f32 $0.0e+00;
	v39 =	vimm.f32 $0.0e+00;
	v24 =	vld [tilespmem:s20+$0x3480]  }
0x1ae: {  	v42 =	vimm.f32 $0.0e+00;
	v38 =	vimm.f32 $0.0e+00;
	v53 =	vimm.f32 $0.0e+00;
	v1 =	vld [tilespmem:s20+$0xC500]  }
0x1af: {  	v43 =	vimm.f32 $0.0e+00;
	v45 =	vimm.f32 $0.0e+00;
	v44 =	vimm.f32 $0.0e+00;
	v7 =	vld [tilespmem:s20+$0xC400]  }
0x1b0: {  	v54 =	vimm.f32 $0.0e+00;
	v0 =	vadd.f32 v0, v25;
	v25 =	vld [tilespmem:s20+$0x3500];
	v62 =	vadd.f32 v23, v27  }
0x1b1: {  	v40 =	vimm.f32 $0.0e+00;
	v27 =	vld [tilespmem:s20+$0x3400];
	v28 =	vadd.f32 v26, v28;
	v30 =	vadd.f32 v29, v30  }
0x1b2: {  	v41 =	vimm.f32 $0.0e+00;
	v2 =	vadd.f32 v2, v24;
	v31 =	vadd.f32 v0, v38;
	[tilespmem:s20+$0x3380] =	vst v0  }
0x1b3: {  	v23 =	vmul.f32 v0, v0;
	v32 =	vadd.f32 v62, v38;
	v33 =	vadd.f32 v28, v38;
	[tilespmem:s20+$0x3300] =	vst v28  }
0x1b4: {  	v24 =	vmul.f32 v30, v30;
	v37 =	vadd.f32 v30, v38;
	v34 =	vadd.f32 v2, v38;
	[tilespmem:s20+$0x3280] =	vst v62  }
0x1b5: {  	v63 =	vmul.f32 v62, v62;
	v0 =	vmul.f32 v28, v28;
	[tilespmem:s20+$0x3200] =	vst v30;
	v1 =	vadd.f32 v1, v25  }
0x1b6: {  	[tilespmem:s20+$0x3480] =	vst v2;
	v23 =	vadd.f32 v23, v38;
	v7 =	vadd.f32 v7, v27;
	v25 =	vmul.f32 v2, v2  }
0x1b7: {  	s25 =	sor.u32 s21, s21;
	v26 =	vadd.f32 v24, v38;
	v28 =	vadd.f32 v0, v38;
	v27 =	vmul.f32 v1, v1;
	[tilespmem:s20+$0x3500] =	vst v1  }
0x1b8: {  	s2 =	sor.u32 $0x380, s25;
	v29 =	vmul.f32 v7, v7;
	v36 =	vadd.f32 v7, v38;
	v25 =	vadd.f32 v25, v38;
	[tilespmem:s20+$0x3400] =	vst v7  }
0x1b9: {  	v52 =	vimm.f32 $0.0e+00;
	v35 =	vadd.f32 v1, v38;
	v55 =	vld [tilespmem:s2+$0x3200];
	v24 =	vadd.f32 v27, v38  }
0x1ba: {  	s8 =	simm.s32 $0x10;
	v30 =	vimm.f32 $0.0e+00;
	v56 =	vld [tilespmem:s2+$0xC200];
	v27 =	vadd.f32 v29, v38;
	v29 =	vadd.f32 v63, v38  }
.LBB2_9:
0x1bb: {  	p2 =	sne.s32 s8, $0x2F0  }
0x1bc: {  	s21 =	sadd.s32 $0x80, s21;
	s9 =	smov.u32 s8;
	s8 =	sadd.s32 $0x10, s8  }
0x1bd: {  	_ =	sdelay $0x1  }
0x1be: {  	v0 =	vadd.f32 v56, v55;
	_ =	sdelay $0x1  }
0x1bf: {  	[tilespmem:s2+$0x3200] =	vst v0;
	v38 =	vadd.f32 v0, v38;
	v0 =	vmul.f32 v0, v0  }
0x1c0: {  	v1 =	vld [tilespmem:s20+$0x4A00]  }
0x1c1: {  	v53 =	vadd.f32 v0, v53;
	v0 =	vld [tilespmem:s20+$0xDA00]  }
0x1c2: {  	v2 =	vld [tilespmem:s20+$0x4A80]  }
0x1c3: {  	v7 =	vld [tilespmem:s20+$0xDA80]  }
0x1c4: {  	v55 =	vld [tilespmem:s20+$0x4B00]  }
0x1c5: {  	v56 =	vld [tilespmem:s20+$0xDB00]  }
0x1c6: {  	v0 =	vadd.f32 v0, v1;
	v1 =	vld [tilespmem:s20+$0x4B80]  }
0x1c7: {  	v57 =	vld [tilespmem:s20+$0xDB80]  }
0x1c8: {  	[tilespmem:s20+$0x4A00] =	vst v0;
	v54 =	vadd.f32 v0, v54;
	v0 =	vmul.f32 v0, v0;
	v2 =	vadd.f32 v7, v2;
	v7 =	vld [tilespmem:s20+$0x4C00]  }
0x1c9: {  	v58 =	vld [tilespmem:s20+$0xDC00]  }
0x1ca: {  	v51 =	vadd.f32 v0, v51;
	[tilespmem:s20+$0x4A80] =	vst v2;
	v52 =	vadd.f32 v2, v52;
	v0 =	vmul.f32 v2, v2;
	v2 =	vld [tilespmem:s20+$0x4C80]  }
0x1cb: {  	v55 =	vadd.f32 v56, v55;
	v56 =	vld [tilespmem:s20+$0xDC80]  }
0x1cc: {  	v50 =	vadd.f32 v0, v50;
	v0 =	vadd.f32 v57, v1;
	v1 =	vld [tilespmem:s20+$0x4D00]  }
0x1cd: {  	v48 =	vadd.f32 v55, v48;
	[tilespmem:s20+$0x4B00] =	vst v55;
	v55 =	vmul.f32 v55, v55;
	v57 =	vld [tilespmem:s20+$0xDD00]  }
0x1ce: {  	s13 =	sand.u32 $0x1C00, s21;
	s2 =	sand.u32 $0x70, s9;
	[tilespmem:s20+$0x4B80] =	vst v0;
	v49 =	vadd.f32 v0, v49;
	v0 =	vmul.f32 v0, v0;
	v7 =	vadd.f32 v58, v7;
	v58 =	vld [tilespmem:s20+$0x4D80]  }
0x1cf: {  	s2 =	sor.u32 s2, s13;
	v46 =	vadd.f32 v55, v46;
	v55 =	vld [tilespmem:s20+$0xDD80]  }
0x1d0: {  	v59 =	vld [tilespmem:s2+$0xC380];
	v47 =	vadd.f32 v0, v47;
	[tilespmem:s20+$0x4C00] =	vst v7;
	v0 =	vmul.f32 v7, v7;
	v2 =	vadd.f32 v56, v2  }
0x1d1: {  	v43 =	vadd.f32 v7, v43;
	v56 =	vld [tilespmem:s2+$0xC500]  }
0x1d2: {  	v7 =	vld [tilespmem:s2+$0xC480];
	v44 =	vadd.f32 v0, v44;
	[tilespmem:s20+$0x4C80] =	vst v2;
	v0 =	vmul.f32 v2, v2;
	v1 =	vadd.f32 v57, v1  }
0x1d3: {  	v45 =	vadd.f32 v2, v45;
	v57 =	vld [tilespmem:s2+$0xC400]  }
0x1d4: {  	v2 =	vld [tilespmem:s2+$0x3480];
	v39 =	vadd.f32 v0, v39;
	[tilespmem:s20+$0x4D00] =	vst v1;
	v0 =	vmul.f32 v1, v1;
	v55 =	vadd.f32 v55, v58  }
0x1d5: {  	v40 =	vadd.f32 v1, v40;
	v58 =	vld [tilespmem:s2+$0xC280]  }
0x1d6: {  	v1 =	vld [tilespmem:s2+$0x3380];
	v41 =	vadd.f32 v0, v41;
	[tilespmem:s20+$0x4D80] =	vst v55;
	v42 =	vadd.f32 v55, v42;
	v0 =	vmul.f32 v55, v55;
	s20 =	smov.u32 s2  }
0x1d7: {  	v55 =	vld [tilespmem:s20+$0xC300]  }
0x1d8: {  	v60 =	vld [tilespmem:s20+$0x3280];
	v30 =	vadd.f32 v0, v30  }
0x1d9: {  	v0 =	vld [tilespmem:s20+$0x3300]  }
0x1da: {  	v61 =	vld [tilespmem:s20+$0xC200]  }
0x1db: {  	v62 =	vld [tilespmem:s20+$0x3200];
	v1 =	vadd.f32 v59, v1  }
0x1dc: {  	v59 =	vld [tilespmem:s20+$0x3500]  }
0x1dd: {  	v58 =	vadd.f32 v58, v60;
	v31 =	vadd.f32 v1, v31;
	v60 =	vmul.f32 v1, v1;
	v63 =	vld [tilespmem:s20+$0x3400]  }
0x1de: {  	v0 =	vadd.f32 v55, v0  }
0x1df: {  	v32 =	vadd.f32 v58, v32;
	v8 =	vmul.f32 v58, v58;
	[tilespmem:s20+$0x3380] =	vst v1;
	v23 =	vadd.f32 v60, v23  }
0x1e0: {  	v1 =	vadd.f32 v61, v62;
	[tilespmem:s20+$0x3300] =	vst v0;
	v33 =	vadd.f32 v0, v33;
	v0 =	vmul.f32 v0, v0  }
0x1e1: {  	v2 =	vadd.f32 v7, v2;
	[tilespmem:s20+$0x3280] =	vst v58;
	v7 =	vadd.f32 v56, v59  }
0x1e2: {  	[tilespmem:s20+$0x3200] =	vst v1;
	v37 =	vadd.f32 v1, v37;
	v1 =	vmul.f32 v1, v1;
	v55 =	vadd.f32 v57, v63  }
.Ltmp5:
0x1e3: {  	v34 =	vadd.f32 v2, v34;
	v56 =	vmul.f32 v2, v2;
	[tilespmem:s20+$0x3500] =	vst v7;
	v57 =	vmul.f32 v7, v7;
	(pc) =	sbr.rel @p2 .LBB2_9-.Ltmp5, $4  }
0x1e4: {  	s2 =	sor.u32 s21, s9;
	v26 =	vadd.f32 v1, v26;
	v36 =	vadd.f32 v55, v36;
	v1 =	vmul.f32 v55, v55;
	[tilespmem:s20+$0x3480] =	vst v2  }
0x1e5: {  	s2 =	sor.u32 $0x380, s2;
	v25 =	vadd.f32 v56, v25;
	[tilespmem:s20+$0x3400] =	vst v55;
	v24 =	vadd.f32 v57, v24  }
0x1e6: {  	v35 =	vadd.f32 v7, v35;
	v27 =	vadd.f32 v1, v27;
	v55 =	vld [tilespmem:s2+$0x3200]  }
0x1e7: {  	v29 =	vadd.f32 v8, v29;
	v28 =	vadd.f32 v0, v28;
	v56 =	vld [tilespmem:s2+$0xC200]  }
0x1e8: {  	_ =	sdelay $0x3  }
0x1e9: {  	v0 =	vadd.f32 v56, v55;
	_ =	sdelay $0x1  }
0x1ea: {  	[tilespmem:s2+$0x3200] =	vst v0  }
0x1eb: {  	v1 =	vld [tilespmem:s20+$0x4A00]  }
0x1ec: {  	v2 =	vld [tilespmem:s20+$0xDA00]  }
0x1ed: {  	v7 =	vld [tilespmem:s20+$0x4A80]  }
0x1ee: {  	v8 =	vld [tilespmem:s20+$0xDA80]  }
0x1ef: {  	v60 =	vld [tilespmem:s20+$0x4B00]  }
0x1f0: {  	v61 =	vld [tilespmem:s20+$0xDB00];
	_ =	sdelay $0x1  }
0x1f1: {  	v57 =	vld [tilespmem:s20+$0xDB80]  }
0x1f2: {  	v58 =	vld [tilespmem:s20+$0xDC00]  }
0x1f3: {  	v59 =	vld [tilespmem:s20+$0x4C80];
	v1 =	vadd.f32 v2, v1  }
0x1f4: {  	v56 =	vld [tilespmem:s20+$0xDC80];
	v7 =	vadd.f32 v8, v7;
	v55 =	vadd.f32 v61, v60;
	v61 =	vmul.f32 v0, v0  }
0x1f5: {  	v2 =	vld [tilespmem:s20+$0x4B80];
	v0 =	vadd.f32 v0, v38;
	v62 =	vmul.f32 v1, v1  }
0x1f6: {  	v8 =	vld [tilespmem:s20+$0x4C00];
	[tilespmem:s20+$0x4A00] =	vst v1;
	v53 =	vadd.f32 v61, v53;
	v1 =	vadd.f32 v1, v54;
	v63 =	vmul.f32 v7, v7  }
0x1f7: {  	[tilespmem:s20+$0x4A80] =	vst v7;
	v7 =	vadd.f32 v7, v52;
	v61 =	vmul.f32 v55, v55;
	v48 =	vadd.f32 v55, v48  }
0x1f8: {  	v51 =	vadd.f32 v62, v51;
	v50 =	vadd.f32 v63, v50  }
0x1f9: {  	v60 =	vld [tilespmem:s20+$0x4D00];
	v54 =	vadd.f32 v61, v46;
	v46 =	vadd.f32 v56, v59  }
0x1fa: {  	[tilespmem:s20+$0x4B00] =	vst v55;
	v52 =	vld [tilespmem:s20+$0x4D80];
	v61 =	vperm.xlane v32, v3;
	v55 =	vperm.xlane v7, v3;
	v2 =	vadd.f32 v57, v2  }
0x1fb: {  	v57 =	vld [tilespmem:s20+$0xDD00];
	v38 =	vadd.f32 v58, v8;
	v45 =	vadd.f32 v46, v45  }
0x1fc: {  	v8 =	vld [tilespmem:s20+$0xDD80];
	v32 =	vadd.f32 v61, v32;
	v61 =	vperm.xlane v34, v3;
	v7 =	vadd.f32 v55, v7  }
0x1fd: {  	[tilespmem:s20+$0x4B80] =	vst v2;
	v49 =	vadd.f32 v2, v49;
	v2 =	vmul.f32 v2, v2;
	v62 =	vmul.f32 v38, v38  }
0x1fe: {  	v63 =	vmul.f32 v46, v46;
	v56 =	vadd.f32 v38, v43;
	v34 =	vadd.f32 v61, v34  }
0x1ff: {  	v2 =	vadd.f32 v2, v47;
	v44 =	vadd.f32 v62, v44;
	v62 =	vperm.xlane v33, v3  }
0x200: {  	v58 =	vperm.xlane v49, v3;
	v59 =	vperm.xlane v56, v3;
	v47 =	vadd.f32 v57, v60  }
0x201: {  	v43 =	vadd.f32 v8, v52;
	v8 =	vadd.f32 v63, v39;
	v60 =	vperm.xlane v37, v3  }
0x202: {  	v63 =	vperm.xlane v31, v3;
	v52 =	vperm.xlane v1, v3;
	v33 =	vadd.f32 v62, v33  }
0x203: {  	v62 =	vperm.xlane v35, v3;
	v57 =	vmul.f32 v47, v47;
	v39 =	vadd.f32 v47, v40  }
0x204: {  	v42 =	vadd.f32 v43, v42;
	v37 =	vadd.f32 v60, v37;
	v60 =	vperm.xlane v36, v3  }
0x205: {  	v31 =	vadd.f32 v63, v31;
	v63 =	vperm.xlane v0, v3;
	v1 =	vadd.f32 v52, v1  }
0x206: {  	v40 =	vperm.xlane v8, v3;
	v41 =	vadd.f32 v57, v41;
	v32 =	vsel vm1, v37, v32  }
0x207: {  	v36 =	vadd.f32 v60, v36;
	v31 =	vsel vm1, v33, v31;
	v33 =	vadd.f32 v62, v35  }
0x208: {  	v0 =	vadd.f32 v63, v0;
	v57 =	vperm.xlane v48, v3;
	v60 =	vperm.xlane v45, v3  }
0x209: {  	v61 =	vperm.xlane v39, v3;
	v62 =	vperm.xlane v42, v3;
	v63 =	vadd.f32 v59, v56  }
0x20a: {  	v1 =	vsel vm1, v1, v7;
	v8 =	vadd.f32 v40, v8;
	v56 =	vperm.xlane v32, v4  }
0x20b: {  	v34 =	vsel vm1, v36, v34;
	v35 =	vadd.f32 v57, v48;
	v36 =	vadd.f32 v58, v49  }
0x20c: {  	v0 =	vsel vm1, v33, v0;
	v52 =	vadd.f32 v60, v45;
	v57 =	vperm.xlane v31, v4  }
0x20d: {  	v7 =	vadd.f32 v61, v39;
	v60 =	vperm.xlane v1, v4;
	v45 =	vmul.f32 v43, v43  }
0x20e: {  	v55 =	vadd.f32 v62, v42;
	v42 =	vperm.xlane v41, v3;
	v58 =	vperm.xlane v34, v4  }
0x20f: {  	v32 =	vadd.f32 v56, v32;
	v59 =	vperm.xlane v0, v4;
	v56 =	vperm.xlane v29, v3  }
0x210: {  	v35 =	vsel vm1, v35, v36;
	v33 =	vsel vm1, v63, v52;
	v7 =	vsel vm1, v7, v55  }
0x211: {  	v31 =	vadd.f32 v57, v31;
	v1 =	vadd.f32 v60, v1;
	v55 =	vperm.xlane v26, v3  }
0x212: {  	v30 =	vadd.f32 v45, v30;
	v57 =	vperm.xlane v28, v3;
	v60 =	vperm.xlane v25, v3  }
0x213: {  	v34 =	vadd.f32 v58, v34;
	v61 =	vperm.xlane v35, v4;
	v62 =	vperm.xlane v33, v4  }
0x214: {  	v0 =	vadd.f32 v59, v0;
	v63 =	vperm.xlane v7, v4;
	v58 =	vperm.xlane v23, v3  }
0x215: {  	v29 =	vadd.f32 v56, v29;
	v59 =	vperm.xlane v27, v3;
	v26 =	vadd.f32 v55, v26  }
0x216: {  	v31 =	vsel vm2, v32, v31;
	v28 =	vadd.f32 v57, v28;
	v25 =	vadd.f32 v60, v25  }
0x217: {  	v45 =	vperm.xlane v30, v3;
	v35 =	vadd.f32 v61, v35;
	v33 =	vadd.f32 v62, v33  }
0x218: {  	v7 =	vadd.f32 v63, v7;
	v0 =	vsel vm2, v34, v0;
	v32 =	vperm.xlane v31, v5  }
0x219: {  	v23 =	vadd.f32 v58, v23;
	v27 =	vadd.f32 v59, v27;
	v61 =	vperm.xlane v50, v3  }
0x21a: {  	v62 =	vperm.xlane v2, v3;
	v48 =	vperm.xlane v0, v5;
	v26 =	vsel vm1, v26, v29  }
0x21b: {  	v29 =	vperm.xlane v53, v3;
	v30 =	vadd.f32 v45, v30;
	v1 =	vsel vm2, v1, v35  }
0x21c: {  	v7 =	vsel vm2, v33, v7;
	v31 =	vadd.f32 v32, v31;
	v23 =	vsel vm1, v28, v23  }
0x21d: {  	v28 =	vperm.xlane v24, v3;
	v25 =	vsel vm1, v27, v25;
	v27 =	vperm.xlane v51, v3  }
0x21e: {  	v32 =	vadd.f32 v61, v50;
	v2 =	vadd.f32 v62, v2;
	v49 =	vperm.xlane v1, v5  }
0x21f: {  	v52 =	vperm.xlane v7, v5;
	v0 =	vadd.f32 v48, v0;
	v48 =	vadd.f32 v42, v41  }
0x220: {  	v24 =	vadd.f32 v28, v24;
	v28 =	vadd.f32 v29, v53;
	v29 =	vperm.xlane v54, v3  }
0x221: {  	v63 =	vperm.xlane v44, v3;
	v27 =	vadd.f32 v27, v51;
	v1 =	vadd.f32 v49, v1  }
0x222: {  	v7 =	vadd.f32 v52, v7;
	v29 =	vadd.f32 v29, v54  }
0x223: {  	v49 =	vperm.xlane v23, v4;
	v24 =	vsel vm1, v24, v28;
	v28 =	vadd.f32 v63, v44  }
0x224: {  	v27 =	vsel vm1, v27, v32;
	v2 =	vsel vm1, v29, v2;
	v29 =	vperm.xlane v26, v4  }
0x225: {  	v8 =	vsel vm1, v28, v8;
	v28 =	vsel vm1, v48, v30;
	v30 =	vperm.xlane v25, v4  }
0x226: {  	v23 =	vadd.f32 v49, v23;
	v26 =	vadd.f32 v29, v26;
	v29 =	vperm.xlane v24, v4  }
0x227: {  	v50 =	vperm.xlane v2, v4;
	v25 =	vadd.f32 v30, v25;
	v30 =	vperm.xlane v27, v4  }
0x228: {  	v51 =	vperm.xlane v28, v4;
	v24 =	vadd.f32 v29, v24;
	v29 =	vperm.xlane v8, v4  }
0x229: {  	v2 =	vadd.f32 v50, v2;
	v27 =	vadd.f32 v30, v27  }
0x22a: {  	v28 =	vadd.f32 v51, v28;
	v8 =	vadd.f32 v29, v8  }
0x22b: {  	v23 =	vsel vm2, v26, v23;
	v24 =	vsel vm2, v25, v24;
	v2 =	vsel vm2, v27, v2  }
0x22c: {  	v25 =	vperm.xlane v23, v5;
	v26 =	vperm.xlane v24, v5;
	v8 =	vsel vm2, v8, v28  }
0x22d: {  	v0 =	vsel vm3, v31, v0;
	v27 =	vperm.xlane v2, v5;
	v28 =	vperm.xlane v8, v5  }
0x22e: {  	v1 =	vsel vm3, v1, v7;
	v7 =	vadd.f32 v25, v23;
	v23 =	vadd.f32 v26, v24  }
0x22f: {  	v25 =	vperm.xlane v1, v6;
	v2 =	vadd.f32 v27, v2;
	v8 =	vadd.f32 v28, v8  }
0x230: {  	v24 =	vperm.xlane v0, v6  }
0x231: {  	v1 =	vadd.f32 v25, v1;
	v7 =	vsel vm3, v7, v23;
	v2 =	vsel vm3, v2, v8  }
0x232: {  	v0 =	vadd.f32 v24, v0;
	v8 =	vperm.xlane v7, v6;
	v23 =	vperm.xlane v2, v6;
	_ =	sdelay $0x1  }
0x233: {  	v0 =	vsel vm4, v0, v1;
	v1 =	vadd.f32 v8, v7;
	v2 =	vadd.f32 v23, v2  }
0x234: {  	v0 =	vmul.f32 $1.302083370e-03, v0  }
0x235: {  	v1 =	vsel vm4, v1, v2  }
0x236: {  	v2 =	vmul.f32 v0, v0;
	v1 =	vmul.f32 $1.302083370e-03, v1;
	_ =	sdelay $0x1  }
0x237: {  	v1 =	vsub.f32 v1, v2;
	_ =	sdelay $0x1  }
0x238: {  	v1 =	vadd.f32 $9.999999960e-13, v1;
	_ =	sdelay $0x1  }
0x239: {  	v2 =	vshra.s32 v1, $0x1;
	v1 =	vmul.f32 $5.000000000e-01, v1  }
0x23a: {  	v2 =	vsub.s32 $0x5F3759DF, v2  }
0x23b: {  	v7 =	vmul.f32 v2, v1;
	_ =	sdelay $0x1  }
0x23c: {  	v7 =	vmul.f32 v2, v7;
	_ =	sdelay $0x1  }
0x23d: {  	v7 =	vsub.f32 $1.500000000e+00, v7;
	_ =	sdelay $0x1  }
0x23e: {  	v2 =	vmul.f32 v2, v7;
	_ =	sdelay $0x1  }
0x23f: {  	[tilespmem:s20+$0x4C80] =	vst v46;
	v1 =	vmul.f32 v2, v1  }
0x240: {  	[tilespmem:s20+$0x4C00] =	vst v38  }
0x241: {  	[tilespmem:s20+$0x4D00] =	vst v47;
	v1 =	vmul.f32 v1, v2  }
0x242: {  	s2 =	simm.s32 @!p0 $0x4;
	[tilespmem:s20+$0x4D80] =	vst v43  }
0x243: {  	s8 =	simm.s32 $0x0;
	_ =	swait.ge @!p0 [sflag:s2], $0x3000;
	v1 =	vsub.f32 $1.500000000e+00, v1  }
0x244: {  	s9 =	sand.u32 $0x70, s8;
	s13 =	sand.u32 $0x1C00, s8;
	[sflag:s2] =	ssyncset.done @!p0 $0x0  }
0x245: {  	s14 =	sor.u32 s9, s13;
	[sflag:s2] =	ssyncadd.s32 @!p0 $0xFFFFD000;
	v24 =	vmul.f32 v1, v2  }
0x246: {  	v52 =	vld [tilespmem:s14+$0x3480];
	v25 =	vimm.s32 $0x0  }
0x247: {  	v26 =	vimm.s32 $0x8;
	v8 =	vld [tilespmem:s14+$0x3400];
	v23 =	vmul.f32 v24, v0;
	v37 =	vperm.xlane v24, v25  }
0x248: {  	v1 =	vld [tilespmem:s14+$0x3200];
	v35 =	vperm.xlane v24, v26;
	v34 =	vperm.xlane v24, v9  }
0x249: {  	v0 =	vld [tilespmem:s14+$0x3280];
	v32 =	vperm.xlane v24, v10;
	v28 =	vperm.xlane v24, v11  }
0x24a: {  	v2 =	vld [tilespmem:s14+$0x3300];
	v29 =	vperm.xlane v24, v12;
	v27 =	vperm.xlane v24, v13  }
0x24b: {  	s15 =	simm.s32 $0xF200;
	v7 =	vld [tilespmem:s14+$0x3380];
	v40 =	vperm.xlane v23, v25;
	v39 =	vperm.xlane v23, v26  }
0x24c: {  	v38 =	vperm.xlane v23, v9;
	v36 =	vperm.xlane v23, v10;
	v26 =	vld [tilespmem:s15+$0x0]  }
0x24d: {  	s17 =	simm.s32 $0xF500;
	v53 =	vld [tilespmem:s14+$0x3500];
	v30 =	vperm.xlane v23, v11;
	v1 =	vmul.f32 v1, v37  }
0x24e: {  	s21 =	simm.s32 $0x10;
	s20 =	simm.s32 $0x80;
	v31 =	vperm.xlane v23, v12;
	v25 =	vld [tilespmem:s17+$0x0];
	v0 =	vmul.f32 v0, v35  }
0x24f: {  	s22 =	sand.u32 $0x70, s21;
	s23 =	sand.u32 $0x1C00, s20;
	v33 =	vperm.xlane v23, v13;
	v2 =	vmul.f32 v2, v34;
	v1 =	vsub.f32 v1, v40  }
0x250: {  	s22 =	sor.u32 s22, s23;
	v7 =	vmul.f32 v7, v32;
	v8 =	vmul.f32 v8, v28;
	v0 =	vsub.f32 v0, v39  }
0x251: {  	v56 =	vld [tilespmem:s22+$0x3300];
	v41 =	vmul.f32 v52, v29;
	v2 =	vsub.f32 v2, v38;
	v1 =	vmul.f32 v1, v26  }
0x252: {  	v55 =	vld [tilespmem:s22+$0x3280];
	v42 =	vmul.f32 v53, v27;
	v7 =	vsub.f32 v7, v36;
	v0 =	vmul.f32 v0, v26  }
0x253: {  	v54 =	vld [tilespmem:s22+$0x3200];
	v8 =	vsub.f32 v8, v30;
	v2 =	vmul.f32 v2, v26;
	v1 =	vadd.f32 v1, v25  }
0x254: {  	v58 =	vld [tilespmem:s22+$0x3400];
	v41 =	vsub.f32 v41, v31;
	v7 =	vmul.f32 v7, v26;
	v0 =	vadd.f32 v0, v25  }
0x255: {  	v60 =	vld [tilespmem:s22+$0x3500];
	[tilespmem:s14+$0x9200] =	vst v1;
	v1 =	vadd.f32 v2, v25;
	v2 =	vmul.f32 v8, v26;
	v8 =	vsub.f32 v42, v33  }
0x256: {  	s24 =	simm.s32 $0xF210;
	v57 =	vld [tilespmem:s22+$0x3380];
	[tilespmem:s14+$0x9280] =	vst v0;
	v0 =	vadd.f32 v7, v25;
	v7 =	vmul.f32 v41, v26  }
0x257: {  	v43 =	vld [tilespmem:s24+$0x0];
	[tilespmem:s14+$0x9300] =	vst v1;
	v1 =	vadd.f32 v2, v25;
	v2 =	vmul.f32 v8, v26  }
0x258: {  	s13 =	simm.s32 $0xF510;
	s23 =	simm.s32 $0x20;
	s2 =	simm.s32 $0x100;
	v59 =	vld [tilespmem:s22+$0x3480];
	v8 =	vmul.f32 v54, v37;
	[tilespmem:s14+$0x9380] =	vst v0;
	v0 =	vadd.f32 v7, v25  }
0x259: {  	s25 =	sand.u32 $0x70, s23;
	s15 =	sand.u32 $0x1C00, s2;
	v61 =	vmul.f32 v58, v28;
	v42 =	vld [tilespmem:s13+$0x0];
	v7 =	vmul.f32 v55, v35;
	[tilespmem:s14+$0x9400] =	vst v1;
	v1 =	vadd.f32 v2, v25  }
0x25a: {  	s8 =	sor.u32 s8, s8;
	v44 =	vmul.f32 v60, v27;
	s9 =	sor.u32 s25, s15;
	v2 =	vmul.f32 v56, v34;
	v8 =	vsub.f32 v8, v40;
	[tilespmem:s14+$0x9480] =	vst v0  }
0x25b: {  	s8 =	sor.u32 $0x380, s8;
	v46 =	vld [tilespmem:s9+$0x3200];
	v45 =	vsub.f32 v61, v30;
	v0 =	vmul.f32 v57, v32;
	v7 =	vsub.f32 v7, v39;
	[tilespmem:s14+$0x9500] =	vst v1  }
0x25c: {  	v63 =	vsub.f32 v44, v33;
	v8 =	vmul.f32 v8, v43;
	v2 =	vsub.f32 v2, v38;
	v62 =	vld [tilespmem:s8+$0x3200]  }
0x25d: {  	v47 =	vld [tilespmem:s9+$0x3280];
	v1 =	vmul.f32 v59, v29;
	v7 =	vmul.f32 v7, v43;
	v0 =	vsub.f32 v0, v36  }
0x25e: {  	v48 =	vld [tilespmem:s9+$0x3300];
	v41 =	vperm.xlane v24, v14;
	v8 =	vadd.f32 v8, v42;
	v2 =	vmul.f32 v2, v43  }
0x25f: {  	v49 =	vld [tilespmem:s9+$0x3380];
	v1 =	vsub.f32 v1, v31;
	v7 =	vadd.f32 v7, v42;
	v0 =	vmul.f32 v0, v43  }
0x260: {  	v50 =	vld [tilespmem:s9+$0x3400];
	v44 =	vperm.xlane v23, v14;
	[tilespmem:s22+$0x9200] =	vst v8;
	v2 =	vadd.f32 v2, v42;
	v8 =	vmul.f32 v45, v43  }
0x261: {  	s17 =	simm.s32 $0xF220;
	v52 =	vld [tilespmem:s9+$0x3480];
	v55 =	vmul.f32 v1, v43;
	[tilespmem:s22+$0x9280] =	vst v7;
	v53 =	vadd.f32 v0, v42;
	v51 =	vmul.f32 v62, v41  }
0x262: {  	s15 =	simm.s32 $0x30;
	v56 =	vmul.f32 v63, v43;
	s14 =	simm.s32 $0x100;
	v45 =	vld [tilespmem:s17+$0x0];
	[tilespmem:s22+$0x9300] =	vst v2;
	v54 =	vadd.f32 v8, v42  }
.LBB2_11:
0x263: {  	p0 =	sne.s32 s15, $0x2F0;
	v0 =	vmul.f32 v46, v37;
	v1 =	vld [tilespmem:s9+$0x3500];
	s2 =	sadd.s32 $0x80, s2;
	[tilespmem:s22+$0x9380] =	vst v53;
	v2 =	vadd.f32 v55, v42;
	s13 =	sadd.s32 $0x10, s13;
	v7 =	vsub.f32 v51, v44  }
0x264: {  	s24 =	sand.u32 $0x70, s15;
	v47 =	vmul.f32 v47, v35;
	v48 =	vmul.f32 v48, v34;
	s25 =	sand.u32 $0x1C00, s2;
	v8 =	vld [tilespmem:s13+$0x0];
	[tilespmem:s22+$0x9400] =	vst v54;
	v51 =	vadd.f32 v56, v42  }
0x265: {  	s21 =	sor.u32 s20, s21;
	s20 =	smov.u32 s14;
	v49 =	vmul.f32 v49, v32;
	s24 =	sor.u32 s24, s25;
	v0 =	vsub.f32 v0, v40;
	[tilespmem:s22+$0x9480] =	vst v2;
	v2 =	vmul.f32 v7, v26  }
0x266: {  	s14 =	smov.u32 s2;
	v7 =	vsub.f32 v47, v39;
	v50 =	vmul.f32 v50, v28;
	s25 =	sor.u32 $0x380, s21;
	v46 =	vld [tilespmem:s24+$0x3200];
	v52 =	vmul.f32 v52, v29;
	[tilespmem:s22+$0x9500] =	vst v51;
	s22 =	smov.u32 s9  }
0x267: {  	s21 =	smov.u32 s23;
	s23 =	smov.u32 s15;
	v51 =	vsub.f32 v48, v38;
	s9 =	smov.u32 s24;
	v0 =	vmul.f32 v0, v45;
	v54 =	vld [tilespmem:s25+$0x3200];
	v2 =	vadd.f32 v2, v25;
	v25 =	vmovc v42  }
0x268: {  	v26 =	vmovc v43;
	v53 =	vsub.f32 v49, v36;
	v7 =	vmul.f32 v7, v45;
	v47 =	vld [tilespmem:s9+$0x3280];
	v1 =	vmul.f32 v1, v27  }
.Ltmp6:
0x269: {  	v43 =	vmul.f32 v51, v45;
	v51 =	vsub.f32 v50, v30;
	v48 =	vld [tilespmem:s9+$0x3300];
	v0 =	vadd.f32 v0, v8;
	[tilespmem:s8+$0x9200] =	vst v2;
	s8 =	smov.u32 s25;
	(pc) =	sbr.rel @p0 .LBB2_11-.Ltmp6, $4  }
0x26a: {  	v55 =	vsub.f32 v52, v31;
	v2 =	vadd.f32 v7, v8;
	v7 =	vmul.f32 v53, v45;
	v42 =	vmovc v8;
	v49 =	vld [tilespmem:s9+$0x3380]  }
0x26b: {  	v8 =	vmul.f32 v51, v45;
	v1 =	vsub.f32 v1, v33;
	v50 =	vld [tilespmem:s9+$0x3400];
	[tilespmem:s22+$0x9200] =	vst v0;
	v0 =	vadd.f32 v43, v42  }
0x26c: {  	s17 =	sadd.s32 $0x10, s17;
	v55 =	vmul.f32 v55, v45;
	v53 =	vadd.f32 v7, v42;
	v52 =	vld [tilespmem:s9+$0x3480];
	[tilespmem:s22+$0x9280] =	vst v2;
	v51 =	vmul.f32 v54, v41  }
0x26d: {  	s15 =	sadd.s32 $0x10, s15;
	v54 =	vadd.f32 v8, v42;
	v56 =	vmul.f32 v1, v45;
	v43 =	vmov v45;
	[tilespmem:s22+$0x9300] =	vst v0;
	v45 =	vld [tilespmem:s17+$0x0]  }
0x26e: {  	v0 =	vmul.f32 v46, v37;
	v1 =	vld [tilespmem:s9+$0x3500];
	s2 =	sadd.s32 $0x10, s13  }
0x26f: {  	v7 =	vmul.f32 v47, v35;
	v34 =	vmul.f32 v48, v34;
	v8 =	vld [tilespmem:s2+$0x0]  }
0x270: {  	v2 =	vadd.f32 v55, v42;
	v32 =	vmul.f32 v49, v32;
	v0 =	vsub.f32 v0, v40  }
0x271: {  	v7 =	vsub.f32 v7, v39;
	v28 =	vmul.f32 v50, v28;
	v34 =	vsub.f32 v34, v38  }
0x272: {  	[tilespmem:s22+$0x9380] =	vst v53;
	v48 =	vadd.f32 v56, v42;
	v29 =	vmul.f32 v52, v29;
	v0 =	vmul.f32 v0, v45  }
0x273: {  	[tilespmem:s22+$0x9480] =	vst v2;
	v32 =	vsub.f32 v32, v36;
	v7 =	vmul.f32 v7, v45;
	v2 =	vmul.f32 v34, v45  }
0x274: {  	[tilespmem:s22+$0x9400] =	vst v54;
	v1 =	vmul.f32 v1, v27;
	v27 =	vsub.f32 v28, v30;
	v0 =	vadd.f32 v0, v8  }
0x275: {  	[tilespmem:s22+$0x9500] =	vst v48;
	v28 =	vmul.f32 v32, v45;
	v29 =	vsub.f32 v29, v31;
	v7 =	vadd.f32 v7, v8  }
0x276: {  	v1 =	vsub.f32 v1, v33;
	[tilespmem:s9+$0x9200] =	vst v0;
	v0 =	vadd.f32 v2, v8;
	v2 =	vmul.f32 v27, v45  }
0x277: {  	[tilespmem:s9+$0x9280] =	vst v7;
	v7 =	vadd.f32 v28, v8;
	v27 =	vmul.f32 v29, v45  }
0x278: {  	v1 =	vmul.f32 v1, v45;
	[tilespmem:s9+$0x9300] =	vst v0;
	v0 =	vadd.f32 v2, v8  }
0x279: {  	[tilespmem:s9+$0x9380] =	vst v7;
	v2 =	vadd.f32 v27, v8  }
0x27a: {  	s13 =	sor.u32 s20, s21;
	[tilespmem:s9+$0x9400] =	vst v0;
	v0 =	vadd.f32 v1, v8  }
0x27b: {  	s14 =	sor.u32 s14, s23;
	s2 =	sor.u32 $0x380, s13;
	[tilespmem:s9+$0x9480] =	vst v2  }
0x27c: {  	s15 =	sor.u32 $0x380, s14;
	v1 =	vld [tilespmem:s2+$0x3200];
	[tilespmem:s9+$0x9500] =	vst v0  }
0x27d: {  	v0 =	vld [tilespmem:s15+$0x3200];
	_ =	sdelay $0x3  }
0x27e: {  	v1 =	vmul.f32 v1, v41  }
0x27f: {  	v2 =	vsub.f32 v51, v44;
	v0 =	vmul.f32 v0, v41  }
0x280: {  	v1 =	vsub.f32 v1, v44  }
0x281: {  	v2 =	vmul.f32 v2, v26;
	v0 =	vsub.f32 v0, v44  }
0x282: {  	v1 =	vmul.f32 v1, v43  }
0x283: {  	v2 =	vadd.f32 v2, v25;
	v0 =	vmul.f32 v0, v45  }
0x284: {  	v1 =	vadd.f32 v1, v42  }
0x285: {  	s17 =	simm.s32 $0x0;
	[tilespmem:s8+$0x9200] =	vst v2;
	v0 =	vadd.f32 v0, v8  }
0x286: {  	s20 =	sand.u32 $0x70, s17;
	s8 =	sand.u32 $0x1C00, s17;
	[tilespmem:s2+$0x9200] =	vst v1  }
0x287: {  	s20 =	sor.u32 s20, s8;
	[tilespmem:s15+$0x9200] =	vst v0  }
0x288: {  	v0 =	vld [tilespmem:s20+$0x4D80]  }
0x289: {  	v1 =	vld [tilespmem:s20+$0x4A00]  }
0x28a: {  	v35 =	vperm.xlane v23, v16;
	v37 =	vperm.xlane v23, v22;
	v2 =	vld [tilespmem:s20+$0x4A80]  }
0x28b: {  	s21 =	simm.s32 $0xF200;
	v38 =	vperm.xlane v24, v22;
	v36 =	vperm.xlane v23, v15;
	v7 =	vld [tilespmem:s20+$0x4B00]  }
0x28c: {  	v34 =	vperm.xlane v24, v15;
	v31 =	vperm.xlane v23, v17;
	v8 =	vld [tilespmem:s21+$0x0]  }
0x28d: {  	v30 =	vperm.xlane v23, v19;
	v32 =	vperm.xlane v23, v20;
	v50 =	vld [tilespmem:s20+$0x4B80]  }
0x28e: {  	s23 =	simm.s32 $0x10;
	s24 =	simm.s32 $0x80;
	v33 =	vperm.xlane v24, v16;
	v29 =	vperm.xlane v24, v17;
	v51 =	vld [tilespmem:s20+$0x4C00]  }
0x28f: {  	v28 =	vperm.xlane v24, v18;
	v27 =	vperm.xlane v24, v19;
	s8 =	sand.u32 $0x1C00, s24;
	s2 =	sand.u32 $0x70, s23;
	v52 =	vld [tilespmem:s20+$0x4C80]  }
0x290: {  	v26 =	vperm.xlane v24, v20;
	v25 =	vperm.xlane v24, v21;
	v53 =	vld [tilespmem:s20+$0x4D00];
	s21 =	sor.u32 s2, s8  }
0x291: {  	v24 =	vperm.xlane v23, v18;
	v23 =	vperm.xlane v23, v21;
	v57 =	vld [tilespmem:s21+$0x4B00]  }
0x292: {  	v0 =	vmul.f32 v0, v38;
	v1 =	vmul.f32 v1, v34  }
0x293: {  	s22 =	simm.s32 $0xF500;
	v2 =	vmul.f32 v2, v33;
	v7 =	vmul.f32 v7, v29  }
0x294: {  	v39 =	vld [tilespmem:s22+$0x0];
	v40 =	vmul.f32 v50, v28;
	v41 =	vmul.f32 v51, v27  }
0x295: {  	v42 =	vmul.f32 v52, v26;
	v43 =	vmul.f32 v53, v25;
	v0 =	vsub.f32 v0, v37  }
0x296: {  	v54 =	vld [tilespmem:s21+$0x4D80];
	v50 =	vmul.f32 v57, v29;
	v1 =	vsub.f32 v1, v36;
	v2 =	vsub.f32 v2, v35  }
0x297: {  	v55 =	vld [tilespmem:s21+$0x4A00];
	v7 =	vsub.f32 v7, v31;
	v40 =	vsub.f32 v40, v24;
	v0 =	vmul.f32 v0, v8  }
0x298: {  	v56 =	vld [tilespmem:s21+$0x4A80];
	v41 =	vsub.f32 v41, v30;
	v59 =	vsub.f32 v42, v32;
	v1 =	vmul.f32 v1, v8  }
0x299: {  	s8 =	simm.s32 $0xF210;
	v61 =	vsub.f32 v43, v23;
	v2 =	vmul.f32 v2, v8;
	v0 =	vadd.f32 v0, v39  }
0x29a: {  	v7 =	vmul.f32 v7, v8;
	v58 =	vmul.f32 v40, v8;
	v40 =	vld [tilespmem:s8+$0x0];
	v1 =	vadd.f32 v1, v39  }
0x29b: {  	s2 =	simm.s32 $0xF510;
	v42 =	vld [tilespmem:s21+$0x4B80];
	v60 =	vmul.f32 v41, v8;
	v2 =	vadd.f32 v2, v39;
	[tilespmem:s20+$0xAD80] =	vst v0;
	v0 =	vmul.f32 v54, v38  }
0x29c: {  	v41 =	vld [tilespmem:s2+$0x0];
	v63 =	vmul.f32 v59, v8;
	v7 =	vadd.f32 v7, v39;
	[tilespmem:s20+$0xAA00] =	vst v1;
	v1 =	vmul.f32 v55, v34  }
0x29d: {  	v43 =	vld [tilespmem:s21+$0x4C00];
	v62 =	vadd.f32 v58, v39;
	[tilespmem:s20+$0xAA80] =	vst v2;
	v2 =	vmul.f32 v56, v33;
	v0 =	vsub.f32 v0, v37  }
0x29e: {  	s25 =	simm.s32 $0x20;
	s9 =	simm.s32 $0x100;
	v44 =	vld [tilespmem:s21+$0x4C80];
	v46 =	vmul.f32 v61, v8;
	v47 =	vadd.f32 v60, v39;
	[tilespmem:s20+$0xAB00] =	vst v7;
	v49 =	vsub.f32 v1, v36  }
0x29f: {  	s14 =	sand.u32 $0x70, s25;
	s13 =	simm.s32 $0x30;
	s15 =	sand.u32 $0x1C00, s9;
	v45 =	vld [tilespmem:s21+$0x4D00];
	v48 =	vadd.f32 v63, v39;
	[tilespmem:s20+$0xAB80] =	vst v62;
	v51 =	vsub.f32 v2, v35;
	v52 =	vmul.f32 v0, v40  }
.LBB2_13:
0x2a0: {  	p0 =	sne.s32 s13, $0x2F0;
	s14 =	sor.u32 s14, s15;
	v0 =	vmul.f32 v49, v40;
	v1 =	vsub.f32 v50, v31;
	v2 =	vmul.f32 v42, v28;
	[tilespmem:s20+$0xAC00] =	vst v47  }
0x2a1: {  	v46 =	vadd.f32 v46, v39;
	v7 =	vld [tilespmem:s14+$0x4D80];
	v8 =	vmul.f32 v51, v40;
	v42 =	vadd.f32 v52, v41;
	[tilespmem:s20+$0xAC80] =	vst v48  }
0x2a2: {  	v39 =	vmovc v41;
	v47 =	vld [tilespmem:s14+$0x4A00];
	v1 =	vmul.f32 v1, v40;
	v2 =	vsub.f32 v2, v24;
	v43 =	vmul.f32 v43, v27  }
0x2a3: {  	v0 =	vadd.f32 v0, v39;
	v48 =	vld [tilespmem:s14+$0x4A80];
	v8 =	vadd.f32 v8, v39;
	v41 =	vmul.f32 v44, v26;
	[tilespmem:s21+$0xAD80] =	vst v42  }
0x2a4: {  	s8 =	sadd.s32 $0x10, s8;
	v44 =	vld [tilespmem:s14+$0x4B00];
	v2 =	vmul.f32 v2, v40;
	v43 =	vsub.f32 v43, v30;
	v45 =	vmul.f32 v45, v25;
	[tilespmem:s20+$0xAD00] =	vst v46;
	s20 =	smov.u32 s21;
	s21 =	smov.u32 s14  }
0x2a5: {  	v53 =	vld [tilespmem:s8+$0x0];
	[tilespmem:s20+$0xAA00] =	vst v0;
	v0 =	vadd.f32 v1, v39;
	v1 =	vsub.f32 v41, v32  }
.Ltmp7:
0x2a6: {  	s2 =	sadd.s32 $0x10, s2;
	v42 =	vld [tilespmem:s21+$0x4B80];
	v7 =	vmul.f32 v7, v38;
	[tilespmem:s20+$0xAA80] =	vst v8;
	v8 =	vmul.f32 v43, v40;
	v45 =	vsub.f32 v45, v23;
	(pc) =	sbr.rel @p0 .LBB2_13-.Ltmp7, $4  }
0x2a7: {  	v41 =	vld [tilespmem:s2+$0x0];
	v47 =	vmul.f32 v47, v34;
	[tilespmem:s20+$0xAB00] =	vst v0;
	v0 =	vadd.f32 v2, v39;
	v1 =	vmul.f32 v1, v40  }
0x2a8: {  	v2 =	vmul.f32 v48, v33;
	v43 =	vld [tilespmem:s21+$0x4C00];
	v7 =	vsub.f32 v7, v37;
	v46 =	vmul.f32 v45, v40  }
0x2a9: {  	s9 =	sadd.s32 $0x80, s9;
	v49 =	vsub.f32 v47, v36;
	v50 =	vmul.f32 v44, v29;
	v44 =	vld [tilespmem:s21+$0x4C80];
	[tilespmem:s20+$0xAB80] =	vst v0;
	v47 =	vadd.f32 v8, v39  }
0x2aa: {  	s15 =	sand.u32 $0x1C00, s9;
	s14 =	sand.u32 $0x70, s13;
	s13 =	sadd.s32 $0x10, s13;
	v48 =	vadd.f32 v1, v39;
	v51 =	vsub.f32 v2, v35;
	v45 =	vld [tilespmem:s21+$0x4D00];
	v52 =	vmul.f32 v7, v53;
	v40 =	vmovc v53  }
0x2ab: {  	s9 =	sor.u32 s14, s15  }
0x2ac: {  	v7 =	vld [tilespmem:s9+$0x4D80]  }
0x2ad: {  	v0 =	vmul.f32 v49, v40;
	v1 =	vsub.f32 v50, v31;
	v2 =	vmul.f32 v42, v28;
	v61 =	vld [tilespmem:s9+$0x4A00]  }
0x2ae: {  	v39 =	vadd.f32 v46, v39;
	v8 =	vmul.f32 v51, v40;
	v60 =	vadd.f32 v52, v41;
	v62 =	vld [tilespmem:s9+$0x4A80]  }
0x2af: {  	v63 =	vld [tilespmem:s9+$0x4B00];
	v1 =	vmul.f32 v1, v40;
	v2 =	vsub.f32 v2, v24;
	v43 =	vmul.f32 v43, v27  }
0x2b0: {  	v55 =	vld [tilespmem:s9+$0x4C00];
	v0 =	vadd.f32 v0, v41;
	v8 =	vadd.f32 v8, v41;
	v44 =	vmul.f32 v44, v26  }
0x2b1: {  	s8 =	sadd.s32 $0x10, s8;
	[tilespmem:s20+$0xAC00] =	vst v47;
	v2 =	vmul.f32 v2, v40;
	v43 =	vsub.f32 v43, v30;
	v45 =	vmul.f32 v45, v25  }
0x2b2: {  	v47 =	vld [tilespmem:s8+$0x0];
	[tilespmem:s20+$0xAC80] =	vst v48;
	v1 =	vadd.f32 v1, v41;
	v44 =	vsub.f32 v44, v32;
	v7 =	vmul.f32 v7, v38  }
0x2b3: {  	s2 =	sadd.s32 $0x10, s2;
	v48 =	vld [tilespmem:s9+$0x4B80];
	[tilespmem:s21+$0xAD80] =	vst v60;
	v51 =	vmul.f32 v43, v40;
	v52 =	vsub.f32 v45, v23;
	v34 =	vmul.f32 v61, v34  }
0x2b4: {  	v53 =	vld [tilespmem:s2+$0x0];
	[tilespmem:s21+$0xAA80] =	vst v8;
	v2 =	vadd.f32 v2, v41;
	v33 =	vmul.f32 v62, v33;
	v8 =	vmul.f32 v63, v29  }
0x2b5: {  	v56 =	vld [tilespmem:s9+$0x4C80];
	[tilespmem:s21+$0xAA00] =	vst v0;
	v60 =	vmul.f32 v55, v27;
	v54 =	vmul.f32 v44, v40;
	v0 =	vsub.f32 v7, v37  }
0x2b6: {  	v58 =	vld [tilespmem:s9+$0x4D00];
	[tilespmem:s20+$0xAD00] =	vst v39;
	v7 =	vmul.f32 v52, v40;
	v34 =	vsub.f32 v34, v36;
	v57 =	vadd.f32 v51, v41  }
0x2b7: {  	v33 =	vsub.f32 v33, v35;
	[tilespmem:s21+$0xAB80] =	vst v2;
	v2 =	vsub.f32 v8, v31;
	v0 =	vmul.f32 v0, v47  }
0x2b8: {  	[tilespmem:s21+$0xAB00] =	vst v1;
	v8 =	vmul.f32 v48, v28;
	v1 =	vadd.f32 v54, v41;
	v34 =	vmul.f32 v34, v47  }
0x2b9: {  	v59 =	vmul.f32 v33, v47;
	[tilespmem:s21+$0xAC00] =	vst v57;
	v7 =	vadd.f32 v7, v41;
	v0 =	vadd.f32 v0, v53  }
0x2ba: {  	[tilespmem:s21+$0xAC80] =	vst v1;
	v1 =	vmul.f32 v2, v47;
	v2 =	vsub.f32 v8, v24;
	v8 =	vmul.f32 v56, v26  }
0x2bb: {  	v62 =	vmul.f32 v58, v25;
	v61 =	vadd.f32 v34, v53;
	[tilespmem:s9+$0xAD80] =	vst v0;
	v0 =	vsub.f32 v60, v30  }
0x2bc: {  	v63 =	vadd.f32 v59, v53;
	[tilespmem:s21+$0xAD00] =	vst v7;
	v2 =	vmul.f32 v2, v47;
	v7 =	vsub.f32 v8, v32  }
0x2bd: {  	v1 =	vadd.f32 v1, v53;
	v8 =	vsub.f32 v62, v23;
	[tilespmem:s9+$0xAA00] =	vst v61;
	v0 =	vmul.f32 v0, v47  }
0x2be: {  	[tilespmem:s9+$0xAA80] =	vst v63;
	v2 =	vadd.f32 v2, v53;
	v7 =	vmul.f32 v7, v47  }
0x2bf: {  	[tilespmem:s9+$0xAB00] =	vst v1;
	v1 =	vmul.f32 v8, v47;
	v0 =	vadd.f32 v0, v53  }
.Ltmp8:
0x2c0: {  	[tilespmem:s9+$0xAB80] =	vst v2;
	v2 =	vadd.f32 v7, v53;
	(pc) =	sbr.rel @p1 .LBB2_16-.Ltmp8, $4  }
0x2c1: {  	s25 =	sadd.s32 s19, s12;
	[tilespmem:s9+$0xAC00] =	vst v0;
	v0 =	vadd.f32 v1, v53  }
0x2c2: {  	s2 =	sshrl.u32 s25, $0x3;
	[tilespmem:s9+$0xAC80] =	vst v2  }
0x2c3: {  	s2 =	sadd.s32 s5, s2;
	[tilespmem:s9+$0xAD00] =	vst v0  }
0x2c4: {  	[hbm4b:s2+s6] =	stream.linear.scatter [tilespmem:s1], [sflag:$0x4], $0x3000, $0x38;
	[tilespmem:$0xF800] =	vst v63  }
0x2c5: {  	s2 =	sshrl.u32 s18, $0x2  }
0x2c6: {  	v0 =	vld [tilespmem:s2+$0x30];
	_ =	sdelay $0x4  }
0x2c7: {  	v1 =	vshrl.u32 v0, $0x3  }
0x2c8: {  	v1 =	vmul.u32 $0x30, v1  }
0x2c9: {  	v0 =	vand.u32 $0x7, v0  }
0x2ca: {  	v0 =	vor.u32 v0, v1;
	v1 =	vld [tilespmem:$0x1FFD0];
	_ =	sdelay $0x1  }
0x2cb: {  	v2 =	vld [tilespmem:$0x1FFE0];
	_ =	sdelay $0x2  }
0x2cc: {  	v1 =	vperm.xlane v0, v1  }
0x2cd: {  	v7 =	vld [tilespmem:$0x1FFF0]  }
0x2ce: {  	v1 =	vadd.s32 v2, v1;
	_ =	sdelay $0x3  }
0x2cf: {  	s24 =	simm.s32 $0x3200;
	v0 =	vperm.xlane v0, v7  }
0x2d0: {  	[tilespmem:s24], [sflag:$0x2] =	stream.indirect_vreg.gather [hbm4b:s0+s6], $0x80, v1, vm0, $0xb8;
	[tilespmem:$0xF800] =	vst v63  }
0x2d1: {  	s25 =	simm.s32 $0x3A00;
	v0 =	vadd.s32 v2, v0  }
0x2d2: {  	[tilespmem:s25], [sflag:$0x2] =	stream.indirect_vreg.gather [hbm4b:s10+s6], $0x80, v1, vm0, $0xb8;
	[tilespmem:$0xF800] =	vst v63  }
0x2d3: {  	_ = 	snop  }
0x2d4: {  	[tilespmem:s26], [sflag:$0x2] =	stream.indirect_vreg.gather [hbm4b:s11+s6], $0x80, v1, vm0, $0xb8;
	[tilespmem:$0xF800] =	vst v63  }
0x2d5: {  	_ = 	snop  }
0x2d6: {  	[tilespmem:s28], [sflag:$0x2] =	stream.indirect_vreg.gather [hbm4b:s0+s6], $0x80, v0, vm0, $0xb8;
	[tilespmem:$0xF800] =	vst v63  }
.Ltmp9:
0x2d7: {  	_ = 	snop;
	(pc) =	sbr.rel .LBB2_2-.Ltmp9, $4  }
0x2d8: {  	_ = 	snop  }
0x2d9: {  	[tilespmem:s29], [sflag:$0x2] =	stream.indirect_vreg.gather [hbm4b:s10+s6], $0x80, v0, vm0, $0xb8;
	[tilespmem:$0xF800] =	vst v63  }
0x2da: {  	s16 =	sadd.s32 $0x1, s16  }
0x2db: {  	[tilespmem:s30], [sflag:$0x2] =	stream.indirect_vreg.gather [hbm4b:s11+s6], $0x80, v0, vm0, $0xb8;
	[tilespmem:$0xF800] =	vst v63  }
.LBB2_17:
0x2dc: {  	_ =	sfence.sel $0x180000  }
0x2dd: {  	[bflag:$0x0] =	sbarrier.arrive $0xFFFF  }
0x2de: {  	_ =	strace $0x90000047  }
0x2df: {  	s0 =	stileid.u32;
	[bflag:$0x2] =	sbarrier.arrive $0xFFFF  }
0x2e0: {  	p0 =	sne.s32 s0, $0x0;
	s0 =	rddreg [dreg:$0x6]  }
0x2e1: {  	s0 =	sadd.s32 @!p0 $0x100000, s0  }
0x2e2: {  	[sflag:s0] =	ssyncadd.tile.s32 @!p0 $0x1;
	_ =	shalt  }
.Lfunc_end2:
_tile_overlayer_lowered:
.L_overlay_start_2:
0x2e3: {  	(tag) =	ssettag $0x2  }
0x2e4: {  	s0 =	rddreg [dreg:$0x0];
	s2 =	stileid.u32  }
0x2e5: {  	s1 =	rddreg [dreg:$0x1];
	p0 =	sne.s32 s2, $0x0  }
0x2e6: {  	s3 =	rddreg [dreg:$0x2];
	[bflag:$0x3] =	sbarrier.arrive $0xFFFF;
	s2 =	simm.s32 @!p0 $0x1C06  }
0x2e7: {  	[timem:s3], [sflag:s2] =	dma.local @!p0 [hbm:s0], s1  }
0x2e8: {  	s0 =	simm.s32 @!p0 $0x6  }
0x2e9: {  	_ =	swait.ge @!p0 [sflag:s0], s1  }
0x2ea: {  	s1 =	ssub.s32 @!p0 $0x0, s1;
	[sflag:s0] =	ssyncset.done @!p0 $0x0  }
0x2eb: {  	[sflag:s0] =	ssyncadd.s32 @!p0 s1  }
0x2ec: {  	[bflag:$0x3] =	sbarrier.arrive $0xFFFF  }
0x2ed: {  	_ =	shalt  }

</sc_bundles>
